<compile_context>
chip_gen: v7x
topology: tpu7x:2x2x1
jax: 0.10.2.dev20260603
libtpu: 0.0.44.dev20260713+nightly
codegen_flags: <defaults>
</compile_context>

<pallas_src>
import functools

import jax
import jax.numpy as jnp
from jax import lax
from jax.experimental import pallas as pl
from jax.experimental.pallas import tpu as pltpu
from jax.experimental.pallas import tpu_sc as plsc

_N = 50000
_E = 800000
_H = 32
_DN = 16
_DE = 4
_DEXT = 4
_DOUT = 3

_NC = 2
_NS = 16
_NW = _NC * _NS
_CH = 128
_NCHUNK = _E // _CH
_TMAX = -(-_NCHUNK // _NW)
_RPT = _N // _NS
_STG = 125

_BN = 2000
_BE = 8000


def _ln(h, g, b):
    mu = jnp.mean(h, axis=-1, keepdims=True)
    var = jnp.mean(jnp.square(h - mu), axis=-1, keepdims=True)
    return (h - mu) * lax.rsqrt(var + 1e-5) * g + b


def _mlp_ln(x, w1, b1, w2, b2, g, be):
    h = jnp.dot(x, w1, preferred_element_type=jnp.float32) + b1
    h = jnp.maximum(h, 0.0)
    h = jnp.dot(h, w2, preferred_element_type=jnp.float32) + b2
    return _ln(h, g, be)


def _dot(a, b):
    return jnp.dot(a, b, preferred_element_type=jnp.float32)


def _k1_body(x_ref, v_ref, sx_ref,
             nw1, nb1, nw2, nb2, ng, nbe,
             sw1, sb1, sw2, sb2, sg, sbe,
             wxi, wxj,
             encx_o, b_o, p_o, q_o):
    encx = _mlp_ln(x_ref[...], nw1[...], nb1[...], nw2[...], nb2[...],
                   ng[...], nbe[...])
    senc = _mlp_ln(sx_ref[...], sw1[...], sb1[...], sw2[...], sb2[...],
                   sg[...], sbe[...])
    bb = _dot(v_ref[...], senc)
    encx_o[...] = encx
    b_o[...] = bb
    p_o[...] = _dot(encx, wxi[0:32, :]) + _dot(bb, wxi[32:64, :])
    q_o[...] = _dot(encx, wxj[0:32, :]) + _dot(bb, wxj[32:64, :])


def _run_k1(x, V, spc_x, ne, se, w1):
    nblk = _N // _BN
    full = lambda shape: pl.BlockSpec(shape, lambda i: (0, 0))
    outs = jax.ShapeDtypeStruct((_N, _H), jnp.float32)
    return pl.pallas_call(
        _k1_body,
        grid=(nblk,),
        in_specs=[
            pl.BlockSpec((_BN, _DN), lambda i: (i, 0)),
            pl.BlockSpec((_BN, _H), lambda i: (i, 0)),
            full((32, _DN)),
            full((_DN, _H)), full((1, _H)), full((_H, _H)), full((1, _H)),
            full((1, _H)), full((1, _H)),
            full((_DN, _H)), full((1, _H)), full((_H, _H)), full((1, _H)),
            full((1, _H)), full((1, _H)),
            full((2 * _H, _H)), full((2 * _H, _H)),
        ],
        out_specs=[pl.BlockSpec((_BN, _H), lambda i: (i, 0))] * 4,
        out_shape=[outs, outs, outs, outs],
    )(x, V, spc_x,
      ne['w1'], ne['b1'].reshape(1, _H), ne['w2'], ne['b2'].reshape(1, _H),
      ne['g'].reshape(1, _H), ne['beta'].reshape(1, _H),
      se['w1'], se['b1'].reshape(1, _H), se['w2'], se['b2'].reshape(1, _H),
      se['g'].reshape(1, _H), se['beta'].reshape(1, _H),
      w1[0:64, :], w1[64:128, :])


_NSTEADY = _NCHUNK // _NW
_NTAIL = _NCHUNK - _NSTEADY * _NW


def _sc_gather_add(p, q, dst, src):
    mesh = plsc.VectorSubcoreMesh(core_axis_name="c", subcore_axis_name="s")

    @functools.partial(
        pl.kernel,
        out_type=jax.ShapeDtypeStruct((_E, _H), jnp.float32),
        mesh=mesh,
        compiler_params=pltpu.CompilerParams(use_tc_tiling_on_sc=False),
        scratch_types=[
            pltpu.VMEM((_CH,), jnp.int32), pltpu.VMEM((_CH,), jnp.int32),
            pltpu.VMEM((_CH,), jnp.int32), pltpu.VMEM((_CH,), jnp.int32),
            pltpu.VMEM((_CH, _H), jnp.float32),
            pltpu.VMEM((_CH, _H), jnp.float32),
            pltpu.VMEM((_CH, _H), jnp.float32),
            pltpu.VMEM((_CH, _H), jnp.float32),
            pltpu.SemaphoreType.DMA, pltpu.SemaphoreType.DMA,
            pltpu.SemaphoreType.DMA, pltpu.SemaphoreType.DMA,
        ],
    )
    def k(p_h, q_h, dst_h, src_h, s_h,
          idxd0, idxd1, idxs0, idxs1, pb0, pb1, qb0, qb1,
          gsem0, gsem1, ssem0, ssem1):
        cid0 = lax.axis_index("s") * _NC + lax.axis_index("c")
        idxd = (idxd0, idxd1)
        idxs = (idxs0, idxs1)
        pb = (pb0, pb1)
        qb = (qb0, qb1)
        gsem = (gsem0, gsem1)
        ssem = (ssem0, ssem1)

        def fire(c, b):
            base = (cid0 + c * _NW) * _CH
            pltpu.sync_copy(dst_h.at[pl.ds(base, _CH)], idxd[b])
            pltpu.sync_copy(src_h.at[pl.ds(base, _CH)], idxs[b])
            pltpu.async_copy(p_h.at[idxd[b]], pb[b], gsem[b])
            pltpu.async_copy(q_h.at[idxs[b]], qb[b], gsem[b])

        def drain_gather(b):
            pltpu.make_async_copy(p_h.at[pl.ds(0, _CH)], pb[b], gsem[b]).wait()
            pltpu.make_async_copy(q_h.at[pl.ds(0, _CH)], qb[b], gsem[b]).wait()

        def add_rows(b):
            def row(r, c2):
                pb[b][r, pl.ds(0, 16)] = (pb[b][r, pl.ds(0, 16)]
                                          + qb[b][r, pl.ds(0, 16)])
                pb[b][r, pl.ds(16, 16)] = (pb[b][r, pl.ds(16, 16)]
                                           + qb[b][r, pl.ds(16, 16)])
                return c2

            lax.fori_loop(0, _CH, row, 0, unroll=8)

        def store_async(c, b):
            base = (cid0 + c * _NW) * _CH
            pltpu.async_copy(pb[b], s_h.at[pl.ds(base, _CH)], ssem[b])

        def drain_store(b):
            pltpu.make_async_copy(pb[b], s_h.at[pl.ds(0, _CH)],
                                  ssem[b]).wait()

        fire(0, 0)

        def body(i, carry):
            @pl.when(i > 0)
            def _():
                drain_store(1)
            fire(2 * i + 1, 1)
            drain_gather(0)
            add_rows(0)
            store_async(2 * i, 0)
            drain_store(0)
            fire(2 * i + 2, 0)
            drain_gather(1)
            add_rows(1)
            store_async(2 * i + 1, 1)
            return carry

        lax.fori_loop(0, (_NSTEADY - 1) // 2, body, 0)
        drain_gather(0)
        add_rows(0)
        base_l = (cid0 + (_NSTEADY - 1) * _NW) * _CH
        pltpu.sync_copy(pb[0], s_h.at[pl.ds(base_l, _CH)])
        drain_store(1)

        @pl.when(cid0 < _NTAIL)
        def _():
            base = (cid0 + _NSTEADY * _NW) * _CH
            pltpu.sync_copy(dst_h.at[pl.ds(base, _CH)], idxd[0])
            pltpu.sync_copy(src_h.at[pl.ds(base, _CH)], idxs[0])
            d1 = pltpu.async_copy(p_h.at[idxd[0]], pb[0], gsem[0])
            d2 = pltpu.async_copy(q_h.at[idxs[0]], qb[0], gsem[1])
            d1.wait()
            d2.wait()
            add_rows(0)
            pltpu.sync_copy(pb[0], s_h.at[pl.ds(base, _CH)])

    return k(p, q, dst, src)


_BR = _BE // 4


def _bd4(w):
    z = jnp.zeros_like(w)
    return jnp.block([[w, z, z, z], [z, w, z, z], [z, z, w, z], [z, z, z, w]])


def _t4(v):
    return jnp.tile(v.reshape(1, _H), (1, 4))


def _ln_g(h, avg, g, be):
    mu = _dot(h, avg)
    d = h - mu
    var = _dot(d * d, avg)
    return d * lax.rsqrt(var + 1e-5) * g + be


def _k0e_body(ea_ref, ew1, eb1, e1_o):
    e1_o[...] = jnp.maximum(_dot(ea_ref[...], ew1[...]) + eb1[...], 0.0)


def _run_k0e(edge_attr, ee):
    nblk = _E // _BE
    full = lambda shape: pl.BlockSpec(shape, lambda i: (0, 0))
    return pl.pallas_call(
        _k0e_body,
        grid=(nblk,),
        in_specs=[
            pl.BlockSpec((_BE, _DE), lambda i: (i, 0)),
            full((_DE, _H)), full((1, _H)),
        ],
        out_specs=pl.BlockSpec((_BE, _H), lambda i: (i, 0)),
        out_shape=jax.ShapeDtypeStruct((_E, _H), jnp.float32),
    )(edge_attr, ee['w1'], ee['b1'].reshape(1, _H))


def _k3_body(s_ref, e1_ref,
             ew2, eb2, eg, ebe,
             w1e, pb1, pw2, pb2, pg, pbe, avg,
             ue_o):
    av = avg[...]
    eenc = _ln_g(_dot(e1_ref[...], ew2[...]) + eb2[...], av, eg[...],
                 ebe[...])
    h = s_ref[...] + _dot(eenc, w1e[...]) + pb1[...]
    h = jnp.maximum(h, 0.0)
    h = _dot(h, pw2[...]) + pb2[...]
    ue_o[...] = _ln_g(h, av, pg[...], pbe[...]) + eenc


def _run_k3(sp, e1p, ee, pm):
    nblk = _E // _BE
    full = lambda shape: pl.BlockSpec(shape, lambda i: (0, 0))
    avg = _bd4(jnp.full((_H, _H), 1.0 / _H, jnp.float32))
    return pl.pallas_call(
        _k3_body,
        grid=(nblk,),
        in_specs=[
            pl.BlockSpec((_BR, 128), lambda i: (i, 0)),
            pl.BlockSpec((_BR, 128), lambda i: (i, 0)),
            full((128, 128)), full((1, 128)),
            full((1, 128)), full((1, 128)),
            full((128, 128)), full((1, 128)), full((128, 128)),
            full((1, 128)), full((1, 128)), full((1, 128)), full((128, 128)),
        ],
        out_specs=pl.BlockSpec((_BR, 128), lambda i: (i, 0)),
        out_shape=jax.ShapeDtypeStruct((_E // 4, 128), jnp.float32),
    )(sp, e1p,
      _bd4(ee['w2']), _t4(ee['b2']),
      _t4(ee['g']), _t4(ee['beta']),
      _bd4(pm['w1'][128:160, :]), _t4(pm['b1']), _bd4(pm['w2']),
      _t4(pm['b2']), _t4(pm['g']), _t4(pm['beta']), avg)


def _sc_scatter_add(ue, src, zrows):
    mesh = plsc.VectorSubcoreMesh(core_axis_name="c", subcore_axis_name="s")

    @functools.partial(
        pl.kernel,
        out_type=jax.ShapeDtypeStruct((_NC, _N, _H), jnp.float32),
        mesh=mesh,
        compiler_params=pltpu.CompilerParams(use_tc_tiling_on_sc=False),
        scratch_types=[
            pltpu.VMEM((_CH,), jnp.int32), pltpu.VMEM((_CH,), jnp.int32),
            pltpu.VMEM((_CH, _H), jnp.float32),
            pltpu.VMEM((_CH, _H), jnp.float32),
            pltpu.VMEM((_STG, _H), jnp.float32),
            pltpu.VMEM_SHARED((_N, _H), jnp.float32),
            pltpu.SemaphoreType.DMA, pltpu.SemaphoreType.DMA,
        ],
    )
    def k(ue_h, src_h, z_h, out_h, idxv0, idxv1, ueb0, ueb1, stage,
          accum, lsem0, lsem1):
        c = lax.axis_index("c")
        s = lax.axis_index("s")
        cid0 = s * _NC + c
        idxv = (idxv0, idxv1)
        ueb = (ueb0, ueb1)
        lsem = (lsem0, lsem1)

        pltpu.sync_copy(z_h, stage)
        for j in range(_RPT // _STG):
            pltpu.sync_copy(stage, accum.at[pl.ds(s * _RPT + j * _STG, _STG)])
        plsc.subcore_barrier()

        def fire(t, b):
            base = (cid0 + t * _NW) * _CH
            pltpu.async_copy(src_h.at[pl.ds(base, _CH)], idxv[b], lsem[b])
            pltpu.async_copy(ue_h.at[pl.ds(base, _CH)], ueb[b], lsem[b])

        def drain(b):
            pltpu.make_async_copy(src_h.at[pl.ds(0, _CH)], idxv[b],
                                  lsem[b]).wait()
            pltpu.make_async_copy(ue_h.at[pl.ds(0, _CH)], ueb[b],
                                  lsem[b]).wait()

        def scat(b):
            pltpu.sync_copy(ueb[b], accum.at[idxv[b]], add=True)

        fire(0, 0)

        def body(i, carry):
            fire(2 * i + 1, 1)
            drain(0)
            scat(0)
            fire(2 * i + 2, 0)
            drain(1)
            scat(1)
            return carry

        lax.fori_loop(0, (_NSTEADY - 1) // 2, body, 0)
        drain(0)
        scat(0)

        @pl.when(cid0 < _NTAIL)
        def _():
            base = (cid0 + _NSTEADY * _NW) * _CH
            pltpu.sync_copy(src_h.at[pl.ds(base, _CH)], idxv[0])
            pltpu.sync_copy(ue_h.at[pl.ds(base, _CH)], ueb[0])
            scat(0)

        plsc.subcore_barrier()
        for j in range(_RPT // _STG):
            row0 = s * _RPT + j * _STG
            pltpu.sync_copy(accum.at[pl.ds(row0, _STG)], stage)
            pltpu.sync_copy(stage, out_h.at[c, pl.ds(row0, _STG)])

    return k(ue, src, zrows)


def _k5_body(encx_ref, b_ref, p0_ref, p1_ref, dx_ref,
             w1a, w1b, w1c, w1d, nb1, nw2, nb2, ng, nbe,
             dw1a, dw1b, db1, dw2, db2,
             out_o):
    encx = encx_ref[...]
    bb = b_ref[...]
    agg = p0_ref[...] + p1_ref[...]
    h = (_dot(encx, w1a[...]) + _dot(bb, w1b[...]) + _dot(agg, w1c[...])
         + _dot(dx_ref[...], w1d[...]) + nb1[...])
    h = jnp.maximum(h, 0.0)
    h = _dot(h, nw2[...]) + nb2[...]
    xp = encx + _ln(h, ng[...], nbe[...])
    d = jnp.maximum(_dot(xp, dw1a[...]) + _dot(bb, dw1b[...]) + db1[...], 0.0)
    out_o[...] = _dot(d, dw2[...]) + db2[...]


def _run_k5(encx, bb, p0, p1, dext, nm, dec):
    nblk = _N // _BN
    full = lambda shape: pl.BlockSpec(shape, lambda i: (0, 0))
    w1 = nm['w1']
    return pl.pallas_call(
        _k5_body,
        grid=(nblk,),
        in_specs=[
            pl.BlockSpec((_BN, _H), lambda i: (i, 0)),
            pl.BlockSpec((_BN, _H), lambda i: (i, 0)),
            pl.BlockSpec((_BN, _H), lambda i: (i, 0)),
            pl.BlockSpec((_BN, _H), lambda i: (i, 0)),
            pl.BlockSpec((_BN, _DEXT), lambda i: (i, 0)),
            full((_H, _H)), full((_H, _H)), full((_H, _H)), full((_DEXT, _H)),
            full((1, _H)), full((_H, _H)), full((1, _H)), full((1, _H)),
            full((1, _H)),
            full((_H, _H)), full((_H, _H)), full((1, _H)), full((_H, _DOUT)),
            full((1, _DOUT)),
        ],
        out_specs=pl.BlockSpec((_BN, _DOUT), lambda i: (i, 0)),
        out_shape=jax.ShapeDtypeStruct((_N, _DOUT), jnp.float32),
    )(encx, bb, p0, p1, dext,
      w1[0:32, :], w1[32:64, :], w1[64:96, :], w1[96:100, :],
      nm['b1'].reshape(1, _H), nm['w2'], nm['b2'].reshape(1, _H),
      nm['g'].reshape(1, _H), nm['beta'].reshape(1, _H),
      dec['w1'][0:32, :], dec['w1'][32:64, :], dec['b1'].reshape(1, _H),
      dec['w2'], dec['b2'].reshape(1, _DOUT))


def kernel(x, edge_index, edge_attr, del_ext_force, spc_x, spc_edge_index,
           spc_edge_attr, V, params):
    src = edge_index[0]
    dst = edge_index[1]
    pm = params['processor'][0]['edge_mlp']
    encx, bb, p, q = _run_k1(x, V, spc_x, params['node_encoder'],
                             params['spc_node_encoder'], pm['w1'])
    s = _sc_gather_add(p, q, dst, src)
    e1 = _run_k0e(edge_attr, params['edge_encoder'])
    ue = _run_k3(s.reshape(_E // 4, 128), e1.reshape(_E // 4, 128),
                 params['edge_encoder'], pm)
    parts = _sc_scatter_add(ue.reshape(_E, _H), src,
                            jnp.zeros((_STG, _H), jnp.float32))
    out = _run_k5(encx, bb, parts[0], parts[1], del_ext_force,
                  params['processor'][0]['node_mlp'], params['decoder'])
    return out

# --- scband reference (transcript-rebuilt; emitter-appended) ---
"""Pipeline reference for scband-spectral-mp-gnn-68564857914141 (READ-ONLY COPY).

The authoritative reference and input builder live on the scoring server;
editing this copy changes nothing except your own understanding.
"""

import jax, jax.numpy as jnp
import numpy as np

N = 50000
E = 800000
H = 32
K = 32
DN = 16
DE = 4
DEXT = 4
DOUT = 3
ESPC = 1024
NUM_MP = 1


def _enc_params(key, din, dh):
    k1, k2 = jax.random.split(key)
    return {'w1': jax.random.normal(k1, (din, dh), jnp.float32) / np.sqrt(din),
            'b1': jnp.zeros((dh,), jnp.float32),
            'w2': jax.random.normal(k2, (dh, dh), jnp.float32) / np.sqrt(dh),
            'b2': jnp.zeros((dh,), jnp.float32),
            'g': jnp.ones((dh,), jnp.float32),
            'beta': jnp.zeros((dh,), jnp.float32)}


def _enc_apply(p, x):
    h = x @ p['w1'] + p['b1']
    h = jax.nn.relu(h)
    h = h @ p['w2'] + p['b2']
    mu = jnp.mean(h, axis=-1, keepdims=True)
    var = jnp.var(h, axis=-1, keepdims=True)
    h = (h - mu) / jnp.sqrt(var + 1e-5)
    return h * p['g'] + p['beta']


def _processor(p, x, edge_index, edge_attr, del_ext_force):
    # message: x_i = target nodes, x_j = source nodes (PyG default flow)
    x_i = x[edge_index[1]]
    x_j = x[edge_index[0]]
    msg = jnp.concatenate([x_i, x_j, edge_attr], axis=1)
    updated_edges = _enc_apply(p['edge_mlp'], msg) + edge_attr
    # aggregate: scatter-sum over edge_index[0]
    agg = jnp.zeros((x.shape[0], updated_edges.shape[1]), updated_edges.dtype).at[edge_index[0]].add(updated_edges)
    if del_ext_force is None:
        ni = jnp.concatenate([x, agg], axis=1)
    else:
        ni = jnp.concatenate([x, agg, del_ext_force], axis=1)
    upd = _enc_apply(p['node_mlp'], ni)
    upd = x[:, :upd.shape[1]] + upd
    return upd, updated_edges


def setup_inputs(seed: int = 0):
    key = jax.random.key(seed)
    ks = jax.random.split(key, 24)
    x = jax.random.normal(ks[0], (N, DN), jnp.float32)
    edge_index = jax.random.randint(ks[1], (2, E), 0, N, dtype=jnp.int32)
    edge_attr = jax.random.normal(ks[2], (E, DE), jnp.float32)
    del_ext_force = jax.random.normal(ks[3], (N, DEXT), jnp.float32)
    spc_x = jax.random.normal(ks[4], (K, DN), jnp.float32)
    spc_edge_index = jax.random.randint(ks[5], (2, ESPC), 0, K, dtype=jnp.int32)
    spc_edge_attr = jax.random.normal(ks[6], (ESPC, DE), jnp.float32)
    V = jax.random.normal(ks[7], (N, K), jnp.float32) / np.sqrt(N)
    params = {
        'node_encoder': _enc_params(ks[8], DN, H),
        'edge_encoder': _enc_params(ks[9], DE, H),
        'spc_node_encoder': _enc_params(ks[10], DN, H),
        'spc_edge_encoder': _enc_params(ks[11], DE, H),
        'processor': [{'edge_mlp': _enc_params(ks[12], 5 * H, H),
                       'node_mlp': _enc_params(ks[13], 3 * H + DEXT, H)}],
        'spc_processor': [{'edge_mlp': _enc_params(ks[14], 5 * H, H),
                           'node_mlp': _enc_params(ks[15], 3 * H, H)}],
        'decoder': {'w1': jax.random.normal(ks[16], (2 * H, H), jnp.float32) / np.sqrt(2 * H),
                    'b1': jnp.zeros((H,), jnp.float32),
                    'w2': jax.random.normal(ks[17], (H, DOUT), jnp.float32) / np.sqrt(H),
                    'b2': jnp.zeros((DOUT,), jnp.float32)}
    }
    return {'x': x, 'edge_index': edge_index, 'edge_attr': edge_attr,
            'del_ext_force': del_ext_force, 'spc_x': spc_x,
            'spc_edge_index': spc_edge_index, 'spc_edge_attr': spc_edge_attr,
            'V': V, 'params': params}


def reference(x, edge_index, edge_attr, del_ext_force, spc_x, spc_edge_index, spc_edge_attr, V, params):
    x = _enc_apply(params['node_encoder'], x)
    edge_attr = _enc_apply(params['edge_encoder'], edge_attr)
    spc_x = _enc_apply(params['spc_node_encoder'], spc_x)
    spc_edge_attr = _enc_apply(params['spc_edge_encoder'], spc_edge_attr)
    # single graph (B=1): eigenbroadcasting = V @ spc_x, eigenpooling = V.T @ x
    x_new = jnp.concatenate([x, V @ spc_x], axis=1)
    spc_x = jnp.concatenate([spc_x, V.T @ x], axis=1)
    x = x_new
    for i in range(NUM_MP):
        x_i, edge_attr = _processor(params['processor'][i], x, edge_index, edge_attr, del_ext_force)
        spc_x_i, spc_edge_attr = _processor(params['spc_processor'][i], spc_x, spc_edge_index, spc_edge_attr, None)
        x = x[:, :x_i.shape[1]]
        spc_x = spc_x[:, :x_i.shape[1]]
        x_new = jnp.concatenate([x_i, V @ spc_x], axis=1)
        spc_x = jnp.concatenate([spc_x_i, V.T @ x], axis=1)
        x = x_new
    h = x @ params['decoder']['w1'] + params['decoder']['b1']
    h = jax.nn.relu(h)
    return h @ params['decoder']['w2'] + params['decoder']['b2']

if __name__ == "__main__":
    import jax
    _d = setup_inputs()
    print(jax.jit(kernel)(*tuple(_d.values())))

</pallas_src>

<mosaic_0001>
#map = affine_map<(d0, d1) -> (0, 0)>
#map1 = affine_map<(d0, d1) -> (0)>
module attributes {stable_mosaic.version = 14 : i64} {
  func.func @k(%arg0: i32, %arg1: i32, %arg2: memref<50000x32xf32, #tpu.memory_space<hbm>>, %arg3: memref<50000x32xf32, #tpu.memory_space<hbm>>, %arg4: memref<800000xi32, #tpu.memory_space<hbm>>, %arg5: memref<800000xi32, #tpu.memory_space<hbm>>, %arg6: memref<800000x32xf32, #tpu.memory_space<hbm>>, %arg7: memref<128xi32, #tpu.memory_space<vmem>>, %arg8: memref<128xi32, #tpu.memory_space<vmem>>, %arg9: memref<128xi32, #tpu.memory_space<vmem>>, %arg10: memref<128xi32, #tpu.memory_space<vmem>>, %arg11: memref<128x32xf32, #tpu.memory_space<vmem>>, %arg12: memref<128x32xf32, #tpu.memory_space<vmem>>, %arg13: memref<128x32xf32, #tpu.memory_space<vmem>>, %arg14: memref<128x32xf32, #tpu.memory_space<vmem>>, %arg15: memref<!tpu.dma_semaphore, #tpu.memory_space<semaphore_mem>>, %arg16: memref<!tpu.dma_semaphore, #tpu.memory_space<semaphore_mem>>, %arg17: memref<!tpu.dma_semaphore, #tpu.memory_space<semaphore_mem>>, %arg18: memref<!tpu.dma_semaphore, #tpu.memory_space<semaphore_mem>>) attributes {dimension_semantics = [#tpu.dimension_semantics<core_parallel>, #tpu.dimension_semantics<subcore_parallel>], iteration_bounds = array<i64: 2, 16>, scalar_prefetch = 0 : i64, scratch_operands = 12 : i64, tpu.core_type = #tpu.core_type<sc_vector_subcore>, window_params = [{transform_indices = #map}, {transform_indices = #map}, {transform_indices = #map1}, {transform_indices = #map1}, {transform_indices = #map}]} {
    %mul3A = arith.constant 2 : i32
    %mul3A_0 = arith.muli %arg1, %mul3A : i32
    %add3A = arith.addi %mul3A_0, %arg0 : i32
    %add3A_1 = arith.constant 0 : i32
    %add3A_2 = arith.addi %add3A, %add3A_1 : i32
    %mul3A_3 = arith.constant 128 : i32
    %mul3A_4 = arith.muli %add3A_2, %mul3A_3 : i32
    "tpu.region"() ({
      %run_scoped3A = tpu.sem_alloc : memref<!tpu.dma_semaphore, #tpu.memory_space<semaphore_mem>>
      %dma_start3A_44 = tpu.memref_slice %arg4[%mul3A_4] : memref<800000xi32, #tpu.memory_space<hbm>> -> memref<128xi32, #tpu.memory_space<hbm>>
      %dma_start3A_45 = tpu.memref_slice %arg4[%mul3A_4] : memref<800000xi32, #tpu.memory_space<hbm>> -> memref<128xi32, #tpu.memory_space<hbm>>
      tpu.enqueue_dma source(%dma_start3A_45 : memref<128xi32, #tpu.memory_space<hbm>>) target(%arg7 : memref<128xi32, #tpu.memory_space<vmem>>) target_semaphore(%run_scoped3A : memref<!tpu.dma_semaphore, #tpu.memory_space<semaphore_mem>>)
      %dma_wait3A_46 = tpu.memref_slice %arg4[%mul3A_4] : memref<800000xi32, #tpu.memory_space<hbm>> -> memref<128xi32, #tpu.memory_space<hbm>>
      %dma_wait3A_47 = tpu.memref_slice %arg4[%mul3A_4] : memref<800000xi32, #tpu.memory_space<hbm>> -> memref<128xi32, #tpu.memory_space<hbm>>
      tpu.wait_dma2 semaphore(%run_scoped3A : memref<!tpu.dma_semaphore, #tpu.memory_space<semaphore_mem>>) src(%dma_wait3A_47 : memref<128xi32, #tpu.memory_space<hbm>>) dst(%arg7 : memref<128xi32, #tpu.memory_space<vmem>>)
      tpu.yield
    }) : () -> ()
    "tpu.region"() ({
      %run_scoped3A = tpu.sem_alloc : memref<!tpu.dma_semaphore, #tpu.memory_space<semaphore_mem>>
      %dma_start3A_44 = tpu.memref_slice %arg5[%mul3A_4] : memref<800000xi32, #tpu.memory_space<hbm>> -> memref<128xi32, #tpu.memory_space<hbm>>
      %dma_start3A_45 = tpu.memref_slice %arg5[%mul3A_4] : memref<800000xi32, #tpu.memory_space<hbm>> -> memref<128xi32, #tpu.memory_space<hbm>>
      tpu.enqueue_dma source(%dma_start3A_45 : memref<128xi32, #tpu.memory_space<hbm>>) target(%arg9 : memref<128xi32, #tpu.memory_space<vmem>>) target_semaphore(%run_scoped3A : memref<!tpu.dma_semaphore, #tpu.memory_space<semaphore_mem>>)
      %dma_wait3A_46 = tpu.memref_slice %arg5[%mul3A_4] : memref<800000xi32, #tpu.memory_space<hbm>> -> memref<128xi32, #tpu.memory_space<hbm>>
      %dma_wait3A_47 = tpu.memref_slice %arg5[%mul3A_4] : memref<800000xi32, #tpu.memory_space<hbm>> -> memref<128xi32, #tpu.memory_space<hbm>>
      tpu.wait_dma2 semaphore(%run_scoped3A : memref<!tpu.dma_semaphore, #tpu.memory_space<semaphore_mem>>) src(%dma_wait3A_47 : memref<128xi32, #tpu.memory_space<hbm>>) dst(%arg9 : memref<128xi32, #tpu.memory_space<vmem>>)
      tpu.yield
    }) : () -> ()
    %dma_start3A = arith.constant 0 : i32
    %dma_start3A_5 = arith.constant 0 : i32
    %dma_start3A_6 = tpu.memref_slice %arg2[%dma_start3A, %dma_start3A_5] : memref<50000x32xf32, #tpu.memory_space<hbm>> -> memref<50000x32xf32, #tpu.memory_space<hbm>>
    tpu.enqueue_indirect_dma source(%dma_start3A_6 : memref<50000x32xf32, #tpu.memory_space<hbm>>) target(%arg11 : memref<128x32xf32, #tpu.memory_space<vmem>>) offsets(%arg7 : memref<128xi32, #tpu.memory_space<vmem>>) semaphore(%arg15 : memref<!tpu.dma_semaphore, #tpu.memory_space<semaphore_mem>>)
    %dma_start3A_7 = arith.constant 0 : i32
    %dma_start3A_8 = arith.constant 0 : i32
    %dma_start3A_9 = tpu.memref_slice %arg3[%dma_start3A_7, %dma_start3A_8] : memref<50000x32xf32, #tpu.memory_space<hbm>> -> memref<50000x32xf32, #tpu.memory_space<hbm>>
    tpu.enqueue_indirect_dma source(%dma_start3A_9 : memref<50000x32xf32, #tpu.memory_space<hbm>>) target(%arg13 : memref<128x32xf32, #tpu.memory_space<vmem>>) offsets(%arg9 : memref<128xi32, #tpu.memory_space<vmem>>) semaphore(%arg15 : memref<!tpu.dma_semaphore, #tpu.memory_space<semaphore_mem>>)
    %scan3A = arith.constant 0 : i32
    %scan3A_10 = arith.constant 0 : i32
    %scan3A_11 = arith.constant 97 : i32
    %scan3A_12 = arith.addi %scan3A_10, %scan3A_11 : i32
    %scan3A_13 = arith.constant 1 : i32
    scf.for %scan3A_44 = %scan3A_10 to %scan3A_12 step %scan3A_13  : i32 {
      %gt3A = arith.constant 0 : i32
      %gt3A_45 = arith.cmpi sgt, %scan3A_44, %gt3A : i32
      %convert_element_type3A_46 = arith.extui %gt3A_45 : i1 to i32
      %cond3A_47 = arith.constant 0 : i32
      %cond3A_48 = arith.cmpi ne, %convert_element_type3A_46, %cond3A_47 : i32
      scf.if %cond3A_48 {
        %dma_wait3A_145 = arith.constant 0 : i32
        %dma_wait3A_146 = arith.constant 0 : i32
        %dma_wait3A_147 = tpu.memref_slice %arg6[%dma_wait3A_145, %dma_wait3A_146] : memref<800000x32xf32, #tpu.memory_space<hbm>> -> memref<128x32xf32, #tpu.memory_space<hbm>>
        %dma_wait3A_148 = arith.constant 0 : i32
        %dma_wait3A_149 = arith.constant 0 : i32
        %dma_wait3A_150 = tpu.memref_slice %arg6[%dma_wait3A_148, %dma_wait3A_149] : memref<800000x32xf32, #tpu.memory_space<hbm>> -> memref<128x32xf32, #tpu.memory_space<hbm>>
        tpu.wait_dma2 semaphore(%arg18 : memref<!tpu.dma_semaphore, #tpu.memory_space<semaphore_mem>>) src(%arg12 : memref<128x32xf32, #tpu.memory_space<vmem>>) dst(%dma_wait3A_150 : memref<128x32xf32, #tpu.memory_space<hbm>>)
      } else {
      }
      %mul3A_49 = arith.constant 2 : i32
      %mul3A_50 = arith.muli %mul3A_49, %scan3A_44 : i32
      %add3A_51 = arith.constant 1 : i32
      %add3A_52 = arith.addi %mul3A_50, %add3A_51 : i32
      %mul3A_53 = arith.constant 32 : i32
      %mul3A_54 = arith.muli %add3A_52, %mul3A_53 : i32
      %add3A_55 = arith.addi %add3A, %mul3A_54 : i32
      %mul3A_56 = arith.constant 128 : i32
      %mul3A_57 = arith.muli %add3A_55, %mul3A_56 : i32
      "tpu.region"() ({
        %run_scoped3A = tpu.sem_alloc : memref<!tpu.dma_semaphore, #tpu.memory_space<semaphore_mem>>
        %dma_start3A_145 = tpu.memref_slice %arg4[%mul3A_57] : memref<800000xi32, #tpu.memory_space<hbm>> -> memref<128xi32, #tpu.memory_space<hbm>>
        %dma_start3A_146 = tpu.memref_slice %arg4[%mul3A_57] : memref<800000xi32, #tpu.memory_space<hbm>> -> memref<128xi32, #tpu.memory_space<hbm>>
        tpu.enqueue_dma source(%dma_start3A_146 : memref<128xi32, #tpu.memory_space<hbm>>) target(%arg8 : memref<128xi32, #tpu.memory_space<vmem>>) target_semaphore(%run_scoped3A : memref<!tpu.dma_semaphore, #tpu.memory_space<semaphore_mem>>)
        %dma_wait3A_147 = tpu.memref_slice %arg4[%mul3A_57] : memref<800000xi32, #tpu.memory_space<hbm>> -> memref<128xi32, #tpu.memory_space<hbm>>
        %dma_wait3A_148 = tpu.memref_slice %arg4[%mul3A_57] : memref<800000xi32, #tpu.memory_space<hbm>> -> memref<128xi32, #tpu.memory_space<hbm>>
        tpu.wait_dma2 semaphore(%run_scoped3A : memref<!tpu.dma_semaphore, #tpu.memory_space<semaphore_mem>>) src(%dma_wait3A_148 : memref<128xi32, #tpu.memory_space<hbm>>) dst(%arg8 : memref<128xi32, #tpu.memory_space<vmem>>)
        tpu.yield
      }) : () -> ()
      "tpu.region"() ({
        %run_scoped3A = tpu.sem_alloc : memref<!tpu.dma_semaphore, #tpu.memory_space<semaphore_mem>>
        %dma_start3A_145 = tpu.memref_slice %arg5[%mul3A_57] : memref<800000xi32, #tpu.memory_space<hbm>> -> memref<128xi32, #tpu.memory_space<hbm>>
        %dma_start3A_146 = tpu.memref_slice %arg5[%mul3A_57] : memref<800000xi32, #tpu.memory_space<hbm>> -> memref<128xi32, #tpu.memory_space<hbm>>
        tpu.enqueue_dma source(%dma_start3A_146 : memref<128xi32, #tpu.memory_space<hbm>>) target(%arg10 : memref<128xi32, #tpu.memory_space<vmem>>) target_semaphore(%run_scoped3A : memref<!tpu.dma_semaphore, #tpu.memory_space<semaphore_mem>>)
        %dma_wait3A_147 = tpu.memref_slice %arg5[%mul3A_57] : memref<800000xi32, #tpu.memory_space<hbm>> -> memref<128xi32, #tpu.memory_space<hbm>>
        %dma_wait3A_148 = tpu.memref_slice %arg5[%mul3A_57] : memref<800000xi32, #tpu.memory_space<hbm>> -> memref<128xi32, #tpu.memory_space<hbm>>
        tpu.wait_dma2 semaphore(%run_scoped3A : memref<!tpu.dma_semaphore, #tpu.memory_space<semaphore_mem>>) src(%dma_wait3A_148 : memref<128xi32, #tpu.memory_space<hbm>>) dst(%arg10 : memref<128xi32, #tpu.memory_space<vmem>>)
        tpu.yield
      }) : () -> ()
      %dma_start3A_58 = arith.constant 0 : i32
      %dma_start3A_59 = arith.constant 0 : i32
      %dma_start3A_60 = tpu.memref_slice %arg2[%dma_start3A_58, %dma_start3A_59] : memref<50000x32xf32, #tpu.memory_space<hbm>> -> memref<50000x32xf32, #tpu.memory_space<hbm>>
      tpu.enqueue_indirect_dma source(%dma_start3A_60 : memref<50000x32xf32, #tpu.memory_space<hbm>>) target(%arg12 : memref<128x32xf32, #tpu.memory_space<vmem>>) offsets(%arg8 : memref<128xi32, #tpu.memory_space<vmem>>) semaphore(%arg16 : memref<!tpu.dma_semaphore, #tpu.memory_space<semaphore_mem>>)
      %dma_start3A_61 = arith.constant 0 : i32
      %dma_start3A_62 = arith.constant 0 : i32
      %dma_start3A_63 = tpu.memref_slice %arg3[%dma_start3A_61, %dma_start3A_62] : memref<50000x32xf32, #tpu.memory_space<hbm>> -> memref<50000x32xf32, #tpu.memory_space<hbm>>
      tpu.enqueue_indirect_dma source(%dma_start3A_63 : memref<50000x32xf32, #tpu.memory_space<hbm>>) target(%arg14 : memref<128x32xf32, #tpu.memory_space<vmem>>) offsets(%arg10 : memref<128xi32, #tpu.memory_space<vmem>>) semaphore(%arg16 : memref<!tpu.dma_semaphore, #tpu.memory_space<semaphore_mem>>)
      %dma_wait3A_64 = arith.constant 0 : i32
      %dma_wait3A_65 = arith.constant 0 : i32
      %dma_wait3A_66 = tpu.memref_slice %arg2[%dma_wait3A_64, %dma_wait3A_65] : memref<50000x32xf32, #tpu.memory_space<hbm>> -> memref<128x32xf32, #tpu.memory_space<hbm>>
      %dma_wait3A_67 = arith.constant 0 : i32
      %dma_wait3A_68 = arith.constant 0 : i32
      %dma_wait3A_69 = tpu.memref_slice %arg2[%dma_wait3A_67, %dma_wait3A_68] : memref<50000x32xf32, #tpu.memory_space<hbm>> -> memref<128x32xf32, #tpu.memory_space<hbm>>
      tpu.wait_dma2 semaphore(%arg15 : memref<!tpu.dma_semaphore, #tpu.memory_space<semaphore_mem>>) src(%dma_wait3A_69 : memref<128x32xf32, #tpu.memory_space<hbm>>) dst(%arg11 : memref<128x32xf32, #tpu.memory_space<vmem>>)
      %dma_wait3A_70 = arith.constant 0 : i32
      %dma_wait3A_71 = arith.constant 0 : i32
      %dma_wait3A_72 = tpu.memref_slice %arg3[%dma_wait3A_70, %dma_wait3A_71] : memref<50000x32xf32, #tpu.memory_space<hbm>> -> memref<128x32xf32, #tpu.memory_space<hbm>>
      %dma_wait3A_73 = arith.constant 0 : i32
      %dma_wait3A_74 = arith.constant 0 : i32
      %dma_wait3A_75 = tpu.memref_slice %arg3[%dma_wait3A_73, %dma_wait3A_74] : memref<50000x32xf32, #tpu.memory_space<hbm>> -> memref<128x32xf32, #tpu.memory_space<hbm>>
      tpu.wait_dma2 semaphore(%arg15 : memref<!tpu.dma_semaphore, #tpu.memory_space<semaphore_mem>>) src(%dma_wait3A_75 : memref<128x32xf32, #tpu.memory_space<hbm>>) dst(%arg13 : memref<128x32xf32, #tpu.memory_space<vmem>>)
      %scan3A_76 = arith.constant 0 : i32
      %scan3A_77 = arith.constant 0 : i32
      %scan3A_78 = arith.constant 128 : i32
      %scan3A_79 = arith.addi %scan3A_77, %scan3A_78 : i32
      %scan3A_80 = arith.constant 8 : i32
      scf.for %scan3A_145 = %scan3A_77 to %scan3A_79 step %scan3A_80  : i32 {
        %get3A = arith.index_cast %scan3A_145 : i32 to index
        %get3A_146 = arith.constant 0 : index
        %get3A_147 = tpu.vector_load %arg11[%get3A, %get3A_146] {strides = array<i32>} : memref<128x32xf32, #tpu.memory_space<vmem>>, vector<1x16xf32>,
        %get3A_148 = vector.shape_cast %get3A_147 : vector<1x16xf32> to vector<16xf32>
        %get3A_149 = arith.index_cast %scan3A_145 : i32 to index
        %get3A_150 = arith.constant 0 : index
        %get3A_151 = tpu.vector_load %arg13[%get3A_149, %get3A_150] {strides = array<i32>} : memref<128x32xf32, #tpu.memory_space<vmem>>, vector<1x16xf32>,
        %get3A_152 = vector.shape_cast %get3A_151 : vector<1x16xf32> to vector<16xf32>
        %add3A_153 = arith.addf %get3A_148, %get3A_152 : vector<16xf32>
        %swap3A = arith.index_cast %scan3A_145 : i32 to index
        %swap3A_154 = arith.constant 0 : index
        %swap3A_155 = tpu.vector_load %arg11[%swap3A, %swap3A_154] {strides = array<i32>} : memref<128x32xf32, #tpu.memory_space<vmem>>, vector<1x16xf32>,
        %swap3A_156 = vector.shape_cast %swap3A_155 : vector<1x16xf32> to vector<16xf32>
        %swap3A_157 = vector.shape_cast %add3A_153 : vector<16xf32> to vector<1x16xf32>
        tpu.vector_store %arg11[%swap3A, %swap3A_154], %swap3A_157 {strides = array<i32>} : memref<128x32xf32, #tpu.memory_space<vmem>>, vector<1x16xf32>,
        %get3A_158 = arith.index_cast %scan3A_145 : i32 to index
        %get3A_159 = arith.constant 16 : index
        %get3A_160 = tpu.vector_load %arg11[%get3A_158, %get3A_159] {strides = array<i32>} : memref<128x32xf32, #tpu.memory_space<vmem>>, vector<1x16xf32>,
        %get3A_161 = vector.shape_cast %get3A_160 : vector<1x16xf32> to vector<16xf32>
        %get3A_162 = arith.index_cast %scan3A_145 : i32 to index
        %get3A_163 = arith.constant 16 : index
        %get3A_164 = tpu.vector_load %arg13[%get3A_162, %get3A_163] {strides = array<i32>} : memref<128x32xf32, #tpu.memory_space<vmem>>, vector<1x16xf32>,
        %get3A_165 = vector.shape_cast %get3A_164 : vector<1x16xf32> to vector<16xf32>
        %add3A_166 = arith.addf %get3A_161, %get3A_165 : vector<16xf32>
        %swap3A_167 = arith.index_cast %scan3A_145 : i32 to index
        %swap3A_168 = arith.constant 16 : index
        %swap3A_169 = tpu.vector_load %arg11[%swap3A_167, %swap3A_168] {strides = array<i32>} : memref<128x32xf32, #tpu.memory_space<vmem>>, vector<1x16xf32>,
        %swap3A_170 = vector.shape_cast %swap3A_169 : vector<1x16xf32> to vector<16xf32>
        %swap3A_171 = vector.shape_cast %add3A_166 : vector<16xf32> to vector<1x16xf32>
        tpu.vector_store %arg11[%swap3A_167, %swap3A_168], %swap3A_171 {strides = array<i32>} : memref<128x32xf32, #tpu.memory_space<vmem>>, vector<1x16xf32>,
        %scan3A_172 = arith.constant 1 : i32
        %scan3A_173 = arith.addi %scan3A_145, %scan3A_172 : i32
        %get3A_174 = arith.index_cast %scan3A_173 : i32 to index
        %get3A_175 = arith.constant 0 : index
        %get3A_176 = tpu.vector_load %arg11[%get3A_174, %get3A_175] {strides = array<i32>} : memref<128x32xf32, #tpu.memory_space<vmem>>, vector<1x16xf32>,
        %get3A_177 = vector.shape_cast %get3A_176 : vector<1x16xf32> to vector<16xf32>
        %get3A_178 = arith.index_cast %scan3A_173 : i32 to index
        %get3A_179 = arith.constant 0 : index
        %get3A_180 = tpu.vector_load %arg13[%get3A_178, %get3A_179] {strides = array<i32>} : memref<128x32xf32, #tpu.memory_space<vmem>>, vector<1x16xf32>,
        %get3A_181 = vector.shape_cast %get3A_180 : vector<1x16xf32> to vector<16xf32>
        %add3A_182 = arith.addf %get3A_177, %get3A_181 : vector<16xf32>
        %swap3A_183 = arith.index_cast %scan3A_173 : i32 to index
        %swap3A_184 = arith.constant 0 : index
        %swap3A_185 = tpu.vector_load %arg11[%swap3A_183, %swap3A_184] {strides = array<i32>} : memref<128x32xf32, #tpu.memory_space<vmem>>, vector<1x16xf32>,
        %swap3A_186 = vector.shape_cast %swap3A_185 : vector<1x16xf32> to vector<16xf32>
        %swap3A_187 = vector.shape_cast %add3A_182 : vector<16xf32> to vector<1x16xf32>
        tpu.vector_store %arg11[%swap3A_183, %swap3A_184], %swap3A_187 {strides = array<i32>} : memref<128x32xf32, #tpu.memory_space<vmem>>, vector<1x16xf32>,
        %get3A_188 = arith.index_cast %scan3A_173 : i32 to index
        %get3A_189 = arith.constant 16 : index
        %get3A_190 = tpu.vector_load %arg11[%get3A_188, %get3A_189] {strides = array<i32>} : memref<128x32xf32, #tpu.memory_space<vmem>>, vector<1x16xf32>,
        %get3A_191 = vector.shape_cast %get3A_190 : vector<1x16xf32> to vector<16xf32>
        %get3A_192 = arith.index_cast %scan3A_173 : i32 to index
        %get3A_193 = arith.constant 16 : index
        %get3A_194 = tpu.vector_load %arg13[%get3A_192, %get3A_193] {strides = array<i32>} : memref<128x32xf32, #tpu.memory_space<vmem>>, vector<1x16xf32>,
        %get3A_195 = vector.shape_cast %get3A_194 : vector<1x16xf32> to vector<16xf32>
        %add3A_196 = arith.addf %get3A_191, %get3A_195 : vector<16xf32>
        %swap3A_197 = arith.index_cast %scan3A_173 : i32 to index
        %swap3A_198 = arith.constant 16 : index
        %swap3A_199 = tpu.vector_load %arg11[%swap3A_197, %swap3A_198] {strides = array<i32>} : memref<128x32xf32, #tpu.memory_space<vmem>>, vector<1x16xf32>,
        %swap3A_200 = vector.shape_cast %swap3A_199 : vector<1x16xf32> to vector<16xf32>
        %swap3A_201 = vector.shape_cast %add3A_196 : vector<16xf32> to vector<1x16xf32>
        tpu.vector_store %arg11[%swap3A_197, %swap3A_198], %swap3A_201 {strides = array<i32>} : memref<128x32xf32, #tpu.memory_space<vmem>>, vector<1x16xf32>,
        %scan3A_202 = arith.constant 2 : i32
        %scan3A_203 = arith.addi %scan3A_145, %scan3A_202 : i32
        %get3A_204 = arith.index_cast %scan3A_203 : i32 to index
        %get3A_205 = arith.constant 0 : index
        %get3A_206 = tpu.vector_load %arg11[%get3A_204, %get3A_205] {strides = array<i32>} : memref<128x32xf32, #tpu.memory_space<vmem>>, vector<1x16xf32>,
        %get3A_207 = vector.shape_cast %get3A_206 : vector<1x16xf32> to vector<16xf32>
        %get3A_208 = arith.index_cast %scan3A_203 : i32 to index
        %get3A_209 = arith.constant 0 : index
        %get3A_210 = tpu.vector_load %arg13[%get3A_208, %get3A_209] {strides = array<i32>} : memref<128x32xf32, #tpu.memory_space<vmem>>, vector<1x16xf32>,
        %get3A_211 = vector.shape_cast %get3A_210 : vector<1x16xf32> to vector<16xf32>
        %add3A_212 = arith.addf %get3A_207, %get3A_211 : vector<16xf32>
        %swap3A_213 = arith.index_cast %scan3A_203 : i32 to index
        %swap3A_214 = arith.constant 0 : index
        %swap3A_215 = tpu.vector_load %arg11[%swap3A_213, %swap3A_214] {strides = array<i32>} : memref<128x32xf32, #tpu.memory_space<vmem>>, vector<1x16xf32>,
        %swap3A_216 = vector.shape_cast %swap3A_215 : vector<1x16xf32> to vector<16xf32>
        %swap3A_217 = vector.shape_cast %add3A_212 : vector<16xf32> to vector<1x16xf32>
        tpu.vector_store %arg11[%swap3A_213, %swap3A_214], %swap3A_217 {strides = array<i32>} : memref<128x32xf32, #tpu.memory_space<vmem>>, vector<1x16xf32>,
        %get3A_218 = arith.index_cast %scan3A_203 : i32 to index
        %get3A_219 = arith.constant 16 : index
        %get3A_220 = tpu.vector_load %arg11[%get3A_218, %get3A_219] {strides = array<i32>} : memref<128x32xf32, #tpu.memory_space<vmem>>, vector<1x16xf32>,
        %get3A_221 = vector.shape_cast %get3A_220 : vector<1x16xf32> to vector<16xf32>
        %get3A_222 = arith.index_cast %scan3A_203 : i32 to index
        %get3A_223 = arith.constant 16 : index
        %get3A_224 = tpu.vector_load %arg13[%get3A_222, %get3A_223] {strides = array<i32>} : memref<128x32xf32, #tpu.memory_space<vmem>>, vector<1x16xf32>,
        %get3A_225 = vector.shape_cast %get3A_224 : vector<1x16xf32> to vector<16xf32>
        %add3A_226 = arith.addf %get3A_221, %get3A_225 : vector<16xf32>
        %swap3A_227 = arith.index_cast %scan3A_203 : i32 to index
        %swap3A_228 = arith.constant 16 : index
        %swap3A_229 = tpu.vector_load %arg11[%swap3A_227, %swap3A_228] {strides = array<i32>} : memref<128x32xf32, #tpu.memory_space<vmem>>, vector<1x16xf32>,
        %swap3A_230 = vector.shape_cast %swap3A_229 : vector<1x16xf32> to vector<16xf32>
        %swap3A_231 = vector.shape_cast %add3A_226 : vector<16xf32> to vector<1x16xf32>
        tpu.vector_store %arg11[%swap3A_227, %swap3A_228], %swap3A_231 {strides = array<i32>} : memref<128x32xf32, #tpu.memory_space<vmem>>, vector<1x16xf32>,
        %scan3A_232 = arith.constant 3 : i32
        %scan3A_233 = arith.addi %scan3A_145, %scan3A_232 : i32
        %get3A_234 = arith.index_cast %scan3A_233 : i32 to index
        %get3A_235 = arith.constant 0 : index
        %get3A_236 = tpu.vector_load %arg11[%get3A_234, %get3A_235] {strides = array<i32>} : memref<128x32xf32, #tpu.memory_space<vmem>>, vector<1x16xf32>,
        %get3A_237 = vector.shape_cast %get3A_236 : vector<1x16xf32> to vector<16xf32>
        %get3A_238 = arith.index_cast %scan3A_233 : i32 to index
        %get3A_239 = arith.constant 0 : index
        %get3A_240 = tpu.vector_load %arg13[%get3A_238, %get3A_239] {strides = array<i32>} : memref<128x32xf32, #tpu.memory_space<vmem>>, vector<1x16xf32>,
        %get3A_241 = vector.shape_cast %get3A_240 : vector<1x16xf32> to vector<16xf32>
        %add3A_242 = arith.addf %get3A_237, %get3A_241 : vector<16xf32>
        %swap3A_243 = arith.index_cast %scan3A_233 : i32 to index
        %swap3A_244 = arith.constant 0 : index
        %swap3A_245 = tpu.vector_load %arg11[%swap3A_243, %swap3A_244] {strides = array<i32>} : memref<128x32xf32, #tpu.memory_space<vmem>>, vector<1x16xf32>,
        %swap3A_246 = vector.shape_cast %swap3A_245 : vector<1x16xf32> to vector<16xf32>
        %swap3A_247 = vector.shape_cast %add3A_242 : vector<16xf32> to vector<1x16xf32>
        tpu.vector_store %arg11[%swap3A_243, %swap3A_244], %swap3A_247 {strides = array<i32>} : memref<128x32xf32, #tpu.memory_space<vmem>>, vector<1x16xf32>,
        %get3A_248 = arith.index_cast %scan3A_233 : i32 to index
        %get3A_249 = arith.constant 16 : index
        %get3A_250 = tpu.vector_load %arg11[%get3A_248, %get3A_249] {strides = array<i32>} : memref<128x32xf32, #tpu.memory_space<vmem>>, vector<1x16xf32>,
        %get3A_251 = vector.shape_cast %get3A_250 : vector<1x16xf32> to vector<16xf32>
        %get3A_252 = arith.index_cast %scan3A_233 : i32 to index
        %get3A_253 = arith.constant 16 : index
        %get3A_254 = tpu.vector_load %arg13[%get3A_252, %get3A_253] {strides = array<i32>} : memref<128x32xf32, #tpu.memory_space<vmem>>, vector<1x16xf32>,
        %get3A_255 = vector.shape_cast %get3A_254 : vector<1x16xf32> to vector<16xf32>
        %add3A_256 = arith.addf %get3A_251, %get3A_255 : vector<16xf32>
        %swap3A_257 = arith.index_cast %scan3A_233 : i32 to index
        %swap3A_258 = arith.constant 16 : index
        %swap3A_259 = tpu.vector_load %arg11[%swap3A_257, %swap3A_258] {strides = array<i32>} : memref<128x32xf32, #tpu.memory_space<vmem>>, vector<1x16xf32>,
        %swap3A_260 = vector.shape_cast %swap3A_259 : vector<1x16xf32> to vector<16xf32>
        %swap3A_261 = vector.shape_cast %add3A_256 : vector<16xf32> to vector<1x16xf32>
        tpu.vector_store %arg11[%swap3A_257, %swap3A_258], %swap3A_261 {strides = array<i32>} : memref<128x32xf32, #tpu.memory_space<vmem>>, vector<1x16xf32>,
        %scan3A_262 = arith.constant 4 : i32
        %scan3A_263 = arith.addi %scan3A_145, %scan3A_262 : i32
        %get3A_264 = arith.index_cast %scan3A_263 : i32 to index
        %get3A_265 = arith.constant 0 : index
        %get3A_266 = tpu.vector_load %arg11[%get3A_264, %get3A_265] {strides = array<i32>} : memref<128x32xf32, #tpu.memory_space<vmem>>, vector<1x16xf32>,
        %get3A_267 = vector.shape_cast %get3A_266 : vector<1x16xf32> to vector<16xf32>
        %get3A_268 = arith.index_cast %scan3A_263 : i32 to index
        %get3A_269 = arith.constant 0 : index
        %get3A_270 = tpu.vector_load %arg13[%get3A_268, %get3A_269] {strides = array<i32>} : memref<128x32xf32, #tpu.memory_space<vmem>>, vector<1x16xf32>,
        %get3A_271 = vector.shape_cast %get3A_270 : vector<1x16xf32> to vector<16xf32>
        %add3A_272 = arith.addf %get3A_267, %get3A_271 : vector<16xf32>
        %swap3A_273 = arith.index_cast %scan3A_263 : i32 to index
        %swap3A_274 = arith.constant 0 : index
        %swap3A_275 = tpu.vector_load %arg11[%swap3A_273, %swap3A_274] {strides = array<i32>} : memref<128x32xf32, #tpu.memory_space<vmem>>, vector<1x16xf32>,
        %swap3A_276 = vector.shape_cast %swap3A_275 : vector<1x16xf32> to vector<16xf32>
        %swap3A_277 = vector.shape_cast %add3A_272 : vector<16xf32> to vector<1x16xf32>
        tpu.vector_store %arg11[%swap3A_273, %swap3A_274], %swap3A_277 {strides = array<i32>} : memref<128x32xf32, #tpu.memory_space<vmem>>, vector<1x16xf32>,
        %get3A_278 = arith.index_cast %scan3A_263 : i32 to index
        %get3A_279 = arith.constant 16 : index
        %get3A_280 = tpu.vector_load %arg11[%get3A_278, %get3A_279] {strides = array<i32>} : memref<128x32xf32, #tpu.memory_space<vmem>>, vector<1x16xf32>,
        %get3A_281 = vector.shape_cast %get3A_280 : vector<1x16xf32> to vector<16xf32>
        %get3A_282 = arith.index_cast %scan3A_263 : i32 to index
        %get3A_283 = arith.constant 16 : index
        %get3A_284 = tpu.vector_load %arg13[%get3A_282, %get3A_283] {strides = array<i32>} : memref<128x32xf32, #tpu.memory_space<vmem>>, vector<1x16xf32>,
        %get3A_285 = vector.shape_cast %get3A_284 : vector<1x16xf32> to vector<16xf32>
        %add3A_286 = arith.addf %get3A_281, %get3A_285 : vector<16xf32>
        %swap3A_287 = arith.index_cast %scan3A_263 : i32 to index
        %swap3A_288 = arith.constant 16 : index
        %swap3A_289 = tpu.vector_load %arg11[%swap3A_287, %swap3A_288] {strides = array<i32>} : memref<128x32xf32, #tpu.memory_space<vmem>>, vector<1x16xf32>,
        %swap3A_290 = vector.shape_cast %swap3A_289 : vector<1x16xf32> to vector<16xf32>
        %swap3A_291 = vector.shape_cast %add3A_286 : vector<16xf32> to vector<1x16xf32>
        tpu.vector_store %arg11[%swap3A_287, %swap3A_288], %swap3A_291 {strides = array<i32>} : memref<128x32xf32, #tpu.memory_space<vmem>>, vector<1x16xf32>,
        %scan3A_292 = arith.constant 5 : i32
        %scan3A_293 = arith.addi %scan3A_145, %scan3A_292 : i32
        %get3A_294 = arith.index_cast %scan3A_293 : i32 to index
        %get3A_295 = arith.constant 0 : index
        %get3A_296 = tpu.vector_load %arg11[%get3A_294, %get3A_295] {strides = array<i32>} : memref<128x32xf32, #tpu.memory_space<vmem>>, vector<1x16xf32>,
        %get3A_297 = vector.shape_cast %get3A_296 : vector<1x16xf32> to vector<16xf32>
        %get3A_298 = arith.index_cast %scan3A_293 : i32 to index
        %get3A_299 = arith.constant 0 : index
        %get3A_300 = tpu.vector_load %arg13[%get3A_298, %get3A_299] {strides = array<i32>} : memref<128x32xf32, #tpu.memory_space<vmem>>, vector<1x16xf32>,
        %get3A_301 = vector.shape_cast %get3A_300 : vector<1x16xf32> to vector<16xf32>
        %add3A_302 = arith.addf %get3A_297, %get3A_301 : vector<16xf32>
        %swap3A_303 = arith.index_cast %scan3A_293 : i32 to index
        %swap3A_304 = arith.constant 0 : index
        %swap3A_305 = tpu.vector_load %arg11[%swap3A_303, %swap3A_304] {strides = array<i32>} : memref<128x32xf32, #tpu.memory_space<vmem>>, vector<1x16xf32>,
        %swap3A_306 = vector.shape_cast %swap3A_305 : vector<1x16xf32> to vector<16xf32>
        %swap3A_307 = vector.shape_cast %add3A_302 : vector<16xf32> to vector<1x16xf32>
        tpu.vector_store %arg11[%swap3A_303, %swap3A_304], %swap3A_307 {strides = array<i32>} : memref<128x32xf32, #tpu.memory_space<vmem>>, vector<1x16xf32>,
        %get3A_308 = arith.index_cast %scan3A_293 : i32 to index
        %get3A_309 = arith.constant 16 : index
        %get3A_310 = tpu.vector_load %arg11[%get3A_308, %get3A_309] {strides = array<i32>} : memref<128x32xf32, #tpu.memory_space<vmem>>, vector<1x16xf32>,
        %get3A_311 = vector.shape_cast %get3A_310 : vector<1x16xf32> to vector<16xf32>
        %get3A_312 = arith.index_cast %scan3A_293 : i32 to index
        %get3A_313 = arith.constant 16 : index
        %get3A_314 = tpu.vector_load %arg13[%get3A_312, %get3A_313] {strides = array<i32>} : memref<128x32xf32, #tpu.memory_space<vmem>>, vector<1x16xf32>,
        %get3A_315 = vector.shape_cast %get3A_314 : vector<1x16xf32> to vector<16xf32>
        %add3A_316 = arith.addf %get3A_311, %get3A_315 : vector<16xf32>
        %swap3A_317 = arith.index_cast %scan3A_293 : i32 to index
        %swap3A_318 = arith.constant 16 : index
        %swap3A_319 = tpu.vector_load %arg11[%swap3A_317, %swap3A_318] {strides = array<i32>} : memref<128x32xf32, #tpu.memory_space<vmem>>, vector<1x16xf32>,
        %swap3A_320 = vector.shape_cast %swap3A_319 : vector<1x16xf32> to vector<16xf32>
        %swap3A_321 = vector.shape_cast %add3A_316 : vector<16xf32> to vector<1x16xf32>
        tpu.vector_store %arg11[%swap3A_317, %swap3A_318], %swap3A_321 {strides = array<i32>} : memref<128x32xf32, #tpu.memory_space<vmem>>, vector<1x16xf32>,
        %scan3A_322 = arith.constant 6 : i32
        %scan3A_323 = arith.addi %scan3A_145, %scan3A_322 : i32
        %get3A_324 = arith.index_cast %scan3A_323 : i32 to index
        %get3A_325 = arith.constant 0 : index
        %get3A_326 = tpu.vector_load %arg11[%get3A_324, %get3A_325] {strides = array<i32>} : memref<128x32xf32, #tpu.memory_space<vmem>>, vector<1x16xf32>,
        %get3A_327 = vector.shape_cast %get3A_326 : vector<1x16xf32> to vector<16xf32>
        %get3A_328 = arith.index_cast %scan3A_323 : i32 to index
        %get3A_329 = arith.constant 0 : index
        %get3A_330 = tpu.vector_load %arg13[%get3A_328, %get3A_329] {strides = array<i32>} : memref<128x32xf32, #tpu.memory_space<vmem>>, vector<1x16xf32>,
        %get3A_331 = vector.shape_cast %get3A_330 : vector<1x16xf32> to vector<16xf32>
        %add3A_332 = arith.addf %get3A_327, %get3A_331 : vector<16xf32>
        %swap3A_333 = arith.index_cast %scan3A_323 : i32 to index
        %swap3A_334 = arith.constant 0 : index
        %swap3A_335 = tpu.vector_load %arg11[%swap3A_333, %swap3A_334] {strides = array<i32>} : memref<128x32xf32, #tpu.memory_space<vmem>>, vector<1x16xf32>,
        %swap3A_336 = vector.shape_cast %swap3A_335 : vector<1x16xf32> to vector<16xf32>
        %swap3A_337 = vector.shape_cast %add3A_332 : vector<16xf32> to vector<1x16xf32>
        tpu.vector_store %arg11[%swap3A_333, %swap3A_334], %swap3A_337 {strides = array<i32>} : memref<128x32xf32, #tpu.memory_space<vmem>>, vector<1x16xf32>,
        %get3A_338 = arith.index_cast %scan3A_323 : i32 to index
        %get3A_339 = arith.constant 16 : index
        %get3A_340 = tpu.vector_load %arg11[%get3A_338, %get3A_339] {strides = array<i32>} : memref<128x32xf32, #tpu.memory_space<vmem>>, vector<1x16xf32>,
        %get3A_341 = vector.shape_cast %get3A_340 : vector<1x16xf32> to vector<16xf32>
        %get3A_342 = arith.index_cast %scan3A_323 : i32 to index
        %get3A_343 = arith.constant 16 : index
        %get3A_344 = tpu.vector_load %arg13[%get3A_342, %get3A_343] {strides = array<i32>} : memref<128x32xf32, #tpu.memory_space<vmem>>, vector<1x16xf32>,
        %get3A_345 = vector.shape_cast %get3A_344 : vector<1x16xf32> to vector<16xf32>
        %add3A_346 = arith.addf %get3A_341, %get3A_345 : vector<16xf32>
        %swap3A_347 = arith.index_cast %scan3A_323 : i32 to index
        %swap3A_348 = arith.constant 16 : index
        %swap3A_349 = tpu.vector_load %arg11[%swap3A_347, %swap3A_348] {strides = array<i32>} : memref<128x32xf32, #tpu.memory_space<vmem>>, vector<1x16xf32>,
        %swap3A_350 = vector.shape_cast %swap3A_349 : vector<1x16xf32> to vector<16xf32>
        %swap3A_351 = vector.shape_cast %add3A_346 : vector<16xf32> to vector<1x16xf32>
        tpu.vector_store %arg11[%swap3A_347, %swap3A_348], %swap3A_351 {strides = array<i32>} : memref<128x32xf32, #tpu.memory_space<vmem>>, vector<1x16xf32>,
        %scan3A_352 = arith.constant 7 : i32
        %scan3A_353 = arith.addi %scan3A_145, %scan3A_352 : i32
        %get3A_354 = arith.index_cast %scan3A_353 : i32 to index
        %get3A_355 = arith.constant 0 : index
        %get3A_356 = tpu.vector_load %arg11[%get3A_354, %get3A_355] {strides = array<i32>} : memref<128x32xf32, #tpu.memory_space<vmem>>, vector<1x16xf32>,
        %get3A_357 = vector.shape_cast %get3A_356 : vector<1x16xf32> to vector<16xf32>
        %get3A_358 = arith.index_cast %scan3A_353 : i32 to index
        %get3A_359 = arith.constant 0 : index
        %get3A_360 = tpu.vector_load %arg13[%get3A_358, %get3A_359] {strides = array<i32>} : memref<128x32xf32, #tpu.memory_space<vmem>>, vector<1x16xf32>,
        %get3A_361 = vector.shape_cast %get3A_360 : vector<1x16xf32> to vector<16xf32>
        %add3A_362 = arith.addf %get3A_357, %get3A_361 : vector<16xf32>
        %swap3A_363 = arith.index_cast %scan3A_353 : i32 to index
        %swap3A_364 = arith.constant 0 : index
        %swap3A_365 = tpu.vector_load %arg11[%swap3A_363, %swap3A_364] {strides = array<i32>} : memref<128x32xf32, #tpu.memory_space<vmem>>, vector<1x16xf32>,
        %swap3A_366 = vector.shape_cast %swap3A_365 : vector<1x16xf32> to vector<16xf32>
        %swap3A_367 = vector.shape_cast %add3A_362 : vector<16xf32> to vector<1x16xf32>
        tpu.vector_store %arg11[%swap3A_363, %swap3A_364], %swap3A_367 {strides = array<i32>} : memref<128x32xf32, #tpu.memory_space<vmem>>, vector<1x16xf32>,
        %get3A_368 = arith.index_cast %scan3A_353 : i32 to index
        %get3A_369 = arith.constant 16 : index
        %get3A_370 = tpu.vector_load %arg11[%get3A_368, %get3A_369] {strides = array<i32>} : memref<128x32xf32, #tpu.memory_space<vmem>>, vector<1x16xf32>,
        %get3A_371 = vector.shape_cast %get3A_370 : vector<1x16xf32> to vector<16xf32>
        %get3A_372 = arith.index_cast %scan3A_353 : i32 to index
        %get3A_373 = arith.constant 16 : index
        %get3A_374 = tpu.vector_load %arg13[%get3A_372, %get3A_373] {strides = array<i32>} : memref<128x32xf32, #tpu.memory_space<vmem>>, vector<1x16xf32>,
        %get3A_375 = vector.shape_cast %get3A_374 : vector<1x16xf32> to vector<16xf32>
        %add3A_376 = arith.addf %get3A_371, %get3A_375 : vector<16xf32>
        %swap3A_377 = arith.index_cast %scan3A_353 : i32 to index
        %swap3A_378 = arith.constant 16 : index
        %swap3A_379 = tpu.vector_load %arg11[%swap3A_377, %swap3A_378] {strides = array<i32>} : memref<128x32xf32, #tpu.memory_space<vmem>>, vector<1x16xf32>,
        %swap3A_380 = vector.shape_cast %swap3A_379 : vector<1x16xf32> to vector<16xf32>
        %swap3A_381 = vector.shape_cast %add3A_376 : vector<16xf32> to vector<1x16xf32>
        tpu.vector_store %arg11[%swap3A_377, %swap3A_378], %swap3A_381 {strides = array<i32>} : memref<128x32xf32, #tpu.memory_space<vmem>>, vector<1x16xf32>,
      }
      %scan3A_81 = arith.constant 128 : i32
      %mul3A_82 = arith.constant 2 : i32
      %mul3A_83 = arith.muli %mul3A_82, %scan3A_44 : i32
      %mul3A_84 = arith.constant 32 : i32
      %mul3A_85 = arith.muli %mul3A_83, %mul3A_84 : i32
      %add3A_86 = arith.addi %add3A, %mul3A_85 : i32
      %mul3A_87 = arith.constant 128 : i32
      %mul3A_88 = arith.muli %add3A_86, %mul3A_87 : i32
      %dma_start3A_89 = arith.constant 0 : i32
      %dma_start3A_90 = tpu.memref_slice %arg6[%mul3A_88, %dma_start3A_89] : memref<800000x32xf32, #tpu.memory_space<hbm>> -> memref<128x32xf32, #tpu.memory_space<hbm>>
      %dma_start3A_91 = arith.constant 0 : i32
      %dma_start3A_92 = tpu.memref_slice %arg6[%mul3A_88, %dma_start3A_91] : memref<800000x32xf32, #tpu.memory_space<hbm>> -> memref<128x32xf32, #tpu.memory_space<hbm>>
      tpu.enqueue_dma source(%arg11 : memref<128x32xf32, #tpu.memory_space<vmem>>) target(%dma_start3A_92 : memref<128x32xf32, #tpu.memory_space<hbm>>) target_semaphore(%arg17 : memref<!tpu.dma_semaphore, #tpu.memory_space<semaphore_mem>>)
      %dma_wait3A_93 = arith.constant 0 : i32
      %dma_wait3A_94 = arith.constant 0 : i32
      %dma_wait3A_95 = tpu.memref_slice %arg6[%dma_wait3A_93, %dma_wait3A_94] : memref<800000x32xf32, #tpu.memory_space<hbm>> -> memref<128x32xf32, #tpu.memory_space<hbm>>
      %dma_wait3A_96 = arith.constant 0 : i32
      %dma_wait3A_97 = arith.constant 0 : i32
      %dma_wait3A_98 = tpu.memref_slice %arg6[%dma_wait3A_96, %dma_wait3A_97] : memref<800000x32xf32, #tpu.memory_space<hbm>> -> memref<128x32xf32, #tpu.memory_space<hbm>>
      tpu.wait_dma2 semaphore(%arg17 : memref<!tpu.dma_semaphore, #tpu.memory_space<semaphore_mem>>) src(%arg11 : memref<128x32xf32, #tpu.memory_space<vmem>>) dst(%dma_wait3A_98 : memref<128x32xf32, #tpu.memory_space<hbm>>)
      %mul3A_99 = arith.constant 2 : i32
      %mul3A_100 = arith.muli %mul3A_99, %scan3A_44 : i32
      %add3A_101 = arith.constant 2 : i32
      %add3A_102 = arith.addi %mul3A_100, %add3A_101 : i32
      %mul3A_103 = arith.constant 32 : i32
      %mul3A_104 = arith.muli %add3A_102, %mul3A_103 : i32
      %add3A_105 = arith.addi %add3A, %mul3A_104 : i32
      %mul3A_106 = arith.constant 128 : i32
      %mul3A_107 = arith.muli %add3A_105, %mul3A_106 : i32
      "tpu.region"() ({
        %run_scoped3A = tpu.sem_alloc : memref<!tpu.dma_semaphore, #tpu.memory_space<semaphore_mem>>
        %dma_start3A_145 = tpu.memref_slice %arg4[%mul3A_107] : memref<800000xi32, #tpu.memory_space<hbm>> -> memref<128xi32, #tpu.memory_space<hbm>>
        %dma_start3A_146 = tpu.memref_slice %arg4[%mul3A_107] : memref<800000xi32, #tpu.memory_space<hbm>> -> memref<128xi32, #tpu.memory_space<hbm>>
        tpu.enqueue_dma source(%dma_start3A_146 : memref<128xi32, #tpu.memory_space<hbm>>) target(%arg7 : memref<128xi32, #tpu.memory_space<vmem>>) target_semaphore(%run_scoped3A : memref<!tpu.dma_semaphore, #tpu.memory_space<semaphore_mem>>)
        %dma_wait3A_147 = tpu.memref_slice %arg4[%mul3A_107] : memref<800000xi32, #tpu.memory_space<hbm>> -> memref<128xi32, #tpu.memory_space<hbm>>
        %dma_wait3A_148 = tpu.memref_slice %arg4[%mul3A_107] : memref<800000xi32, #tpu.memory_space<hbm>> -> memref<128xi32, #tpu.memory_space<hbm>>
        tpu.wait_dma2 semaphore(%run_scoped3A : memref<!tpu.dma_semaphore, #tpu.memory_space<semaphore_mem>>) src(%dma_wait3A_148 : memref<128xi32, #tpu.memory_space<hbm>>) dst(%arg7 : memref<128xi32, #tpu.memory_space<vmem>>)
        tpu.yield
      }) : () -> ()
      "tpu.region"() ({
        %run_scoped3A = tpu.sem_alloc : memref<!tpu.dma_semaphore, #tpu.memory_space<semaphore_mem>>
        %dma_start3A_145 = tpu.memref_slice %arg5[%mul3A_107] : memref<800000xi32, #tpu.memory_space<hbm>> -> memref<128xi32, #tpu.memory_space<hbm>>
        %dma_start3A_146 = tpu.memref_slice %arg5[%mul3A_107] : memref<800000xi32, #tpu.memory_space<hbm>> -> memref<128xi32, #tpu.memory_space<hbm>>
        tpu.enqueue_dma source(%dma_start3A_146 : memref<128xi32, #tpu.memory_space<hbm>>) target(%arg9 : memref<128xi32, #tpu.memory_space<vmem>>) target_semaphore(%run_scoped3A : memref<!tpu.dma_semaphore, #tpu.memory_space<semaphore_mem>>)
        %dma_wait3A_147 = tpu.memref_slice %arg5[%mul3A_107] : memref<800000xi32, #tpu.memory_space<hbm>> -> memref<128xi32, #tpu.memory_space<hbm>>
        %dma_wait3A_148 = tpu.memref_slice %arg5[%mul3A_107] : memref<800000xi32, #tpu.memory_space<hbm>> -> memref<128xi32, #tpu.memory_space<hbm>>
        tpu.wait_dma2 semaphore(%run_scoped3A : memref<!tpu.dma_semaphore, #tpu.memory_space<semaphore_mem>>) src(%dma_wait3A_148 : memref<128xi32, #tpu.memory_space<hbm>>) dst(%arg9 : memref<128xi32, #tpu.memory_space<vmem>>)
        tpu.yield
      }) : () -> ()
      %dma_start3A_108 = arith.constant 0 : i32
      %dma_start3A_109 = arith.constant 0 : i32
      %dma_start3A_110 = tpu.memref_slice %arg2[%dma_start3A_108, %dma_start3A_109] : memref<50000x32xf32, #tpu.memory_space<hbm>> -> memref<50000x32xf32, #tpu.memory_space<hbm>>
      tpu.enqueue_indirect_dma source(%dma_start3A_110 : memref<50000x32xf32, #tpu.memory_space<hbm>>) target(%arg11 : memref<128x32xf32, #tpu.memory_space<vmem>>) offsets(%arg7 : memref<128xi32, #tpu.memory_space<vmem>>) semaphore(%arg15 : memref<!tpu.dma_semaphore, #tpu.memory_space<semaphore_mem>>)
      %dma_start3A_111 = arith.constant 0 : i32
      %dma_start3A_112 = arith.constant 0 : i32
      %dma_start3A_113 = tpu.memref_slice %arg3[%dma_start3A_111, %dma_start3A_112] : memref<50000x32xf32, #tpu.memory_space<hbm>> -> memref<50000x32xf32, #tpu.memory_space<hbm>>
      tpu.enqueue_indirect_dma source(%dma_start3A_113 : memref<50000x32xf32, #tpu.memory_space<hbm>>) target(%arg13 : memref<128x32xf32, #tpu.memory_space<vmem>>) offsets(%arg9 : memref<128xi32, #tpu.memory_space<vmem>>) semaphore(%arg15 : memref<!tpu.dma_semaphore, #tpu.memory_space<semaphore_mem>>)
      %dma_wait3A_114 = arith.constant 0 : i32
      %dma_wait3A_115 = arith.constant 0 : i32
      %dma_wait3A_116 = tpu.memref_slice %arg2[%dma_wait3A_114, %dma_wait3A_115] : memref<50000x32xf32, #tpu.memory_space<hbm>> -> memref<128x32xf32, #tpu.memory_space<hbm>>
      %dma_wait3A_117 = arith.constant 0 : i32
      %dma_wait3A_118 = arith.constant 0 : i32
      %dma_wait3A_119 = tpu.memref_slice %arg2[%dma_wait3A_117, %dma_wait3A_118] : memref<50000x32xf32, #tpu.memory_space<hbm>> -> memref<128x32xf32, #tpu.memory_space<hbm>>
      tpu.wait_dma2 semaphore(%arg16 : memref<!tpu.dma_semaphore, #tpu.memory_space<semaphore_mem>>) src(%dma_wait3A_119 : memref<128x32xf32, #tpu.memory_space<hbm>>) dst(%arg12 : memref<128x32xf32, #tpu.memory_space<vmem>>)
      %dma_wait3A_120 = arith.constant 0 : i32
      %dma_wait3A_121 = arith.constant 0 : i32
      %dma_wait3A_122 = tpu.memref_slice %arg3[%dma_wait3A_120, %dma_wait3A_121] : memref<50000x32xf32, #tpu.memory_space<hbm>> -> memref<128x32xf32, #tpu.memory_space<hbm>>
      %dma_wait3A_123 = arith.constant 0 : i32
      %dma_wait3A_124 = arith.constant 0 : i32
      %dma_wait3A_125 = tpu.memref_slice %arg3[%dma_wait3A_123, %dma_wait3A_124] : memref<50000x32xf32, #tpu.memory_space<hbm>> -> memref<128x32xf32, #tpu.memory_space<hbm>>
      tpu.wait_dma2 semaphore(%arg16 : memref<!tpu.dma_semaphore, #tpu.memory_space<semaphore_mem>>) src(%dma_wait3A_125 : memref<128x32xf32, #tpu.memory_space<hbm>>) dst(%arg14 : memref<128x32xf32, #tpu.memory_space<vmem>>)
      %scan3A_126 = arith.constant 0 : i32
      %scan3A_127 = arith.constant 0 : i32
      %scan3A_128 = arith.constant 128 : i32
      %scan3A_129 = arith.addi %scan3A_127, %scan3A_128 : i32
      %scan3A_130 = arith.constant 8 : i32
      scf.for %scan3A_145 = %scan3A_127 to %scan3A_129 step %scan3A_130  : i32 {
        %get3A = arith.index_cast %scan3A_145 : i32 to index
        %get3A_146 = arith.constant 0 : index
        %get3A_147 = tpu.vector_load %arg12[%get3A, %get3A_146] {strides = array<i32>} : memref<128x32xf32, #tpu.memory_space<vmem>>, vector<1x16xf32>,
        %get3A_148 = vector.shape_cast %get3A_147 : vector<1x16xf32> to vector<16xf32>
        %get3A_149 = arith.index_cast %scan3A_145 : i32 to index
        %get3A_150 = arith.constant 0 : index
        %get3A_151 = tpu.vector_load %arg14[%get3A_149, %get3A_150] {strides = array<i32>} : memref<128x32xf32, #tpu.memory_space<vmem>>, vector<1x16xf32>,
        %get3A_152 = vector.shape_cast %get3A_151 : vector<1x16xf32> to vector<16xf32>
        %add3A_153 = arith.addf %get3A_148, %get3A_152 : vector<16xf32>
        %swap3A = arith.index_cast %scan3A_145 : i32 to index
        %swap3A_154 = arith.constant 0 : index
        %swap3A_155 = tpu.vector_load %arg12[%swap3A, %swap3A_154] {strides = array<i32>} : memref<128x32xf32, #tpu.memory_space<vmem>>, vector<1x16xf32>,
        %swap3A_156 = vector.shape_cast %swap3A_155 : vector<1x16xf32> to vector<16xf32>
        %swap3A_157 = vector.shape_cast %add3A_153 : vector<16xf32> to vector<1x16xf32>
        tpu.vector_store %arg12[%swap3A, %swap3A_154], %swap3A_157 {strides = array<i32>} : memref<128x32xf32, #tpu.memory_space<vmem>>, vector<1x16xf32>,
        %get3A_158 = arith.index_cast %scan3A_145 : i32 to index
        %get3A_159 = arith.constant 16 : index
        %get3A_160 = tpu.vector_load %arg12[%get3A_158, %get3A_159] {strides = array<i32>} : memref<128x32xf32, #tpu.memory_space<vmem>>, vector<1x16xf32>,
        %get3A_161 = vector.shape_cast %get3A_160 : vector<1x16xf32> to vector<16xf32>
        %get3A_162 = arith.index_cast %scan3A_145 : i32 to index
        %get3A_163 = arith.constant 16 : index
        %get3A_164 = tpu.vector_load %arg14[%get3A_162, %get3A_163] {strides = array<i32>} : memref<128x32xf32, #tpu.memory_space<vmem>>, vector<1x16xf32>,
        %get3A_165 = vector.shape_cast %get3A_164 : vector<1x16xf32> to vector<16xf32>
        %add3A_166 = arith.addf %get3A_161, %get3A_165 : vector<16xf32>
        %swap3A_167 = arith.index_cast %scan3A_145 : i32 to index
        %swap3A_168 = arith.constant 16 : index
        %swap3A_169 = tpu.vector_load %arg12[%swap3A_167, %swap3A_168] {strides = array<i32>} : memref<128x32xf32, #tpu.memory_space<vmem>>, vector<1x16xf32>,
        %swap3A_170 = vector.shape_cast %swap3A_169 : vector<1x16xf32> to vector<16xf32>
        %swap3A_171 = vector.shape_cast %add3A_166 : vector<16xf32> to vector<1x16xf32>
        tpu.vector_store %arg12[%swap3A_167, %swap3A_168], %swap3A_171 {strides = array<i32>} : memref<128x32xf32, #tpu.memory_space<vmem>>, vector<1x16xf32>,
        %scan3A_172 = arith.constant 1 : i32
        %scan3A_173 = arith.addi %scan3A_145, %scan3A_172 : i32
        %get3A_174 = arith.index_cast %scan3A_173 : i32 to index
        %get3A_175 = arith.constant 0 : index
        %get3A_176 = tpu.vector_load %arg12[%get3A_174, %get3A_175] {strides = array<i32>} : memref<128x32xf32, #tpu.memory_space<vmem>>, vector<1x16xf32>,
        %get3A_177 = vector.shape_cast %get3A_176 : vector<1x16xf32> to vector<16xf32>
        %get3A_178 = arith.index_cast %scan3A_173 : i32 to index
        %get3A_179 = arith.constant 0 : index
        %get3A_180 = tpu.vector_load %arg14[%get3A_178, %get3A_179] {strides = array<i32>} : memref<128x32xf32, #tpu.memory_space<vmem>>, vector<1x16xf32>,
        %get3A_181 = vector.shape_cast %get3A_180 : vector<1x16xf32> to vector<16xf32>
        %add3A_182 = arith.addf %get3A_177, %get3A_181 : vector<16xf32>
        %swap3A_183 = arith.index_cast %scan3A_173 : i32 to index
        %swap3A_184 = arith.constant 0 : index
        %swap3A_185 = tpu.vector_load %arg12[%swap3A_183, %swap3A_184] {strides = array<i32>} : memref<128x32xf32, #tpu.memory_space<vmem>>, vector<1x16xf32>,
        %swap3A_186 = vector.shape_cast %swap3A_185 : vector<1x16xf32> to vector<16xf32>
        %swap3A_187 = vector.shape_cast %add3A_182 : vector<16xf32> to vector<1x16xf32>
        tpu.vector_store %arg12[%swap3A_183, %swap3A_184], %swap3A_187 {strides = array<i32>} : memref<128x32xf32, #tpu.memory_space<vmem>>, vector<1x16xf32>,
        %get3A_188 = arith.index_cast %scan3A_173 : i32 to index
        %get3A_189 = arith.constant 16 : index
        %get3A_190 = tpu.vector_load %arg12[%get3A_188, %get3A_189] {strides = array<i32>} : memref<128x32xf32, #tpu.memory_space<vmem>>, vector<1x16xf32>,
        %get3A_191 = vector.shape_cast %get3A_190 : vector<1x16xf32> to vector<16xf32>
        %get3A_192 = arith.index_cast %scan3A_173 : i32 to index
        %get3A_193 = arith.constant 16 : index
        %get3A_194 = tpu.vector_load %arg14[%get3A_192, %get3A_193] {strides = array<i32>} : memref<128x32xf32, #tpu.memory_space<vmem>>, vector<1x16xf32>,
        %get3A_195 = vector.shape_cast %get3A_194 : vector<1x16xf32> to vector<16xf32>
        %add3A_196 = arith.addf %get3A_191, %get3A_195 : vector<16xf32>
        %swap3A_197 = arith.index_cast %scan3A_173 : i32 to index
        %swap3A_198 = arith.constant 16 : index
        %swap3A_199 = tpu.vector_load %arg12[%swap3A_197, %swap3A_198] {strides = array<i32>} : memref<128x32xf32, #tpu.memory_space<vmem>>, vector<1x16xf32>,
        %swap3A_200 = vector.shape_cast %swap3A_199 : vector<1x16xf32> to vector<16xf32>
        %swap3A_201 = vector.shape_cast %add3A_196 : vector<16xf32> to vector<1x16xf32>
        tpu.vector_store %arg12[%swap3A_197, %swap3A_198], %swap3A_201 {strides = array<i32>} : memref<128x32xf32, #tpu.memory_space<vmem>>, vector<1x16xf32>,
        %scan3A_202 = arith.constant 2 : i32
        %scan3A_203 = arith.addi %scan3A_145, %scan3A_202 : i32
        %get3A_204 = arith.index_cast %scan3A_203 : i32 to index
        %get3A_205 = arith.constant 0 : index
        %get3A_206 = tpu.vector_load %arg12[%get3A_204, %get3A_205] {strides = array<i32>} : memref<128x32xf32, #tpu.memory_space<vmem>>, vector<1x16xf32>,
        %get3A_207 = vector.shape_cast %get3A_206 : vector<1x16xf32> to vector<16xf32>
        %get3A_208 = arith.index_cast %scan3A_203 : i32 to index
        %get3A_209 = arith.constant 0 : index
        %get3A_210 = tpu.vector_load %arg14[%get3A_208, %get3A_209] {strides = array<i32>} : memref<128x32xf32, #tpu.memory_space<vmem>>, vector<1x16xf32>,
        %get3A_211 = vector.shape_cast %get3A_210 : vector<1x16xf32> to vector<16xf32>
        %add3A_212 = arith.addf %get3A_207, %get3A_211 : vector<16xf32>
        %swap3A_213 = arith.index_cast %scan3A_203 : i32 to index
        %swap3A_214 = arith.constant 0 : index
        %swap3A_215 = tpu.vector_load %arg12[%swap3A_213, %swap3A_214] {strides = array<i32>} : memref<128x32xf32, #tpu.memory_space<vmem>>, vector<1x16xf32>,
        %swap3A_216 = vector.shape_cast %swap3A_215 : vector<1x16xf32> to vector<16xf32>
        %swap3A_217 = vector.shape_cast %add3A_212 : vector<16xf32> to vector<1x16xf32>
        tpu.vector_store %arg12[%swap3A_213, %swap3A_214], %swap3A_217 {strides = array<i32>} : memref<128x32xf32, #tpu.memory_space<vmem>>, vector<1x16xf32>,
        %get3A_218 = arith.index_cast %scan3A_203 : i32 to index
        %get3A_219 = arith.constant 16 : index
        %get3A_220 = tpu.vector_load %arg12[%get3A_218, %get3A_219] {strides = array<i32>} : memref<128x32xf32, #tpu.memory_space<vmem>>, vector<1x16xf32>,
        %get3A_221 = vector.shape_cast %get3A_220 : vector<1x16xf32> to vector<16xf32>
        %get3A_222 = arith.index_cast %scan3A_203 : i32 to index
        %get3A_223 = arith.constant 16 : index
        %get3A_224 = tpu.vector_load %arg14[%get3A_222, %get3A_223] {strides = array<i32>} : memref<128x32xf32, #tpu.memory_space<vmem>>, vector<1x16xf32>,
        %get3A_225 = vector.shape_cast %get3A_224 : vector<1x16xf32> to vector<16xf32>
        %add3A_226 = arith.addf %get3A_221, %get3A_225 : vector<16xf32>
        %swap3A_227 = arith.index_cast %scan3A_203 : i32 to index
        %swap3A_228 = arith.constant 16 : index
        %swap3A_229 = tpu.vector_load %arg12[%swap3A_227, %swap3A_228] {strides = array<i32>} : memref<128x32xf32, #tpu.memory_space<vmem>>, vector<1x16xf32>,
        %swap3A_230 = vector.shape_cast %swap3A_229 : vector<1x16xf32> to vector<16xf32>
        %swap3A_231 = vector.shape_cast %add3A_226 : vector<16xf32> to vector<1x16xf32>
        tpu.vector_store %arg12[%swap3A_227, %swap3A_228], %swap3A_231 {strides = array<i32>} : memref<128x32xf32, #tpu.memory_space<vmem>>, vector<1x16xf32>,
        %scan3A_232 = arith.constant 3 : i32
        %scan3A_233 = arith.addi %scan3A_145, %scan3A_232 : i32
        %get3A_234 = arith.index_cast %scan3A_233 : i32 to index
        %get3A_235 = arith.constant 0 : index
        %get3A_236 = tpu.vector_load %arg12[%get3A_234, %get3A_235] {strides = array<i32>} : memref<128x32xf32, #tpu.memory_space<vmem>>, vector<1x16xf32>,
        %get3A_237 = vector.shape_cast %get3A_236 : vector<1x16xf32> to vector<16xf32>
        %get3A_238 = arith.index_cast %scan3A_233 : i32 to index
        %get3A_239 = arith.constant 0 : index
        %get3A_240 = tpu.vector_load %arg14[%get3A_238, %get3A_239] {strides = array<i32>} : memref<128x32xf32, #tpu.memory_space<vmem>>, vector<1x16xf32>,
        %get3A_241 = vector.shape_cast %get3A_240 : vector<1x16xf32> to vector<16xf32>
        %add3A_242 = arith.addf %get3A_237, %get3A_241 : vector<16xf32>
        %swap3A_243 = arith.index_cast %scan3A_233 : i32 to index
        %swap3A_244 = arith.constant 0 : index
        %swap3A_245 = tpu.vector_load %arg12[%swap3A_243, %swap3A_244] {strides = array<i32>} : memref<128x32xf32, #tpu.memory_space<vmem>>, vector<1x16xf32>,
        %swap3A_246 = vector.shape_cast %swap3A_245 : vector<1x16xf32> to vector<16xf32>
        %swap3A_247 = vector.shape_cast %add3A_242 : vector<16xf32> to vector<1x16xf32>
        tpu.vector_store %arg12[%swap3A_243, %swap3A_244], %swap3A_247 {strides = array<i32>} : memref<128x32xf32, #tpu.memory_space<vmem>>, vector<1x16xf32>,
        %get3A_248 = arith.index_cast %scan3A_233 : i32 to index
        %get3A_249 = arith.constant 16 : index
        %get3A_250 = tpu.vector_load %arg12[%get3A_248, %get3A_249] {strides = array<i32>} : memref<128x32xf32, #tpu.memory_space<vmem>>, vector<1x16xf32>,
        %get3A_251 = vector.shape_cast %get3A_250 : vector<1x16xf32> to vector<16xf32>
        %get3A_252 = arith.index_cast %scan3A_233 : i32 to index
        %get3A_253 = arith.constant 16 : index
        %get3A_254 = tpu.vector_load %arg14[%get3A_252, %get3A_253] {strides = array<i32>} : memref<128x32xf32, #tpu.memory_space<vmem>>, vector<1x16xf32>,
        %get3A_255 = vector.shape_cast %get3A_254 : vector<1x16xf32> to vector<16xf32>
        %add3A_256 = arith.addf %get3A_251, %get3A_255 : vector<16xf32>
        %swap3A_257 = arith.index_cast %scan3A_233 : i32 to index
        %swap3A_258 = arith.constant 16 : index
        %swap3A_259 = tpu.vector_load %arg12[%swap3A_257, %swap3A_258] {strides = array<i32>} : memref<128x32xf32, #tpu.memory_space<vmem>>, vector<1x16xf32>,
        %swap3A_260 = vector.shape_cast %swap3A_259 : vector<1x16xf32> to vector<16xf32>
        %swap3A_261 = vector.shape_cast %add3A_256 : vector<16xf32> to vector<1x16xf32>
        tpu.vector_store %arg12[%swap3A_257, %swap3A_258], %swap3A_261 {strides = array<i32>} : memref<128x32xf32, #tpu.memory_space<vmem>>, vector<1x16xf32>,
        %scan3A_262 = arith.constant 4 : i32
        %scan3A_263 = arith.addi %scan3A_145, %scan3A_262 : i32
        %get3A_264 = arith.index_cast %scan3A_263 : i32 to index
        %get3A_265 = arith.constant 0 : index
        %get3A_266 = tpu.vector_load %arg12[%get3A_264, %get3A_265] {strides = array<i32>} : memref<128x32xf32, #tpu.memory_space<vmem>>, vector<1x16xf32>,
        %get3A_267 = vector.shape_cast %get3A_266 : vector<1x16xf32> to vector<16xf32>
        %get3A_268 = arith.index_cast %scan3A_263 : i32 to index
        %get3A_269 = arith.constant 0 : index
        %get3A_270 = tpu.vector_load %arg14[%get3A_268, %get3A_269] {strides = array<i32>} : memref<128x32xf32, #tpu.memory_space<vmem>>, vector<1x16xf32>,
        %get3A_271 = vector.shape_cast %get3A_270 : vector<1x16xf32> to vector<16xf32>
        %add3A_272 = arith.addf %get3A_267, %get3A_271 : vector<16xf32>
        %swap3A_273 = arith.index_cast %scan3A_263 : i32 to index
        %swap3A_274 = arith.constant 0 : index
        %swap3A_275 = tpu.vector_load %arg12[%swap3A_273, %swap3A_274] {strides = array<i32>} : memref<128x32xf32, #tpu.memory_space<vmem>>, vector<1x16xf32>,
        %swap3A_276 = vector.shape_cast %swap3A_275 : vector<1x16xf32> to vector<16xf32>
        %swap3A_277 = vector.shape_cast %add3A_272 : vector<16xf32> to vector<1x16xf32>
        tpu.vector_store %arg12[%swap3A_273, %swap3A_274], %swap3A_277 {strides = array<i32>} : memref<128x32xf32, #tpu.memory_space<vmem>>, vector<1x16xf32>,
        %get3A_278 = arith.index_cast %scan3A_263 : i32 to index
        %get3A_279 = arith.constant 16 : index
        %get3A_280 = tpu.vector_load %arg12[%get3A_278, %get3A_279] {strides = array<i32>} : memref<128x32xf32, #tpu.memory_space<vmem>>, vector<1x16xf32>,
        %get3A_281 = vector.shape_cast %get3A_280 : vector<1x16xf32> to vector<16xf32>
        %get3A_282 = arith.index_cast %scan3A_263 : i32 to index
        %get3A_283 = arith.constant 16 : index
        %get3A_284 = tpu.vector_load %arg14[%get3A_282, %get3A_283] {strides = array<i32>} : memref<128x32xf32, #tpu.memory_space<vmem>>, vector<1x16xf32>,
        %get3A_285 = vector.shape_cast %get3A_284 : vector<1x16xf32> to vector<16xf32>
        %add3A_286 = arith.addf %get3A_281, %get3A_285 : vector<16xf32>
        %swap3A_287 = arith.index_cast %scan3A_263 : i32 to index
        %swap3A_288 = arith.constant 16 : index
        %swap3A_289 = tpu.vector_load %arg12[%swap3A_287, %swap3A_288] {strides = array<i32>} : memref<128x32xf32, #tpu.memory_space<vmem>>, vector<1x16xf32>,
        %swap3A_290 = vector.shape_cast %swap3A_289 : vector<1x16xf32> to vector<16xf32>
        %swap3A_291 = vector.shape_cast %add3A_286 : vector<16xf32> to vector<1x16xf32>
        tpu.vector_store %arg12[%swap3A_287, %swap3A_288], %swap3A_291 {strides = array<i32>} : memref<128x32xf32, #tpu.memory_space<vmem>>, vector<1x16xf32>,
        %scan3A_292 = arith.constant 5 : i32
        %scan3A_293 = arith.addi %scan3A_145, %scan3A_292 : i32
        %get3A_294 = arith.index_cast %scan3A_293 : i32 to index
        %get3A_295 = arith.constant 0 : index
        %get3A_296 = tpu.vector_load %arg12[%get3A_294, %get3A_295] {strides = array<i32>} : memref<128x32xf32, #tpu.memory_space<vmem>>, vector<1x16xf32>,
        %get3A_297 = vector.shape_cast %get3A_296 : vector<1x16xf32> to vector<16xf32>
        %get3A_298 = arith.index_cast %scan3A_293 : i32 to index
        %get3A_299 = arith.constant 0 : index
        %get3A_300 = tpu.vector_load %arg14[%get3A_298, %get3A_299] {strides = array<i32>} : memref<128x32xf32, #tpu.memory_space<vmem>>, vector<1x16xf32>,
        %get3A_301 = vector.shape_cast %get3A_300 : vector<1x16xf32> to vector<16xf32>
        %add3A_302 = arith.addf %get3A_297, %get3A_301 : vector<16xf32>
        %swap3A_303 = arith.index_cast %scan3A_293 : i32 to index
        %swap3A_304 = arith.constant 0 : index
        %swap3A_305 = tpu.vector_load %arg12[%swap3A_303, %swap3A_304] {strides = array<i32>} : memref<128x32xf32, #tpu.memory_space<vmem>>, vector<1x16xf32>,
        %swap3A_306 = vector.shape_cast %swap3A_305 : vector<1x16xf32> to vector<16xf32>
        %swap3A_307 = vector.shape_cast %add3A_302 : vector<16xf32> to vector<1x16xf32>
        tpu.vector_store %arg12[%swap3A_303, %swap3A_304], %swap3A_307 {strides = array<i32>} : memref<128x32xf32, #tpu.memory_space<vmem>>, vector<1x16xf32>,
        %get3A_308 = arith.index_cast %scan3A_293 : i32 to index
        %get3A_309 = arith.constant 16 : index
        %get3A_310 = tpu.vector_load %arg12[%get3A_308, %get3A_309] {strides = array<i32>} : memref<128x32xf32, #tpu.memory_space<vmem>>, vector<1x16xf32>,
        %get3A_311 = vector.shape_cast %get3A_310 : vector<1x16xf32> to vector<16xf32>
        %get3A_312 = arith.index_cast %scan3A_293 : i32 to index
        %get3A_313 = arith.constant 16 : index
        %get3A_314 = tpu.vector_load %arg14[%get3A_312, %get3A_313] {strides = array<i32>} : memref<128x32xf32, #tpu.memory_space<vmem>>, vector<1x16xf32>,
        %get3A_315 = vector.shape_cast %get3A_314 : vector<1x16xf32> to vector<16xf32>
        %add3A_316 = arith.addf %get3A_311, %get3A_315 : vector<16xf32>
        %swap3A_317 = arith.index_cast %scan3A_293 : i32 to index
        %swap3A_318 = arith.constant 16 : index
        %swap3A_319 = tpu.vector_load %arg12[%swap3A_317, %swap3A_318] {strides = array<i32>} : memref<128x32xf32, #tpu.memory_space<vmem>>, vector<1x16xf32>,
        %swap3A_320 = vector.shape_cast %swap3A_319 : vector<1x16xf32> to vector<16xf32>
        %swap3A_321 = vector.shape_cast %add3A_316 : vector<16xf32> to vector<1x16xf32>
        tpu.vector_store %arg12[%swap3A_317, %swap3A_318], %swap3A_321 {strides = array<i32>} : memref<128x32xf32, #tpu.memory_space<vmem>>, vector<1x16xf32>,
        %scan3A_322 = arith.constant 6 : i32
        %scan3A_323 = arith.addi %scan3A_145, %scan3A_322 : i32
        %get3A_324 = arith.index_cast %scan3A_323 : i32 to index
        %get3A_325 = arith.constant 0 : index
        %get3A_326 = tpu.vector_load %arg12[%get3A_324, %get3A_325] {strides = array<i32>} : memref<128x32xf32, #tpu.memory_space<vmem>>, vector<1x16xf32>,
        %get3A_327 = vector.shape_cast %get3A_326 : vector<1x16xf32> to vector<16xf32>
        %get3A_328 = arith.index_cast %scan3A_323 : i32 to index
        %get3A_329 = arith.constant 0 : index
        %get3A_330 = tpu.vector_load %arg14[%get3A_328, %get3A_329] {strides = array<i32>} : memref<128x32xf32, #tpu.memory_space<vmem>>, vector<1x16xf32>,
        %get3A_331 = vector.shape_cast %get3A_330 : vector<1x16xf32> to vector<16xf32>
        %add3A_332 = arith.addf %get3A_327, %get3A_331 : vector<16xf32>
        %swap3A_333 = arith.index_cast %scan3A_323 : i32 to index
        %swap3A_334 = arith.constant 0 : index
        %swap3A_335 = tpu.vector_load %arg12[%swap3A_333, %swap3A_334] {strides = array<i32>} : memref<128x32xf32, #tpu.memory_space<vmem>>, vector<1x16xf32>,
        %swap3A_336 = vector.shape_cast %swap3A_335 : vector<1x16xf32> to vector<16xf32>
        %swap3A_337 = vector.shape_cast %add3A_332 : vector<16xf32> to vector<1x16xf32>
        tpu.vector_store %arg12[%swap3A_333, %swap3A_334], %swap3A_337 {strides = array<i32>} : memref<128x32xf32, #tpu.memory_space<vmem>>, vector<1x16xf32>,
        %get3A_338 = arith.index_cast %scan3A_323 : i32 to index
        %get3A_339 = arith.constant 16 : index
        %get3A_340 = tpu.vector_load %arg12[%get3A_338, %get3A_339] {strides = array<i32>} : memref<128x32xf32, #tpu.memory_space<vmem>>, vector<1x16xf32>,
        %get3A_341 = vector.shape_cast %get3A_340 : vector<1x16xf32> to vector<16xf32>
        %get3A_342 = arith.index_cast %scan3A_323 : i32 to index
        %get3A_343 = arith.constant 16 : index
        %get3A_344 = tpu.vector_load %arg14[%get3A_342, %get3A_343] {strides = array<i32>} : memref<128x32xf32, #tpu.memory_space<vmem>>, vector<1x16xf32>,
        %get3A_345 = vector.shape_cast %get3A_344 : vector<1x16xf32> to vector<16xf32>
        %add3A_346 = arith.addf %get3A_341, %get3A_345 : vector<16xf32>
        %swap3A_347 = arith.index_cast %scan3A_323 : i32 to index
        %swap3A_348 = arith.constant 16 : index
        %swap3A_349 = tpu.vector_load %arg12[%swap3A_347, %swap3A_348] {strides = array<i32>} : memref<128x32xf32, #tpu.memory_space<vmem>>, vector<1x16xf32>,
        %swap3A_350 = vector.shape_cast %swap3A_349 : vector<1x16xf32> to vector<16xf32>
        %swap3A_351 = vector.shape_cast %add3A_346 : vector<16xf32> to vector<1x16xf32>
        tpu.vector_store %arg12[%swap3A_347, %swap3A_348], %swap3A_351 {strides = array<i32>} : memref<128x32xf32, #tpu.memory_space<vmem>>, vector<1x16xf32>,
        %scan3A_352 = arith.constant 7 : i32
        %scan3A_353 = arith.addi %scan3A_145, %scan3A_352 : i32
        %get3A_354 = arith.index_cast %scan3A_353 : i32 to index
        %get3A_355 = arith.constant 0 : index
        %get3A_356 = tpu.vector_load %arg12[%get3A_354, %get3A_355] {strides = array<i32>} : memref<128x32xf32, #tpu.memory_space<vmem>>, vector<1x16xf32>,
        %get3A_357 = vector.shape_cast %get3A_356 : vector<1x16xf32> to vector<16xf32>
        %get3A_358 = arith.index_cast %scan3A_353 : i32 to index
        %get3A_359 = arith.constant 0 : index
        %get3A_360 = tpu.vector_load %arg14[%get3A_358, %get3A_359] {strides = array<i32>} : memref<128x32xf32, #tpu.memory_space<vmem>>, vector<1x16xf32>,
        %get3A_361 = vector.shape_cast %get3A_360 : vector<1x16xf32> to vector<16xf32>
        %add3A_362 = arith.addf %get3A_357, %get3A_361 : vector<16xf32>
        %swap3A_363 = arith.index_cast %scan3A_353 : i32 to index
        %swap3A_364 = arith.constant 0 : index
        %swap3A_365 = tpu.vector_load %arg12[%swap3A_363, %swap3A_364] {strides = array<i32>} : memref<128x32xf32, #tpu.memory_space<vmem>>, vector<1x16xf32>,
        %swap3A_366 = vector.shape_cast %swap3A_365 : vector<1x16xf32> to vector<16xf32>
        %swap3A_367 = vector.shape_cast %add3A_362 : vector<16xf32> to vector<1x16xf32>
        tpu.vector_store %arg12[%swap3A_363, %swap3A_364], %swap3A_367 {strides = array<i32>} : memref<128x32xf32, #tpu.memory_space<vmem>>, vector<1x16xf32>,
        %get3A_368 = arith.index_cast %scan3A_353 : i32 to index
        %get3A_369 = arith.constant 16 : index
        %get3A_370 = tpu.vector_load %arg12[%get3A_368, %get3A_369] {strides = array<i32>} : memref<128x32xf32, #tpu.memory_space<vmem>>, vector<1x16xf32>,
        %get3A_371 = vector.shape_cast %get3A_370 : vector<1x16xf32> to vector<16xf32>
        %get3A_372 = arith.index_cast %scan3A_353 : i32 to index
        %get3A_373 = arith.constant 16 : index
        %get3A_374 = tpu.vector_load %arg14[%get3A_372, %get3A_373] {strides = array<i32>} : memref<128x32xf32, #tpu.memory_space<vmem>>, vector<1x16xf32>,
        %get3A_375 = vector.shape_cast %get3A_374 : vector<1x16xf32> to vector<16xf32>
        %add3A_376 = arith.addf %get3A_371, %get3A_375 : vector<16xf32>
        %swap3A_377 = arith.index_cast %scan3A_353 : i32 to index
        %swap3A_378 = arith.constant 16 : index
        %swap3A_379 = tpu.vector_load %arg12[%swap3A_377, %swap3A_378] {strides = array<i32>} : memref<128x32xf32, #tpu.memory_space<vmem>>, vector<1x16xf32>,
        %swap3A_380 = vector.shape_cast %swap3A_379 : vector<1x16xf32> to vector<16xf32>
        %swap3A_381 = vector.shape_cast %add3A_376 : vector<16xf32> to vector<1x16xf32>
        tpu.vector_store %arg12[%swap3A_377, %swap3A_378], %swap3A_381 {strides = array<i32>} : memref<128x32xf32, #tpu.memory_space<vmem>>, vector<1x16xf32>,
      }
      %scan3A_131 = arith.constant 128 : i32
      %mul3A_132 = arith.constant 2 : i32
      %mul3A_133 = arith.muli %mul3A_132, %scan3A_44 : i32
      %add3A_134 = arith.constant 1 : i32
      %add3A_135 = arith.addi %mul3A_133, %add3A_134 : i32
      %mul3A_136 = arith.constant 32 : i32
      %mul3A_137 = arith.muli %add3A_135, %mul3A_136 : i32
      %add3A_138 = arith.addi %add3A, %mul3A_137 : i32
      %mul3A_139 = arith.constant 128 : i32
      %mul3A_140 = arith.muli %add3A_138, %mul3A_139 : i32
      %dma_start3A_141 = arith.constant 0 : i32
      %dma_start3A_142 = tpu.memref_slice %arg6[%mul3A_140, %dma_start3A_141] : memref<800000x32xf32, #tpu.memory_space<hbm>> -> memref<128x32xf32, #tpu.memory_space<hbm>>
      %dma_start3A_143 = arith.constant 0 : i32
      %dma_start3A_144 = tpu.memref_slice %arg6[%mul3A_140, %dma_start3A_143] : memref<800000x32xf32, #tpu.memory_space<hbm>> -> memref<128x32xf32, #tpu.memory_space<hbm>>
      tpu.enqueue_dma source(%arg12 : memref<128x32xf32, #tpu.memory_space<vmem>>) target(%dma_start3A_144 : memref<128x32xf32, #tpu.memory_space<hbm>>) target_semaphore(%arg18 : memref<!tpu.dma_semaphore, #tpu.memory_space<semaphore_mem>>)
    }
    %scan3A_14 = arith.constant 97 : i32
    %dma_wait3A = arith.constant 0 : i32
    %dma_wait3A_15 = arith.constant 0 : i32
    %dma_wait3A_16 = tpu.memref_slice %arg2[%dma_wait3A, %dma_wait3A_15] : memref<50000x32xf32, #tpu.memory_space<hbm>> -> memref<128x32xf32, #tpu.memory_space<hbm>>
    %dma_wait3A_17 = arith.constant 0 : i32
    %dma_wait3A_18 = arith.constant 0 : i32
    %dma_wait3A_19 = tpu.memref_slice %arg2[%dma_wait3A_17, %dma_wait3A_18] : memref<50000x32xf32, #tpu.memory_space<hbm>> -> memref<128x32xf32, #tpu.memory_space<hbm>>
    tpu.wait_dma2 semaphore(%arg15 : memref<!tpu.dma_semaphore, #tpu.memory_space<semaphore_mem>>) src(%dma_wait3A_19 : memref<128x32xf32, #tpu.memory_space<hbm>>) dst(%arg11 : memref<128x32xf32, #tpu.memory_space<vmem>>)
    %dma_wait3A_20 = arith.constant 0 : i32
    %dma_wait3A_21 = arith.constant 0 : i32
    %dma_wait3A_22 = tpu.memref_slice %arg3[%dma_wait3A_20, %dma_wait3A_21] : memref<50000x32xf32, #tpu.memory_space<hbm>> -> memref<128x32xf32, #tpu.memory_space<hbm>>
    %dma_wait3A_23 = arith.constant 0 : i32
    %dma_wait3A_24 = arith.constant 0 : i32
    %dma_wait3A_25 = tpu.memref_slice %arg3[%dma_wait3A_23, %dma_wait3A_24] : memref<50000x32xf32, #tpu.memory_space<hbm>> -> memref<128x32xf32, #tpu.memory_space<hbm>>
    tpu.wait_dma2 semaphore(%arg15 : memref<!tpu.dma_semaphore, #tpu.memory_space<semaphore_mem>>) src(%dma_wait3A_25 : memref<128x32xf32, #tpu.memory_space<hbm>>) dst(%arg13 : memref<128x32xf32, #tpu.memory_space<vmem>>)
    %scan3A_26 = arith.constant 0 : i32
    %scan3A_27 = arith.constant 0 : i32
    %scan3A_28 = arith.constant 128 : i32
    %scan3A_29 = arith.addi %scan3A_27, %scan3A_28 : i32
    %scan3A_30 = arith.constant 8 : i32
    scf.for %scan3A_44 = %scan3A_27 to %scan3A_29 step %scan3A_30  : i32 {
      %get3A = arith.index_cast %scan3A_44 : i32 to index
      %get3A_45 = arith.constant 0 : index
      %get3A_46 = tpu.vector_load %arg11[%get3A, %get3A_45] {strides = array<i32>} : memref<128x32xf32, #tpu.memory_space<vmem>>, vector<1x16xf32>,
      %get3A_47 = vector.shape_cast %get3A_46 : vector<1x16xf32> to vector<16xf32>
      %get3A_48 = arith.index_cast %scan3A_44 : i32 to index
      %get3A_49 = arith.constant 0 : index
      %get3A_50 = tpu.vector_load %arg13[%get3A_48, %get3A_49] {strides = array<i32>} : memref<128x32xf32, #tpu.memory_space<vmem>>, vector<1x16xf32>,
      %get3A_51 = vector.shape_cast %get3A_50 : vector<1x16xf32> to vector<16xf32>
      %add3A_52 = arith.addf %get3A_47, %get3A_51 : vector<16xf32>
      %swap3A = arith.index_cast %scan3A_44 : i32 to index
      %swap3A_53 = arith.constant 0 : index
      %swap3A_54 = tpu.vector_load %arg11[%swap3A, %swap3A_53] {strides = array<i32>} : memref<128x32xf32, #tpu.memory_space<vmem>>, vector<1x16xf32>,
      %swap3A_55 = vector.shape_cast %swap3A_54 : vector<1x16xf32> to vector<16xf32>
      %swap3A_56 = vector.shape_cast %add3A_52 : vector<16xf32> to vector<1x16xf32>
      tpu.vector_store %arg11[%swap3A, %swap3A_53], %swap3A_56 {strides = array<i32>} : memref<128x32xf32, #tpu.memory_space<vmem>>, vector<1x16xf32>,
      %get3A_57 = arith.index_cast %scan3A_44 : i32 to index
      %get3A_58 = arith.constant 16 : index
      %get3A_59 = tpu.vector_load %arg11[%get3A_57, %get3A_58] {strides = array<i32>} : memref<128x32xf32, #tpu.memory_space<vmem>>, vector<1x16xf32>,
      %get3A_60 = vector.shape_cast %get3A_59 : vector<1x16xf32> to vector<16xf32>
      %get3A_61 = arith.index_cast %scan3A_44 : i32 to index
      %get3A_62 = arith.constant 16 : index
      %get3A_63 = tpu.vector_load %arg13[%get3A_61, %get3A_62] {strides = array<i32>} : memref<128x32xf32, #tpu.memory_space<vmem>>, vector<1x16xf32>,
      %get3A_64 = vector.shape_cast %get3A_63 : vector<1x16xf32> to vector<16xf32>
      %add3A_65 = arith.addf %get3A_60, %get3A_64 : vector<16xf32>
      %swap3A_66 = arith.index_cast %scan3A_44 : i32 to index
      %swap3A_67 = arith.constant 16 : index
      %swap3A_68 = tpu.vector_load %arg11[%swap3A_66, %swap3A_67] {strides = array<i32>} : memref<128x32xf32, #tpu.memory_space<vmem>>, vector<1x16xf32>,
      %swap3A_69 = vector.shape_cast %swap3A_68 : vector<1x16xf32> to vector<16xf32>
      %swap3A_70 = vector.shape_cast %add3A_65 : vector<16xf32> to vector<1x16xf32>
      tpu.vector_store %arg11[%swap3A_66, %swap3A_67], %swap3A_70 {strides = array<i32>} : memref<128x32xf32, #tpu.memory_space<vmem>>, vector<1x16xf32>,
      %scan3A_71 = arith.constant 1 : i32
      %scan3A_72 = arith.addi %scan3A_44, %scan3A_71 : i32
      %get3A_73 = arith.index_cast %scan3A_72 : i32 to index
      %get3A_74 = arith.constant 0 : index
      %get3A_75 = tpu.vector_load %arg11[%get3A_73, %get3A_74] {strides = array<i32>} : memref<128x32xf32, #tpu.memory_space<vmem>>, vector<1x16xf32>,
      %get3A_76 = vector.shape_cast %get3A_75 : vector<1x16xf32> to vector<16xf32>
      %get3A_77 = arith.index_cast %scan3A_72 : i32 to index
      %get3A_78 = arith.constant 0 : index
      %get3A_79 = tpu.vector_load %arg13[%get3A_77, %get3A_78] {strides = array<i32>} : memref<128x32xf32, #tpu.memory_space<vmem>>, vector<1x16xf32>,
      %get3A_80 = vector.shape_cast %get3A_79 : vector<1x16xf32> to vector<16xf32>
      %add3A_81 = arith.addf %get3A_76, %get3A_80 : vector<16xf32>
      %swap3A_82 = arith.index_cast %scan3A_72 : i32 to index
      %swap3A_83 = arith.constant 0 : index
      %swap3A_84 = tpu.vector_load %arg11[%swap3A_82, %swap3A_83] {strides = array<i32>} : memref<128x32xf32, #tpu.memory_space<vmem>>, vector<1x16xf32>,
      %swap3A_85 = vector.shape_cast %swap3A_84 : vector<1x16xf32> to vector<16xf32>
      %swap3A_86 = vector.shape_cast %add3A_81 : vector<16xf32> to vector<1x16xf32>
      tpu.vector_store %arg11[%swap3A_82, %swap3A_83], %swap3A_86 {strides = array<i32>} : memref<128x32xf32, #tpu.memory_space<vmem>>, vector<1x16xf32>,
      %get3A_87 = arith.index_cast %scan3A_72 : i32 to index
      %get3A_88 = arith.constant 16 : index
      %get3A_89 = tpu.vector_load %arg11[%get3A_87, %get3A_88] {strides = array<i32>} : memref<128x32xf32, #tpu.memory_space<vmem>>, vector<1x16xf32>,
      %get3A_90 = vector.shape_cast %get3A_89 : vector<1x16xf32> to vector<16xf32>
      %get3A_91 = arith.index_cast %scan3A_72 : i32 to index
      %get3A_92 = arith.constant 16 : index
      %get3A_93 = tpu.vector_load %arg13[%get3A_91, %get3A_92] {strides = array<i32>} : memref<128x32xf32, #tpu.memory_space<vmem>>, vector<1x16xf32>,
      %get3A_94 = vector.shape_cast %get3A_93 : vector<1x16xf32> to vector<16xf32>
      %add3A_95 = arith.addf %get3A_90, %get3A_94 : vector<16xf32>
      %swap3A_96 = arith.index_cast %scan3A_72 : i32 to index
      %swap3A_97 = arith.constant 16 : index
      %swap3A_98 = tpu.vector_load %arg11[%swap3A_96, %swap3A_97] {strides = array<i32>} : memref<128x32xf32, #tpu.memory_space<vmem>>, vector<1x16xf32>,
      %swap3A_99 = vector.shape_cast %swap3A_98 : vector<1x16xf32> to vector<16xf32>
      %swap3A_100 = vector.shape_cast %add3A_95 : vector<16xf32> to vector<1x16xf32>
      tpu.vector_store %arg11[%swap3A_96, %swap3A_97], %swap3A_100 {strides = array<i32>} : memref<128x32xf32, #tpu.memory_space<vmem>>, vector<1x16xf32>,
      %scan3A_101 = arith.constant 2 : i32
      %scan3A_102 = arith.addi %scan3A_44, %scan3A_101 : i32
      %get3A_103 = arith.index_cast %scan3A_102 : i32 to index
      %get3A_104 = arith.constant 0 : index
      %get3A_105 = tpu.vector_load %arg11[%get3A_103, %get3A_104] {strides = array<i32>} : memref<128x32xf32, #tpu.memory_space<vmem>>, vector<1x16xf32>,
      %get3A_106 = vector.shape_cast %get3A_105 : vector<1x16xf32> to vector<16xf32>
      %get3A_107 = arith.index_cast %scan3A_102 : i32 to index
      %get3A_108 = arith.constant 0 : index
      %get3A_109 = tpu.vector_load %arg13[%get3A_107, %get3A_108] {strides = array<i32>} : memref<128x32xf32, #tpu.memory_space<vmem>>, vector<1x16xf32>,
      %get3A_110 = vector.shape_cast %get3A_109 : vector<1x16xf32> to vector<16xf32>
      %add3A_111 = arith.addf %get3A_106, %get3A_110 : vector<16xf32>
      %swap3A_112 = arith.index_cast %scan3A_102 : i32 to index
      %swap3A_113 = arith.constant 0 : index
      %swap3A_114 = tpu.vector_load %arg11[%swap3A_112, %swap3A_113] {strides = array<i32>} : memref<128x32xf32, #tpu.memory_space<vmem>>, vector<1x16xf32>,
      %swap3A_115 = vector.shape_cast %swap3A_114 : vector<1x16xf32> to vector<16xf32>
      %swap3A_116 = vector.shape_cast %add3A_111 : vector<16xf32> to vector<1x16xf32>
      tpu.vector_store %arg11[%swap3A_112, %swap3A_113], %swap3A_116 {strides = array<i32>} : memref<128x32xf32, #tpu.memory_space<vmem>>, vector<1x16xf32>,
      %get3A_117 = arith.index_cast %scan3A_102 : i32 to index
      %get3A_118 = arith.constant 16 : index
      %get3A_119 = tpu.vector_load %arg11[%get3A_117, %get3A_118] {strides = array<i32>} : memref<128x32xf32, #tpu.memory_space<vmem>>, vector<1x16xf32>,
      %get3A_120 = vector.shape_cast %get3A_119 : vector<1x16xf32> to vector<16xf32>
      %get3A_121 = arith.index_cast %scan3A_102 : i32 to index
      %get3A_122 = arith.constant 16 : index
      %get3A_123 = tpu.vector_load %arg13[%get3A_121, %get3A_122] {strides = array<i32>} : memref<128x32xf32, #tpu.memory_space<vmem>>, vector<1x16xf32>,
      %get3A_124 = vector.shape_cast %get3A_123 : vector<1x16xf32> to vector<16xf32>
      %add3A_125 = arith.addf %get3A_120, %get3A_124 : vector<16xf32>
      %swap3A_126 = arith.index_cast %scan3A_102 : i32 to index
      %swap3A_127 = arith.constant 16 : index
      %swap3A_128 = tpu.vector_load %arg11[%swap3A_126, %swap3A_127] {strides = array<i32>} : memref<128x32xf32, #tpu.memory_space<vmem>>, vector<1x16xf32>,
      %swap3A_129 = vector.shape_cast %swap3A_128 : vector<1x16xf32> to vector<16xf32>
      %swap3A_130 = vector.shape_cast %add3A_125 : vector<16xf32> to vector<1x16xf32>
      tpu.vector_store %arg11[%swap3A_126, %swap3A_127], %swap3A_130 {strides = array<i32>} : memref<128x32xf32, #tpu.memory_space<vmem>>, vector<1x16xf32>,
      %scan3A_131 = arith.constant 3 : i32
      %scan3A_132 = arith.addi %scan3A_44, %scan3A_131 : i32
      %get3A_133 = arith.index_cast %scan3A_132 : i32 to index
      %get3A_134 = arith.constant 0 : index
      %get3A_135 = tpu.vector_load %arg11[%get3A_133, %get3A_134] {strides = array<i32>} : memref<128x32xf32, #tpu.memory_space<vmem>>, vector<1x16xf32>,
      %get3A_136 = vector.shape_cast %get3A_135 : vector<1x16xf32> to vector<16xf32>
      %get3A_137 = arith.index_cast %scan3A_132 : i32 to index
      %get3A_138 = arith.constant 0 : index
      %get3A_139 = tpu.vector_load %arg13[%get3A_137, %get3A_138] {strides = array<i32>} : memref<128x32xf32, #tpu.memory_space<vmem>>, vector<1x16xf32>,
      %get3A_140 = vector.shape_cast %get3A_139 : vector<1x16xf32> to vector<16xf32>
      %add3A_141 = arith.addf %get3A_136, %get3A_140 : vector<16xf32>
      %swap3A_142 = arith.index_cast %scan3A_132 : i32 to index
      %swap3A_143 = arith.constant 0 : index
      %swap3A_144 = tpu.vector_load %arg11[%swap3A_142, %swap3A_143] {strides = array<i32>} : memref<128x32xf32, #tpu.memory_space<vmem>>, vector<1x16xf32>,
      %swap3A_145 = vector.shape_cast %swap3A_144 : vector<1x16xf32> to vector<16xf32>
      %swap3A_146 = vector.shape_cast %add3A_141 : vector<16xf32> to vector<1x16xf32>
      tpu.vector_store %arg11[%swap3A_142, %swap3A_143], %swap3A_146 {strides = array<i32>} : memref<128x32xf32, #tpu.memory_space<vmem>>, vector<1x16xf32>,
      %get3A_147 = arith.index_cast %scan3A_132 : i32 to index
      %get3A_148 = arith.constant 16 : index
      %get3A_149 = tpu.vector_load %arg11[%get3A_147, %get3A_148] {strides = array<i32>} : memref<128x32xf32, #tpu.memory_space<vmem>>, vector<1x16xf32>,
      %get3A_150 = vector.shape_cast %get3A_149 : vector<1x16xf32> to vector<16xf32>
      %get3A_151 = arith.index_cast %scan3A_132 : i32 to index
      %get3A_152 = arith.constant 16 : index
      %get3A_153 = tpu.vector_load %arg13[%get3A_151, %get3A_152] {strides = array<i32>} : memref<128x32xf32, #tpu.memory_space<vmem>>, vector<1x16xf32>,
      %get3A_154 = vector.shape_cast %get3A_153 : vector<1x16xf32> to vector<16xf32>
      %add3A_155 = arith.addf %get3A_150, %get3A_154 : vector<16xf32>
      %swap3A_156 = arith.index_cast %scan3A_132 : i32 to index
      %swap3A_157 = arith.constant 16 : index
      %swap3A_158 = tpu.vector_load %arg11[%swap3A_156, %swap3A_157] {strides = array<i32>} : memref<128x32xf32, #tpu.memory_space<vmem>>, vector<1x16xf32>,
      %swap3A_159 = vector.shape_cast %swap3A_158 : vector<1x16xf32> to vector<16xf32>
      %swap3A_160 = vector.shape_cast %add3A_155 : vector<16xf32> to vector<1x16xf32>
      tpu.vector_store %arg11[%swap3A_156, %swap3A_157], %swap3A_160 {strides = array<i32>} : memref<128x32xf32, #tpu.memory_space<vmem>>, vector<1x16xf32>,
      %scan3A_161 = arith.constant 4 : i32
      %scan3A_162 = arith.addi %scan3A_44, %scan3A_161 : i32
      %get3A_163 = arith.index_cast %scan3A_162 : i32 to index
      %get3A_164 = arith.constant 0 : index
      %get3A_165 = tpu.vector_load %arg11[%get3A_163, %get3A_164] {strides = array<i32>} : memref<128x32xf32, #tpu.memory_space<vmem>>, vector<1x16xf32>,
      %get3A_166 = vector.shape_cast %get3A_165 : vector<1x16xf32> to vector<16xf32>
      %get3A_167 = arith.index_cast %scan3A_162 : i32 to index
      %get3A_168 = arith.constant 0 : index
      %get3A_169 = tpu.vector_load %arg13[%get3A_167, %get3A_168] {strides = array<i32>} : memref<128x32xf32, #tpu.memory_space<vmem>>, vector<1x16xf32>,
      %get3A_170 = vector.shape_cast %get3A_169 : vector<1x16xf32> to vector<16xf32>
      %add3A_171 = arith.addf %get3A_166, %get3A_170 : vector<16xf32>
      %swap3A_172 = arith.index_cast %scan3A_162 : i32 to index
      %swap3A_173 = arith.constant 0 : index
      %swap3A_174 = tpu.vector_load %arg11[%swap3A_172, %swap3A_173] {strides = array<i32>} : memref<128x32xf32, #tpu.memory_space<vmem>>, vector<1x16xf32>,
      %swap3A_175 = vector.shape_cast %swap3A_174 : vector<1x16xf32> to vector<16xf32>
      %swap3A_176 = vector.shape_cast %add3A_171 : vector<16xf32> to vector<1x16xf32>
      tpu.vector_store %arg11[%swap3A_172, %swap3A_173], %swap3A_176 {strides = array<i32>} : memref<128x32xf32, #tpu.memory_space<vmem>>, vector<1x16xf32>,
      %get3A_177 = arith.index_cast %scan3A_162 : i32 to index
      %get3A_178 = arith.constant 16 : index
      %get3A_179 = tpu.vector_load %arg11[%get3A_177, %get3A_178] {strides = array<i32>} : memref<128x32xf32, #tpu.memory_space<vmem>>, vector<1x16xf32>,
      %get3A_180 = vector.shape_cast %get3A_179 : vector<1x16xf32> to vector<16xf32>
      %get3A_181 = arith.index_cast %scan3A_162 : i32 to index
      %get3A_182 = arith.constant 16 : index
      %get3A_183 = tpu.vector_load %arg13[%get3A_181, %get3A_182] {strides = array<i32>} : memref<128x32xf32, #tpu.memory_space<vmem>>, vector<1x16xf32>,
      %get3A_184 = vector.shape_cast %get3A_183 : vector<1x16xf32> to vector<16xf32>
      %add3A_185 = arith.addf %get3A_180, %get3A_184 : vector<16xf32>
      %swap3A_186 = arith.index_cast %scan3A_162 : i32 to index
      %swap3A_187 = arith.constant 16 : index
      %swap3A_188 = tpu.vector_load %arg11[%swap3A_186, %swap3A_187] {strides = array<i32>} : memref<128x32xf32, #tpu.memory_space<vmem>>, vector<1x16xf32>,
      %swap3A_189 = vector.shape_cast %swap3A_188 : vector<1x16xf32> to vector<16xf32>
      %swap3A_190 = vector.shape_cast %add3A_185 : vector<16xf32> to vector<1x16xf32>
      tpu.vector_store %arg11[%swap3A_186, %swap3A_187], %swap3A_190 {strides = array<i32>} : memref<128x32xf32, #tpu.memory_space<vmem>>, vector<1x16xf32>,
      %scan3A_191 = arith.constant 5 : i32
      %scan3A_192 = arith.addi %scan3A_44, %scan3A_191 : i32
      %get3A_193 = arith.index_cast %scan3A_192 : i32 to index
      %get3A_194 = arith.constant 0 : index
      %get3A_195 = tpu.vector_load %arg11[%get3A_193, %get3A_194] {strides = array<i32>} : memref<128x32xf32, #tpu.memory_space<vmem>>, vector<1x16xf32>,
      %get3A_196 = vector.shape_cast %get3A_195 : vector<1x16xf32> to vector<16xf32>
      %get3A_197 = arith.index_cast %scan3A_192 : i32 to index
      %get3A_198 = arith.constant 0 : index
      %get3A_199 = tpu.vector_load %arg13[%get3A_197, %get3A_198] {strides = array<i32>} : memref<128x32xf32, #tpu.memory_space<vmem>>, vector<1x16xf32>,
      %get3A_200 = vector.shape_cast %get3A_199 : vector<1x16xf32> to vector<16xf32>
      %add3A_201 = arith.addf %get3A_196, %get3A_200 : vector<16xf32>
      %swap3A_202 = arith.index_cast %scan3A_192 : i32 to index
      %swap3A_203 = arith.constant 0 : index
      %swap3A_204 = tpu.vector_load %arg11[%swap3A_202, %swap3A_203] {strides = array<i32>} : memref<128x32xf32, #tpu.memory_space<vmem>>, vector<1x16xf32>,
      %swap3A_205 = vector.shape_cast %swap3A_204 : vector<1x16xf32> to vector<16xf32>
      %swap3A_206 = vector.shape_cast %add3A_201 : vector<16xf32> to vector<1x16xf32>
      tpu.vector_store %arg11[%swap3A_202, %swap3A_203], %swap3A_206 {strides = array<i32>} : memref<128x32xf32, #tpu.memory_space<vmem>>, vector<1x16xf32>,
      %get3A_207 = arith.index_cast %scan3A_192 : i32 to index
      %get3A_208 = arith.constant 16 : index
      %get3A_209 = tpu.vector_load %arg11[%get3A_207, %get3A_208] {strides = array<i32>} : memref<128x32xf32, #tpu.memory_space<vmem>>, vector<1x16xf32>,
      %get3A_210 = vector.shape_cast %get3A_209 : vector<1x16xf32> to vector<16xf32>
      %get3A_211 = arith.index_cast %scan3A_192 : i32 to index
      %get3A_212 = arith.constant 16 : index
      %get3A_213 = tpu.vector_load %arg13[%get3A_211, %get3A_212] {strides = array<i32>} : memref<128x32xf32, #tpu.memory_space<vmem>>, vector<1x16xf32>,
      %get3A_214 = vector.shape_cast %get3A_213 : vector<1x16xf32> to vector<16xf32>
      %add3A_215 = arith.addf %get3A_210, %get3A_214 : vector<16xf32>
      %swap3A_216 = arith.index_cast %scan3A_192 : i32 to index
      %swap3A_217 = arith.constant 16 : index
      %swap3A_218 = tpu.vector_load %arg11[%swap3A_216, %swap3A_217] {strides = array<i32>} : memref<128x32xf32, #tpu.memory_space<vmem>>, vector<1x16xf32>,
      %swap3A_219 = vector.shape_cast %swap3A_218 : vector<1x16xf32> to vector<16xf32>
      %swap3A_220 = vector.shape_cast %add3A_215 : vector<16xf32> to vector<1x16xf32>
      tpu.vector_store %arg11[%swap3A_216, %swap3A_217], %swap3A_220 {strides = array<i32>} : memref<128x32xf32, #tpu.memory_space<vmem>>, vector<1x16xf32>,
      %scan3A_221 = arith.constant 6 : i32
      %scan3A_222 = arith.addi %scan3A_44, %scan3A_221 : i32
      %get3A_223 = arith.index_cast %scan3A_222 : i32 to index
      %get3A_224 = arith.constant 0 : index
      %get3A_225 = tpu.vector_load %arg11[%get3A_223, %get3A_224] {strides = array<i32>} : memref<128x32xf32, #tpu.memory_space<vmem>>, vector<1x16xf32>,
      %get3A_226 = vector.shape_cast %get3A_225 : vector<1x16xf32> to vector<16xf32>
      %get3A_227 = arith.index_cast %scan3A_222 : i32 to index
      %get3A_228 = arith.constant 0 : index
      %get3A_229 = tpu.vector_load %arg13[%get3A_227, %get3A_228] {strides = array<i32>} : memref<128x32xf32, #tpu.memory_space<vmem>>, vector<1x16xf32>,
      %get3A_230 = vector.shape_cast %get3A_229 : vector<1x16xf32> to vector<16xf32>
      %add3A_231 = arith.addf %get3A_226, %get3A_230 : vector<16xf32>
      %swap3A_232 = arith.index_cast %scan3A_222 : i32 to index
      %swap3A_233 = arith.constant 0 : index
      %swap3A_234 = tpu.vector_load %arg11[%swap3A_232, %swap3A_233] {strides = array<i32>} : memref<128x32xf32, #tpu.memory_space<vmem>>, vector<1x16xf32>,
      %swap3A_235 = vector.shape_cast %swap3A_234 : vector<1x16xf32> to vector<16xf32>
      %swap3A_236 = vector.shape_cast %add3A_231 : vector<16xf32> to vector<1x16xf32>
      tpu.vector_store %arg11[%swap3A_232, %swap3A_233], %swap3A_236 {strides = array<i32>} : memref<128x32xf32, #tpu.memory_space<vmem>>, vector<1x16xf32>,
      %get3A_237 = arith.index_cast %scan3A_222 : i32 to index
      %get3A_238 = arith.constant 16 : index
      %get3A_239 = tpu.vector_load %arg11[%get3A_237, %get3A_238] {strides = array<i32>} : memref<128x32xf32, #tpu.memory_space<vmem>>, vector<1x16xf32>,
      %get3A_240 = vector.shape_cast %get3A_239 : vector<1x16xf32> to vector<16xf32>
      %get3A_241 = arith.index_cast %scan3A_222 : i32 to index
      %get3A_242 = arith.constant 16 : index
      %get3A_243 = tpu.vector_load %arg13[%get3A_241, %get3A_242] {strides = array<i32>} : memref<128x32xf32, #tpu.memory_space<vmem>>, vector<1x16xf32>,
      %get3A_244 = vector.shape_cast %get3A_243 : vector<1x16xf32> to vector<16xf32>
      %add3A_245 = arith.addf %get3A_240, %get3A_244 : vector<16xf32>
      %swap3A_246 = arith.index_cast %scan3A_222 : i32 to index
      %swap3A_247 = arith.constant 16 : index
      %swap3A_248 = tpu.vector_load %arg11[%swap3A_246, %swap3A_247] {strides = array<i32>} : memref<128x32xf32, #tpu.memory_space<vmem>>, vector<1x16xf32>,
      %swap3A_249 = vector.shape_cast %swap3A_248 : vector<1x16xf32> to vector<16xf32>
      %swap3A_250 = vector.shape_cast %add3A_245 : vector<16xf32> to vector<1x16xf32>
      tpu.vector_store %arg11[%swap3A_246, %swap3A_247], %swap3A_250 {strides = array<i32>} : memref<128x32xf32, #tpu.memory_space<vmem>>, vector<1x16xf32>,
      %scan3A_251 = arith.constant 7 : i32
      %scan3A_252 = arith.addi %scan3A_44, %scan3A_251 : i32
      %get3A_253 = arith.index_cast %scan3A_252 : i32 to index
      %get3A_254 = arith.constant 0 : index
      %get3A_255 = tpu.vector_load %arg11[%get3A_253, %get3A_254] {strides = array<i32>} : memref<128x32xf32, #tpu.memory_space<vmem>>, vector<1x16xf32>,
      %get3A_256 = vector.shape_cast %get3A_255 : vector<1x16xf32> to vector<16xf32>
      %get3A_257 = arith.index_cast %scan3A_252 : i32 to index
      %get3A_258 = arith.constant 0 : index
      %get3A_259 = tpu.vector_load %arg13[%get3A_257, %get3A_258] {strides = array<i32>} : memref<128x32xf32, #tpu.memory_space<vmem>>, vector<1x16xf32>,
      %get3A_260 = vector.shape_cast %get3A_259 : vector<1x16xf32> to vector<16xf32>
      %add3A_261 = arith.addf %get3A_256, %get3A_260 : vector<16xf32>
      %swap3A_262 = arith.index_cast %scan3A_252 : i32 to index
      %swap3A_263 = arith.constant 0 : index
      %swap3A_264 = tpu.vector_load %arg11[%swap3A_262, %swap3A_263] {strides = array<i32>} : memref<128x32xf32, #tpu.memory_space<vmem>>, vector<1x16xf32>,
      %swap3A_265 = vector.shape_cast %swap3A_264 : vector<1x16xf32> to vector<16xf32>
      %swap3A_266 = vector.shape_cast %add3A_261 : vector<16xf32> to vector<1x16xf32>
      tpu.vector_store %arg11[%swap3A_262, %swap3A_263], %swap3A_266 {strides = array<i32>} : memref<128x32xf32, #tpu.memory_space<vmem>>, vector<1x16xf32>,
      %get3A_267 = arith.index_cast %scan3A_252 : i32 to index
      %get3A_268 = arith.constant 16 : index
      %get3A_269 = tpu.vector_load %arg11[%get3A_267, %get3A_268] {strides = array<i32>} : memref<128x32xf32, #tpu.memory_space<vmem>>, vector<1x16xf32>,
      %get3A_270 = vector.shape_cast %get3A_269 : vector<1x16xf32> to vector<16xf32>
      %get3A_271 = arith.index_cast %scan3A_252 : i32 to index
      %get3A_272 = arith.constant 16 : index
      %get3A_273 = tpu.vector_load %arg13[%get3A_271, %get3A_272] {strides = array<i32>} : memref<128x32xf32, #tpu.memory_space<vmem>>, vector<1x16xf32>,
      %get3A_274 = vector.shape_cast %get3A_273 : vector<1x16xf32> to vector<16xf32>
      %add3A_275 = arith.addf %get3A_270, %get3A_274 : vector<16xf32>
      %swap3A_276 = arith.index_cast %scan3A_252 : i32 to index
      %swap3A_277 = arith.constant 16 : index
      %swap3A_278 = tpu.vector_load %arg11[%swap3A_276, %swap3A_277] {strides = array<i32>} : memref<128x32xf32, #tpu.memory_space<vmem>>, vector<1x16xf32>,
      %swap3A_279 = vector.shape_cast %swap3A_278 : vector<1x16xf32> to vector<16xf32>
      %swap3A_280 = vector.shape_cast %add3A_275 : vector<16xf32> to vector<1x16xf32>
      tpu.vector_store %arg11[%swap3A_276, %swap3A_277], %swap3A_280 {strides = array<i32>} : memref<128x32xf32, #tpu.memory_space<vmem>>, vector<1x16xf32>,
    }
    %scan3A_31 = arith.constant 128 : i32
    %add3A_32 = arith.constant 6208 : i32
    %add3A_33 = arith.addi %add3A, %add3A_32 : i32
    %mul3A_34 = arith.constant 128 : i32
    %mul3A_35 = arith.muli %add3A_33, %mul3A_34 : i32
    "tpu.region"() ({
      %run_scoped3A = tpu.sem_alloc : memref<!tpu.dma_semaphore, #tpu.memory_space<semaphore_mem>>
      %dma_start3A_44 = arith.constant 0 : i32
      %dma_start3A_45 = tpu.memref_slice %arg6[%mul3A_35, %dma_start3A_44] : memref<800000x32xf32, #tpu.memory_space<hbm>> -> memref<128x32xf32, #tpu.memory_space<hbm>>
      %dma_start3A_46 = arith.constant 0 : i32
      %dma_start3A_47 = tpu.memref_slice %arg6[%mul3A_35, %dma_start3A_46] : memref<800000x32xf32, #tpu.memory_space<hbm>> -> memref<128x32xf32, #tpu.memory_space<hbm>>
      tpu.enqueue_dma source(%arg11 : memref<128x32xf32, #tpu.memory_space<vmem>>) target(%dma_start3A_47 : memref<128x32xf32, #tpu.memory_space<hbm>>) target_semaphore(%run_scoped3A : memref<!tpu.dma_semaphore, #tpu.memory_space<semaphore_mem>>)
      %dma_wait3A_48 = arith.constant 0 : i32
      %dma_wait3A_49 = tpu.memref_slice %arg6[%mul3A_35, %dma_wait3A_48] : memref<800000x32xf32, #tpu.memory_space<hbm>> -> memref<128x32xf32, #tpu.memory_space<hbm>>
      %dma_wait3A_50 = arith.constant 0 : i32
      %dma_wait3A_51 = tpu.memref_slice %arg6[%mul3A_35, %dma_wait3A_50] : memref<800000x32xf32, #tpu.memory_space<hbm>> -> memref<128x32xf32, #tpu.memory_space<hbm>>
      tpu.wait_dma2 semaphore(%run_scoped3A : memref<!tpu.dma_semaphore, #tpu.memory_space<semaphore_mem>>) src(%arg11 : memref<128x32xf32, #tpu.memory_space<vmem>>) dst(%dma_wait3A_51 : memref<128x32xf32, #tpu.memory_space<hbm>>)
      tpu.yield
    }) : () -> ()
    %dma_wait3A_36 = arith.constant 0 : i32
    %dma_wait3A_37 = arith.constant 0 : i32
    %dma_wait3A_38 = tpu.memref_slice %arg6[%dma_wait3A_36, %dma_wait3A_37] : memref<800000x32xf32, #tpu.memory_space<hbm>> -> memref<128x32xf32, #tpu.memory_space<hbm>>
    %dma_wait3A_39 = arith.constant 0 : i32
    %dma_wait3A_40 = arith.constant 0 : i32
    %dma_wait3A_41 = tpu.memref_slice %arg6[%dma_wait3A_39, %dma_wait3A_40] : memref<800000x32xf32, #tpu.memory_space<hbm>> -> memref<128x32xf32, #tpu.memory_space<hbm>>
    tpu.wait_dma2 semaphore(%arg18 : memref<!tpu.dma_semaphore, #tpu.memory_space<semaphore_mem>>) src(%arg12 : memref<128x32xf32, #tpu.memory_space<vmem>>) dst(%dma_wait3A_41 : memref<128x32xf32, #tpu.memory_space<hbm>>)
    %lt3A = arith.constant 10 : i32
    %lt3A_42 = arith.cmpi slt, %add3A, %lt3A : i32
    %convert_element_type3A = arith.extui %lt3A_42 : i1 to i32
    %cond3A = arith.constant 0 : i32
    %cond3A_43 = arith.cmpi ne, %convert_element_type3A, %cond3A : i32
    scf.if %cond3A_43 {
      %add3A_44 = arith.constant 6240 : i32
      %add3A_45 = arith.addi %add3A, %add3A_44 : i32
      %mul3A_46 = arith.constant 128 : i32
      %mul3A_47 = arith.muli %add3A_45, %mul3A_46 : i32
      "tpu.region"() ({
        %run_scoped3A = tpu.sem_alloc : memref<!tpu.dma_semaphore, #tpu.memory_space<semaphore_mem>>
        %dma_start3A_66 = tpu.memref_slice %arg4[%mul3A_47] : memref<800000xi32, #tpu.memory_space<hbm>> -> memref<128xi32, #tpu.memory_space<hbm>>
        %dma_start3A_67 = tpu.memref_slice %arg4[%mul3A_47] : memref<800000xi32, #tpu.memory_space<hbm>> -> memref<128xi32, #tpu.memory_space<hbm>>
        tpu.enqueue_dma source(%dma_start3A_67 : memref<128xi32, #tpu.memory_space<hbm>>) target(%arg7 : memref<128xi32, #tpu.memory_space<vmem>>) target_semaphore(%run_scoped3A : memref<!tpu.dma_semaphore, #tpu.memory_space<semaphore_mem>>)
        %dma_wait3A_68 = tpu.memref_slice %arg4[%mul3A_47] : memref<800000xi32, #tpu.memory_space<hbm>> -> memref<128xi32, #tpu.memory_space<hbm>>
        %dma_wait3A_69 = tpu.memref_slice %arg4[%mul3A_47] : memref<800000xi32, #tpu.memory_space<hbm>> -> memref<128xi32, #tpu.memory_space<hbm>>
        tpu.wait_dma2 semaphore(%run_scoped3A : memref<!tpu.dma_semaphore, #tpu.memory_space<semaphore_mem>>) src(%dma_wait3A_69 : memref<128xi32, #tpu.memory_space<hbm>>) dst(%arg7 : memref<128xi32, #tpu.memory_space<vmem>>)
        tpu.yield
      }) : () -> ()
      "tpu.region"() ({
        %run_scoped3A = tpu.sem_alloc : memref<!tpu.dma_semaphore, #tpu.memory_space<semaphore_mem>>
        %dma_start3A_66 = tpu.memref_slice %arg5[%mul3A_47] : memref<800000xi32, #tpu.memory_space<hbm>> -> memref<128xi32, #tpu.memory_space<hbm>>
        %dma_start3A_67 = tpu.memref_slice %arg5[%mul3A_47] : memref<800000xi32, #tpu.memory_space<hbm>> -> memref<128xi32, #tpu.memory_space<hbm>>
        tpu.enqueue_dma source(%dma_start3A_67 : memref<128xi32, #tpu.memory_space<hbm>>) target(%arg9 : memref<128xi32, #tpu.memory_space<vmem>>) target_semaphore(%run_scoped3A : memref<!tpu.dma_semaphore, #tpu.memory_space<semaphore_mem>>)
        %dma_wait3A_68 = tpu.memref_slice %arg5[%mul3A_47] : memref<800000xi32, #tpu.memory_space<hbm>> -> memref<128xi32, #tpu.memory_space<hbm>>
        %dma_wait3A_69 = tpu.memref_slice %arg5[%mul3A_47] : memref<800000xi32, #tpu.memory_space<hbm>> -> memref<128xi32, #tpu.memory_space<hbm>>
        tpu.wait_dma2 semaphore(%run_scoped3A : memref<!tpu.dma_semaphore, #tpu.memory_space<semaphore_mem>>) src(%dma_wait3A_69 : memref<128xi32, #tpu.memory_space<hbm>>) dst(%arg9 : memref<128xi32, #tpu.memory_space<vmem>>)
        tpu.yield
      }) : () -> ()
      %dma_start3A_48 = arith.constant 0 : i32
      %dma_start3A_49 = arith.constant 0 : i32
      %dma_start3A_50 = tpu.memref_slice %arg2[%dma_start3A_48, %dma_start3A_49] : memref<50000x32xf32, #tpu.memory_space<hbm>> -> memref<50000x32xf32, #tpu.memory_space<hbm>>
      tpu.enqueue_indirect_dma source(%dma_start3A_50 : memref<50000x32xf32, #tpu.memory_space<hbm>>) target(%arg11 : memref<128x32xf32, #tpu.memory_space<vmem>>) offsets(%arg7 : memref<128xi32, #tpu.memory_space<vmem>>) semaphore(%arg15 : memref<!tpu.dma_semaphore, #tpu.memory_space<semaphore_mem>>)
      %dma_start3A_51 = arith.constant 0 : i32
      %dma_start3A_52 = arith.constant 0 : i32
      %dma_start3A_53 = tpu.memref_slice %arg3[%dma_start3A_51, %dma_start3A_52] : memref<50000x32xf32, #tpu.memory_space<hbm>> -> memref<50000x32xf32, #tpu.memory_space<hbm>>
      tpu.enqueue_indirect_dma source(%dma_start3A_53 : memref<50000x32xf32, #tpu.memory_space<hbm>>) target(%arg13 : memref<128x32xf32, #tpu.memory_space<vmem>>) offsets(%arg9 : memref<128xi32, #tpu.memory_space<vmem>>) semaphore(%arg16 : memref<!tpu.dma_semaphore, #tpu.memory_space<semaphore_mem>>)
      %dma_wait3A_54 = arith.constant 0 : i32
      %dma_wait3A_55 = arith.constant 0 : i32
      %dma_wait3A_56 = tpu.memref_slice %arg2[%dma_wait3A_54, %dma_wait3A_55] : memref<50000x32xf32, #tpu.memory_space<hbm>> -> memref<50000x32xf32, #tpu.memory_space<hbm>>
      tpu.wait_indirect_dma semaphore(%arg15 : memref<!tpu.dma_semaphore, #tpu.memory_space<semaphore_mem>>) src(%dma_wait3A_56 : memref<50000x32xf32, #tpu.memory_space<hbm>>) dst(%arg11 : memref<128x32xf32, #tpu.memory_space<vmem>>)
      %dma_wait3A_57 = arith.constant 0 : i32
      %dma_wait3A_58 = arith.constant 0 : i32
      %dma_wait3A_59 = tpu.memref_slice %arg3[%dma_wait3A_57, %dma_wait3A_58] : memref<50000x32xf32, #tpu.memory_space<hbm>> -> memref<50000x32xf32, #tpu.memory_space<hbm>>
      tpu.wait_indirect_dma semaphore(%arg16 : memref<!tpu.dma_semaphore, #tpu.memory_space<semaphore_mem>>) src(%dma_wait3A_59 : memref<50000x32xf32, #tpu.memory_space<hbm>>) dst(%arg13 : memref<128x32xf32, #tpu.memory_space<vmem>>)
      %scan3A_60 = arith.constant 0 : i32
      %scan3A_61 = arith.constant 0 : i32
      %scan3A_62 = arith.constant 128 : i32
      %scan3A_63 = arith.addi %scan3A_61, %scan3A_62 : i32
      %scan3A_64 = arith.constant 8 : i32
      scf.for %scan3A_66 = %scan3A_61 to %scan3A_63 step %scan3A_64  : i32 {
        %get3A = arith.index_cast %scan3A_66 : i32 to index
        %get3A_67 = arith.constant 0 : index
        %get3A_68 = tpu.vector_load %arg11[%get3A, %get3A_67] {strides = array<i32>} : memref<128x32xf32, #tpu.memory_space<vmem>>, vector<1x16xf32>,
        %get3A_69 = vector.shape_cast %get3A_68 : vector<1x16xf32> to vector<16xf32>
        %get3A_70 = arith.index_cast %scan3A_66 : i32 to index
        %get3A_71 = arith.constant 0 : index
        %get3A_72 = tpu.vector_load %arg13[%get3A_70, %get3A_71] {strides = array<i32>} : memref<128x32xf32, #tpu.memory_space<vmem>>, vector<1x16xf32>,
        %get3A_73 = vector.shape_cast %get3A_72 : vector<1x16xf32> to vector<16xf32>
        %add3A_74 = arith.addf %get3A_69, %get3A_73 : vector<16xf32>
        %swap3A = arith.index_cast %scan3A_66 : i32 to index
        %swap3A_75 = arith.constant 0 : index
        %swap3A_76 = tpu.vector_load %arg11[%swap3A, %swap3A_75] {strides = array<i32>} : memref<128x32xf32, #tpu.memory_space<vmem>>, vector<1x16xf32>,
        %swap3A_77 = vector.shape_cast %swap3A_76 : vector<1x16xf32> to vector<16xf32>
        %swap3A_78 = vector.shape_cast %add3A_74 : vector<16xf32> to vector<1x16xf32>
        tpu.vector_store %arg11[%swap3A, %swap3A_75], %swap3A_78 {strides = array<i32>} : memref<128x32xf32, #tpu.memory_space<vmem>>, vector<1x16xf32>,
        %get3A_79 = arith.index_cast %scan3A_66 : i32 to index
        %get3A_80 = arith.constant 16 : index
        %get3A_81 = tpu.vector_load %arg11[%get3A_79, %get3A_80] {strides = array<i32>} : memref<128x32xf32, #tpu.memory_space<vmem>>, vector<1x16xf32>,
        %get3A_82 = vector.shape_cast %get3A_81 : vector<1x16xf32> to vector<16xf32>
        %get3A_83 = arith.index_cast %scan3A_66 : i32 to index
        %get3A_84 = arith.constant 16 : index
        %get3A_85 = tpu.vector_load %arg13[%get3A_83, %get3A_84] {strides = array<i32>} : memref<128x32xf32, #tpu.memory_space<vmem>>, vector<1x16xf32>,
        %get3A_86 = vector.shape_cast %get3A_85 : vector<1x16xf32> to vector<16xf32>
        %add3A_87 = arith.addf %get3A_82, %get3A_86 : vector<16xf32>
        %swap3A_88 = arith.index_cast %scan3A_66 : i32 to index
        %swap3A_89 = arith.constant 16 : index
        %swap3A_90 = tpu.vector_load %arg11[%swap3A_88, %swap3A_89] {strides = array<i32>} : memref<128x32xf32, #tpu.memory_space<vmem>>, vector<1x16xf32>,
        %swap3A_91 = vector.shape_cast %swap3A_90 : vector<1x16xf32> to vector<16xf32>
        %swap3A_92 = vector.shape_cast %add3A_87 : vector<16xf32> to vector<1x16xf32>
        tpu.vector_store %arg11[%swap3A_88, %swap3A_89], %swap3A_92 {strides = array<i32>} : memref<128x32xf32, #tpu.memory_space<vmem>>, vector<1x16xf32>,
        %scan3A_93 = arith.constant 1 : i32
        %scan3A_94 = arith.addi %scan3A_66, %scan3A_93 : i32
        %get3A_95 = arith.index_cast %scan3A_94 : i32 to index
        %get3A_96 = arith.constant 0 : index
        %get3A_97 = tpu.vector_load %arg11[%get3A_95, %get3A_96] {strides = array<i32>} : memref<128x32xf32, #tpu.memory_space<vmem>>, vector<1x16xf32>,
        %get3A_98 = vector.shape_cast %get3A_97 : vector<1x16xf32> to vector<16xf32>
        %get3A_99 = arith.index_cast %scan3A_94 : i32 to index
        %get3A_100 = arith.constant 0 : index
        %get3A_101 = tpu.vector_load %arg13[%get3A_99, %get3A_100] {strides = array<i32>} : memref<128x32xf32, #tpu.memory_space<vmem>>, vector<1x16xf32>,
        %get3A_102 = vector.shape_cast %get3A_101 : vector<1x16xf32> to vector<16xf32>
        %add3A_103 = arith.addf %get3A_98, %get3A_102 : vector<16xf32>
        %swap3A_104 = arith.index_cast %scan3A_94 : i32 to index
        %swap3A_105 = arith.constant 0 : index
        %swap3A_106 = tpu.vector_load %arg11[%swap3A_104, %swap3A_105] {strides = array<i32>} : memref<128x32xf32, #tpu.memory_space<vmem>>, vector<1x16xf32>,
        %swap3A_107 = vector.shape_cast %swap3A_106 : vector<1x16xf32> to vector<16xf32>
        %swap3A_108 = vector.shape_cast %add3A_103 : vector<16xf32> to vector<1x16xf32>
        tpu.vector_store %arg11[%swap3A_104, %swap3A_105], %swap3A_108 {strides = array<i32>} : memref<128x32xf32, #tpu.memory_space<vmem>>, vector<1x16xf32>,
        %get3A_109 = arith.index_cast %scan3A_94 : i32 to index
        %get3A_110 = arith.constant 16 : index
        %get3A_111 = tpu.vector_load %arg11[%get3A_109, %get3A_110] {strides = array<i32>} : memref<128x32xf32, #tpu.memory_space<vmem>>, vector<1x16xf32>,
        %get3A_112 = vector.shape_cast %get3A_111 : vector<1x16xf32> to vector<16xf32>
        %get3A_113 = arith.index_cast %scan3A_94 : i32 to index
        %get3A_114 = arith.constant 16 : index
        %get3A_115 = tpu.vector_load %arg13[%get3A_113, %get3A_114] {strides = array<i32>} : memref<128x32xf32, #tpu.memory_space<vmem>>, vector<1x16xf32>,
        %get3A_116 = vector.shape_cast %get3A_115 : vector<1x16xf32> to vector<16xf32>
        %add3A_117 = arith.addf %get3A_112, %get3A_116 : vector<16xf32>
        %swap3A_118 = arith.index_cast %scan3A_94 : i32 to index
        %swap3A_119 = arith.constant 16 : index
        %swap3A_120 = tpu.vector_load %arg11[%swap3A_118, %swap3A_119] {strides = array<i32>} : memref<128x32xf32, #tpu.memory_space<vmem>>, vector<1x16xf32>,
        %swap3A_121 = vector.shape_cast %swap3A_120 : vector<1x16xf32> to vector<16xf32>
        %swap3A_122 = vector.shape_cast %add3A_117 : vector<16xf32> to vector<1x16xf32>
        tpu.vector_store %arg11[%swap3A_118, %swap3A_119], %swap3A_122 {strides = array<i32>} : memref<128x32xf32, #tpu.memory_space<vmem>>, vector<1x16xf32>,
        %scan3A_123 = arith.constant 2 : i32
        %scan3A_124 = arith.addi %scan3A_66, %scan3A_123 : i32
        %get3A_125 = arith.index_cast %scan3A_124 : i32 to index
        %get3A_126 = arith.constant 0 : index
        %get3A_127 = tpu.vector_load %arg11[%get3A_125, %get3A_126] {strides = array<i32>} : memref<128x32xf32, #tpu.memory_space<vmem>>, vector<1x16xf32>,
        %get3A_128 = vector.shape_cast %get3A_127 : vector<1x16xf32> to vector<16xf32>
        %get3A_129 = arith.index_cast %scan3A_124 : i32 to index
        %get3A_130 = arith.constant 0 : index
        %get3A_131 = tpu.vector_load %arg13[%get3A_129, %get3A_130] {strides = array<i32>} : memref<128x32xf32, #tpu.memory_space<vmem>>, vector<1x16xf32>,
        %get3A_132 = vector.shape_cast %get3A_131 : vector<1x16xf32> to vector<16xf32>
        %add3A_133 = arith.addf %get3A_128, %get3A_132 : vector<16xf32>
        %swap3A_134 = arith.index_cast %scan3A_124 : i32 to index
        %swap3A_135 = arith.constant 0 : index
        %swap3A_136 = tpu.vector_load %arg11[%swap3A_134, %swap3A_135] {strides = array<i32>} : memref<128x32xf32, #tpu.memory_space<vmem>>, vector<1x16xf32>,
        %swap3A_137 = vector.shape_cast %swap3A_136 : vector<1x16xf32> to vector<16xf32>
        %swap3A_138 = vector.shape_cast %add3A_133 : vector<16xf32> to vector<1x16xf32>
        tpu.vector_store %arg11[%swap3A_134, %swap3A_135], %swap3A_138 {strides = array<i32>} : memref<128x32xf32, #tpu.memory_space<vmem>>, vector<1x16xf32>,
        %get3A_139 = arith.index_cast %scan3A_124 : i32 to index
        %get3A_140 = arith.constant 16 : index
        %get3A_141 = tpu.vector_load %arg11[%get3A_139, %get3A_140] {strides = array<i32>} : memref<128x32xf32, #tpu.memory_space<vmem>>, vector<1x16xf32>,
        %get3A_142 = vector.shape_cast %get3A_141 : vector<1x16xf32> to vector<16xf32>
        %get3A_143 = arith.index_cast %scan3A_124 : i32 to index
        %get3A_144 = arith.constant 16 : index
        %get3A_145 = tpu.vector_load %arg13[%get3A_143, %get3A_144] {strides = array<i32>} : memref<128x32xf32, #tpu.memory_space<vmem>>, vector<1x16xf32>,
        %get3A_146 = vector.shape_cast %get3A_145 : vector<1x16xf32> to vector<16xf32>
        %add3A_147 = arith.addf %get3A_142, %get3A_146 : vector<16xf32>
        %swap3A_148 = arith.index_cast %scan3A_124 : i32 to index
        %swap3A_149 = arith.constant 16 : index
        %swap3A_150 = tpu.vector_load %arg11[%swap3A_148, %swap3A_149] {strides = array<i32>} : memref<128x32xf32, #tpu.memory_space<vmem>>, vector<1x16xf32>,
        %swap3A_151 = vector.shape_cast %swap3A_150 : vector<1x16xf32> to vector<16xf32>
        %swap3A_152 = vector.shape_cast %add3A_147 : vector<16xf32> to vector<1x16xf32>
        tpu.vector_store %arg11[%swap3A_148, %swap3A_149], %swap3A_152 {strides = array<i32>} : memref<128x32xf32, #tpu.memory_space<vmem>>, vector<1x16xf32>,
        %scan3A_153 = arith.constant 3 : i32
        %scan3A_154 = arith.addi %scan3A_66, %scan3A_153 : i32
        %get3A_155 = arith.index_cast %scan3A_154 : i32 to index
        %get3A_156 = arith.constant 0 : index
        %get3A_157 = tpu.vector_load %arg11[%get3A_155, %get3A_156] {strides = array<i32>} : memref<128x32xf32, #tpu.memory_space<vmem>>, vector<1x16xf32>,
        %get3A_158 = vector.shape_cast %get3A_157 : vector<1x16xf32> to vector<16xf32>
        %get3A_159 = arith.index_cast %scan3A_154 : i32 to index
        %get3A_160 = arith.constant 0 : index
        %get3A_161 = tpu.vector_load %arg13[%get3A_159, %get3A_160] {strides = array<i32>} : memref<128x32xf32, #tpu.memory_space<vmem>>, vector<1x16xf32>,
        %get3A_162 = vector.shape_cast %get3A_161 : vector<1x16xf32> to vector<16xf32>
        %add3A_163 = arith.addf %get3A_158, %get3A_162 : vector<16xf32>
        %swap3A_164 = arith.index_cast %scan3A_154 : i32 to index
        %swap3A_165 = arith.constant 0 : index
        %swap3A_166 = tpu.vector_load %arg11[%swap3A_164, %swap3A_165] {strides = array<i32>} : memref<128x32xf32, #tpu.memory_space<vmem>>, vector<1x16xf32>,
        %swap3A_167 = vector.shape_cast %swap3A_166 : vector<1x16xf32> to vector<16xf32>
        %swap3A_168 = vector.shape_cast %add3A_163 : vector<16xf32> to vector<1x16xf32>
        tpu.vector_store %arg11[%swap3A_164, %swap3A_165], %swap3A_168 {strides = array<i32>} : memref<128x32xf32, #tpu.memory_space<vmem>>, vector<1x16xf32>,
        %get3A_169 = arith.index_cast %scan3A_154 : i32 to index
        %get3A_170 = arith.constant 16 : index
        %get3A_171 = tpu.vector_load %arg11[%get3A_169, %get3A_170] {strides = array<i32>} : memref<128x32xf32, #tpu.memory_space<vmem>>, vector<1x16xf32>,
        %get3A_172 = vector.shape_cast %get3A_171 : vector<1x16xf32> to vector<16xf32>
        %get3A_173 = arith.index_cast %scan3A_154 : i32 to index
        %get3A_174 = arith.constant 16 : index
        %get3A_175 = tpu.vector_load %arg13[%get3A_173, %get3A_174] {strides = array<i32>} : memref<128x32xf32, #tpu.memory_space<vmem>>, vector<1x16xf32>,
        %get3A_176 = vector.shape_cast %get3A_175 : vector<1x16xf32> to vector<16xf32>
        %add3A_177 = arith.addf %get3A_172, %get3A_176 : vector<16xf32>
        %swap3A_178 = arith.index_cast %scan3A_154 : i32 to index
        %swap3A_179 = arith.constant 16 : index
        %swap3A_180 = tpu.vector_load %arg11[%swap3A_178, %swap3A_179] {strides = array<i32>} : memref<128x32xf32, #tpu.memory_space<vmem>>, vector<1x16xf32>,
        %swap3A_181 = vector.shape_cast %swap3A_180 : vector<1x16xf32> to vector<16xf32>
        %swap3A_182 = vector.shape_cast %add3A_177 : vector<16xf32> to vector<1x16xf32>
        tpu.vector_store %arg11[%swap3A_178, %swap3A_179], %swap3A_182 {strides = array<i32>} : memref<128x32xf32, #tpu.memory_space<vmem>>, vector<1x16xf32>,
        %scan3A_183 = arith.constant 4 : i32
        %scan3A_184 = arith.addi %scan3A_66, %scan3A_183 : i32
        %get3A_185 = arith.index_cast %scan3A_184 : i32 to index
        %get3A_186 = arith.constant 0 : index
        %get3A_187 = tpu.vector_load %arg11[%get3A_185, %get3A_186] {strides = array<i32>} : memref<128x32xf32, #tpu.memory_space<vmem>>, vector<1x16xf32>,
        %get3A_188 = vector.shape_cast %get3A_187 : vector<1x16xf32> to vector<16xf32>
        %get3A_189 = arith.index_cast %scan3A_184 : i32 to index
        %get3A_190 = arith.constant 0 : index
        %get3A_191 = tpu.vector_load %arg13[%get3A_189, %get3A_190] {strides = array<i32>} : memref<128x32xf32, #tpu.memory_space<vmem>>, vector<1x16xf32>,
        %get3A_192 = vector.shape_cast %get3A_191 : vector<1x16xf32> to vector<16xf32>
        %add3A_193 = arith.addf %get3A_188, %get3A_192 : vector<16xf32>
        %swap3A_194 = arith.index_cast %scan3A_184 : i32 to index
        %swap3A_195 = arith.constant 0 : index
        %swap3A_196 = tpu.vector_load %arg11[%swap3A_194, %swap3A_195] {strides = array<i32>} : memref<128x32xf32, #tpu.memory_space<vmem>>, vector<1x16xf32>,
        %swap3A_197 = vector.shape_cast %swap3A_196 : vector<1x16xf32> to vector<16xf32>
        %swap3A_198 = vector.shape_cast %add3A_193 : vector<16xf32> to vector<1x16xf32>
        tpu.vector_store %arg11[%swap3A_194, %swap3A_195], %swap3A_198 {strides = array<i32>} : memref<128x32xf32, #tpu.memory_space<vmem>>, vector<1x16xf32>,
        %get3A_199 = arith.index_cast %scan3A_184 : i32 to index
        %get3A_200 = arith.constant 16 : index
        %get3A_201 = tpu.vector_load %arg11[%get3A_199, %get3A_200] {strides = array<i32>} : memref<128x32xf32, #tpu.memory_space<vmem>>, vector<1x16xf32>,
        %get3A_202 = vector.shape_cast %get3A_201 : vector<1x16xf32> to vector<16xf32>
        %get3A_203 = arith.index_cast %scan3A_184 : i32 to index
        %get3A_204 = arith.constant 16 : index
        %get3A_205 = tpu.vector_load %arg13[%get3A_203, %get3A_204] {strides = array<i32>} : memref<128x32xf32, #tpu.memory_space<vmem>>, vector<1x16xf32>,
        %get3A_206 = vector.shape_cast %get3A_205 : vector<1x16xf32> to vector<16xf32>
        %add3A_207 = arith.addf %get3A_202, %get3A_206 : vector<16xf32>
        %swap3A_208 = arith.index_cast %scan3A_184 : i32 to index
        %swap3A_209 = arith.constant 16 : index
        %swap3A_210 = tpu.vector_load %arg11[%swap3A_208, %swap3A_209] {strides = array<i32>} : memref<128x32xf32, #tpu.memory_space<vmem>>, vector<1x16xf32>,
        %swap3A_211 = vector.shape_cast %swap3A_210 : vector<1x16xf32> to vector<16xf32>
        %swap3A_212 = vector.shape_cast %add3A_207 : vector<16xf32> to vector<1x16xf32>
        tpu.vector_store %arg11[%swap3A_208, %swap3A_209], %swap3A_212 {strides = array<i32>} : memref<128x32xf32, #tpu.memory_space<vmem>>, vector<1x16xf32>,
        %scan3A_213 = arith.constant 5 : i32
        %scan3A_214 = arith.addi %scan3A_66, %scan3A_213 : i32
        %get3A_215 = arith.index_cast %scan3A_214 : i32 to index
        %get3A_216 = arith.constant 0 : index
        %get3A_217 = tpu.vector_load %arg11[%get3A_215, %get3A_216] {strides = array<i32>} : memref<128x32xf32, #tpu.memory_space<vmem>>, vector<1x16xf32>,
        %get3A_218 = vector.shape_cast %get3A_217 : vector<1x16xf32> to vector<16xf32>
        %get3A_219 = arith.index_cast %scan3A_214 : i32 to index
        %get3A_220 = arith.constant 0 : index
        %get3A_221 = tpu.vector_load %arg13[%get3A_219, %get3A_220] {strides = array<i32>} : memref<128x32xf32, #tpu.memory_space<vmem>>, vector<1x16xf32>,
        %get3A_222 = vector.shape_cast %get3A_221 : vector<1x16xf32> to vector<16xf32>
        %add3A_223 = arith.addf %get3A_218, %get3A_222 : vector<16xf32>
        %swap3A_224 = arith.index_cast %scan3A_214 : i32 to index
        %swap3A_225 = arith.constant 0 : index
        %swap3A_226 = tpu.vector_load %arg11[%swap3A_224, %swap3A_225] {strides = array<i32>} : memref<128x32xf32, #tpu.memory_space<vmem>>, vector<1x16xf32>,
        %swap3A_227 = vector.shape_cast %swap3A_226 : vector<1x16xf32> to vector<16xf32>
        %swap3A_228 = vector.shape_cast %add3A_223 : vector<16xf32> to vector<1x16xf32>
        tpu.vector_store %arg11[%swap3A_224, %swap3A_225], %swap3A_228 {strides = array<i32>} : memref<128x32xf32, #tpu.memory_space<vmem>>, vector<1x16xf32>,
        %get3A_229 = arith.index_cast %scan3A_214 : i32 to index
        %get3A_230 = arith.constant 16 : index
        %get3A_231 = tpu.vector_load %arg11[%get3A_229, %get3A_230] {strides = array<i32>} : memref<128x32xf32, #tpu.memory_space<vmem>>, vector<1x16xf32>,
        %get3A_232 = vector.shape_cast %get3A_231 : vector<1x16xf32> to vector<16xf32>
        %get3A_233 = arith.index_cast %scan3A_214 : i32 to index
        %get3A_234 = arith.constant 16 : index
        %get3A_235 = tpu.vector_load %arg13[%get3A_233, %get3A_234] {strides = array<i32>} : memref<128x32xf32, #tpu.memory_space<vmem>>, vector<1x16xf32>,
        %get3A_236 = vector.shape_cast %get3A_235 : vector<1x16xf32> to vector<16xf32>
        %add3A_237 = arith.addf %get3A_232, %get3A_236 : vector<16xf32>
        %swap3A_238 = arith.index_cast %scan3A_214 : i32 to index
        %swap3A_239 = arith.constant 16 : index
        %swap3A_240 = tpu.vector_load %arg11[%swap3A_238, %swap3A_239] {strides = array<i32>} : memref<128x32xf32, #tpu.memory_space<vmem>>, vector<1x16xf32>,
        %swap3A_241 = vector.shape_cast %swap3A_240 : vector<1x16xf32> to vector<16xf32>
        %swap3A_242 = vector.shape_cast %add3A_237 : vector<16xf32> to vector<1x16xf32>
        tpu.vector_store %arg11[%swap3A_238, %swap3A_239], %swap3A_242 {strides = array<i32>} : memref<128x32xf32, #tpu.memory_space<vmem>>, vector<1x16xf32>,
        %scan3A_243 = arith.constant 6 : i32
        %scan3A_244 = arith.addi %scan3A_66, %scan3A_243 : i32
        %get3A_245 = arith.index_cast %scan3A_244 : i32 to index
        %get3A_246 = arith.constant 0 : index
        %get3A_247 = tpu.vector_load %arg11[%get3A_245, %get3A_246] {strides = array<i32>} : memref<128x32xf32, #tpu.memory_space<vmem>>, vector<1x16xf32>,
        %get3A_248 = vector.shape_cast %get3A_247 : vector<1x16xf32> to vector<16xf32>
        %get3A_249 = arith.index_cast %scan3A_244 : i32 to index
        %get3A_250 = arith.constant 0 : index
        %get3A_251 = tpu.vector_load %arg13[%get3A_249, %get3A_250] {strides = array<i32>} : memref<128x32xf32, #tpu.memory_space<vmem>>, vector<1x16xf32>,
        %get3A_252 = vector.shape_cast %get3A_251 : vector<1x16xf32> to vector<16xf32>
        %add3A_253 = arith.addf %get3A_248, %get3A_252 : vector<16xf32>
        %swap3A_254 = arith.index_cast %scan3A_244 : i32 to index
        %swap3A_255 = arith.constant 0 : index
        %swap3A_256 = tpu.vector_load %arg11[%swap3A_254, %swap3A_255] {strides = array<i32>} : memref<128x32xf32, #tpu.memory_space<vmem>>, vector<1x16xf32>,
        %swap3A_257 = vector.shape_cast %swap3A_256 : vector<1x16xf32> to vector<16xf32>
        %swap3A_258 = vector.shape_cast %add3A_253 : vector<16xf32> to vector<1x16xf32>
        tpu.vector_store %arg11[%swap3A_254, %swap3A_255], %swap3A_258 {strides = array<i32>} : memref<128x32xf32, #tpu.memory_space<vmem>>, vector<1x16xf32>,
        %get3A_259 = arith.index_cast %scan3A_244 : i32 to index
        %get3A_260 = arith.constant 16 : index
        %get3A_261 = tpu.vector_load %arg11[%get3A_259, %get3A_260] {strides = array<i32>} : memref<128x32xf32, #tpu.memory_space<vmem>>, vector<1x16xf32>,
        %get3A_262 = vector.shape_cast %get3A_261 : vector<1x16xf32> to vector<16xf32>
        %get3A_263 = arith.index_cast %scan3A_244 : i32 to index
        %get3A_264 = arith.constant 16 : index
        %get3A_265 = tpu.vector_load %arg13[%get3A_263, %get3A_264] {strides = array<i32>} : memref<128x32xf32, #tpu.memory_space<vmem>>, vector<1x16xf32>,
        %get3A_266 = vector.shape_cast %get3A_265 : vector<1x16xf32> to vector<16xf32>
        %add3A_267 = arith.addf %get3A_262, %get3A_266 : vector<16xf32>
        %swap3A_268 = arith.index_cast %scan3A_244 : i32 to index
        %swap3A_269 = arith.constant 16 : index
        %swap3A_270 = tpu.vector_load %arg11[%swap3A_268, %swap3A_269] {strides = array<i32>} : memref<128x32xf32, #tpu.memory_space<vmem>>, vector<1x16xf32>,
        %swap3A_271 = vector.shape_cast %swap3A_270 : vector<1x16xf32> to vector<16xf32>
        %swap3A_272 = vector.shape_cast %add3A_267 : vector<16xf32> to vector<1x16xf32>
        tpu.vector_store %arg11[%swap3A_268, %swap3A_269], %swap3A_272 {strides = array<i32>} : memref<128x32xf32, #tpu.memory_space<vmem>>, vector<1x16xf32>,
        %scan3A_273 = arith.constant 7 : i32
        %scan3A_274 = arith.addi %scan3A_66, %scan3A_273 : i32
        %get3A_275 = arith.index_cast %scan3A_274 : i32 to index
        %get3A_276 = arith.constant 0 : index
        %get3A_277 = tpu.vector_load %arg11[%get3A_275, %get3A_276] {strides = array<i32>} : memref<128x32xf32, #tpu.memory_space<vmem>>, vector<1x16xf32>,
        %get3A_278 = vector.shape_cast %get3A_277 : vector<1x16xf32> to vector<16xf32>
        %get3A_279 = arith.index_cast %scan3A_274 : i32 to index
        %get3A_280 = arith.constant 0 : index
        %get3A_281 = tpu.vector_load %arg13[%get3A_279, %get3A_280] {strides = array<i32>} : memref<128x32xf32, #tpu.memory_space<vmem>>, vector<1x16xf32>,
        %get3A_282 = vector.shape_cast %get3A_281 : vector<1x16xf32> to vector<16xf32>
        %add3A_283 = arith.addf %get3A_278, %get3A_282 : vector<16xf32>
        %swap3A_284 = arith.index_cast %scan3A_274 : i32 to index
        %swap3A_285 = arith.constant 0 : index
        %swap3A_286 = tpu.vector_load %arg11[%swap3A_284, %swap3A_285] {strides = array<i32>} : memref<128x32xf32, #tpu.memory_space<vmem>>, vector<1x16xf32>,
        %swap3A_287 = vector.shape_cast %swap3A_286 : vector<1x16xf32> to vector<16xf32>
        %swap3A_288 = vector.shape_cast %add3A_283 : vector<16xf32> to vector<1x16xf32>
        tpu.vector_store %arg11[%swap3A_284, %swap3A_285], %swap3A_288 {strides = array<i32>} : memref<128x32xf32, #tpu.memory_space<vmem>>, vector<1x16xf32>,
        %get3A_289 = arith.index_cast %scan3A_274 : i32 to index
        %get3A_290 = arith.constant 16 : index
        %get3A_291 = tpu.vector_load %arg11[%get3A_289, %get3A_290] {strides = array<i32>} : memref<128x32xf32, #tpu.memory_space<vmem>>, vector<1x16xf32>,
        %get3A_292 = vector.shape_cast %get3A_291 : vector<1x16xf32> to vector<16xf32>
        %get3A_293 = arith.index_cast %scan3A_274 : i32 to index
        %get3A_294 = arith.constant 16 : index
        %get3A_295 = tpu.vector_load %arg13[%get3A_293, %get3A_294] {strides = array<i32>} : memref<128x32xf32, #tpu.memory_space<vmem>>, vector<1x16xf32>,
        %get3A_296 = vector.shape_cast %get3A_295 : vector<1x16xf32> to vector<16xf32>
        %add3A_297 = arith.addf %get3A_292, %get3A_296 : vector<16xf32>
        %swap3A_298 = arith.index_cast %scan3A_274 : i32 to index
        %swap3A_299 = arith.constant 16 : index
        %swap3A_300 = tpu.vector_load %arg11[%swap3A_298, %swap3A_299] {strides = array<i32>} : memref<128x32xf32, #tpu.memory_space<vmem>>, vector<1x16xf32>,
        %swap3A_301 = vector.shape_cast %swap3A_300 : vector<1x16xf32> to vector<16xf32>
        %swap3A_302 = vector.shape_cast %add3A_297 : vector<16xf32> to vector<1x16xf32>
        tpu.vector_store %arg11[%swap3A_298, %swap3A_299], %swap3A_302 {strides = array<i32>} : memref<128x32xf32, #tpu.memory_space<vmem>>, vector<1x16xf32>,
      }
      %scan3A_65 = arith.constant 128 : i32
      "tpu.region"() ({
        %run_scoped3A = tpu.sem_alloc : memref<!tpu.dma_semaphore, #tpu.memory_space<semaphore_mem>>
        %dma_start3A_66 = arith.constant 0 : i32
        %dma_start3A_67 = tpu.memref_slice %arg6[%mul3A_47, %dma_start3A_66] : memref<800000x32xf32, #tpu.memory_space<hbm>> -> memref<128x32xf32, #tpu.memory_space<hbm>>
        %dma_start3A_68 = arith.constant 0 : i32
        %dma_start3A_69 = tpu.memref_slice %arg6[%mul3A_47, %dma_start3A_68] : memref<800000x32xf32, #tpu.memory_space<hbm>> -> memref<128x32xf32, #tpu.memory_space<hbm>>
        tpu.enqueue_dma source(%arg11 : memref<128x32xf32, #tpu.memory_space<vmem>>) target(%dma_start3A_69 : memref<128x32xf32, #tpu.memory_space<hbm>>) target_semaphore(%run_scoped3A : memref<!tpu.dma_semaphore, #tpu.memory_space<semaphore_mem>>)
        %dma_wait3A_70 = arith.constant 0 : i32
        %dma_wait3A_71 = tpu.memref_slice %arg6[%mul3A_47, %dma_wait3A_70] : memref<800000x32xf32, #tpu.memory_space<hbm>> -> memref<128x32xf32, #tpu.memory_space<hbm>>
        %dma_wait3A_72 = arith.constant 0 : i32
        %dma_wait3A_73 = tpu.memref_slice %arg6[%mul3A_47, %dma_wait3A_72] : memref<800000x32xf32, #tpu.memory_space<hbm>> -> memref<128x32xf32, #tpu.memory_space<hbm>>
        tpu.wait_dma2 semaphore(%run_scoped3A : memref<!tpu.dma_semaphore, #tpu.memory_space<semaphore_mem>>) src(%arg11 : memref<128x32xf32, #tpu.memory_space<vmem>>) dst(%dma_wait3A_73 : memref<128x32xf32, #tpu.memory_space<hbm>>)
        tpu.yield
      }) : () -> ()
    } else {
    }
    return
  }
}

#map = affine_map<(d0, d1) -> (0, 0)>
#map1 = affine_map<(d0, d1) -> (0)>
#map2 = affine_map<(d0, d1) -> (0, 0, 0)>
module attributes {stable_mosaic.version = 14 : i64} {
  func.func @k(%arg0: i32, %arg1: i32, %arg2: memref<800000x32xf32, #tpu.memory_space<hbm>>, %arg3: memref<800000xi32, #tpu.memory_space<hbm>>, %arg4: memref<125x32xf32, #tpu.memory_space<hbm>>, %arg5: memref<2x50000x32xf32, #tpu.memory_space<hbm>>, %arg6: memref<128xi32, #tpu.memory_space<vmem>>, %arg7: memref<128xi32, #tpu.memory_space<vmem>>, %arg8: memref<128x32xf32, #tpu.memory_space<vmem>>, %arg9: memref<128x32xf32, #tpu.memory_space<vmem>>, %arg10: memref<125x32xf32, #tpu.memory_space<vmem>>, %arg11: memref<50000x32xf32, #tpu.memory_space<vmem_shared>>, %arg12: memref<!tpu.dma_semaphore, #tpu.memory_space<semaphore_mem>>, %arg13: memref<!tpu.dma_semaphore, #tpu.memory_space<semaphore_mem>>) attributes {dimension_semantics = [#tpu.dimension_semantics<core_parallel>, #tpu.dimension_semantics<subcore_parallel>], iteration_bounds = array<i64: 2, 16>, scalar_prefetch = 0 : i64, scratch_operands = 8 : i64, tpu.core_type = #tpu.core_type<sc_vector_subcore>, window_params = [{transform_indices = #map}, {transform_indices = #map1}, {transform_indices = #map}, {transform_indices = #map2}]} {
    %mul3A = arith.constant 2 : i32
    %mul3A_0 = arith.muli %arg1, %mul3A : i32
    %add3A = arith.addi %mul3A_0, %arg0 : i32
    "tpu.region"() ({
      %run_scoped3A = tpu.sem_alloc : memref<!tpu.dma_semaphore, #tpu.memory_space<semaphore_mem>>
      tpu.enqueue_dma source(%arg4 : memref<125x32xf32, #tpu.memory_space<hbm>>) target(%arg10 : memref<125x32xf32, #tpu.memory_space<vmem>>) target_semaphore(%run_scoped3A : memref<!tpu.dma_semaphore, #tpu.memory_space<semaphore_mem>>)
      tpu.wait_dma2 semaphore(%run_scoped3A : memref<!tpu.dma_semaphore, #tpu.memory_space<semaphore_mem>>) src(%arg4 : memref<125x32xf32, #tpu.memory_space<hbm>>) dst(%arg10 : memref<125x32xf32, #tpu.memory_space<vmem>>)
      tpu.yield
    }) : () -> ()
    %mul3A_1 = arith.constant 3125 : i32
    %mul3A_2 = arith.muli %arg1, %mul3A_1 : i32
    %add3A_3 = arith.constant 0 : i32
    %add3A_4 = arith.addi %mul3A_2, %add3A_3 : i32
    "tpu.region"() ({
      %run_scoped3A = tpu.sem_alloc : memref<!tpu.dma_semaphore, #tpu.memory_space<semaphore_mem>>
      %dma_start3A_227 = arith.constant 0 : i32
      %dma_start3A_228 = tpu.memref_slice %arg11[%add3A_4, %dma_start3A_227] : memref<50000x32xf32, #tpu.memory_space<vmem_shared>> -> memref<125x32xf32, #tpu.memory_space<vmem_shared>>
      %dma_start3A_229 = arith.constant 0 : i32
      %dma_start3A_230 = tpu.memref_slice %arg11[%add3A_4, %dma_start3A_229] : memref<50000x32xf32, #tpu.memory_space<vmem_shared>> -> memref<125x32xf32, #tpu.memory_space<vmem_shared>>
      tpu.enqueue_dma source(%arg10 : memref<125x32xf32, #tpu.memory_space<vmem>>) target(%dma_start3A_230 : memref<125x32xf32, #tpu.memory_space<vmem_shared>>) target_semaphore(%run_scoped3A : memref<!tpu.dma_semaphore, #tpu.memory_space<semaphore_mem>>)
      %dma_wait3A_231 = arith.constant 0 : i32
      %dma_wait3A_232 = tpu.memref_slice %arg11[%add3A_4, %dma_wait3A_231] : memref<50000x32xf32, #tpu.memory_space<vmem_shared>> -> memref<125x32xf32, #tpu.memory_space<vmem_shared>>
      %dma_wait3A_233 = arith.constant 0 : i32
      %dma_wait3A_234 = tpu.memref_slice %arg11[%add3A_4, %dma_wait3A_233] : memref<50000x32xf32, #tpu.memory_space<vmem_shared>> -> memref<125x32xf32, #tpu.memory_space<vmem_shared>>
      tpu.wait_dma2 semaphore(%run_scoped3A : memref<!tpu.dma_semaphore, #tpu.memory_space<semaphore_mem>>) src(%arg10 : memref<125x32xf32, #tpu.memory_space<vmem>>) dst(%dma_wait3A_234 : memref<125x32xf32, #tpu.memory_space<vmem_shared>>)
      tpu.yield
    }) : () -> ()
    %mul3A_5 = arith.constant 3125 : i32
    %mul3A_6 = arith.muli %arg1, %mul3A_5 : i32
    %add3A_7 = arith.constant 125 : i32
    %add3A_8 = arith.addi %mul3A_6, %add3A_7 : i32
    "tpu.region"() ({
      %run_scoped3A = tpu.sem_alloc : memref<!tpu.dma_semaphore, #tpu.memory_space<semaphore_mem>>
      %dma_start3A_227 = arith.constant 0 : i32
      %dma_start3A_228 = tpu.memref_slice %arg11[%add3A_8, %dma_start3A_227] : memref<50000x32xf32, #tpu.memory_space<vmem_shared>> -> memref<125x32xf32, #tpu.memory_space<vmem_shared>>
      %dma_start3A_229 = arith.constant 0 : i32
      %dma_start3A_230 = tpu.memref_slice %arg11[%add3A_8, %dma_start3A_229] : memref<50000x32xf32, #tpu.memory_space<vmem_shared>> -> memref<125x32xf32, #tpu.memory_space<vmem_shared>>
      tpu.enqueue_dma source(%arg10 : memref<125x32xf32, #tpu.memory_space<vmem>>) target(%dma_start3A_230 : memref<125x32xf32, #tpu.memory_space<vmem_shared>>) target_semaphore(%run_scoped3A : memref<!tpu.dma_semaphore, #tpu.memory_space<semaphore_mem>>)
      %dma_wait3A_231 = arith.constant 0 : i32
      %dma_wait3A_232 = tpu.memref_slice %arg11[%add3A_8, %dma_wait3A_231] : memref<50000x32xf32, #tpu.memory_space<vmem_shared>> -> memref<125x32xf32, #tpu.memory_space<vmem_shared>>
      %dma_wait3A_233 = arith.constant 0 : i32
      %dma_wait3A_234 = tpu.memref_slice %arg11[%add3A_8, %dma_wait3A_233] : memref<50000x32xf32, #tpu.memory_space<vmem_shared>> -> memref<125x32xf32, #tpu.memory_space<vmem_shared>>
      tpu.wait_dma2 semaphore(%run_scoped3A : memref<!tpu.dma_semaphore, #tpu.memory_space<semaphore_mem>>) src(%arg10 : memref<125x32xf32, #tpu.memory_space<vmem>>) dst(%dma_wait3A_234 : memref<125x32xf32, #tpu.memory_space<vmem_shared>>)
      tpu.yield
    }) : () -> ()
    %mul3A_9 = arith.constant 3125 : i32
    %mul3A_10 = arith.muli %arg1, %mul3A_9 : i32
    %add3A_11 = arith.constant 250 : i32
    %add3A_12 = arith.addi %mul3A_10, %add3A_11 : i32
    "tpu.region"() ({
      %run_scoped3A = tpu.sem_alloc : memref<!tpu.dma_semaphore, #tpu.memory_space<semaphore_mem>>
      %dma_start3A_227 = arith.constant 0 : i32
      %dma_start3A_228 = tpu.memref_slice %arg11[%add3A_12, %dma_start3A_227] : memref<50000x32xf32, #tpu.memory_space<vmem_shared>> -> memref<125x32xf32, #tpu.memory_space<vmem_shared>>
      %dma_start3A_229 = arith.constant 0 : i32
      %dma_start3A_230 = tpu.memref_slice %arg11[%add3A_12, %dma_start3A_229] : memref<50000x32xf32, #tpu.memory_space<vmem_shared>> -> memref<125x32xf32, #tpu.memory_space<vmem_shared>>
      tpu.enqueue_dma source(%arg10 : memref<125x32xf32, #tpu.memory_space<vmem>>) target(%dma_start3A_230 : memref<125x32xf32, #tpu.memory_space<vmem_shared>>) target_semaphore(%run_scoped3A : memref<!tpu.dma_semaphore, #tpu.memory_space<semaphore_mem>>)
      %dma_wait3A_231 = arith.constant 0 : i32
      %dma_wait3A_232 = tpu.memref_slice %arg11[%add3A_12, %dma_wait3A_231] : memref<50000x32xf32, #tpu.memory_space<vmem_shared>> -> memref<125x32xf32, #tpu.memory_space<vmem_shared>>
      %dma_wait3A_233 = arith.constant 0 : i32
      %dma_wait3A_234 = tpu.memref_slice %arg11[%add3A_12, %dma_wait3A_233] : memref<50000x32xf32, #tpu.memory_space<vmem_shared>> -> memref<125x32xf32, #tpu.memory_space<vmem_shared>>
      tpu.wait_dma2 semaphore(%run_scoped3A : memref<!tpu.dma_semaphore, #tpu.memory_space<semaphore_mem>>) src(%arg10 : memref<125x32xf32, #tpu.memory_space<vmem>>) dst(%dma_wait3A_234 : memref<125x32xf32, #tpu.memory_space<vmem_shared>>)
      tpu.yield
    }) : () -> ()
    %mul3A_13 = arith.constant 3125 : i32
    %mul3A_14 = arith.muli %arg1, %mul3A_13 : i32
    %add3A_15 = arith.constant 375 : i32
    %add3A_16 = arith.addi %mul3A_14, %add3A_15 : i32
    "tpu.region"() ({
      %run_scoped3A = tpu.sem_alloc : memref<!tpu.dma_semaphore, #tpu.memory_space<semaphore_mem>>
      %dma_start3A_227 = arith.constant 0 : i32
      %dma_start3A_228 = tpu.memref_slice %arg11[%add3A_16, %dma_start3A_227] : memref<50000x32xf32, #tpu.memory_space<vmem_shared>> -> memref<125x32xf32, #tpu.memory_space<vmem_shared>>
      %dma_start3A_229 = arith.constant 0 : i32
      %dma_start3A_230 = tpu.memref_slice %arg11[%add3A_16, %dma_start3A_229] : memref<50000x32xf32, #tpu.memory_space<vmem_shared>> -> memref<125x32xf32, #tpu.memory_space<vmem_shared>>
      tpu.enqueue_dma source(%arg10 : memref<125x32xf32, #tpu.memory_space<vmem>>) target(%dma_start3A_230 : memref<125x32xf32, #tpu.memory_space<vmem_shared>>) target_semaphore(%run_scoped3A : memref<!tpu.dma_semaphore, #tpu.memory_space<semaphore_mem>>)
      %dma_wait3A_231 = arith.constant 0 : i32
      %dma_wait3A_232 = tpu.memref_slice %arg11[%add3A_16, %dma_wait3A_231] : memref<50000x32xf32, #tpu.memory_space<vmem_shared>> -> memref<125x32xf32, #tpu.memory_space<vmem_shared>>
      %dma_wait3A_233 = arith.constant 0 : i32
      %dma_wait3A_234 = tpu.memref_slice %arg11[%add3A_16, %dma_wait3A_233] : memref<50000x32xf32, #tpu.memory_space<vmem_shared>> -> memref<125x32xf32, #tpu.memory_space<vmem_shared>>
      tpu.wait_dma2 semaphore(%run_scoped3A : memref<!tpu.dma_semaphore, #tpu.memory_space<semaphore_mem>>) src(%arg10 : memref<125x32xf32, #tpu.memory_space<vmem>>) dst(%dma_wait3A_234 : memref<125x32xf32, #tpu.memory_space<vmem_shared>>)
      tpu.yield
    }) : () -> ()
    %mul3A_17 = arith.constant 3125 : i32
    %mul3A_18 = arith.muli %arg1, %mul3A_17 : i32
    %add3A_19 = arith.constant 500 : i32
    %add3A_20 = arith.addi %mul3A_18, %add3A_19 : i32
    "tpu.region"() ({
      %run_scoped3A = tpu.sem_alloc : memref<!tpu.dma_semaphore, #tpu.memory_space<semaphore_mem>>
      %dma_start3A_227 = arith.constant 0 : i32
      %dma_start3A_228 = tpu.memref_slice %arg11[%add3A_20, %dma_start3A_227] : memref<50000x32xf32, #tpu.memory_space<vmem_shared>> -> memref<125x32xf32, #tpu.memory_space<vmem_shared>>
      %dma_start3A_229 = arith.constant 0 : i32
      %dma_start3A_230 = tpu.memref_slice %arg11[%add3A_20, %dma_start3A_229] : memref<50000x32xf32, #tpu.memory_space<vmem_shared>> -> memref<125x32xf32, #tpu.memory_space<vmem_shared>>
      tpu.enqueue_dma source(%arg10 : memref<125x32xf32, #tpu.memory_space<vmem>>) target(%dma_start3A_230 : memref<125x32xf32, #tpu.memory_space<vmem_shared>>) target_semaphore(%run_scoped3A : memref<!tpu.dma_semaphore, #tpu.memory_space<semaphore_mem>>)
      %dma_wait3A_231 = arith.constant 0 : i32
      %dma_wait3A_232 = tpu.memref_slice %arg11[%add3A_20, %dma_wait3A_231] : memref<50000x32xf32, #tpu.memory_space<vmem_shared>> -> memref<125x32xf32, #tpu.memory_space<vmem_shared>>
      %dma_wait3A_233 = arith.constant 0 : i32
      %dma_wait3A_234 = tpu.memref_slice %arg11[%add3A_20, %dma_wait3A_233] : memref<50000x32xf32, #tpu.memory_space<vmem_shared>> -> memref<125x32xf32, #tpu.memory_space<vmem_shared>>
      tpu.wait_dma2 semaphore(%run_scoped3A : memref<!tpu.dma_semaphore, #tpu.memory_space<semaphore_mem>>) src(%arg10 : memref<125x32xf32, #tpu.memory_space<vmem>>) dst(%dma_wait3A_234 : memref<125x32xf32, #tpu.memory_space<vmem_shared>>)
      tpu.yield
    }) : () -> ()
    %mul3A_21 = arith.constant 3125 : i32
    %mul3A_22 = arith.muli %arg1, %mul3A_21 : i32
    %add3A_23 = arith.constant 625 : i32
    %add3A_24 = arith.addi %mul3A_22, %add3A_23 : i32
    "tpu.region"() ({
      %run_scoped3A = tpu.sem_alloc : memref<!tpu.dma_semaphore, #tpu.memory_space<semaphore_mem>>
      %dma_start3A_227 = arith.constant 0 : i32
      %dma_start3A_228 = tpu.memref_slice %arg11[%add3A_24, %dma_start3A_227] : memref<50000x32xf32, #tpu.memory_space<vmem_shared>> -> memref<125x32xf32, #tpu.memory_space<vmem_shared>>
      %dma_start3A_229 = arith.constant 0 : i32
      %dma_start3A_230 = tpu.memref_slice %arg11[%add3A_24, %dma_start3A_229] : memref<50000x32xf32, #tpu.memory_space<vmem_shared>> -> memref<125x32xf32, #tpu.memory_space<vmem_shared>>
      tpu.enqueue_dma source(%arg10 : memref<125x32xf32, #tpu.memory_space<vmem>>) target(%dma_start3A_230 : memref<125x32xf32, #tpu.memory_space<vmem_shared>>) target_semaphore(%run_scoped3A : memref<!tpu.dma_semaphore, #tpu.memory_space<semaphore_mem>>)
      %dma_wait3A_231 = arith.constant 0 : i32
      %dma_wait3A_232 = tpu.memref_slice %arg11[%add3A_24, %dma_wait3A_231] : memref<50000x32xf32, #tpu.memory_space<vmem_shared>> -> memref<125x32xf32, #tpu.memory_space<vmem_shared>>
      %dma_wait3A_233 = arith.constant 0 : i32
      %dma_wait3A_234 = tpu.memref_slice %arg11[%add3A_24, %dma_wait3A_233] : memref<50000x32xf32, #tpu.memory_space<vmem_shared>> -> memref<125x32xf32, #tpu.memory_space<vmem_shared>>
      tpu.wait_dma2 semaphore(%run_scoped3A : memref<!tpu.dma_semaphore, #tpu.memory_space<semaphore_mem>>) src(%arg10 : memref<125x32xf32, #tpu.memory_space<vmem>>) dst(%dma_wait3A_234 : memref<125x32xf32, #tpu.memory_space<vmem_shared>>)
      tpu.yield
    }) : () -> ()
    %mul3A_25 = arith.constant 3125 : i32
    %mul3A_26 = arith.muli %arg1, %mul3A_25 : i32
    %add3A_27 = arith.constant 750 : i32
    %add3A_28 = arith.addi %mul3A_26, %add3A_27 : i32
    "tpu.region"() ({
      %run_scoped3A = tpu.sem_alloc : memref<!tpu.dma_semaphore, #tpu.memory_space<semaphore_mem>>
      %dma_start3A_227 = arith.constant 0 : i32
      %dma_start3A_228 = tpu.memref_slice %arg11[%add3A_28, %dma_start3A_227] : memref<50000x32xf32, #tpu.memory_space<vmem_shared>> -> memref<125x32xf32, #tpu.memory_space<vmem_shared>>
      %dma_start3A_229 = arith.constant 0 : i32
      %dma_start3A_230 = tpu.memref_slice %arg11[%add3A_28, %dma_start3A_229] : memref<50000x32xf32, #tpu.memory_space<vmem_shared>> -> memref<125x32xf32, #tpu.memory_space<vmem_shared>>
      tpu.enqueue_dma source(%arg10 : memref<125x32xf32, #tpu.memory_space<vmem>>) target(%dma_start3A_230 : memref<125x32xf32, #tpu.memory_space<vmem_shared>>) target_semaphore(%run_scoped3A : memref<!tpu.dma_semaphore, #tpu.memory_space<semaphore_mem>>)
      %dma_wait3A_231 = arith.constant 0 : i32
      %dma_wait3A_232 = tpu.memref_slice %arg11[%add3A_28, %dma_wait3A_231] : memref<50000x32xf32, #tpu.memory_space<vmem_shared>> -> memref<125x32xf32, #tpu.memory_space<vmem_shared>>
      %dma_wait3A_233 = arith.constant 0 : i32
      %dma_wait3A_234 = tpu.memref_slice %arg11[%add3A_28, %dma_wait3A_233] : memref<50000x32xf32, #tpu.memory_space<vmem_shared>> -> memref<125x32xf32, #tpu.memory_space<vmem_shared>>
      tpu.wait_dma2 semaphore(%run_scoped3A : memref<!tpu.dma_semaphore, #tpu.memory_space<semaphore_mem>>) src(%arg10 : memref<125x32xf32, #tpu.memory_space<vmem>>) dst(%dma_wait3A_234 : memref<125x32xf32, #tpu.memory_space<vmem_shared>>)
      tpu.yield
    }) : () -> ()
    %mul3A_29 = arith.constant 3125 : i32
    %mul3A_30 = arith.muli %arg1, %mul3A_29 : i32
    %add3A_31 = arith.constant 875 : i32
    %add3A_32 = arith.addi %mul3A_30, %add3A_31 : i32
    "tpu.region"() ({
      %run_scoped3A = tpu.sem_alloc : memref<!tpu.dma_semaphore, #tpu.memory_space<semaphore_mem>>
      %dma_start3A_227 = arith.constant 0 : i32
      %dma_start3A_228 = tpu.memref_slice %arg11[%add3A_32, %dma_start3A_227] : memref<50000x32xf32, #tpu.memory_space<vmem_shared>> -> memref<125x32xf32, #tpu.memory_space<vmem_shared>>
      %dma_start3A_229 = arith.constant 0 : i32
      %dma_start3A_230 = tpu.memref_slice %arg11[%add3A_32, %dma_start3A_229] : memref<50000x32xf32, #tpu.memory_space<vmem_shared>> -> memref<125x32xf32, #tpu.memory_space<vmem_shared>>
      tpu.enqueue_dma source(%arg10 : memref<125x32xf32, #tpu.memory_space<vmem>>) target(%dma_start3A_230 : memref<125x32xf32, #tpu.memory_space<vmem_shared>>) target_semaphore(%run_scoped3A : memref<!tpu.dma_semaphore, #tpu.memory_space<semaphore_mem>>)
      %dma_wait3A_231 = arith.constant 0 : i32
      %dma_wait3A_232 = tpu.memref_slice %arg11[%add3A_32, %dma_wait3A_231] : memref<50000x32xf32, #tpu.memory_space<vmem_shared>> -> memref<125x32xf32, #tpu.memory_space<vmem_shared>>
      %dma_wait3A_233 = arith.constant 0 : i32
      %dma_wait3A_234 = tpu.memref_slice %arg11[%add3A_32, %dma_wait3A_233] : memref<50000x32xf32, #tpu.memory_space<vmem_shared>> -> memref<125x32xf32, #tpu.memory_space<vmem_shared>>
      tpu.wait_dma2 semaphore(%run_scoped3A : memref<!tpu.dma_semaphore, #tpu.memory_space<semaphore_mem>>) src(%arg10 : memref<125x32xf32, #tpu.memory_space<vmem>>) dst(%dma_wait3A_234 : memref<125x32xf32, #tpu.memory_space<vmem_shared>>)
      tpu.yield
    }) : () -> ()
    %mul3A_33 = arith.constant 3125 : i32
    %mul3A_34 = arith.muli %arg1, %mul3A_33 : i32
    %add3A_35 = arith.constant 1000 : i32
    %add3A_36 = arith.addi %mul3A_34, %add3A_35 : i32
    "tpu.region"() ({
      %run_scoped3A = tpu.sem_alloc : memref<!tpu.dma_semaphore, #tpu.memory_space<semaphore_mem>>
      %dma_start3A_227 = arith.constant 0 : i32
      %dma_start3A_228 = tpu.memref_slice %arg11[%add3A_36, %dma_start3A_227] : memref<50000x32xf32, #tpu.memory_space<vmem_shared>> -> memref<125x32xf32, #tpu.memory_space<vmem_shared>>
      %dma_start3A_229 = arith.constant 0 : i32
      %dma_start3A_230 = tpu.memref_slice %arg11[%add3A_36, %dma_start3A_229] : memref<50000x32xf32, #tpu.memory_space<vmem_shared>> -> memref<125x32xf32, #tpu.memory_space<vmem_shared>>
      tpu.enqueue_dma source(%arg10 : memref<125x32xf32, #tpu.memory_space<vmem>>) target(%dma_start3A_230 : memref<125x32xf32, #tpu.memory_space<vmem_shared>>) target_semaphore(%run_scoped3A : memref<!tpu.dma_semaphore, #tpu.memory_space<semaphore_mem>>)
      %dma_wait3A_231 = arith.constant 0 : i32
      %dma_wait3A_232 = tpu.memref_slice %arg11[%add3A_36, %dma_wait3A_231] : memref<50000x32xf32, #tpu.memory_space<vmem_shared>> -> memref<125x32xf32, #tpu.memory_space<vmem_shared>>
      %dma_wait3A_233 = arith.constant 0 : i32
      %dma_wait3A_234 = tpu.memref_slice %arg11[%add3A_36, %dma_wait3A_233] : memref<50000x32xf32, #tpu.memory_space<vmem_shared>> -> memref<125x32xf32, #tpu.memory_space<vmem_shared>>
      tpu.wait_dma2 semaphore(%run_scoped3A : memref<!tpu.dma_semaphore, #tpu.memory_space<semaphore_mem>>) src(%arg10 : memref<125x32xf32, #tpu.memory_space<vmem>>) dst(%dma_wait3A_234 : memref<125x32xf32, #tpu.memory_space<vmem_shared>>)
      tpu.yield
    }) : () -> ()
    %mul3A_37 = arith.constant 3125 : i32
    %mul3A_38 = arith.muli %arg1, %mul3A_37 : i32
    %add3A_39 = arith.constant 1125 : i32
    %add3A_40 = arith.addi %mul3A_38, %add3A_39 : i32
    "tpu.region"() ({
      %run_scoped3A = tpu.sem_alloc : memref<!tpu.dma_semaphore, #tpu.memory_space<semaphore_mem>>
      %dma_start3A_227 = arith.constant 0 : i32
      %dma_start3A_228 = tpu.memref_slice %arg11[%add3A_40, %dma_start3A_227] : memref<50000x32xf32, #tpu.memory_space<vmem_shared>> -> memref<125x32xf32, #tpu.memory_space<vmem_shared>>
      %dma_start3A_229 = arith.constant 0 : i32
      %dma_start3A_230 = tpu.memref_slice %arg11[%add3A_40, %dma_start3A_229] : memref<50000x32xf32, #tpu.memory_space<vmem_shared>> -> memref<125x32xf32, #tpu.memory_space<vmem_shared>>
      tpu.enqueue_dma source(%arg10 : memref<125x32xf32, #tpu.memory_space<vmem>>) target(%dma_start3A_230 : memref<125x32xf32, #tpu.memory_space<vmem_shared>>) target_semaphore(%run_scoped3A : memref<!tpu.dma_semaphore, #tpu.memory_space<semaphore_mem>>)
      %dma_wait3A_231 = arith.constant 0 : i32
      %dma_wait3A_232 = tpu.memref_slice %arg11[%add3A_40, %dma_wait3A_231] : memref<50000x32xf32, #tpu.memory_space<vmem_shared>> -> memref<125x32xf32, #tpu.memory_space<vmem_shared>>
      %dma_wait3A_233 = arith.constant 0 : i32
      %dma_wait3A_234 = tpu.memref_slice %arg11[%add3A_40, %dma_wait3A_233] : memref<50000x32xf32, #tpu.memory_space<vmem_shared>> -> memref<125x32xf32, #tpu.memory_space<vmem_shared>>
      tpu.wait_dma2 semaphore(%run_scoped3A : memref<!tpu.dma_semaphore, #tpu.memory_space<semaphore_mem>>) src(%arg10 : memref<125x32xf32, #tpu.memory_space<vmem>>) dst(%dma_wait3A_234 : memref<125x32xf32, #tpu.memory_space<vmem_shared>>)
      tpu.yield
    }) : () -> ()
    %mul3A_41 = arith.constant 3125 : i32
    %mul3A_42 = arith.muli %arg1, %mul3A_41 : i32
    %add3A_43 = arith.constant 1250 : i32
    %add3A_44 = arith.addi %mul3A_42, %add3A_43 : i32
    "tpu.region"() ({
      %run_scoped3A = tpu.sem_alloc : memref<!tpu.dma_semaphore, #tpu.memory_space<semaphore_mem>>
      %dma_start3A_227 = arith.constant 0 : i32
      %dma_start3A_228 = tpu.memref_slice %arg11[%add3A_44, %dma_start3A_227] : memref<50000x32xf32, #tpu.memory_space<vmem_shared>> -> memref<125x32xf32, #tpu.memory_space<vmem_shared>>
      %dma_start3A_229 = arith.constant 0 : i32
      %dma_start3A_230 = tpu.memref_slice %arg11[%add3A_44, %dma_start3A_229] : memref<50000x32xf32, #tpu.memory_space<vmem_shared>> -> memref<125x32xf32, #tpu.memory_space<vmem_shared>>
      tpu.enqueue_dma source(%arg10 : memref<125x32xf32, #tpu.memory_space<vmem>>) target(%dma_start3A_230 : memref<125x32xf32, #tpu.memory_space<vmem_shared>>) target_semaphore(%run_scoped3A : memref<!tpu.dma_semaphore, #tpu.memory_space<semaphore_mem>>)
      %dma_wait3A_231 = arith.constant 0 : i32
      %dma_wait3A_232 = tpu.memref_slice %arg11[%add3A_44, %dma_wait3A_231] : memref<50000x32xf32, #tpu.memory_space<vmem_shared>> -> memref<125x32xf32, #tpu.memory_space<vmem_shared>>
      %dma_wait3A_233 = arith.constant 0 : i32
      %dma_wait3A_234 = tpu.memref_slice %arg11[%add3A_44, %dma_wait3A_233] : memref<50000x32xf32, #tpu.memory_space<vmem_shared>> -> memref<125x32xf32, #tpu.memory_space<vmem_shared>>
      tpu.wait_dma2 semaphore(%run_scoped3A : memref<!tpu.dma_semaphore, #tpu.memory_space<semaphore_mem>>) src(%arg10 : memref<125x32xf32, #tpu.memory_space<vmem>>) dst(%dma_wait3A_234 : memref<125x32xf32, #tpu.memory_space<vmem_shared>>)
      tpu.yield
    }) : () -> ()
    %mul3A_45 = arith.constant 3125 : i32
    %mul3A_46 = arith.muli %arg1, %mul3A_45 : i32
    %add3A_47 = arith.constant 1375 : i32
    %add3A_48 = arith.addi %mul3A_46, %add3A_47 : i32
    "tpu.region"() ({
      %run_scoped3A = tpu.sem_alloc : memref<!tpu.dma_semaphore, #tpu.memory_space<semaphore_mem>>
      %dma_start3A_227 = arith.constant 0 : i32
      %dma_start3A_228 = tpu.memref_slice %arg11[%add3A_48, %dma_start3A_227] : memref<50000x32xf32, #tpu.memory_space<vmem_shared>> -> memref<125x32xf32, #tpu.memory_space<vmem_shared>>
      %dma_start3A_229 = arith.constant 0 : i32
      %dma_start3A_230 = tpu.memref_slice %arg11[%add3A_48, %dma_start3A_229] : memref<50000x32xf32, #tpu.memory_space<vmem_shared>> -> memref<125x32xf32, #tpu.memory_space<vmem_shared>>
      tpu.enqueue_dma source(%arg10 : memref<125x32xf32, #tpu.memory_space<vmem>>) target(%dma_start3A_230 : memref<125x32xf32, #tpu.memory_space<vmem_shared>>) target_semaphore(%run_scoped3A : memref<!tpu.dma_semaphore, #tpu.memory_space<semaphore_mem>>)
      %dma_wait3A_231 = arith.constant 0 : i32
      %dma_wait3A_232 = tpu.memref_slice %arg11[%add3A_48, %dma_wait3A_231] : memref<50000x32xf32, #tpu.memory_space<vmem_shared>> -> memref<125x32xf32, #tpu.memory_space<vmem_shared>>
      %dma_wait3A_233 = arith.constant 0 : i32
      %dma_wait3A_234 = tpu.memref_slice %arg11[%add3A_48, %dma_wait3A_233] : memref<50000x32xf32, #tpu.memory_space<vmem_shared>> -> memref<125x32xf32, #tpu.memory_space<vmem_shared>>
      tpu.wait_dma2 semaphore(%run_scoped3A : memref<!tpu.dma_semaphore, #tpu.memory_space<semaphore_mem>>) src(%arg10 : memref<125x32xf32, #tpu.memory_space<vmem>>) dst(%dma_wait3A_234 : memref<125x32xf32, #tpu.memory_space<vmem_shared>>)
      tpu.yield
    }) : () -> ()
    %mul3A_49 = arith.constant 3125 : i32
    %mul3A_50 = arith.muli %arg1, %mul3A_49 : i32
    %add3A_51 = arith.constant 1500 : i32
    %add3A_52 = arith.addi %mul3A_50, %add3A_51 : i32
    "tpu.region"() ({
      %run_scoped3A = tpu.sem_alloc : memref<!tpu.dma_semaphore, #tpu.memory_space<semaphore_mem>>
      %dma_start3A_227 = arith.constant 0 : i32
      %dma_start3A_228 = tpu.memref_slice %arg11[%add3A_52, %dma_start3A_227] : memref<50000x32xf32, #tpu.memory_space<vmem_shared>> -> memref<125x32xf32, #tpu.memory_space<vmem_shared>>
      %dma_start3A_229 = arith.constant 0 : i32
      %dma_start3A_230 = tpu.memref_slice %arg11[%add3A_52, %dma_start3A_229] : memref<50000x32xf32, #tpu.memory_space<vmem_shared>> -> memref<125x32xf32, #tpu.memory_space<vmem_shared>>
      tpu.enqueue_dma source(%arg10 : memref<125x32xf32, #tpu.memory_space<vmem>>) target(%dma_start3A_230 : memref<125x32xf32, #tpu.memory_space<vmem_shared>>) target_semaphore(%run_scoped3A : memref<!tpu.dma_semaphore, #tpu.memory_space<semaphore_mem>>)
      %dma_wait3A_231 = arith.constant 0 : i32
      %dma_wait3A_232 = tpu.memref_slice %arg11[%add3A_52, %dma_wait3A_231] : memref<50000x32xf32, #tpu.memory_space<vmem_shared>> -> memref<125x32xf32, #tpu.memory_space<vmem_shared>>
      %dma_wait3A_233 = arith.constant 0 : i32
      %dma_wait3A_234 = tpu.memref_slice %arg11[%add3A_52, %dma_wait3A_233] : memref<50000x32xf32, #tpu.memory_space<vmem_shared>> -> memref<125x32xf32, #tpu.memory_space<vmem_shared>>
      tpu.wait_dma2 semaphore(%run_scoped3A : memref<!tpu.dma_semaphore, #tpu.memory_space<semaphore_mem>>) src(%arg10 : memref<125x32xf32, #tpu.memory_space<vmem>>) dst(%dma_wait3A_234 : memref<125x32xf32, #tpu.memory_space<vmem_shared>>)
      tpu.yield
    }) : () -> ()
    %mul3A_53 = arith.constant 3125 : i32
    %mul3A_54 = arith.muli %arg1, %mul3A_53 : i32
    %add3A_55 = arith.constant 1625 : i32
    %add3A_56 = arith.addi %mul3A_54, %add3A_55 : i32
    "tpu.region"() ({
      %run_scoped3A = tpu.sem_alloc : memref<!tpu.dma_semaphore, #tpu.memory_space<semaphore_mem>>
      %dma_start3A_227 = arith.constant 0 : i32
      %dma_start3A_228 = tpu.memref_slice %arg11[%add3A_56, %dma_start3A_227] : memref<50000x32xf32, #tpu.memory_space<vmem_shared>> -> memref<125x32xf32, #tpu.memory_space<vmem_shared>>
      %dma_start3A_229 = arith.constant 0 : i32
      %dma_start3A_230 = tpu.memref_slice %arg11[%add3A_56, %dma_start3A_229] : memref<50000x32xf32, #tpu.memory_space<vmem_shared>> -> memref<125x32xf32, #tpu.memory_space<vmem_shared>>
      tpu.enqueue_dma source(%arg10 : memref<125x32xf32, #tpu.memory_space<vmem>>) target(%dma_start3A_230 : memref<125x32xf32, #tpu.memory_space<vmem_shared>>) target_semaphore(%run_scoped3A : memref<!tpu.dma_semaphore, #tpu.memory_space<semaphore_mem>>)
      %dma_wait3A_231 = arith.constant 0 : i32
      %dma_wait3A_232 = tpu.memref_slice %arg11[%add3A_56, %dma_wait3A_231] : memref<50000x32xf32, #tpu.memory_space<vmem_shared>> -> memref<125x32xf32, #tpu.memory_space<vmem_shared>>
      %dma_wait3A_233 = arith.constant 0 : i32
      %dma_wait3A_234 = tpu.memref_slice %arg11[%add3A_56, %dma_wait3A_233] : memref<50000x32xf32, #tpu.memory_space<vmem_shared>> -> memref<125x32xf32, #tpu.memory_space<vmem_shared>>
      tpu.wait_dma2 semaphore(%run_scoped3A : memref<!tpu.dma_semaphore, #tpu.memory_space<semaphore_mem>>) src(%arg10 : memref<125x32xf32, #tpu.memory_space<vmem>>) dst(%dma_wait3A_234 : memref<125x32xf32, #tpu.memory_space<vmem_shared>>)
      tpu.yield
    }) : () -> ()
    %mul3A_57 = arith.constant 3125 : i32
    %mul3A_58 = arith.muli %arg1, %mul3A_57 : i32
    %add3A_59 = arith.constant 1750 : i32
    %add3A_60 = arith.addi %mul3A_58, %add3A_59 : i32
    "tpu.region"() ({
      %run_scoped3A = tpu.sem_alloc : memref<!tpu.dma_semaphore, #tpu.memory_space<semaphore_mem>>
      %dma_start3A_227 = arith.constant 0 : i32
      %dma_start3A_228 = tpu.memref_slice %arg11[%add3A_60, %dma_start3A_227] : memref<50000x32xf32, #tpu.memory_space<vmem_shared>> -> memref<125x32xf32, #tpu.memory_space<vmem_shared>>
      %dma_start3A_229 = arith.constant 0 : i32
      %dma_start3A_230 = tpu.memref_slice %arg11[%add3A_60, %dma_start3A_229] : memref<50000x32xf32, #tpu.memory_space<vmem_shared>> -> memref<125x32xf32, #tpu.memory_space<vmem_shared>>
      tpu.enqueue_dma source(%arg10 : memref<125x32xf32, #tpu.memory_space<vmem>>) target(%dma_start3A_230 : memref<125x32xf32, #tpu.memory_space<vmem_shared>>) target_semaphore(%run_scoped3A : memref<!tpu.dma_semaphore, #tpu.memory_space<semaphore_mem>>)
      %dma_wait3A_231 = arith.constant 0 : i32
      %dma_wait3A_232 = tpu.memref_slice %arg11[%add3A_60, %dma_wait3A_231] : memref<50000x32xf32, #tpu.memory_space<vmem_shared>> -> memref<125x32xf32, #tpu.memory_space<vmem_shared>>
      %dma_wait3A_233 = arith.constant 0 : i32
      %dma_wait3A_234 = tpu.memref_slice %arg11[%add3A_60, %dma_wait3A_233] : memref<50000x32xf32, #tpu.memory_space<vmem_shared>> -> memref<125x32xf32, #tpu.memory_space<vmem_shared>>
      tpu.wait_dma2 semaphore(%run_scoped3A : memref<!tpu.dma_semaphore, #tpu.memory_space<semaphore_mem>>) src(%arg10 : memref<125x32xf32, #tpu.memory_space<vmem>>) dst(%dma_wait3A_234 : memref<125x32xf32, #tpu.memory_space<vmem_shared>>)
      tpu.yield
    }) : () -> ()
    %mul3A_61 = arith.constant 3125 : i32
    %mul3A_62 = arith.muli %arg1, %mul3A_61 : i32
    %add3A_63 = arith.constant 1875 : i32
    %add3A_64 = arith.addi %mul3A_62, %add3A_63 : i32
    "tpu.region"() ({
      %run_scoped3A = tpu.sem_alloc : memref<!tpu.dma_semaphore, #tpu.memory_space<semaphore_mem>>
      %dma_start3A_227 = arith.constant 0 : i32
      %dma_start3A_228 = tpu.memref_slice %arg11[%add3A_64, %dma_start3A_227] : memref<50000x32xf32, #tpu.memory_space<vmem_shared>> -> memref<125x32xf32, #tpu.memory_space<vmem_shared>>
      %dma_start3A_229 = arith.constant 0 : i32
      %dma_start3A_230 = tpu.memref_slice %arg11[%add3A_64, %dma_start3A_229] : memref<50000x32xf32, #tpu.memory_space<vmem_shared>> -> memref<125x32xf32, #tpu.memory_space<vmem_shared>>
      tpu.enqueue_dma source(%arg10 : memref<125x32xf32, #tpu.memory_space<vmem>>) target(%dma_start3A_230 : memref<125x32xf32, #tpu.memory_space<vmem_shared>>) target_semaphore(%run_scoped3A : memref<!tpu.dma_semaphore, #tpu.memory_space<semaphore_mem>>)
      %dma_wait3A_231 = arith.constant 0 : i32
      %dma_wait3A_232 = tpu.memref_slice %arg11[%add3A_64, %dma_wait3A_231] : memref<50000x32xf32, #tpu.memory_space<vmem_shared>> -> memref<125x32xf32, #tpu.memory_space<vmem_shared>>
      %dma_wait3A_233 = arith.constant 0 : i32
      %dma_wait3A_234 = tpu.memref_slice %arg11[%add3A_64, %dma_wait3A_233] : memref<50000x32xf32, #tpu.memory_space<vmem_shared>> -> memref<125x32xf32, #tpu.memory_space<vmem_shared>>
      tpu.wait_dma2 semaphore(%run_scoped3A : memref<!tpu.dma_semaphore, #tpu.memory_space<semaphore_mem>>) src(%arg10 : memref<125x32xf32, #tpu.memory_space<vmem>>) dst(%dma_wait3A_234 : memref<125x32xf32, #tpu.memory_space<vmem_shared>>)
      tpu.yield
    }) : () -> ()
    %mul3A_65 = arith.constant 3125 : i32
    %mul3A_66 = arith.muli %arg1, %mul3A_65 : i32
    %add3A_67 = arith.constant 2000 : i32
    %add3A_68 = arith.addi %mul3A_66, %add3A_67 : i32
    "tpu.region"() ({
      %run_scoped3A = tpu.sem_alloc : memref<!tpu.dma_semaphore, #tpu.memory_space<semaphore_mem>>
      %dma_start3A_227 = arith.constant 0 : i32
      %dma_start3A_228 = tpu.memref_slice %arg11[%add3A_68, %dma_start3A_227] : memref<50000x32xf32, #tpu.memory_space<vmem_shared>> -> memref<125x32xf32, #tpu.memory_space<vmem_shared>>
      %dma_start3A_229 = arith.constant 0 : i32
      %dma_start3A_230 = tpu.memref_slice %arg11[%add3A_68, %dma_start3A_229] : memref<50000x32xf32, #tpu.memory_space<vmem_shared>> -> memref<125x32xf32, #tpu.memory_space<vmem_shared>>
      tpu.enqueue_dma source(%arg10 : memref<125x32xf32, #tpu.memory_space<vmem>>) target(%dma_start3A_230 : memref<125x32xf32, #tpu.memory_space<vmem_shared>>) target_semaphore(%run_scoped3A : memref<!tpu.dma_semaphore, #tpu.memory_space<semaphore_mem>>)
      %dma_wait3A_231 = arith.constant 0 : i32
      %dma_wait3A_232 = tpu.memref_slice %arg11[%add3A_68, %dma_wait3A_231] : memref<50000x32xf32, #tpu.memory_space<vmem_shared>> -> memref<125x32xf32, #tpu.memory_space<vmem_shared>>
      %dma_wait3A_233 = arith.constant 0 : i32
      %dma_wait3A_234 = tpu.memref_slice %arg11[%add3A_68, %dma_wait3A_233] : memref<50000x32xf32, #tpu.memory_space<vmem_shared>> -> memref<125x32xf32, #tpu.memory_space<vmem_shared>>
      tpu.wait_dma2 semaphore(%run_scoped3A : memref<!tpu.dma_semaphore, #tpu.memory_space<semaphore_mem>>) src(%arg10 : memref<125x32xf32, #tpu.memory_space<vmem>>) dst(%dma_wait3A_234 : memref<125x32xf32, #tpu.memory_space<vmem_shared>>)
      tpu.yield
    }) : () -> ()
    %mul3A_69 = arith.constant 3125 : i32
    %mul3A_70 = arith.muli %arg1, %mul3A_69 : i32
    %add3A_71 = arith.constant 2125 : i32
    %add3A_72 = arith.addi %mul3A_70, %add3A_71 : i32
    "tpu.region"() ({
      %run_scoped3A = tpu.sem_alloc : memref<!tpu.dma_semaphore, #tpu.memory_space<semaphore_mem>>
      %dma_start3A_227 = arith.constant 0 : i32
      %dma_start3A_228 = tpu.memref_slice %arg11[%add3A_72, %dma_start3A_227] : memref<50000x32xf32, #tpu.memory_space<vmem_shared>> -> memref<125x32xf32, #tpu.memory_space<vmem_shared>>
      %dma_start3A_229 = arith.constant 0 : i32
      %dma_start3A_230 = tpu.memref_slice %arg11[%add3A_72, %dma_start3A_229] : memref<50000x32xf32, #tpu.memory_space<vmem_shared>> -> memref<125x32xf32, #tpu.memory_space<vmem_shared>>
      tpu.enqueue_dma source(%arg10 : memref<125x32xf32, #tpu.memory_space<vmem>>) target(%dma_start3A_230 : memref<125x32xf32, #tpu.memory_space<vmem_shared>>) target_semaphore(%run_scoped3A : memref<!tpu.dma_semaphore, #tpu.memory_space<semaphore_mem>>)
      %dma_wait3A_231 = arith.constant 0 : i32
      %dma_wait3A_232 = tpu.memref_slice %arg11[%add3A_72, %dma_wait3A_231] : memref<50000x32xf32, #tpu.memory_space<vmem_shared>> -> memref<125x32xf32, #tpu.memory_space<vmem_shared>>
      %dma_wait3A_233 = arith.constant 0 : i32
      %dma_wait3A_234 = tpu.memref_slice %arg11[%add3A_72, %dma_wait3A_233] : memref<50000x32xf32, #tpu.memory_space<vmem_shared>> -> memref<125x32xf32, #tpu.memory_space<vmem_shared>>
      tpu.wait_dma2 semaphore(%run_scoped3A : memref<!tpu.dma_semaphore, #tpu.memory_space<semaphore_mem>>) src(%arg10 : memref<125x32xf32, #tpu.memory_space<vmem>>) dst(%dma_wait3A_234 : memref<125x32xf32, #tpu.memory_space<vmem_shared>>)
      tpu.yield
    }) : () -> ()
    %mul3A_73 = arith.constant 3125 : i32
    %mul3A_74 = arith.muli %arg1, %mul3A_73 : i32
    %add3A_75 = arith.constant 2250 : i32
    %add3A_76 = arith.addi %mul3A_74, %add3A_75 : i32
    "tpu.region"() ({
      %run_scoped3A = tpu.sem_alloc : memref<!tpu.dma_semaphore, #tpu.memory_space<semaphore_mem>>
      %dma_start3A_227 = arith.constant 0 : i32
      %dma_start3A_228 = tpu.memref_slice %arg11[%add3A_76, %dma_start3A_227] : memref<50000x32xf32, #tpu.memory_space<vmem_shared>> -> memref<125x32xf32, #tpu.memory_space<vmem_shared>>
      %dma_start3A_229 = arith.constant 0 : i32
      %dma_start3A_230 = tpu.memref_slice %arg11[%add3A_76, %dma_start3A_229] : memref<50000x32xf32, #tpu.memory_space<vmem_shared>> -> memref<125x32xf32, #tpu.memory_space<vmem_shared>>
      tpu.enqueue_dma source(%arg10 : memref<125x32xf32, #tpu.memory_space<vmem>>) target(%dma_start3A_230 : memref<125x32xf32, #tpu.memory_space<vmem_shared>>) target_semaphore(%run_scoped3A : memref<!tpu.dma_semaphore, #tpu.memory_space<semaphore_mem>>)
      %dma_wait3A_231 = arith.constant 0 : i32
      %dma_wait3A_232 = tpu.memref_slice %arg11[%add3A_76, %dma_wait3A_231] : memref<50000x32xf32, #tpu.memory_space<vmem_shared>> -> memref<125x32xf32, #tpu.memory_space<vmem_shared>>
      %dma_wait3A_233 = arith.constant 0 : i32
      %dma_wait3A_234 = tpu.memref_slice %arg11[%add3A_76, %dma_wait3A_233] : memref<50000x32xf32, #tpu.memory_space<vmem_shared>> -> memref<125x32xf32, #tpu.memory_space<vmem_shared>>
      tpu.wait_dma2 semaphore(%run_scoped3A : memref<!tpu.dma_semaphore, #tpu.memory_space<semaphore_mem>>) src(%arg10 : memref<125x32xf32, #tpu.memory_space<vmem>>) dst(%dma_wait3A_234 : memref<125x32xf32, #tpu.memory_space<vmem_shared>>)
      tpu.yield
    }) : () -> ()
    %mul3A_77 = arith.constant 3125 : i32
    %mul3A_78 = arith.muli %arg1, %mul3A_77 : i32
    %add3A_79 = arith.constant 2375 : i32
    %add3A_80 = arith.addi %mul3A_78, %add3A_79 : i32
    "tpu.region"() ({
      %run_scoped3A = tpu.sem_alloc : memref<!tpu.dma_semaphore, #tpu.memory_space<semaphore_mem>>
      %dma_start3A_227 = arith.constant 0 : i32
      %dma_start3A_228 = tpu.memref_slice %arg11[%add3A_80, %dma_start3A_227] : memref<50000x32xf32, #tpu.memory_space<vmem_shared>> -> memref<125x32xf32, #tpu.memory_space<vmem_shared>>
      %dma_start3A_229 = arith.constant 0 : i32
      %dma_start3A_230 = tpu.memref_slice %arg11[%add3A_80, %dma_start3A_229] : memref<50000x32xf32, #tpu.memory_space<vmem_shared>> -> memref<125x32xf32, #tpu.memory_space<vmem_shared>>
      tpu.enqueue_dma source(%arg10 : memref<125x32xf32, #tpu.memory_space<vmem>>) target(%dma_start3A_230 : memref<125x32xf32, #tpu.memory_space<vmem_shared>>) target_semaphore(%run_scoped3A : memref<!tpu.dma_semaphore, #tpu.memory_space<semaphore_mem>>)
      %dma_wait3A_231 = arith.constant 0 : i32
      %dma_wait3A_232 = tpu.memref_slice %arg11[%add3A_80, %dma_wait3A_231] : memref<50000x32xf32, #tpu.memory_space<vmem_shared>> -> memref<125x32xf32, #tpu.memory_space<vmem_shared>>
      %dma_wait3A_233 = arith.constant 0 : i32
      %dma_wait3A_234 = tpu.memref_slice %arg11[%add3A_80, %dma_wait3A_233] : memref<50000x32xf32, #tpu.memory_space<vmem_shared>> -> memref<125x32xf32, #tpu.memory_space<vmem_shared>>
      tpu.wait_dma2 semaphore(%run_scoped3A : memref<!tpu.dma_semaphore, #tpu.memory_space<semaphore_mem>>) src(%arg10 : memref<125x32xf32, #tpu.memory_space<vmem>>) dst(%dma_wait3A_234 : memref<125x32xf32, #tpu.memory_space<vmem_shared>>)
      tpu.yield
    }) : () -> ()
    %mul3A_81 = arith.constant 3125 : i32
    %mul3A_82 = arith.muli %arg1, %mul3A_81 : i32
    %add3A_83 = arith.constant 2500 : i32
    %add3A_84 = arith.addi %mul3A_82, %add3A_83 : i32
    "tpu.region"() ({
      %run_scoped3A = tpu.sem_alloc : memref<!tpu.dma_semaphore, #tpu.memory_space<semaphore_mem>>
      %dma_start3A_227 = arith.constant 0 : i32
      %dma_start3A_228 = tpu.memref_slice %arg11[%add3A_84, %dma_start3A_227] : memref<50000x32xf32, #tpu.memory_space<vmem_shared>> -> memref<125x32xf32, #tpu.memory_space<vmem_shared>>
      %dma_start3A_229 = arith.constant 0 : i32
      %dma_start3A_230 = tpu.memref_slice %arg11[%add3A_84, %dma_start3A_229] : memref<50000x32xf32, #tpu.memory_space<vmem_shared>> -> memref<125x32xf32, #tpu.memory_space<vmem_shared>>
      tpu.enqueue_dma source(%arg10 : memref<125x32xf32, #tpu.memory_space<vmem>>) target(%dma_start3A_230 : memref<125x32xf32, #tpu.memory_space<vmem_shared>>) target_semaphore(%run_scoped3A : memref<!tpu.dma_semaphore, #tpu.memory_space<semaphore_mem>>)
      %dma_wait3A_231 = arith.constant 0 : i32
      %dma_wait3A_232 = tpu.memref_slice %arg11[%add3A_84, %dma_wait3A_231] : memref<50000x32xf32, #tpu.memory_space<vmem_shared>> -> memref<125x32xf32, #tpu.memory_space<vmem_shared>>
      %dma_wait3A_233 = arith.constant 0 : i32
      %dma_wait3A_234 = tpu.memref_slice %arg11[%add3A_84, %dma_wait3A_233] : memref<50000x32xf32, #tpu.memory_space<vmem_shared>> -> memref<125x32xf32, #tpu.memory_space<vmem_shared>>
      tpu.wait_dma2 semaphore(%run_scoped3A : memref<!tpu.dma_semaphore, #tpu.memory_space<semaphore_mem>>) src(%arg10 : memref<125x32xf32, #tpu.memory_space<vmem>>) dst(%dma_wait3A_234 : memref<125x32xf32, #tpu.memory_space<vmem_shared>>)
      tpu.yield
    }) : () -> ()
    %mul3A_85 = arith.constant 3125 : i32
    %mul3A_86 = arith.muli %arg1, %mul3A_85 : i32
    %add3A_87 = arith.constant 2625 : i32
    %add3A_88 = arith.addi %mul3A_86, %add3A_87 : i32
    "tpu.region"() ({
      %run_scoped3A = tpu.sem_alloc : memref<!tpu.dma_semaphore, #tpu.memory_space<semaphore_mem>>
      %dma_start3A_227 = arith.constant 0 : i32
      %dma_start3A_228 = tpu.memref_slice %arg11[%add3A_88, %dma_start3A_227] : memref<50000x32xf32, #tpu.memory_space<vmem_shared>> -> memref<125x32xf32, #tpu.memory_space<vmem_shared>>
      %dma_start3A_229 = arith.constant 0 : i32
      %dma_start3A_230 = tpu.memref_slice %arg11[%add3A_88, %dma_start3A_229] : memref<50000x32xf32, #tpu.memory_space<vmem_shared>> -> memref<125x32xf32, #tpu.memory_space<vmem_shared>>
      tpu.enqueue_dma source(%arg10 : memref<125x32xf32, #tpu.memory_space<vmem>>) target(%dma_start3A_230 : memref<125x32xf32, #tpu.memory_space<vmem_shared>>) target_semaphore(%run_scoped3A : memref<!tpu.dma_semaphore, #tpu.memory_space<semaphore_mem>>)
      %dma_wait3A_231 = arith.constant 0 : i32
      %dma_wait3A_232 = tpu.memref_slice %arg11[%add3A_88, %dma_wait3A_231] : memref<50000x32xf32, #tpu.memory_space<vmem_shared>> -> memref<125x32xf32, #tpu.memory_space<vmem_shared>>
      %dma_wait3A_233 = arith.constant 0 : i32
      %dma_wait3A_234 = tpu.memref_slice %arg11[%add3A_88, %dma_wait3A_233] : memref<50000x32xf32, #tpu.memory_space<vmem_shared>> -> memref<125x32xf32, #tpu.memory_space<vmem_shared>>
      tpu.wait_dma2 semaphore(%run_scoped3A : memref<!tpu.dma_semaphore, #tpu.memory_space<semaphore_mem>>) src(%arg10 : memref<125x32xf32, #tpu.memory_space<vmem>>) dst(%dma_wait3A_234 : memref<125x32xf32, #tpu.memory_space<vmem_shared>>)
      tpu.yield
    }) : () -> ()
    %mul3A_89 = arith.constant 3125 : i32
    %mul3A_90 = arith.muli %arg1, %mul3A_89 : i32
    %add3A_91 = arith.constant 2750 : i32
    %add3A_92 = arith.addi %mul3A_90, %add3A_91 : i32
    "tpu.region"() ({
      %run_scoped3A = tpu.sem_alloc : memref<!tpu.dma_semaphore, #tpu.memory_space<semaphore_mem>>
      %dma_start3A_227 = arith.constant 0 : i32
      %dma_start3A_228 = tpu.memref_slice %arg11[%add3A_92, %dma_start3A_227] : memref<50000x32xf32, #tpu.memory_space<vmem_shared>> -> memref<125x32xf32, #tpu.memory_space<vmem_shared>>
      %dma_start3A_229 = arith.constant 0 : i32
      %dma_start3A_230 = tpu.memref_slice %arg11[%add3A_92, %dma_start3A_229] : memref<50000x32xf32, #tpu.memory_space<vmem_shared>> -> memref<125x32xf32, #tpu.memory_space<vmem_shared>>
      tpu.enqueue_dma source(%arg10 : memref<125x32xf32, #tpu.memory_space<vmem>>) target(%dma_start3A_230 : memref<125x32xf32, #tpu.memory_space<vmem_shared>>) target_semaphore(%run_scoped3A : memref<!tpu.dma_semaphore, #tpu.memory_space<semaphore_mem>>)
      %dma_wait3A_231 = arith.constant 0 : i32
      %dma_wait3A_232 = tpu.memref_slice %arg11[%add3A_92, %dma_wait3A_231] : memref<50000x32xf32, #tpu.memory_space<vmem_shared>> -> memref<125x32xf32, #tpu.memory_space<vmem_shared>>
      %dma_wait3A_233 = arith.constant 0 : i32
      %dma_wait3A_234 = tpu.memref_slice %arg11[%add3A_92, %dma_wait3A_233] : memref<50000x32xf32, #tpu.memory_space<vmem_shared>> -> memref<125x32xf32, #tpu.memory_space<vmem_shared>>
      tpu.wait_dma2 semaphore(%run_scoped3A : memref<!tpu.dma_semaphore, #tpu.memory_space<semaphore_mem>>) src(%arg10 : memref<125x32xf32, #tpu.memory_space<vmem>>) dst(%dma_wait3A_234 : memref<125x32xf32, #tpu.memory_space<vmem_shared>>)
      tpu.yield
    }) : () -> ()
    %mul3A_93 = arith.constant 3125 : i32
    %mul3A_94 = arith.muli %arg1, %mul3A_93 : i32
    %add3A_95 = arith.constant 2875 : i32
    %add3A_96 = arith.addi %mul3A_94, %add3A_95 : i32
    "tpu.region"() ({
      %run_scoped3A = tpu.sem_alloc : memref<!tpu.dma_semaphore, #tpu.memory_space<semaphore_mem>>
      %dma_start3A_227 = arith.constant 0 : i32
      %dma_start3A_228 = tpu.memref_slice %arg11[%add3A_96, %dma_start3A_227] : memref<50000x32xf32, #tpu.memory_space<vmem_shared>> -> memref<125x32xf32, #tpu.memory_space<vmem_shared>>
      %dma_start3A_229 = arith.constant 0 : i32
      %dma_start3A_230 = tpu.memref_slice %arg11[%add3A_96, %dma_start3A_229] : memref<50000x32xf32, #tpu.memory_space<vmem_shared>> -> memref<125x32xf32, #tpu.memory_space<vmem_shared>>
      tpu.enqueue_dma source(%arg10 : memref<125x32xf32, #tpu.memory_space<vmem>>) target(%dma_start3A_230 : memref<125x32xf32, #tpu.memory_space<vmem_shared>>) target_semaphore(%run_scoped3A : memref<!tpu.dma_semaphore, #tpu.memory_space<semaphore_mem>>)
      %dma_wait3A_231 = arith.constant 0 : i32
      %dma_wait3A_232 = tpu.memref_slice %arg11[%add3A_96, %dma_wait3A_231] : memref<50000x32xf32, #tpu.memory_space<vmem_shared>> -> memref<125x32xf32, #tpu.memory_space<vmem_shared>>
      %dma_wait3A_233 = arith.constant 0 : i32
      %dma_wait3A_234 = tpu.memref_slice %arg11[%add3A_96, %dma_wait3A_233] : memref<50000x32xf32, #tpu.memory_space<vmem_shared>> -> memref<125x32xf32, #tpu.memory_space<vmem_shared>>
      tpu.wait_dma2 semaphore(%run_scoped3A : memref<!tpu.dma_semaphore, #tpu.memory_space<semaphore_mem>>) src(%arg10 : memref<125x32xf32, #tpu.memory_space<vmem>>) dst(%dma_wait3A_234 : memref<125x32xf32, #tpu.memory_space<vmem_shared>>)
      tpu.yield
    }) : () -> ()
    %mul3A_97 = arith.constant 3125 : i32
    %mul3A_98 = arith.muli %arg1, %mul3A_97 : i32
    %add3A_99 = arith.constant 3000 : i32
    %add3A_100 = arith.addi %mul3A_98, %add3A_99 : i32
    "tpu.region"() ({
      %run_scoped3A = tpu.sem_alloc : memref<!tpu.dma_semaphore, #tpu.memory_space<semaphore_mem>>
      %dma_start3A_227 = arith.constant 0 : i32
      %dma_start3A_228 = tpu.memref_slice %arg11[%add3A_100, %dma_start3A_227] : memref<50000x32xf32, #tpu.memory_space<vmem_shared>> -> memref<125x32xf32, #tpu.memory_space<vmem_shared>>
      %dma_start3A_229 = arith.constant 0 : i32
      %dma_start3A_230 = tpu.memref_slice %arg11[%add3A_100, %dma_start3A_229] : memref<50000x32xf32, #tpu.memory_space<vmem_shared>> -> memref<125x32xf32, #tpu.memory_space<vmem_shared>>
      tpu.enqueue_dma source(%arg10 : memref<125x32xf32, #tpu.memory_space<vmem>>) target(%dma_start3A_230 : memref<125x32xf32, #tpu.memory_space<vmem_shared>>) target_semaphore(%run_scoped3A : memref<!tpu.dma_semaphore, #tpu.memory_space<semaphore_mem>>)
      %dma_wait3A_231 = arith.constant 0 : i32
      %dma_wait3A_232 = tpu.memref_slice %arg11[%add3A_100, %dma_wait3A_231] : memref<50000x32xf32, #tpu.memory_space<vmem_shared>> -> memref<125x32xf32, #tpu.memory_space<vmem_shared>>
      %dma_wait3A_233 = arith.constant 0 : i32
      %dma_wait3A_234 = tpu.memref_slice %arg11[%add3A_100, %dma_wait3A_233] : memref<50000x32xf32, #tpu.memory_space<vmem_shared>> -> memref<125x32xf32, #tpu.memory_space<vmem_shared>>
      tpu.wait_dma2 semaphore(%run_scoped3A : memref<!tpu.dma_semaphore, #tpu.memory_space<semaphore_mem>>) src(%arg10 : memref<125x32xf32, #tpu.memory_space<vmem>>) dst(%dma_wait3A_234 : memref<125x32xf32, #tpu.memory_space<vmem_shared>>)
      tpu.yield
    }) : () -> ()
    %barrier3A = arith.constant 0 : index
    tpu.barrier barrier_id(%barrier3A)
    %add3A_101 = arith.constant 0 : i32
    %add3A_102 = arith.addi %add3A, %add3A_101 : i32
    %mul3A_103 = arith.constant 128 : i32
    %mul3A_104 = arith.muli %add3A_102, %mul3A_103 : i32
    %dma_start3A = tpu.memref_slice %arg3[%mul3A_104] : memref<800000xi32, #tpu.memory_space<hbm>> -> memref<128xi32, #tpu.memory_space<hbm>>
    %dma_start3A_105 = tpu.memref_slice %arg3[%mul3A_104] : memref<800000xi32, #tpu.memory_space<hbm>> -> memref<128xi32, #tpu.memory_space<hbm>>
    tpu.enqueue_dma source(%dma_start3A_105 : memref<128xi32, #tpu.memory_space<hbm>>) target(%arg6 : memref<128xi32, #tpu.memory_space<vmem>>) target_semaphore(%arg12 : memref<!tpu.dma_semaphore, #tpu.memory_space<semaphore_mem>>)
    %dma_start3A_106 = arith.constant 0 : i32
    %dma_start3A_107 = tpu.memref_slice %arg2[%mul3A_104, %dma_start3A_106] : memref<800000x32xf32, #tpu.memory_space<hbm>> -> memref<128x32xf32, #tpu.memory_space<hbm>>
    %dma_start3A_108 = arith.constant 0 : i32
    %dma_start3A_109 = tpu.memref_slice %arg2[%mul3A_104, %dma_start3A_108] : memref<800000x32xf32, #tpu.memory_space<hbm>> -> memref<128x32xf32, #tpu.memory_space<hbm>>
    tpu.enqueue_dma source(%dma_start3A_109 : memref<128x32xf32, #tpu.memory_space<hbm>>) target(%arg8 : memref<128x32xf32, #tpu.memory_space<vmem>>) target_semaphore(%arg12 : memref<!tpu.dma_semaphore, #tpu.memory_space<semaphore_mem>>)
    %scan3A = arith.constant 0 : i32
    %scan3A_110 = arith.constant 0 : i32
    %scan3A_111 = arith.constant 97 : i32
    %scan3A_112 = arith.addi %scan3A_110, %scan3A_111 : i32
    %scan3A_113 = arith.constant 1 : i32
    scf.for %scan3A_227 = %scan3A_110 to %scan3A_112 step %scan3A_113  : i32 {
      %mul3A_228 = arith.constant 2 : i32
      %mul3A_229 = arith.muli %mul3A_228, %scan3A_227 : i32
      %add3A_230 = arith.constant 1 : i32
      %add3A_231 = arith.addi %mul3A_229, %add3A_230 : i32
      %mul3A_232 = arith.constant 32 : i32
      %mul3A_233 = arith.muli %add3A_231, %mul3A_232 : i32
      %add3A_234 = arith.addi %add3A, %mul3A_233 : i32
      %mul3A_235 = arith.constant 128 : i32
      %mul3A_236 = arith.muli %add3A_234, %mul3A_235 : i32
      %dma_start3A_237 = tpu.memref_slice %arg3[%mul3A_236] : memref<800000xi32, #tpu.memory_space<hbm>> -> memref<128xi32, #tpu.memory_space<hbm>>
      %dma_start3A_238 = tpu.memref_slice %arg3[%mul3A_236] : memref<800000xi32, #tpu.memory_space<hbm>> -> memref<128xi32, #tpu.memory_space<hbm>>
      tpu.enqueue_dma source(%dma_start3A_238 : memref<128xi32, #tpu.memory_space<hbm>>) target(%arg7 : memref<128xi32, #tpu.memory_space<vmem>>) target_semaphore(%arg13 : memref<!tpu.dma_semaphore, #tpu.memory_space<semaphore_mem>>)
      %dma_start3A_239 = arith.constant 0 : i32
      %dma_start3A_240 = tpu.memref_slice %arg2[%mul3A_236, %dma_start3A_239] : memref<800000x32xf32, #tpu.memory_space<hbm>> -> memref<128x32xf32, #tpu.memory_space<hbm>>
      %dma_start3A_241 = arith.constant 0 : i32
      %dma_start3A_242 = tpu.memref_slice %arg2[%mul3A_236, %dma_start3A_241] : memref<800000x32xf32, #tpu.memory_space<hbm>> -> memref<128x32xf32, #tpu.memory_space<hbm>>
      tpu.enqueue_dma source(%dma_start3A_242 : memref<128x32xf32, #tpu.memory_space<hbm>>) target(%arg9 : memref<128x32xf32, #tpu.memory_space<vmem>>) target_semaphore(%arg13 : memref<!tpu.dma_semaphore, #tpu.memory_space<semaphore_mem>>)
      %dma_wait3A_243 = arith.constant 0 : i32
      %dma_wait3A_244 = tpu.memref_slice %arg3[%dma_wait3A_243] : memref<800000xi32, #tpu.memory_space<hbm>> -> memref<128xi32, #tpu.memory_space<hbm>>
      %dma_wait3A_245 = arith.constant 0 : i32
      %dma_wait3A_246 = tpu.memref_slice %arg3[%dma_wait3A_245] : memref<800000xi32, #tpu.memory_space<hbm>> -> memref<128xi32, #tpu.memory_space<hbm>>
      tpu.wait_dma2 semaphore(%arg12 : memref<!tpu.dma_semaphore, #tpu.memory_space<semaphore_mem>>) src(%dma_wait3A_246 : memref<128xi32, #tpu.memory_space<hbm>>) dst(%arg6 : memref<128xi32, #tpu.memory_space<vmem>>)
      %dma_wait3A_247 = arith.constant 0 : i32
      %dma_wait3A_248 = arith.constant 0 : i32
      %dma_wait3A_249 = tpu.memref_slice %arg2[%dma_wait3A_247, %dma_wait3A_248] : memref<800000x32xf32, #tpu.memory_space<hbm>> -> memref<128x32xf32, #tpu.memory_space<hbm>>
      %dma_wait3A_250 = arith.constant 0 : i32
      %dma_wait3A_251 = arith.constant 0 : i32
      %dma_wait3A_252 = tpu.memref_slice %arg2[%dma_wait3A_250, %dma_wait3A_251] : memref<800000x32xf32, #tpu.memory_space<hbm>> -> memref<128x32xf32, #tpu.memory_space<hbm>>
      tpu.wait_dma2 semaphore(%arg12 : memref<!tpu.dma_semaphore, #tpu.memory_space<semaphore_mem>>) src(%dma_wait3A_252 : memref<128x32xf32, #tpu.memory_space<hbm>>) dst(%arg8 : memref<128x32xf32, #tpu.memory_space<vmem>>)
      "tpu.region"() ({
        %run_scoped3A = tpu.sem_alloc : memref<!tpu.dma_semaphore, #tpu.memory_space<semaphore_mem>>
        %dma_start3A_278 = arith.constant 0 : i32
        %dma_start3A_279 = arith.constant 0 : i32
        %dma_start3A_280 = tpu.memref_slice %arg11[%dma_start3A_278, %dma_start3A_279] : memref<50000x32xf32, #tpu.memory_space<vmem_shared>> -> memref<50000x32xf32, #tpu.memory_space<vmem_shared>>
        tpu.enqueue_indirect_dma source(%arg8 : memref<128x32xf32, #tpu.memory_space<vmem>>) target(%dma_start3A_280 : memref<50000x32xf32, #tpu.memory_space<vmem_shared>>) offsets(%arg6 : memref<128xi32, #tpu.memory_space<vmem>>) semaphore(%run_scoped3A : memref<!tpu.dma_semaphore, #tpu.memory_space<semaphore_mem>>) {add = true}
        %dma_wait3A_281 = arith.constant 0 : i32
        %dma_wait3A_282 = arith.constant 0 : i32
        %dma_wait3A_283 = tpu.memref_slice %arg11[%dma_wait3A_281, %dma_wait3A_282] : memref<50000x32xf32, #tpu.memory_space<vmem_shared>> -> memref<50000x32xf32, #tpu.memory_space<vmem_shared>>
        tpu.wait_indirect_dma semaphore(%run_scoped3A : memref<!tpu.dma_semaphore, #tpu.memory_space<semaphore_mem>>) src(%arg8 : memref<128x32xf32, #tpu.memory_space<vmem>>) dst(%dma_wait3A_283 : memref<50000x32xf32, #tpu.memory_space<vmem_shared>>)
        tpu.yield
      }) : () -> ()
      %mul3A_253 = arith.constant 2 : i32
      %mul3A_254 = arith.muli %mul3A_253, %scan3A_227 : i32
      %add3A_255 = arith.constant 2 : i32
      %add3A_256 = arith.addi %mul3A_254, %add3A_255 : i32
      %mul3A_257 = arith.constant 32 : i32
      %mul3A_258 = arith.muli %add3A_256, %mul3A_257 : i32
      %add3A_259 = arith.addi %add3A, %mul3A_258 : i32
      %mul3A_260 = arith.constant 128 : i32
      %mul3A_261 = arith.muli %add3A_259, %mul3A_260 : i32
      %dma_start3A_262 = tpu.memref_slice %arg3[%mul3A_261] : memref<800000xi32, #tpu.memory_space<hbm>> -> memref<128xi32, #tpu.memory_space<hbm>>
      %dma_start3A_263 = tpu.memref_slice %arg3[%mul3A_261] : memref<800000xi32, #tpu.memory_space<hbm>> -> memref<128xi32, #tpu.memory_space<hbm>>
      tpu.enqueue_dma source(%dma_start3A_263 : memref<128xi32, #tpu.memory_space<hbm>>) target(%arg6 : memref<128xi32, #tpu.memory_space<vmem>>) target_semaphore(%arg12 : memref<!tpu.dma_semaphore, #tpu.memory_space<semaphore_mem>>)
      %dma_start3A_264 = arith.constant 0 : i32
      %dma_start3A_265 = tpu.memref_slice %arg2[%mul3A_261, %dma_start3A_264] : memref<800000x32xf32, #tpu.memory_space<hbm>> -> memref<128x32xf32, #tpu.memory_space<hbm>>
      %dma_start3A_266 = arith.constant 0 : i32
      %dma_start3A_267 = tpu.memref_slice %arg2[%mul3A_261, %dma_start3A_266] : memref<800000x32xf32, #tpu.memory_space<hbm>> -> memref<128x32xf32, #tpu.memory_space<hbm>>
      tpu.enqueue_dma source(%dma_start3A_267 : memref<128x32xf32, #tpu.memory_space<hbm>>) target(%arg8 : memref<128x32xf32, #tpu.memory_space<vmem>>) target_semaphore(%arg12 : memref<!tpu.dma_semaphore, #tpu.memory_space<semaphore_mem>>)
      %dma_wait3A_268 = arith.constant 0 : i32
      %dma_wait3A_269 = tpu.memref_slice %arg3[%dma_wait3A_268] : memref<800000xi32, #tpu.memory_space<hbm>> -> memref<128xi32, #tpu.memory_space<hbm>>
      %dma_wait3A_270 = arith.constant 0 : i32
      %dma_wait3A_271 = tpu.memref_slice %arg3[%dma_wait3A_270] : memref<800000xi32, #tpu.memory_space<hbm>> -> memref<128xi32, #tpu.memory_space<hbm>>
      tpu.wait_dma2 semaphore(%arg13 : memref<!tpu.dma_semaphore, #tpu.memory_space<semaphore_mem>>) src(%dma_wait3A_271 : memref<128xi32, #tpu.memory_space<hbm>>) dst(%arg7 : memref<128xi32, #tpu.memory_space<vmem>>)
      %dma_wait3A_272 = arith.constant 0 : i32
      %dma_wait3A_273 = arith.constant 0 : i32
      %dma_wait3A_274 = tpu.memref_slice %arg2[%dma_wait3A_272, %dma_wait3A_273] : memref<800000x32xf32, #tpu.memory_space<hbm>> -> memref<128x32xf32, #tpu.memory_space<hbm>>
      %dma_wait3A_275 = arith.constant 0 : i32
      %dma_wait3A_276 = arith.constant 0 : i32
      %dma_wait3A_277 = tpu.memref_slice %arg2[%dma_wait3A_275, %dma_wait3A_276] : memref<800000x32xf32, #tpu.memory_space<hbm>> -> memref<128x32xf32, #tpu.memory_space<hbm>>
      tpu.wait_dma2 semaphore(%arg13 : memref<!tpu.dma_semaphore, #tpu.memory_space<semaphore_mem>>) src(%dma_wait3A_277 : memref<128x32xf32, #tpu.memory_space<hbm>>) dst(%arg9 : memref<128x32xf32, #tpu.memory_space<vmem>>)
      "tpu.region"() ({
        %run_scoped3A = tpu.sem_alloc : memref<!tpu.dma_semaphore, #tpu.memory_space<semaphore_mem>>
        %dma_start3A_278 = arith.constant 0 : i32
        %dma_start3A_279 = arith.constant 0 : i32
        %dma_start3A_280 = tpu.memref_slice %arg11[%dma_start3A_278, %dma_start3A_279] : memref<50000x32xf32, #tpu.memory_space<vmem_shared>> -> memref<50000x32xf32, #tpu.memory_space<vmem_shared>>
        tpu.enqueue_indirect_dma source(%arg9 : memref<128x32xf32, #tpu.memory_space<vmem>>) target(%dma_start3A_280 : memref<50000x32xf32, #tpu.memory_space<vmem_shared>>) offsets(%arg7 : memref<128xi32, #tpu.memory_space<vmem>>) semaphore(%run_scoped3A : memref<!tpu.dma_semaphore, #tpu.memory_space<semaphore_mem>>) {add = true}
        %dma_wait3A_281 = arith.constant 0 : i32
        %dma_wait3A_282 = arith.constant 0 : i32
        %dma_wait3A_283 = tpu.memref_slice %arg11[%dma_wait3A_281, %dma_wait3A_282] : memref<50000x32xf32, #tpu.memory_space<vmem_shared>> -> memref<50000x32xf32, #tpu.memory_space<vmem_shared>>
        tpu.wait_indirect_dma semaphore(%run_scoped3A : memref<!tpu.dma_semaphore, #tpu.memory_space<semaphore_mem>>) src(%arg9 : memref<128x32xf32, #tpu.memory_space<vmem>>) dst(%dma_wait3A_283 : memref<50000x32xf32, #tpu.memory_space<vmem_shared>>)
        tpu.yield
      }) : () -> ()
    }
    %scan3A_114 = arith.constant 97 : i32
    %dma_wait3A = arith.constant 0 : i32
    %dma_wait3A_115 = tpu.memref_slice %arg3[%dma_wait3A] : memref<800000xi32, #tpu.memory_space<hbm>> -> memref<128xi32, #tpu.memory_space<hbm>>
    %dma_wait3A_116 = arith.constant 0 : i32
    %dma_wait3A_117 = tpu.memref_slice %arg3[%dma_wait3A_116] : memref<800000xi32, #tpu.memory_space<hbm>> -> memref<128xi32, #tpu.memory_space<hbm>>
    tpu.wait_dma2 semaphore(%arg12 : memref<!tpu.dma_semaphore, #tpu.memory_space<semaphore_mem>>) src(%dma_wait3A_117 : memref<128xi32, #tpu.memory_space<hbm>>) dst(%arg6 : memref<128xi32, #tpu.memory_space<vmem>>)
    %dma_wait3A_118 = arith.constant 0 : i32
    %dma_wait3A_119 = arith.constant 0 : i32
    %dma_wait3A_120 = tpu.memref_slice %arg2[%dma_wait3A_118, %dma_wait3A_119] : memref<800000x32xf32, #tpu.memory_space<hbm>> -> memref<128x32xf32, #tpu.memory_space<hbm>>
    %dma_wait3A_121 = arith.constant 0 : i32
    %dma_wait3A_122 = arith.constant 0 : i32
    %dma_wait3A_123 = tpu.memref_slice %arg2[%dma_wait3A_121, %dma_wait3A_122] : memref<800000x32xf32, #tpu.memory_space<hbm>> -> memref<128x32xf32, #tpu.memory_space<hbm>>
    tpu.wait_dma2 semaphore(%arg12 : memref<!tpu.dma_semaphore, #tpu.memory_space<semaphore_mem>>) src(%dma_wait3A_123 : memref<128x32xf32, #tpu.memory_space<hbm>>) dst(%arg8 : memref<128x32xf32, #tpu.memory_space<vmem>>)
    "tpu.region"() ({
      %run_scoped3A = tpu.sem_alloc : memref<!tpu.dma_semaphore, #tpu.memory_space<semaphore_mem>>
      %dma_start3A_227 = arith.constant 0 : i32
      %dma_start3A_228 = arith.constant 0 : i32
      %dma_start3A_229 = tpu.memref_slice %arg11[%dma_start3A_227, %dma_start3A_228] : memref<50000x32xf32, #tpu.memory_space<vmem_shared>> -> memref<50000x32xf32, #tpu.memory_space<vmem_shared>>
      tpu.enqueue_indirect_dma source(%arg8 : memref<128x32xf32, #tpu.memory_space<vmem>>) target(%dma_start3A_229 : memref<50000x32xf32, #tpu.memory_space<vmem_shared>>) offsets(%arg6 : memref<128xi32, #tpu.memory_space<vmem>>) semaphore(%run_scoped3A : memref<!tpu.dma_semaphore, #tpu.memory_space<semaphore_mem>>) {add = true}
      %dma_wait3A_230 = arith.constant 0 : i32
      %dma_wait3A_231 = arith.constant 0 : i32
      %dma_wait3A_232 = tpu.memref_slice %arg11[%dma_wait3A_230, %dma_wait3A_231] : memref<50000x32xf32, #tpu.memory_space<vmem_shared>> -> memref<50000x32xf32, #tpu.memory_space<vmem_shared>>
      tpu.wait_indirect_dma semaphore(%run_scoped3A : memref<!tpu.dma_semaphore, #tpu.memory_space<semaphore_mem>>) src(%arg8 : memref<128x32xf32, #tpu.memory_space<vmem>>) dst(%dma_wait3A_232 : memref<50000x32xf32, #tpu.memory_space<vmem_shared>>)
      tpu.yield
    }) : () -> ()
    %lt3A = arith.constant 10 : i32
    %lt3A_124 = arith.cmpi slt, %add3A, %lt3A : i32
    %convert_element_type3A = arith.extui %lt3A_124 : i1 to i32
    %cond3A = arith.constant 0 : i32
    %cond3A_125 = arith.cmpi ne, %convert_element_type3A, %cond3A : i32
    scf.if %cond3A_125 {
      %add3A_227 = arith.constant 6240 : i32
      %add3A_228 = arith.addi %add3A, %add3A_227 : i32
      %mul3A_229 = arith.constant 128 : i32
      %mul3A_230 = arith.muli %add3A_228, %mul3A_229 : i32
      "tpu.region"() ({
        %run_scoped3A = tpu.sem_alloc : memref<!tpu.dma_semaphore, #tpu.memory_space<semaphore_mem>>
        %dma_start3A_231 = tpu.memref_slice %arg3[%mul3A_230] : memref<800000xi32, #tpu.memory_space<hbm>> -> memref<128xi32, #tpu.memory_space<hbm>>
        %dma_start3A_232 = tpu.memref_slice %arg3[%mul3A_230] : memref<800000xi32, #tpu.memory_space<hbm>> -> memref<128xi32, #tpu.memory_space<hbm>>
        tpu.enqueue_dma source(%dma_start3A_232 : memref<128xi32, #tpu.memory_space<hbm>>) target(%arg6 : memref<128xi32, #tpu.memory_space<vmem>>) target_semaphore(%run_scoped3A : memref<!tpu.dma_semaphore, #tpu.memory_space<semaphore_mem>>)
        %dma_wait3A_233 = tpu.memref_slice %arg3[%mul3A_230] : memref<800000xi32, #tpu.memory_space<hbm>> -> memref<128xi32, #tpu.memory_space<hbm>>
        %dma_wait3A_234 = tpu.memref_slice %arg3[%mul3A_230] : memref<800000xi32, #tpu.memory_space<hbm>> -> memref<128xi32, #tpu.memory_space<hbm>>
        tpu.wait_dma2 semaphore(%run_scoped3A : memref<!tpu.dma_semaphore, #tpu.memory_space<semaphore_mem>>) src(%dma_wait3A_234 : memref<128xi32, #tpu.memory_space<hbm>>) dst(%arg6 : memref<128xi32, #tpu.memory_space<vmem>>)
        tpu.yield
      }) : () -> ()
      "tpu.region"() ({
        %run_scoped3A = tpu.sem_alloc : memref<!tpu.dma_semaphore, #tpu.memory_space<semaphore_mem>>
        %dma_start3A_231 = arith.constant 0 : i32
        %dma_start3A_232 = tpu.memref_slice %arg2[%mul3A_230, %dma_start3A_231] : memref<800000x32xf32, #tpu.memory_space<hbm>> -> memref<128x32xf32, #tpu.memory_space<hbm>>
        %dma_start3A_233 = arith.constant 0 : i32
        %dma_start3A_234 = tpu.memref_slice %arg2[%mul3A_230, %dma_start3A_233] : memref<800000x32xf32, #tpu.memory_space<hbm>> -> memref<128x32xf32, #tpu.memory_space<hbm>>
        tpu.enqueue_dma source(%dma_start3A_234 : memref<128x32xf32, #tpu.memory_space<hbm>>) target(%arg8 : memref<128x32xf32, #tpu.memory_space<vmem>>) target_semaphore(%run_scoped3A : memref<!tpu.dma_semaphore, #tpu.memory_space<semaphore_mem>>)
        %dma_wait3A_235 = arith.constant 0 : i32
        %dma_wait3A_236 = tpu.memref_slice %arg2[%mul3A_230, %dma_wait3A_235] : memref<800000x32xf32, #tpu.memory_space<hbm>> -> memref<128x32xf32, #tpu.memory_space<hbm>>
        %dma_wait3A_237 = arith.constant 0 : i32
        %dma_wait3A_238 = tpu.memref_slice %arg2[%mul3A_230, %dma_wait3A_237] : memref<800000x32xf32, #tpu.memory_space<hbm>> -> memref<128x32xf32, #tpu.memory_space<hbm>>
        tpu.wait_dma2 semaphore(%run_scoped3A : memref<!tpu.dma_semaphore, #tpu.memory_space<semaphore_mem>>) src(%dma_wait3A_238 : memref<128x32xf32, #tpu.memory_space<hbm>>) dst(%arg8 : memref<128x32xf32, #tpu.memory_space<vmem>>)
        tpu.yield
      }) : () -> ()
      "tpu.region"() ({
        %run_scoped3A = tpu.sem_alloc : memref<!tpu.dma_semaphore, #tpu.memory_space<semaphore_mem>>
        %dma_start3A_231 = arith.constant 0 : i32
        %dma_start3A_232 = arith.constant 0 : i32
        %dma_start3A_233 = tpu.memref_slice %arg11[%dma_start3A_231, %dma_start3A_232] : memref<50000x32xf32, #tpu.memory_space<vmem_shared>> -> memref<50000x32xf32, #tpu.memory_space<vmem_shared>>
        tpu.enqueue_indirect_dma source(%arg8 : memref<128x32xf32, #tpu.memory_space<vmem>>) target(%dma_start3A_233 : memref<50000x32xf32, #tpu.memory_space<vmem_shared>>) offsets(%arg6 : memref<128xi32, #tpu.memory_space<vmem>>) semaphore(%run_scoped3A : memref<!tpu.dma_semaphore, #tpu.memory_space<semaphore_mem>>) {add = true}
        %dma_wait3A_234 = arith.constant 0 : i32
        %dma_wait3A_235 = arith.constant 0 : i32
        %dma_wait3A_236 = tpu.memref_slice %arg11[%dma_wait3A_234, %dma_wait3A_235] : memref<50000x32xf32, #tpu.memory_space<vmem_shared>> -> memref<50000x32xf32, #tpu.memory_space<vmem_shared>>
        tpu.wait_indirect_dma semaphore(%run_scoped3A : memref<!tpu.dma_semaphore, #tpu.memory_space<semaphore_mem>>) src(%arg8 : memref<128x32xf32, #tpu.memory_space<vmem>>) dst(%dma_wait3A_236 : memref<50000x32xf32, #tpu.memory_space<vmem_shared>>)
        tpu.yield
      }) : () -> ()
    } else {
    }
    %barrier3A_126 = arith.constant 0 : index
    tpu.barrier barrier_id(%barrier3A_126)
    %mul3A_127 = arith.constant 3125 : i32
    %mul3A_128 = arith.muli %arg1, %mul3A_127 : i32
    %add3A_129 = arith.constant 0 : i32
    %add3A_130 = arith.addi %mul3A_128, %add3A_129 : i32
    "tpu.region"() ({
      %run_scoped3A = tpu.sem_alloc : memref<!tpu.dma_semaphore, #tpu.memory_space<semaphore_mem>>
      %dma_start3A_227 = arith.constant 0 : i32
      %dma_start3A_228 = tpu.memref_slice %arg11[%add3A_130, %dma_start3A_227] : memref<50000x32xf32, #tpu.memory_space<vmem_shared>> -> memref<125x32xf32, #tpu.memory_space<vmem_shared>>
      %dma_start3A_229 = arith.constant 0 : i32
      %dma_start3A_230 = tpu.memref_slice %arg11[%add3A_130, %dma_start3A_229] : memref<50000x32xf32, #tpu.memory_space<vmem_shared>> -> memref<125x32xf32, #tpu.memory_space<vmem_shared>>
      tpu.enqueue_dma source(%dma_start3A_230 : memref<125x32xf32, #tpu.memory_space<vmem_shared>>) target(%arg10 : memref<125x32xf32, #tpu.memory_space<vmem>>) target_semaphore(%run_scoped3A : memref<!tpu.dma_semaphore, #tpu.memory_space<semaphore_mem>>)
      %dma_wait3A_231 = arith.constant 0 : i32
      %dma_wait3A_232 = tpu.memref_slice %arg11[%add3A_130, %dma_wait3A_231] : memref<50000x32xf32, #tpu.memory_space<vmem_shared>> -> memref<125x32xf32, #tpu.memory_space<vmem_shared>>
      %dma_wait3A_233 = arith.constant 0 : i32
      %dma_wait3A_234 = tpu.memref_slice %arg11[%add3A_130, %dma_wait3A_233] : memref<50000x32xf32, #tpu.memory_space<vmem_shared>> -> memref<125x32xf32, #tpu.memory_space<vmem_shared>>
      tpu.wait_dma2 semaphore(%run_scoped3A : memref<!tpu.dma_semaphore, #tpu.memory_space<semaphore_mem>>) src(%dma_wait3A_234 : memref<125x32xf32, #tpu.memory_space<vmem_shared>>) dst(%arg10 : memref<125x32xf32, #tpu.memory_space<vmem>>)
      tpu.yield
    }) : () -> ()
    "tpu.region"() ({
      %run_scoped3A = tpu.sem_alloc : memref<!tpu.dma_semaphore, #tpu.memory_space<semaphore_mem>>
      %dma_start3A_227 = arith.constant 0 : i32
      %dma_start3A_228 = tpu.memref_slice %arg5[%arg0, %add3A_130, %dma_start3A_227] : memref<2x50000x32xf32, #tpu.memory_space<hbm>> -> memref<1x125x32xf32, #tpu.memory_space<hbm>>
      %dma_start3A_229 = tpu.memref_squeeze %dma_start3A_228 : memref<1x125x32xf32, #tpu.memory_space<hbm>> -> memref<125x32xf32, #tpu.memory_space<hbm>>
      %dma_start3A_230 = arith.constant 0 : i32
      %dma_start3A_231 = tpu.memref_slice %arg5[%arg0, %add3A_130, %dma_start3A_230] : memref<2x50000x32xf32, #tpu.memory_space<hbm>> -> memref<1x125x32xf32, #tpu.memory_space<hbm>>
      %dma_start3A_232 = tpu.memref_squeeze %dma_start3A_231 : memref<1x125x32xf32, #tpu.memory_space<hbm>> -> memref<125x32xf32, #tpu.memory_space<hbm>>
      tpu.enqueue_dma source(%arg10 : memref<125x32xf32, #tpu.memory_space<vmem>>) target(%dma_start3A_232 : memref<125x32xf32, #tpu.memory_space<hbm>>) target_semaphore(%run_scoped3A : memref<!tpu.dma_semaphore, #tpu.memory_space<semaphore_mem>>)
      %dma_wait3A_233 = arith.constant 0 : i32
      %dma_wait3A_234 = tpu.memref_slice %arg5[%arg0, %add3A_130, %dma_wait3A_233] : memref<2x50000x32xf32, #tpu.memory_space<hbm>> -> memref<1x125x32xf32, #tpu.memory_space<hbm>>
      %dma_wait3A_235 = tpu.memref_squeeze %dma_wait3A_234 : memref<1x125x32xf32, #tpu.memory_space<hbm>> -> memref<125x32xf32, #tpu.memory_space<hbm>>
      %dma_wait3A_236 = arith.constant 0 : i32
      %dma_wait3A_237 = tpu.memref_slice %arg5[%arg0, %add3A_130, %dma_wait3A_236] : memref<2x50000x32xf32, #tpu.memory_space<hbm>> -> memref<1x125x32xf32, #tpu.memory_space<hbm>>
      %dma_wait3A_238 = tpu.memref_squeeze %dma_wait3A_237 : memref<1x125x32xf32, #tpu.memory_space<hbm>> -> memref<125x32xf32, #tpu.memory_space<hbm>>
      tpu.wait_dma2 semaphore(%run_scoped3A : memref<!tpu.dma_semaphore, #tpu.memory_space<semaphore_mem>>) src(%arg10 : memref<125x32xf32, #tpu.memory_space<vmem>>) dst(%dma_wait3A_238 : memref<125x32xf32, #tpu.memory_space<hbm>>)
      tpu.yield
    }) : () -> ()
    %mul3A_131 = arith.constant 3125 : i32
    %mul3A_132 = arith.muli %arg1, %mul3A_131 : i32
    %add3A_133 = arith.constant 125 : i32
    %add3A_134 = arith.addi %mul3A_132, %add3A_133 : i32
    "tpu.region"() ({
      %run_scoped3A = tpu.sem_alloc : memref<!tpu.dma_semaphore, #tpu.memory_space<semaphore_mem>>
      %dma_start3A_227 = arith.constant 0 : i32
      %dma_start3A_228 = tpu.memref_slice %arg11[%add3A_134, %dma_start3A_227] : memref<50000x32xf32, #tpu.memory_space<vmem_shared>> -> memref<125x32xf32, #tpu.memory_space<vmem_shared>>
      %dma_start3A_229 = arith.constant 0 : i32
      %dma_start3A_230 = tpu.memref_slice %arg11[%add3A_134, %dma_start3A_229] : memref<50000x32xf32, #tpu.memory_space<vmem_shared>> -> memref<125x32xf32, #tpu.memory_space<vmem_shared>>
      tpu.enqueue_dma source(%dma_start3A_230 : memref<125x32xf32, #tpu.memory_space<vmem_shared>>) target(%arg10 : memref<125x32xf32, #tpu.memory_space<vmem>>) target_semaphore(%run_scoped3A : memref<!tpu.dma_semaphore, #tpu.memory_space<semaphore_mem>>)
      %dma_wait3A_231 = arith.constant 0 : i32
      %dma_wait3A_232 = tpu.memref_slice %arg11[%add3A_134, %dma_wait3A_231] : memref<50000x32xf32, #tpu.memory_space<vmem_shared>> -> memref<125x32xf32, #tpu.memory_space<vmem_shared>>
      %dma_wait3A_233 = arith.constant 0 : i32
      %dma_wait3A_234 = tpu.memref_slice %arg11[%add3A_134, %dma_wait3A_233] : memref<50000x32xf32, #tpu.memory_space<vmem_shared>> -> memref<125x32xf32, #tpu.memory_space<vmem_shared>>
      tpu.wait_dma2 semaphore(%run_scoped3A : memref<!tpu.dma_semaphore, #tpu.memory_space<semaphore_mem>>) src(%dma_wait3A_234 : memref<125x32xf32, #tpu.memory_space<vmem_shared>>) dst(%arg10 : memref<125x32xf32, #tpu.memory_space<vmem>>)
      tpu.yield
    }) : () -> ()
    "tpu.region"() ({
      %run_scoped3A = tpu.sem_alloc : memref<!tpu.dma_semaphore, #tpu.memory_space<semaphore_mem>>
      %dma_start3A_227 = arith.constant 0 : i32
      %dma_start3A_228 = tpu.memref_slice %arg5[%arg0, %add3A_134, %dma_start3A_227] : memref<2x50000x32xf32, #tpu.memory_space<hbm>> -> memref<1x125x32xf32, #tpu.memory_space<hbm>>
      %dma_start3A_229 = tpu.memref_squeeze %dma_start3A_228 : memref<1x125x32xf32, #tpu.memory_space<hbm>> -> memref<125x32xf32, #tpu.memory_space<hbm>>
      %dma_start3A_230 = arith.constant 0 : i32
      %dma_start3A_231 = tpu.memref_slice %arg5[%arg0, %add3A_134, %dma_start3A_230] : memref<2x50000x32xf32, #tpu.memory_space<hbm>> -> memref<1x125x32xf32, #tpu.memory_space<hbm>>
      %dma_start3A_232 = tpu.memref_squeeze %dma_start3A_231 : memref<1x125x32xf32, #tpu.memory_space<hbm>> -> memref<125x32xf32, #tpu.memory_space<hbm>>
      tpu.enqueue_dma source(%arg10 : memref<125x32xf32, #tpu.memory_space<vmem>>) target(%dma_start3A_232 : memref<125x32xf32, #tpu.memory_space<hbm>>) target_semaphore(%run_scoped3A : memref<!tpu.dma_semaphore, #tpu.memory_space<semaphore_mem>>)
      %dma_wait3A_233 = arith.constant 0 : i32
      %dma_wait3A_234 = tpu.memref_slice %arg5[%arg0, %add3A_134, %dma_wait3A_233] : memref<2x50000x32xf32, #tpu.memory_space<hbm>> -> memref<1x125x32xf32, #tpu.memory_space<hbm>>
      %dma_wait3A_235 = tpu.memref_squeeze %dma_wait3A_234 : memref<1x125x32xf32, #tpu.memory_space<hbm>> -> memref<125x32xf32, #tpu.memory_space<hbm>>
      %dma_wait3A_236 = arith.constant 0 : i32
      %dma_wait3A_237 = tpu.memref_slice %arg5[%arg0, %add3A_134, %dma_wait3A_236] : memref<2x50000x32xf32, #tpu.memory_space<hbm>> -> memref<1x125x32xf32, #tpu.memory_space<hbm>>
      %dma_wait3A_238 = tpu.memref_squeeze %dma_wait3A_237 : memref<1x125x32xf32, #tpu.memory_space<hbm>> -> memref<125x32xf32, #tpu.memory_space<hbm>>
      tpu.wait_dma2 semaphore(%run_scoped3A : memref<!tpu.dma_semaphore, #tpu.memory_space<semaphore_mem>>) src(%arg10 : memref<125x32xf32, #tpu.memory_space<vmem>>) dst(%dma_wait3A_238 : memref<125x32xf32, #tpu.memory_space<hbm>>)
      tpu.yield
    }) : () -> ()
    %mul3A_135 = arith.constant 3125 : i32
    %mul3A_136 = arith.muli %arg1, %mul3A_135 : i32
    %add3A_137 = arith.constant 250 : i32
    %add3A_138 = arith.addi %mul3A_136, %add3A_137 : i32
    "tpu.region"() ({
      %run_scoped3A = tpu.sem_alloc : memref<!tpu.dma_semaphore, #tpu.memory_space<semaphore_mem>>
      %dma_start3A_227 = arith.constant 0 : i32
      %dma_start3A_228 = tpu.memref_slice %arg11[%add3A_138, %dma_start3A_227] : memref<50000x32xf32, #tpu.memory_space<vmem_shared>> -> memref<125x32xf32, #tpu.memory_space<vmem_shared>>
      %dma_start3A_229 = arith.constant 0 : i32
      %dma_start3A_230 = tpu.memref_slice %arg11[%add3A_138, %dma_start3A_229] : memref<50000x32xf32, #tpu.memory_space<vmem_shared>> -> memref<125x32xf32, #tpu.memory_space<vmem_shared>>
      tpu.enqueue_dma source(%dma_start3A_230 : memref<125x32xf32, #tpu.memory_space<vmem_shared>>) target(%arg10 : memref<125x32xf32, #tpu.memory_space<vmem>>) target_semaphore(%run_scoped3A : memref<!tpu.dma_semaphore, #tpu.memory_space<semaphore_mem>>)
      %dma_wait3A_231 = arith.constant 0 : i32
      %dma_wait3A_232 = tpu.memref_slice %arg11[%add3A_138, %dma_wait3A_231] : memref<50000x32xf32, #tpu.memory_space<vmem_shared>> -> memref<125x32xf32, #tpu.memory_space<vmem_shared>>
      %dma_wait3A_233 = arith.constant 0 : i32
      %dma_wait3A_234 = tpu.memref_slice %arg11[%add3A_138, %dma_wait3A_233] : memref<50000x32xf32, #tpu.memory_space<vmem_shared>> -> memref<125x32xf32, #tpu.memory_space<vmem_shared>>
      tpu.wait_dma2 semaphore(%run_scoped3A : memref<!tpu.dma_semaphore, #tpu.memory_space<semaphore_mem>>) src(%dma_wait3A_234 : memref<125x32xf32, #tpu.memory_space<vmem_shared>>) dst(%arg10 : memref<125x32xf32, #tpu.memory_space<vmem>>)
      tpu.yield
    }) : () -> ()
    "tpu.region"() ({
      %run_scoped3A = tpu.sem_alloc : memref<!tpu.dma_semaphore, #tpu.memory_space<semaphore_mem>>
      %dma_start3A_227 = arith.constant 0 : i32
      %dma_start3A_228 = tpu.memref_slice %arg5[%arg0, %add3A_138, %dma_start3A_227] : memref<2x50000x32xf32, #tpu.memory_space<hbm>> -> memref<1x125x32xf32, #tpu.memory_space<hbm>>
      %dma_start3A_229 = tpu.memref_squeeze %dma_start3A_228 : memref<1x125x32xf32, #tpu.memory_space<hbm>> -> memref<125x32xf32, #tpu.memory_space<hbm>>
      %dma_start3A_230 = arith.constant 0 : i32
      %dma_start3A_231 = tpu.memref_slice %arg5[%arg0, %add3A_138, %dma_start3A_230] : memref<2x50000x32xf32, #tpu.memory_space<hbm>> -> memref<1x125x32xf32, #tpu.memory_space<hbm>>
      %dma_start3A_232 = tpu.memref_squeeze %dma_start3A_231 : memref<1x125x32xf32, #tpu.memory_space<hbm>> -> memref<125x32xf32, #tpu.memory_space<hbm>>
      tpu.enqueue_dma source(%arg10 : memref<125x32xf32, #tpu.memory_space<vmem>>) target(%dma_start3A_232 : memref<125x32xf32, #tpu.memory_space<hbm>>) target_semaphore(%run_scoped3A : memref<!tpu.dma_semaphore, #tpu.memory_space<semaphore_mem>>)
      %dma_wait3A_233 = arith.constant 0 : i32
      %dma_wait3A_234 = tpu.memref_slice %arg5[%arg0, %add3A_138, %dma_wait3A_233] : memref<2x50000x32xf32, #tpu.memory_space<hbm>> -> memref<1x125x32xf32, #tpu.memory_space<hbm>>
      %dma_wait3A_235 = tpu.memref_squeeze %dma_wait3A_234 : memref<1x125x32xf32, #tpu.memory_space<hbm>> -> memref<125x32xf32, #tpu.memory_space<hbm>>
      %dma_wait3A_236 = arith.constant 0 : i32
      %dma_wait3A_237 = tpu.memref_slice %arg5[%arg0, %add3A_138, %dma_wait3A_236] : memref<2x50000x32xf32, #tpu.memory_space<hbm>> -> memref<1x125x32xf32, #tpu.memory_space<hbm>>
      %dma_wait3A_238 = tpu.memref_squeeze %dma_wait3A_237 : memref<1x125x32xf32, #tpu.memory_space<hbm>> -> memref<125x32xf32, #tpu.memory_space<hbm>>
      tpu.wait_dma2 semaphore(%run_scoped3A : memref<!tpu.dma_semaphore, #tpu.memory_space<semaphore_mem>>) src(%arg10 : memref<125x32xf32, #tpu.memory_space<vmem>>) dst(%dma_wait3A_238 : memref<125x32xf32, #tpu.memory_space<hbm>>)
      tpu.yield
    }) : () -> ()
    %mul3A_139 = arith.constant 3125 : i32
    %mul3A_140 = arith.muli %arg1, %mul3A_139 : i32
    %add3A_141 = arith.constant 375 : i32
    %add3A_142 = arith.addi %mul3A_140, %add3A_141 : i32
    "tpu.region"() ({
      %run_scoped3A = tpu.sem_alloc : memref<!tpu.dma_semaphore, #tpu.memory_space<semaphore_mem>>
      %dma_start3A_227 = arith.constant 0 : i32
      %dma_start3A_228 = tpu.memref_slice %arg11[%add3A_142, %dma_start3A_227] : memref<50000x32xf32, #tpu.memory_space<vmem_shared>> -> memref<125x32xf32, #tpu.memory_space<vmem_shared>>
      %dma_start3A_229 = arith.constant 0 : i32
      %dma_start3A_230 = tpu.memref_slice %arg11[%add3A_142, %dma_start3A_229] : memref<50000x32xf32, #tpu.memory_space<vmem_shared>> -> memref<125x32xf32, #tpu.memory_space<vmem_shared>>
      tpu.enqueue_dma source(%dma_start3A_230 : memref<125x32xf32, #tpu.memory_space<vmem_shared>>) target(%arg10 : memref<125x32xf32, #tpu.memory_space<vmem>>) target_semaphore(%run_scoped3A : memref<!tpu.dma_semaphore, #tpu.memory_space<semaphore_mem>>)
      %dma_wait3A_231 = arith.constant 0 : i32
      %dma_wait3A_232 = tpu.memref_slice %arg11[%add3A_142, %dma_wait3A_231] : memref<50000x32xf32, #tpu.memory_space<vmem_shared>> -> memref<125x32xf32, #tpu.memory_space<vmem_shared>>
      %dma_wait3A_233 = arith.constant 0 : i32
      %dma_wait3A_234 = tpu.memref_slice %arg11[%add3A_142, %dma_wait3A_233] : memref<50000x32xf32, #tpu.memory_space<vmem_shared>> -> memref<125x32xf32, #tpu.memory_space<vmem_shared>>
      tpu.wait_dma2 semaphore(%run_scoped3A : memref<!tpu.dma_semaphore, #tpu.memory_space<semaphore_mem>>) src(%dma_wait3A_234 : memref<125x32xf32, #tpu.memory_space<vmem_shared>>) dst(%arg10 : memref<125x32xf32, #tpu.memory_space<vmem>>)
      tpu.yield
    }) : () -> ()
    "tpu.region"() ({
      %run_scoped3A = tpu.sem_alloc : memref<!tpu.dma_semaphore, #tpu.memory_space<semaphore_mem>>
      %dma_start3A_227 = arith.constant 0 : i32
      %dma_start3A_228 = tpu.memref_slice %arg5[%arg0, %add3A_142, %dma_start3A_227] : memref<2x50000x32xf32, #tpu.memory_space<hbm>> -> memref<1x125x32xf32, #tpu.memory_space<hbm>>
      %dma_start3A_229 = tpu.memref_squeeze %dma_start3A_228 : memref<1x125x32xf32, #tpu.memory_space<hbm>> -> memref<125x32xf32, #tpu.memory_space<hbm>>
      %dma_start3A_230 = arith.constant 0 : i32
      %dma_start3A_231 = tpu.memref_slice %arg5[%arg0, %add3A_142, %dma_start3A_230] : memref<2x50000x32xf32, #tpu.memory_space<hbm>> -> memref<1x125x32xf32, #tpu.memory_space<hbm>>
      %dma_start3A_232 = tpu.memref_squeeze %dma_start3A_231 : memref<1x125x32xf32, #tpu.memory_space<hbm>> -> memref<125x32xf32, #tpu.memory_space<hbm>>
      tpu.enqueue_dma source(%arg10 : memref<125x32xf32, #tpu.memory_space<vmem>>) target(%dma_start3A_232 : memref<125x32xf32, #tpu.memory_space<hbm>>) target_semaphore(%run_scoped3A : memref<!tpu.dma_semaphore, #tpu.memory_space<semaphore_mem>>)
      %dma_wait3A_233 = arith.constant 0 : i32
      %dma_wait3A_234 = tpu.memref_slice %arg5[%arg0, %add3A_142, %dma_wait3A_233] : memref<2x50000x32xf32, #tpu.memory_space<hbm>> -> memref<1x125x32xf32, #tpu.memory_space<hbm>>
      %dma_wait3A_235 = tpu.memref_squeeze %dma_wait3A_234 : memref<1x125x32xf32, #tpu.memory_space<hbm>> -> memref<125x32xf32, #tpu.memory_space<hbm>>
      %dma_wait3A_236 = arith.constant 0 : i32
      %dma_wait3A_237 = tpu.memref_slice %arg5[%arg0, %add3A_142, %dma_wait3A_236] : memref<2x50000x32xf32, #tpu.memory_space<hbm>> -> memref<1x125x32xf32, #tpu.memory_space<hbm>>
      %dma_wait3A_238 = tpu.memref_squeeze %dma_wait3A_237 : memref<1x125x32xf32, #tpu.memory_space<hbm>> -> memref<125x32xf32, #tpu.memory_space<hbm>>
      tpu.wait_dma2 semaphore(%run_scoped3A : memref<!tpu.dma_semaphore, #tpu.memory_space<semaphore_mem>>) src(%arg10 : memref<125x32xf32, #tpu.memory_space<vmem>>) dst(%dma_wait3A_238 : memref<125x32xf32, #tpu.memory_space<hbm>>)
      tpu.yield
    }) : () -> ()
    %mul3A_143 = arith.constant 3125 : i32
    %mul3A_144 = arith.muli %arg1, %mul3A_143 : i32
    %add3A_145 = arith.constant 500 : i32
    %add3A_146 = arith.addi %mul3A_144, %add3A_145 : i32
    "tpu.region"() ({
      %run_scoped3A = tpu.sem_alloc : memref<!tpu.dma_semaphore, #tpu.memory_space<semaphore_mem>>
      %dma_start3A_227 = arith.constant 0 : i32
      %dma_start3A_228 = tpu.memref_slice %arg11[%add3A_146, %dma_start3A_227] : memref<50000x32xf32, #tpu.memory_space<vmem_shared>> -> memref<125x32xf32, #tpu.memory_space<vmem_shared>>
      %dma_start3A_229 = arith.constant 0 : i32
      %dma_start3A_230 = tpu.memref_slice %arg11[%add3A_146, %dma_start3A_229] : memref<50000x32xf32, #tpu.memory_space<vmem_shared>> -> memref<125x32xf32, #tpu.memory_space<vmem_shared>>
      tpu.enqueue_dma source(%dma_start3A_230 : memref<125x32xf32, #tpu.memory_space<vmem_shared>>) target(%arg10 : memref<125x32xf32, #tpu.memory_space<vmem>>) target_semaphore(%run_scoped3A : memref<!tpu.dma_semaphore, #tpu.memory_space<semaphore_mem>>)
      %dma_wait3A_231 = arith.constant 0 : i32
      %dma_wait3A_232 = tpu.memref_slice %arg11[%add3A_146, %dma_wait3A_231] : memref<50000x32xf32, #tpu.memory_space<vmem_shared>> -> memref<125x32xf32, #tpu.memory_space<vmem_shared>>
      %dma_wait3A_233 = arith.constant 0 : i32
      %dma_wait3A_234 = tpu.memref_slice %arg11[%add3A_146, %dma_wait3A_233] : memref<50000x32xf32, #tpu.memory_space<vmem_shared>> -> memref<125x32xf32, #tpu.memory_space<vmem_shared>>
      tpu.wait_dma2 semaphore(%run_scoped3A : memref<!tpu.dma_semaphore, #tpu.memory_space<semaphore_mem>>) src(%dma_wait3A_234 : memref<125x32xf32, #tpu.memory_space<vmem_shared>>) dst(%arg10 : memref<125x32xf32, #tpu.memory_space<vmem>>)
      tpu.yield
    }) : () -> ()
    "tpu.region"() ({
      %run_scoped3A = tpu.sem_alloc : memref<!tpu.dma_semaphore, #tpu.memory_space<semaphore_mem>>
      %dma_start3A_227 = arith.constant 0 : i32
      %dma_start3A_228 = tpu.memref_slice %arg5[%arg0, %add3A_146, %dma_start3A_227] : memref<2x50000x32xf32, #tpu.memory_space<hbm>> -> memref<1x125x32xf32, #tpu.memory_space<hbm>>
      %dma_start3A_229 = tpu.memref_squeeze %dma_start3A_228 : memref<1x125x32xf32, #tpu.memory_space<hbm>> -> memref<125x32xf32, #tpu.memory_space<hbm>>
      %dma_start3A_230 = arith.constant 0 : i32
      %dma_start3A_231 = tpu.memref_slice %arg5[%arg0, %add3A_146, %dma_start3A_230] : memref<2x50000x32xf32, #tpu.memory_space<hbm>> -> memref<1x125x32xf32, #tpu.memory_space<hbm>>
      %dma_start3A_232 = tpu.memref_squeeze %dma_start3A_231 : memref<1x125x32xf32, #tpu.memory_space<hbm>> -> memref<125x32xf32, #tpu.memory_space<hbm>>
      tpu.enqueue_dma source(%arg10 : memref<125x32xf32, #tpu.memory_space<vmem>>) target(%dma_start3A_232 : memref<125x32xf32, #tpu.memory_space<hbm>>) target_semaphore(%run_scoped3A : memref<!tpu.dma_semaphore, #tpu.memory_space<semaphore_mem>>)
      %dma_wait3A_233 = arith.constant 0 : i32
      %dma_wait3A_234 = tpu.memref_slice %arg5[%arg0, %add3A_146, %dma_wait3A_233] : memref<2x50000x32xf32, #tpu.memory_space<hbm>> -> memref<1x125x32xf32, #tpu.memory_space<hbm>>
      %dma_wait3A_235 = tpu.memref_squeeze %dma_wait3A_234 : memref<1x125x32xf32, #tpu.memory_space<hbm>> -> memref<125x32xf32, #tpu.memory_space<hbm>>
      %dma_wait3A_236 = arith.constant 0 : i32
      %dma_wait3A_237 = tpu.memref_slice %arg5[%arg0, %add3A_146, %dma_wait3A_236] : memref<2x50000x32xf32, #tpu.memory_space<hbm>> -> memref<1x125x32xf32, #tpu.memory_space<hbm>>
      %dma_wait3A_238 = tpu.memref_squeeze %dma_wait3A_237 : memref<1x125x32xf32, #tpu.memory_space<hbm>> -> memref<125x32xf32, #tpu.memory_space<hbm>>
      tpu.wait_dma2 semaphore(%run_scoped3A : memref<!tpu.dma_semaphore, #tpu.memory_space<semaphore_mem>>) src(%arg10 : memref<125x32xf32, #tpu.memory_space<vmem>>) dst(%dma_wait3A_238 : memref<125x32xf32, #tpu.memory_space<hbm>>)
      tpu.yield
    }) : () -> ()
    %mul3A_147 = arith.constant 3125 : i32
    %mul3A_148 = arith.muli %arg1, %mul3A_147 : i32
    %add3A_149 = arith.constant 625 : i32
    %add3A_150 = arith.addi %mul3A_148, %add3A_149 : i32
    "tpu.region"() ({
      %run_scoped3A = tpu.sem_alloc : memref<!tpu.dma_semaphore, #tpu.memory_space<semaphore_mem>>
      %dma_start3A_227 = arith.constant 0 : i32
      %dma_start3A_228 = tpu.memref_slice %arg11[%add3A_150, %dma_start3A_227] : memref<50000x32xf32, #tpu.memory_space<vmem_shared>> -> memref<125x32xf32, #tpu.memory_space<vmem_shared>>
      %dma_start3A_229 = arith.constant 0 : i32
      %dma_start3A_230 = tpu.memref_slice %arg11[%add3A_150, %dma_start3A_229] : memref<50000x32xf32, #tpu.memory_space<vmem_shared>> -> memref<125x32xf32, #tpu.memory_space<vmem_shared>>
      tpu.enqueue_dma source(%dma_start3A_230 : memref<125x32xf32, #tpu.memory_space<vmem_shared>>) target(%arg10 : memref<125x32xf32, #tpu.memory_space<vmem>>) target_semaphore(%run_scoped3A : memref<!tpu.dma_semaphore, #tpu.memory_space<semaphore_mem>>)
      %dma_wait3A_231 = arith.constant 0 : i32
      %dma_wait3A_232 = tpu.memref_slice %arg11[%add3A_150, %dma_wait3A_231] : memref<50000x32xf32, #tpu.memory_space<vmem_shared>> -> memref<125x32xf32, #tpu.memory_space<vmem_shared>>
      %dma_wait3A_233 = arith.constant 0 : i32
      %dma_wait3A_234 = tpu.memref_slice %arg11[%add3A_150, %dma_wait3A_233] : memref<50000x32xf32, #tpu.memory_space<vmem_shared>> -> memref<125x32xf32, #tpu.memory_space<vmem_shared>>
      tpu.wait_dma2 semaphore(%run_scoped3A : memref<!tpu.dma_semaphore, #tpu.memory_space<semaphore_mem>>) src(%dma_wait3A_234 : memref<125x32xf32, #tpu.memory_space<vmem_shared>>) dst(%arg10 : memref<125x32xf32, #tpu.memory_space<vmem>>)
      tpu.yield
    }) : () -> ()
    "tpu.region"() ({
      %run_scoped3A = tpu.sem_alloc : memref<!tpu.dma_semaphore, #tpu.memory_space<semaphore_mem>>
      %dma_start3A_227 = arith.constant 0 : i32
      %dma_start3A_228 = tpu.memref_slice %arg5[%arg0, %add3A_150, %dma_start3A_227] : memref<2x50000x32xf32, #tpu.memory_space<hbm>> -> memref<1x125x32xf32, #tpu.memory_space<hbm>>
      %dma_start3A_229 = tpu.memref_squeeze %dma_start3A_228 : memref<1x125x32xf32, #tpu.memory_space<hbm>> -> memref<125x32xf32, #tpu.memory_space<hbm>>
      %dma_start3A_230 = arith.constant 0 : i32
      %dma_start3A_231 = tpu.memref_slice %arg5[%arg0, %add3A_150, %dma_start3A_230] : memref<2x50000x32xf32, #tpu.memory_space<hbm>> -> memref<1x125x32xf32, #tpu.memory_space<hbm>>
      %dma_start3A_232 = tpu.memref_squeeze %dma_start3A_231 : memref<1x125x32xf32, #tpu.memory_space<hbm>> -> memref<125x32xf32, #tpu.memory_space<hbm>>
      tpu.enqueue_dma source(%arg10 : memref<125x32xf32, #tpu.memory_space<vmem>>) target(%dma_start3A_232 : memref<125x32xf32, #tpu.memory_space<hbm>>) target_semaphore(%run_scoped3A : memref<!tpu.dma_semaphore, #tpu.memory_space<semaphore_mem>>)
      %dma_wait3A_233 = arith.constant 0 : i32
      %dma_wait3A_234 = tpu.memref_slice %arg5[%arg0, %add3A_150, %dma_wait3A_233] : memref<2x50000x32xf32, #tpu.memory_space<hbm>> -> memref<1x125x32xf32, #tpu.memory_space<hbm>>
      %dma_wait3A_235 = tpu.memref_squeeze %dma_wait3A_234 : memref<1x125x32xf32, #tpu.memory_space<hbm>> -> memref<125x32xf32, #tpu.memory_space<hbm>>
      %dma_wait3A_236 = arith.constant 0 : i32
      %dma_wait3A_237 = tpu.memref_slice %arg5[%arg0, %add3A_150, %dma_wait3A_236] : memref<2x50000x32xf32, #tpu.memory_space<hbm>> -> memref<1x125x32xf32, #tpu.memory_space<hbm>>
      %dma_wait3A_238 = tpu.memref_squeeze %dma_wait3A_237 : memref<1x125x32xf32, #tpu.memory_space<hbm>> -> memref<125x32xf32, #tpu.memory_space<hbm>>
      tpu.wait_dma2 semaphore(%run_scoped3A : memref<!tpu.dma_semaphore, #tpu.memory_space<semaphore_mem>>) src(%arg10 : memref<125x32xf32, #tpu.memory_space<vmem>>) dst(%dma_wait3A_238 : memref<125x32xf32, #tpu.memory_space<hbm>>)
      tpu.yield
    }) : () -> ()
    %mul3A_151 = arith.constant 3125 : i32
    %mul3A_152 = arith.muli %arg1, %mul3A_151 : i32
    %add3A_153 = arith.constant 750 : i32
    %add3A_154 = arith.addi %mul3A_152, %add3A_153 : i32
    "tpu.region"() ({
      %run_scoped3A = tpu.sem_alloc : memref<!tpu.dma_semaphore, #tpu.memory_space<semaphore_mem>>
      %dma_start3A_227 = arith.constant 0 : i32
      %dma_start3A_228 = tpu.memref_slice %arg11[%add3A_154, %dma_start3A_227] : memref<50000x32xf32, #tpu.memory_space<vmem_shared>> -> memref<125x32xf32, #tpu.memory_space<vmem_shared>>
      %dma_start3A_229 = arith.constant 0 : i32
      %dma_start3A_230 = tpu.memref_slice %arg11[%add3A_154, %dma_start3A_229] : memref<50000x32xf32, #tpu.memory_space<vmem_shared>> -> memref<125x32xf32, #tpu.memory_space<vmem_shared>>
      tpu.enqueue_dma source(%dma_start3A_230 : memref<125x32xf32, #tpu.memory_space<vmem_shared>>) target(%arg10 : memref<125x32xf32, #tpu.memory_space<vmem>>) target_semaphore(%run_scoped3A : memref<!tpu.dma_semaphore, #tpu.memory_space<semaphore_mem>>)
      %dma_wait3A_231 = arith.constant 0 : i32
      %dma_wait3A_232 = tpu.memref_slice %arg11[%add3A_154, %dma_wait3A_231] : memref<50000x32xf32, #tpu.memory_space<vmem_shared>> -> memref<125x32xf32, #tpu.memory_space<vmem_shared>>
      %dma_wait3A_233 = arith.constant 0 : i32
      %dma_wait3A_234 = tpu.memref_slice %arg11[%add3A_154, %dma_wait3A_233] : memref<50000x32xf32, #tpu.memory_space<vmem_shared>> -> memref<125x32xf32, #tpu.memory_space<vmem_shared>>
      tpu.wait_dma2 semaphore(%run_scoped3A : memref<!tpu.dma_semaphore, #tpu.memory_space<semaphore_mem>>) src(%dma_wait3A_234 : memref<125x32xf32, #tpu.memory_space<vmem_shared>>) dst(%arg10 : memref<125x32xf32, #tpu.memory_space<vmem>>)
      tpu.yield
    }) : () -> ()
    "tpu.region"() ({
      %run_scoped3A = tpu.sem_alloc : memref<!tpu.dma_semaphore, #tpu.memory_space<semaphore_mem>>
      %dma_start3A_227 = arith.constant 0 : i32
      %dma_start3A_228 = tpu.memref_slice %arg5[%arg0, %add3A_154, %dma_start3A_227] : memref<2x50000x32xf32, #tpu.memory_space<hbm>> -> memref<1x125x32xf32, #tpu.memory_space<hbm>>
      %dma_start3A_229 = tpu.memref_squeeze %dma_start3A_228 : memref<1x125x32xf32, #tpu.memory_space<hbm>> -> memref<125x32xf32, #tpu.memory_space<hbm>>
      %dma_start3A_230 = arith.constant 0 : i32
      %dma_start3A_231 = tpu.memref_slice %arg5[%arg0, %add3A_154, %dma_start3A_230] : memref<2x50000x32xf32, #tpu.memory_space<hbm>> -> memref<1x125x32xf32, #tpu.memory_space<hbm>>
      %dma_start3A_232 = tpu.memref_squeeze %dma_start3A_231 : memref<1x125x32xf32, #tpu.memory_space<hbm>> -> memref<125x32xf32, #tpu.memory_space<hbm>>
      tpu.enqueue_dma source(%arg10 : memref<125x32xf32, #tpu.memory_space<vmem>>) target(%dma_start3A_232 : memref<125x32xf32, #tpu.memory_space<hbm>>) target_semaphore(%run_scoped3A : memref<!tpu.dma_semaphore, #tpu.memory_space<semaphore_mem>>)
      %dma_wait3A_233 = arith.constant 0 : i32
      %dma_wait3A_234 = tpu.memref_slice %arg5[%arg0, %add3A_154, %dma_wait3A_233] : memref<2x50000x32xf32, #tpu.memory_space<hbm>> -> memref<1x125x32xf32, #tpu.memory_space<hbm>>
      %dma_wait3A_235 = tpu.memref_squeeze %dma_wait3A_234 : memref<1x125x32xf32, #tpu.memory_space<hbm>> -> memref<125x32xf32, #tpu.memory_space<hbm>>
      %dma_wait3A_236 = arith.constant 0 : i32
      %dma_wait3A_237 = tpu.memref_slice %arg5[%arg0, %add3A_154, %dma_wait3A_236] : memref<2x50000x32xf32, #tpu.memory_space<hbm>> -> memref<1x125x32xf32, #tpu.memory_space<hbm>>
      %dma_wait3A_238 = tpu.memref_squeeze %dma_wait3A_237 : memref<1x125x32xf32, #tpu.memory_space<hbm>> -> memref<125x32xf32, #tpu.memory_space<hbm>>
      tpu.wait_dma2 semaphore(%run_scoped3A : memref<!tpu.dma_semaphore, #tpu.memory_space<semaphore_mem>>) src(%arg10 : memref<125x32xf32, #tpu.memory_space<vmem>>) dst(%dma_wait3A_238 : memref<125x32xf32, #tpu.memory_space<hbm>>)
      tpu.yield
    }) : () -> ()
    %mul3A_155 = arith.constant 3125 : i32
    %mul3A_156 = arith.muli %arg1, %mul3A_155 : i32
    %add3A_157 = arith.constant 875 : i32
    %add3A_158 = arith.addi %mul3A_156, %add3A_157 : i32
    "tpu.region"() ({
      %run_scoped3A = tpu.sem_alloc : memref<!tpu.dma_semaphore, #tpu.memory_space<semaphore_mem>>
      %dma_start3A_227 = arith.constant 0 : i32
      %dma_start3A_228 = tpu.memref_slice %arg11[%add3A_158, %dma_start3A_227] : memref<50000x32xf32, #tpu.memory_space<vmem_shared>> -> memref<125x32xf32, #tpu.memory_space<vmem_shared>>
      %dma_start3A_229 = arith.constant 0 : i32
      %dma_start3A_230 = tpu.memref_slice %arg11[%add3A_158, %dma_start3A_229] : memref<50000x32xf32, #tpu.memory_space<vmem_shared>> -> memref<125x32xf32, #tpu.memory_space<vmem_shared>>
      tpu.enqueue_dma source(%dma_start3A_230 : memref<125x32xf32, #tpu.memory_space<vmem_shared>>) target(%arg10 : memref<125x32xf32, #tpu.memory_space<vmem>>) target_semaphore(%run_scoped3A : memref<!tpu.dma_semaphore, #tpu.memory_space<semaphore_mem>>)
      %dma_wait3A_231 = arith.constant 0 : i32
      %dma_wait3A_232 = tpu.memref_slice %arg11[%add3A_158, %dma_wait3A_231] : memref<50000x32xf32, #tpu.memory_space<vmem_shared>> -> memref<125x32xf32, #tpu.memory_space<vmem_shared>>
      %dma_wait3A_233 = arith.constant 0 : i32
      %dma_wait3A_234 = tpu.memref_slice %arg11[%add3A_158, %dma_wait3A_233] : memref<50000x32xf32, #tpu.memory_space<vmem_shared>> -> memref<125x32xf32, #tpu.memory_space<vmem_shared>>
      tpu.wait_dma2 semaphore(%run_scoped3A : memref<!tpu.dma_semaphore, #tpu.memory_space<semaphore_mem>>) src(%dma_wait3A_234 : memref<125x32xf32, #tpu.memory_space<vmem_shared>>) dst(%arg10 : memref<125x32xf32, #tpu.memory_space<vmem>>)
      tpu.yield
    }) : () -> ()
    "tpu.region"() ({
      %run_scoped3A = tpu.sem_alloc : memref<!tpu.dma_semaphore, #tpu.memory_space<semaphore_mem>>
      %dma_start3A_227 = arith.constant 0 : i32
      %dma_start3A_228 = tpu.memref_slice %arg5[%arg0, %add3A_158, %dma_start3A_227] : memref<2x50000x32xf32, #tpu.memory_space<hbm>> -> memref<1x125x32xf32, #tpu.memory_space<hbm>>
      %dma_start3A_229 = tpu.memref_squeeze %dma_start3A_228 : memref<1x125x32xf32, #tpu.memory_space<hbm>> -> memref<125x32xf32, #tpu.memory_space<hbm>>
      %dma_start3A_230 = arith.constant 0 : i32
      %dma_start3A_231 = tpu.memref_slice %arg5[%arg0, %add3A_158, %dma_start3A_230] : memref<2x50000x32xf32, #tpu.memory_space<hbm>> -> memref<1x125x32xf32, #tpu.memory_space<hbm>>
      %dma_start3A_232 = tpu.memref_squeeze %dma_start3A_231 : memref<1x125x32xf32, #tpu.memory_space<hbm>> -> memref<125x32xf32, #tpu.memory_space<hbm>>
      tpu.enqueue_dma source(%arg10 : memref<125x32xf32, #tpu.memory_space<vmem>>) target(%dma_start3A_232 : memref<125x32xf32, #tpu.memory_space<hbm>>) target_semaphore(%run_scoped3A : memref<!tpu.dma_semaphore, #tpu.memory_space<semaphore_mem>>)
      %dma_wait3A_233 = arith.constant 0 : i32
      %dma_wait3A_234 = tpu.memref_slice %arg5[%arg0, %add3A_158, %dma_wait3A_233] : memref<2x50000x32xf32, #tpu.memory_space<hbm>> -> memref<1x125x32xf32, #tpu.memory_space<hbm>>
      %dma_wait3A_235 = tpu.memref_squeeze %dma_wait3A_234 : memref<1x125x32xf32, #tpu.memory_space<hbm>> -> memref<125x32xf32, #tpu.memory_space<hbm>>
      %dma_wait3A_236 = arith.constant 0 : i32
      %dma_wait3A_237 = tpu.memref_slice %arg5[%arg0, %add3A_158, %dma_wait3A_236] : memref<2x50000x32xf32, #tpu.memory_space<hbm>> -> memref<1x125x32xf32, #tpu.memory_space<hbm>>
      %dma_wait3A_238 = tpu.memref_squeeze %dma_wait3A_237 : memref<1x125x32xf32, #tpu.memory_space<hbm>> -> memref<125x32xf32, #tpu.memory_space<hbm>>
      tpu.wait_dma2 semaphore(%run_scoped3A : memref<!tpu.dma_semaphore, #tpu.memory_space<semaphore_mem>>) src(%arg10 : memref<125x32xf32, #tpu.memory_space<vmem>>) dst(%dma_wait3A_238 : memref<125x32xf32, #tpu.memory_space<hbm>>)
      tpu.yield
    }) : () -> ()
    %mul3A_159 = arith.constant 3125 : i32
    %mul3A_160 = arith.muli %arg1, %mul3A_159 : i32
    %add3A_161 = arith.constant 1000 : i32
    %add3A_162 = arith.addi %mul3A_160, %add3A_161 : i32
    "tpu.region"() ({
      %run_scoped3A = tpu.sem_alloc : memref<!tpu.dma_semaphore, #tpu.memory_space<semaphore_mem>>
      %dma_start3A_227 = arith.constant 0 : i32
      %dma_start3A_228 = tpu.memref_slice %arg11[%add3A_162, %dma_start3A_227] : memref<50000x32xf32, #tpu.memory_space<vmem_shared>> -> memref<125x32xf32, #tpu.memory_space<vmem_shared>>
      %dma_start3A_229 = arith.constant 0 : i32
      %dma_start3A_230 = tpu.memref_slice %arg11[%add3A_162, %dma_start3A_229] : memref<50000x32xf32, #tpu.memory_space<vmem_shared>> -> memref<125x32xf32, #tpu.memory_space<vmem_shared>>
      tpu.enqueue_dma source(%dma_start3A_230 : memref<125x32xf32, #tpu.memory_space<vmem_shared>>) target(%arg10 : memref<125x32xf32, #tpu.memory_space<vmem>>) target_semaphore(%run_scoped3A : memref<!tpu.dma_semaphore, #tpu.memory_space<semaphore_mem>>)
      %dma_wait3A_231 = arith.constant 0 : i32
      %dma_wait3A_232 = tpu.memref_slice %arg11[%add3A_162, %dma_wait3A_231] : memref<50000x32xf32, #tpu.memory_space<vmem_shared>> -> memref<125x32xf32, #tpu.memory_space<vmem_shared>>
      %dma_wait3A_233 = arith.constant 0 : i32
      %dma_wait3A_234 = tpu.memref_slice %arg11[%add3A_162, %dma_wait3A_233] : memref<50000x32xf32, #tpu.memory_space<vmem_shared>> -> memref<125x32xf32, #tpu.memory_space<vmem_shared>>
      tpu.wait_dma2 semaphore(%run_scoped3A : memref<!tpu.dma_semaphore, #tpu.memory_space<semaphore_mem>>) src(%dma_wait3A_234 : memref<125x32xf32, #tpu.memory_space<vmem_shared>>) dst(%arg10 : memref<125x32xf32, #tpu.memory_space<vmem>>)
      tpu.yield
    }) : () -> ()
    "tpu.region"() ({
      %run_scoped3A = tpu.sem_alloc : memref<!tpu.dma_semaphore, #tpu.memory_space<semaphore_mem>>
      %dma_start3A_227 = arith.constant 0 : i32
      %dma_start3A_228 = tpu.memref_slice %arg5[%arg0, %add3A_162, %dma_start3A_227] : memref<2x50000x32xf32, #tpu.memory_space<hbm>> -> memref<1x125x32xf32, #tpu.memory_space<hbm>>
      %dma_start3A_229 = tpu.memref_squeeze %dma_start3A_228 : memref<1x125x32xf32, #tpu.memory_space<hbm>> -> memref<125x32xf32, #tpu.memory_space<hbm>>
      %dma_start3A_230 = arith.constant 0 : i32
      %dma_start3A_231 = tpu.memref_slice %arg5[%arg0, %add3A_162, %dma_start3A_230] : memref<2x50000x32xf32, #tpu.memory_space<hbm>> -> memref<1x125x32xf32, #tpu.memory_space<hbm>>
      %dma_start3A_232 = tpu.memref_squeeze %dma_start3A_231 : memref<1x125x32xf32, #tpu.memory_space<hbm>> -> memref<125x32xf32, #tpu.memory_space<hbm>>
      tpu.enqueue_dma source(%arg10 : memref<125x32xf32, #tpu.memory_space<vmem>>) target(%dma_start3A_232 : memref<125x32xf32, #tpu.memory_space<hbm>>) target_semaphore(%run_scoped3A : memref<!tpu.dma_semaphore, #tpu.memory_space<semaphore_mem>>)
      %dma_wait3A_233 = arith.constant 0 : i32
      %dma_wait3A_234 = tpu.memref_slice %arg5[%arg0, %add3A_162, %dma_wait3A_233] : memref<2x50000x32xf32, #tpu.memory_space<hbm>> -> memref<1x125x32xf32, #tpu.memory_space<hbm>>
      %dma_wait3A_235 = tpu.memref_squeeze %dma_wait3A_234 : memref<1x125x32xf32, #tpu.memory_space<hbm>> -> memref<125x32xf32, #tpu.memory_space<hbm>>
      %dma_wait3A_236 = arith.constant 0 : i32
      %dma_wait3A_237 = tpu.memref_slice %arg5[%arg0, %add3A_162, %dma_wait3A_236] : memref<2x50000x32xf32, #tpu.memory_space<hbm>> -> memref<1x125x32xf32, #tpu.memory_space<hbm>>
      %dma_wait3A_238 = tpu.memref_squeeze %dma_wait3A_237 : memref<1x125x32xf32, #tpu.memory_space<hbm>> -> memref<125x32xf32, #tpu.memory_space<hbm>>
      tpu.wait_dma2 semaphore(%run_scoped3A : memref<!tpu.dma_semaphore, #tpu.memory_space<semaphore_mem>>) src(%arg10 : memref<125x32xf32, #tpu.memory_space<vmem>>) dst(%dma_wait3A_238 : memref<125x32xf32, #tpu.memory_space<hbm>>)
      tpu.yield
    }) : () -> ()
    %mul3A_163 = arith.constant 3125 : i32
    %mul3A_164 = arith.muli %arg1, %mul3A_163 : i32
    %add3A_165 = arith.constant 1125 : i32
    %add3A_166 = arith.addi %mul3A_164, %add3A_165 : i32
    "tpu.region"() ({
      %run_scoped3A = tpu.sem_alloc : memref<!tpu.dma_semaphore, #tpu.memory_space<semaphore_mem>>
      %dma_start3A_227 = arith.constant 0 : i32
      %dma_start3A_228 = tpu.memref_slice %arg11[%add3A_166, %dma_start3A_227] : memref<50000x32xf32, #tpu.memory_space<vmem_shared>> -> memref<125x32xf32, #tpu.memory_space<vmem_shared>>
      %dma_start3A_229 = arith.constant 0 : i32
      %dma_start3A_230 = tpu.memref_slice %arg11[%add3A_166, %dma_start3A_229] : memref<50000x32xf32, #tpu.memory_space<vmem_shared>> -> memref<125x32xf32, #tpu.memory_space<vmem_shared>>
      tpu.enqueue_dma source(%dma_start3A_230 : memref<125x32xf32, #tpu.memory_space<vmem_shared>>) target(%arg10 : memref<125x32xf32, #tpu.memory_space<vmem>>) target_semaphore(%run_scoped3A : memref<!tpu.dma_semaphore, #tpu.memory_space<semaphore_mem>>)
      %dma_wait3A_231 = arith.constant 0 : i32
      %dma_wait3A_232 = tpu.memref_slice %arg11[%add3A_166, %dma_wait3A_231] : memref<50000x32xf32, #tpu.memory_space<vmem_shared>> -> memref<125x32xf32, #tpu.memory_space<vmem_shared>>
      %dma_wait3A_233 = arith.constant 0 : i32
      %dma_wait3A_234 = tpu.memref_slice %arg11[%add3A_166, %dma_wait3A_233] : memref<50000x32xf32, #tpu.memory_space<vmem_shared>> -> memref<125x32xf32, #tpu.memory_space<vmem_shared>>
      tpu.wait_dma2 semaphore(%run_scoped3A : memref<!tpu.dma_semaphore, #tpu.memory_space<semaphore_mem>>) src(%dma_wait3A_234 : memref<125x32xf32, #tpu.memory_space<vmem_shared>>) dst(%arg10 : memref<125x32xf32, #tpu.memory_space<vmem>>)
      tpu.yield
    }) : () -> ()
    "tpu.region"() ({
      %run_scoped3A = tpu.sem_alloc : memref<!tpu.dma_semaphore, #tpu.memory_space<semaphore_mem>>
      %dma_start3A_227 = arith.constant 0 : i32
      %dma_start3A_228 = tpu.memref_slice %arg5[%arg0, %add3A_166, %dma_start3A_227] : memref<2x50000x32xf32, #tpu.memory_space<hbm>> -> memref<1x125x32xf32, #tpu.memory_space<hbm>>
      %dma_start3A_229 = tpu.memref_squeeze %dma_start3A_228 : memref<1x125x32xf32, #tpu.memory_space<hbm>> -> memref<125x32xf32, #tpu.memory_space<hbm>>
      %dma_start3A_230 = arith.constant 0 : i32
      %dma_start3A_231 = tpu.memref_slice %arg5[%arg0, %add3A_166, %dma_start3A_230] : memref<2x50000x32xf32, #tpu.memory_space<hbm>> -> memref<1x125x32xf32, #tpu.memory_space<hbm>>
      %dma_start3A_232 = tpu.memref_squeeze %dma_start3A_231 : memref<1x125x32xf32, #tpu.memory_space<hbm>> -> memref<125x32xf32, #tpu.memory_space<hbm>>
      tpu.enqueue_dma source(%arg10 : memref<125x32xf32, #tpu.memory_space<vmem>>) target(%dma_start3A_232 : memref<125x32xf32, #tpu.memory_space<hbm>>) target_semaphore(%run_scoped3A : memref<!tpu.dma_semaphore, #tpu.memory_space<semaphore_mem>>)
      %dma_wait3A_233 = arith.constant 0 : i32
      %dma_wait3A_234 = tpu.memref_slice %arg5[%arg0, %add3A_166, %dma_wait3A_233] : memref<2x50000x32xf32, #tpu.memory_space<hbm>> -> memref<1x125x32xf32, #tpu.memory_space<hbm>>
      %dma_wait3A_235 = tpu.memref_squeeze %dma_wait3A_234 : memref<1x125x32xf32, #tpu.memory_space<hbm>> -> memref<125x32xf32, #tpu.memory_space<hbm>>
      %dma_wait3A_236 = arith.constant 0 : i32
      %dma_wait3A_237 = tpu.memref_slice %arg5[%arg0, %add3A_166, %dma_wait3A_236] : memref<2x50000x32xf32, #tpu.memory_space<hbm>> -> memref<1x125x32xf32, #tpu.memory_space<hbm>>
      %dma_wait3A_238 = tpu.memref_squeeze %dma_wait3A_237 : memref<1x125x32xf32, #tpu.memory_space<hbm>> -> memref<125x32xf32, #tpu.memory_space<hbm>>
      tpu.wait_dma2 semaphore(%run_scoped3A : memref<!tpu.dma_semaphore, #tpu.memory_space<semaphore_mem>>) src(%arg10 : memref<125x32xf32, #tpu.memory_space<vmem>>) dst(%dma_wait3A_238 : memref<125x32xf32, #tpu.memory_space<hbm>>)
      tpu.yield
    }) : () -> ()
    %mul3A_167 = arith.constant 3125 : i32
    %mul3A_168 = arith.muli %arg1, %mul3A_167 : i32
    %add3A_169 = arith.constant 1250 : i32
    %add3A_170 = arith.addi %mul3A_168, %add3A_169 : i32
    "tpu.region"() ({
      %run_scoped3A = tpu.sem_alloc : memref<!tpu.dma_semaphore, #tpu.memory_space<semaphore_mem>>
      %dma_start3A_227 = arith.constant 0 : i32
      %dma_start3A_228 = tpu.memref_slice %arg11[%add3A_170, %dma_start3A_227] : memref<50000x32xf32, #tpu.memory_space<vmem_shared>> -> memref<125x32xf32, #tpu.memory_space<vmem_shared>>
      %dma_start3A_229 = arith.constant 0 : i32
      %dma_start3A_230 = tpu.memref_slice %arg11[%add3A_170, %dma_start3A_229] : memref<50000x32xf32, #tpu.memory_space<vmem_shared>> -> memref<125x32xf32, #tpu.memory_space<vmem_shared>>
      tpu.enqueue_dma source(%dma_start3A_230 : memref<125x32xf32, #tpu.memory_space<vmem_shared>>) target(%arg10 : memref<125x32xf32, #tpu.memory_space<vmem>>) target_semaphore(%run_scoped3A : memref<!tpu.dma_semaphore, #tpu.memory_space<semaphore_mem>>)
      %dma_wait3A_231 = arith.constant 0 : i32
      %dma_wait3A_232 = tpu.memref_slice %arg11[%add3A_170, %dma_wait3A_231] : memref<50000x32xf32, #tpu.memory_space<vmem_shared>> -> memref<125x32xf32, #tpu.memory_space<vmem_shared>>
      %dma_wait3A_233 = arith.constant 0 : i32
      %dma_wait3A_234 = tpu.memref_slice %arg11[%add3A_170, %dma_wait3A_233] : memref<50000x32xf32, #tpu.memory_space<vmem_shared>> -> memref<125x32xf32, #tpu.memory_space<vmem_shared>>
      tpu.wait_dma2 semaphore(%run_scoped3A : memref<!tpu.dma_semaphore, #tpu.memory_space<semaphore_mem>>) src(%dma_wait3A_234 : memref<125x32xf32, #tpu.memory_space<vmem_shared>>) dst(%arg10 : memref<125x32xf32, #tpu.memory_space<vmem>>)
      tpu.yield
    }) : () -> ()
    "tpu.region"() ({
      %run_scoped3A = tpu.sem_alloc : memref<!tpu.dma_semaphore, #tpu.memory_space<semaphore_mem>>
      %dma_start3A_227 = arith.constant 0 : i32
      %dma_start3A_228 = tpu.memref_slice %arg5[%arg0, %add3A_170, %dma_start3A_227] : memref<2x50000x32xf32, #tpu.memory_space<hbm>> -> memref<1x125x32xf32, #tpu.memory_space<hbm>>
      %dma_start3A_229 = tpu.memref_squeeze %dma_start3A_228 : memref<1x125x32xf32, #tpu.memory_space<hbm>> -> memref<125x32xf32, #tpu.memory_space<hbm>>
      %dma_start3A_230 = arith.constant 0 : i32
      %dma_start3A_231 = tpu.memref_slice %arg5[%arg0, %add3A_170, %dma_start3A_230] : memref<2x50000x32xf32, #tpu.memory_space<hbm>> -> memref<1x125x32xf32, #tpu.memory_space<hbm>>
      %dma_start3A_232 = tpu.memref_squeeze %dma_start3A_231 : memref<1x125x32xf32, #tpu.memory_space<hbm>> -> memref<125x32xf32, #tpu.memory_space<hbm>>
      tpu.enqueue_dma source(%arg10 : memref<125x32xf32, #tpu.memory_space<vmem>>) target(%dma_start3A_232 : memref<125x32xf32, #tpu.memory_space<hbm>>) target_semaphore(%run_scoped3A : memref<!tpu.dma_semaphore, #tpu.memory_space<semaphore_mem>>)
      %dma_wait3A_233 = arith.constant 0 : i32
      %dma_wait3A_234 = tpu.memref_slice %arg5[%arg0, %add3A_170, %dma_wait3A_233] : memref<2x50000x32xf32, #tpu.memory_space<hbm>> -> memref<1x125x32xf32, #tpu.memory_space<hbm>>
      %dma_wait3A_235 = tpu.memref_squeeze %dma_wait3A_234 : memref<1x125x32xf32, #tpu.memory_space<hbm>> -> memref<125x32xf32, #tpu.memory_space<hbm>>
      %dma_wait3A_236 = arith.constant 0 : i32
      %dma_wait3A_237 = tpu.memref_slice %arg5[%arg0, %add3A_170, %dma_wait3A_236] : memref<2x50000x32xf32, #tpu.memory_space<hbm>> -> memref<1x125x32xf32, #tpu.memory_space<hbm>>
      %dma_wait3A_238 = tpu.memref_squeeze %dma_wait3A_237 : memref<1x125x32xf32, #tpu.memory_space<hbm>> -> memref<125x32xf32, #tpu.memory_space<hbm>>
      tpu.wait_dma2 semaphore(%run_scoped3A : memref<!tpu.dma_semaphore, #tpu.memory_space<semaphore_mem>>) src(%arg10 : memref<125x32xf32, #tpu.memory_space<vmem>>) dst(%dma_wait3A_238 : memref<125x32xf32, #tpu.memory_space<hbm>>)
      tpu.yield
    }) : () -> ()
    %mul3A_171 = arith.constant 3125 : i32
    %mul3A_172 = arith.muli %arg1, %mul3A_171 : i32
    %add3A_173 = arith.constant 1375 : i32
    %add3A_174 = arith.addi %mul3A_172, %add3A_173 : i32
    "tpu.region"() ({
      %run_scoped3A = tpu.sem_alloc : memref<!tpu.dma_semaphore, #tpu.memory_space<semaphore_mem>>
      %dma_start3A_227 = arith.constant 0 : i32
      %dma_start3A_228 = tpu.memref_slice %arg11[%add3A_174, %dma_start3A_227] : memref<50000x32xf32, #tpu.memory_space<vmem_shared>> -> memref<125x32xf32, #tpu.memory_space<vmem_shared>>
      %dma_start3A_229 = arith.constant 0 : i32
      %dma_start3A_230 = tpu.memref_slice %arg11[%add3A_174, %dma_start3A_229] : memref<50000x32xf32, #tpu.memory_space<vmem_shared>> -> memref<125x32xf32, #tpu.memory_space<vmem_shared>>
      tpu.enqueue_dma source(%dma_start3A_230 : memref<125x32xf32, #tpu.memory_space<vmem_shared>>) target(%arg10 : memref<125x32xf32, #tpu.memory_space<vmem>>) target_semaphore(%run_scoped3A : memref<!tpu.dma_semaphore, #tpu.memory_space<semaphore_mem>>)
      %dma_wait3A_231 = arith.constant 0 : i32
      %dma_wait3A_232 = tpu.memref_slice %arg11[%add3A_174, %dma_wait3A_231] : memref<50000x32xf32, #tpu.memory_space<vmem_shared>> -> memref<125x32xf32, #tpu.memory_space<vmem_shared>>
      %dma_wait3A_233 = arith.constant 0 : i32
      %dma_wait3A_234 = tpu.memref_slice %arg11[%add3A_174, %dma_wait3A_233] : memref<50000x32xf32, #tpu.memory_space<vmem_shared>> -> memref<125x32xf32, #tpu.memory_space<vmem_shared>>
      tpu.wait_dma2 semaphore(%run_scoped3A : memref<!tpu.dma_semaphore, #tpu.memory_space<semaphore_mem>>) src(%dma_wait3A_234 : memref<125x32xf32, #tpu.memory_space<vmem_shared>>) dst(%arg10 : memref<125x32xf32, #tpu.memory_space<vmem>>)
      tpu.yield
    }) : () -> ()
    "tpu.region"() ({
      %run_scoped3A = tpu.sem_alloc : memref<!tpu.dma_semaphore, #tpu.memory_space<semaphore_mem>>
      %dma_start3A_227 = arith.constant 0 : i32
      %dma_start3A_228 = tpu.memref_slice %arg5[%arg0, %add3A_174, %dma_start3A_227] : memref<2x50000x32xf32, #tpu.memory_space<hbm>> -> memref<1x125x32xf32, #tpu.memory_space<hbm>>
      %dma_start3A_229 = tpu.memref_squeeze %dma_start3A_228 : memref<1x125x32xf32, #tpu.memory_space<hbm>> -> memref<125x32xf32, #tpu.memory_space<hbm>>
      %dma_start3A_230 = arith.constant 0 : i32
      %dma_start3A_231 = tpu.memref_slice %arg5[%arg0, %add3A_174, %dma_start3A_230] : memref<2x50000x32xf32, #tpu.memory_space<hbm>> -> memref<1x125x32xf32, #tpu.memory_space<hbm>>
      %dma_start3A_232 = tpu.memref_squeeze %dma_start3A_231 : memref<1x125x32xf32, #tpu.memory_space<hbm>> -> memref<125x32xf32, #tpu.memory_space<hbm>>
      tpu.enqueue_dma source(%arg10 : memref<125x32xf32, #tpu.memory_space<vmem>>) target(%dma_start3A_232 : memref<125x32xf32, #tpu.memory_space<hbm>>) target_semaphore(%run_scoped3A : memref<!tpu.dma_semaphore, #tpu.memory_space<semaphore_mem>>)
      %dma_wait3A_233 = arith.constant 0 : i32
      %dma_wait3A_234 = tpu.memref_slice %arg5[%arg0, %add3A_174, %dma_wait3A_233] : memref<2x50000x32xf32, #tpu.memory_space<hbm>> -> memref<1x125x32xf32, #tpu.memory_space<hbm>>
      %dma_wait3A_235 = tpu.memref_squeeze %dma_wait3A_234 : memref<1x125x32xf32, #tpu.memory_space<hbm>> -> memref<125x32xf32, #tpu.memory_space<hbm>>
      %dma_wait3A_236 = arith.constant 0 : i32
      %dma_wait3A_237 = tpu.memref_slice %arg5[%arg0, %add3A_174, %dma_wait3A_236] : memref<2x50000x32xf32, #tpu.memory_space<hbm>> -> memref<1x125x32xf32, #tpu.memory_space<hbm>>
      %dma_wait3A_238 = tpu.memref_squeeze %dma_wait3A_237 : memref<1x125x32xf32, #tpu.memory_space<hbm>> -> memref<125x32xf32, #tpu.memory_space<hbm>>
      tpu.wait_dma2 semaphore(%run_scoped3A : memref<!tpu.dma_semaphore, #tpu.memory_space<semaphore_mem>>) src(%arg10 : memref<125x32xf32, #tpu.memory_space<vmem>>) dst(%dma_wait3A_238 : memref<125x32xf32, #tpu.memory_space<hbm>>)
      tpu.yield
    }) : () -> ()
    %mul3A_175 = arith.constant 3125 : i32
    %mul3A_176 = arith.muli %arg1, %mul3A_175 : i32
    %add3A_177 = arith.constant 1500 : i32
    %add3A_178 = arith.addi %mul3A_176, %add3A_177 : i32
    "tpu.region"() ({
      %run_scoped3A = tpu.sem_alloc : memref<!tpu.dma_semaphore, #tpu.memory_space<semaphore_mem>>
      %dma_start3A_227 = arith.constant 0 : i32
      %dma_start3A_228 = tpu.memref_slice %arg11[%add3A_178, %dma_start3A_227] : memref<50000x32xf32, #tpu.memory_space<vmem_shared>> -> memref<125x32xf32, #tpu.memory_space<vmem_shared>>
      %dma_start3A_229 = arith.constant 0 : i32
      %dma_start3A_230 = tpu.memref_slice %arg11[%add3A_178, %dma_start3A_229] : memref<50000x32xf32, #tpu.memory_space<vmem_shared>> -> memref<125x32xf32, #tpu.memory_space<vmem_shared>>
      tpu.enqueue_dma source(%dma_start3A_230 : memref<125x32xf32, #tpu.memory_space<vmem_shared>>) target(%arg10 : memref<125x32xf32, #tpu.memory_space<vmem>>) target_semaphore(%run_scoped3A : memref<!tpu.dma_semaphore, #tpu.memory_space<semaphore_mem>>)
      %dma_wait3A_231 = arith.constant 0 : i32
      %dma_wait3A_232 = tpu.memref_slice %arg11[%add3A_178, %dma_wait3A_231] : memref<50000x32xf32, #tpu.memory_space<vmem_shared>> -> memref<125x32xf32, #tpu.memory_space<vmem_shared>>
      %dma_wait3A_233 = arith.constant 0 : i32
      %dma_wait3A_234 = tpu.memref_slice %arg11[%add3A_178, %dma_wait3A_233] : memref<50000x32xf32, #tpu.memory_space<vmem_shared>> -> memref<125x32xf32, #tpu.memory_space<vmem_shared>>
      tpu.wait_dma2 semaphore(%run_scoped3A : memref<!tpu.dma_semaphore, #tpu.memory_space<semaphore_mem>>) src(%dma_wait3A_234 : memref<125x32xf32, #tpu.memory_space<vmem_shared>>) dst(%arg10 : memref<125x32xf32, #tpu.memory_space<vmem>>)
      tpu.yield
    }) : () -> ()
    "tpu.region"() ({
      %run_scoped3A = tpu.sem_alloc : memref<!tpu.dma_semaphore, #tpu.memory_space<semaphore_mem>>
      %dma_start3A_227 = arith.constant 0 : i32
      %dma_start3A_228 = tpu.memref_slice %arg5[%arg0, %add3A_178, %dma_start3A_227] : memref<2x50000x32xf32, #tpu.memory_space<hbm>> -> memref<1x125x32xf32, #tpu.memory_space<hbm>>
      %dma_start3A_229 = tpu.memref_squeeze %dma_start3A_228 : memref<1x125x32xf32, #tpu.memory_space<hbm>> -> memref<125x32xf32, #tpu.memory_space<hbm>>
      %dma_start3A_230 = arith.constant 0 : i32
      %dma_start3A_231 = tpu.memref_slice %arg5[%arg0, %add3A_178, %dma_start3A_230] : memref<2x50000x32xf32, #tpu.memory_space<hbm>> -> memref<1x125x32xf32, #tpu.memory_space<hbm>>
      %dma_start3A_232 = tpu.memref_squeeze %dma_start3A_231 : memref<1x125x32xf32, #tpu.memory_space<hbm>> -> memref<125x32xf32, #tpu.memory_space<hbm>>
      tpu.enqueue_dma source(%arg10 : memref<125x32xf32, #tpu.memory_space<vmem>>) target(%dma_start3A_232 : memref<125x32xf32, #tpu.memory_space<hbm>>) target_semaphore(%run_scoped3A : memref<!tpu.dma_semaphore, #tpu.memory_space<semaphore_mem>>)
      %dma_wait3A_233 = arith.constant 0 : i32
      %dma_wait3A_234 = tpu.memref_slice %arg5[%arg0, %add3A_178, %dma_wait3A_233] : memref<2x50000x32xf32, #tpu.memory_space<hbm>> -> memref<1x125x32xf32, #tpu.memory_space<hbm>>
      %dma_wait3A_235 = tpu.memref_squeeze %dma_wait3A_234 : memref<1x125x32xf32, #tpu.memory_space<hbm>> -> memref<125x32xf32, #tpu.memory_space<hbm>>
      %dma_wait3A_236 = arith.constant 0 : i32
      %dma_wait3A_237 = tpu.memref_slice %arg5[%arg0, %add3A_178, %dma_wait3A_236] : memref<2x50000x32xf32, #tpu.memory_space<hbm>> -> memref<1x125x32xf32, #tpu.memory_space<hbm>>
      %dma_wait3A_238 = tpu.memref_squeeze %dma_wait3A_237 : memref<1x125x32xf32, #tpu.memory_space<hbm>> -> memref<125x32xf32, #tpu.memory_space<hbm>>
      tpu.wait_dma2 semaphore(%run_scoped3A : memref<!tpu.dma_semaphore, #tpu.memory_space<semaphore_mem>>) src(%arg10 : memref<125x32xf32, #tpu.memory_space<vmem>>) dst(%dma_wait3A_238 : memref<125x32xf32, #tpu.memory_space<hbm>>)
      tpu.yield
    }) : () -> ()
    %mul3A_179 = arith.constant 3125 : i32
    %mul3A_180 = arith.muli %arg1, %mul3A_179 : i32
    %add3A_181 = arith.constant 1625 : i32
    %add3A_182 = arith.addi %mul3A_180, %add3A_181 : i32
    "tpu.region"() ({
      %run_scoped3A = tpu.sem_alloc : memref<!tpu.dma_semaphore, #tpu.memory_space<semaphore_mem>>
      %dma_start3A_227 = arith.constant 0 : i32
      %dma_start3A_228 = tpu.memref_slice %arg11[%add3A_182, %dma_start3A_227] : memref<50000x32xf32, #tpu.memory_space<vmem_shared>> -> memref<125x32xf32, #tpu.memory_space<vmem_shared>>
      %dma_start3A_229 = arith.constant 0 : i32
      %dma_start3A_230 = tpu.memref_slice %arg11[%add3A_182, %dma_start3A_229] : memref<50000x32xf32, #tpu.memory_space<vmem_shared>> -> memref<125x32xf32, #tpu.memory_space<vmem_shared>>
      tpu.enqueue_dma source(%dma_start3A_230 : memref<125x32xf32, #tpu.memory_space<vmem_shared>>) target(%arg10 : memref<125x32xf32, #tpu.memory_space<vmem>>) target_semaphore(%run_scoped3A : memref<!tpu.dma_semaphore, #tpu.memory_space<semaphore_mem>>)
      %dma_wait3A_231 = arith.constant 0 : i32
      %dma_wait3A_232 = tpu.memref_slice %arg11[%add3A_182, %dma_wait3A_231] : memref<50000x32xf32, #tpu.memory_space<vmem_shared>> -> memref<125x32xf32, #tpu.memory_space<vmem_shared>>
      %dma_wait3A_233 = arith.constant 0 : i32
      %dma_wait3A_234 = tpu.memref_slice %arg11[%add3A_182, %dma_wait3A_233] : memref<50000x32xf32, #tpu.memory_space<vmem_shared>> -> memref<125x32xf32, #tpu.memory_space<vmem_shared>>
      tpu.wait_dma2 semaphore(%run_scoped3A : memref<!tpu.dma_semaphore, #tpu.memory_space<semaphore_mem>>) src(%dma_wait3A_234 : memref<125x32xf32, #tpu.memory_space<vmem_shared>>) dst(%arg10 : memref<125x32xf32, #tpu.memory_space<vmem>>)
      tpu.yield
    }) : () -> ()
    "tpu.region"() ({
      %run_scoped3A = tpu.sem_alloc : memref<!tpu.dma_semaphore, #tpu.memory_space<semaphore_mem>>
      %dma_start3A_227 = arith.constant 0 : i32
      %dma_start3A_228 = tpu.memref_slice %arg5[%arg0, %add3A_182, %dma_start3A_227] : memref<2x50000x32xf32, #tpu.memory_space<hbm>> -> memref<1x125x32xf32, #tpu.memory_space<hbm>>
      %dma_start3A_229 = tpu.memref_squeeze %dma_start3A_228 : memref<1x125x32xf32, #tpu.memory_space<hbm>> -> memref<125x32xf32, #tpu.memory_space<hbm>>
      %dma_start3A_230 = arith.constant 0 : i32
      %dma_start3A_231 = tpu.memref_slice %arg5[%arg0, %add3A_182, %dma_start3A_230] : memref<2x50000x32xf32, #tpu.memory_space<hbm>> -> memref<1x125x32xf32, #tpu.memory_space<hbm>>
      %dma_start3A_232 = tpu.memref_squeeze %dma_start3A_231 : memref<1x125x32xf32, #tpu.memory_space<hbm>> -> memref<125x32xf32, #tpu.memory_space<hbm>>
      tpu.enqueue_dma source(%arg10 : memref<125x32xf32, #tpu.memory_space<vmem>>) target(%dma_start3A_232 : memref<125x32xf32, #tpu.memory_space<hbm>>) target_semaphore(%run_scoped3A : memref<!tpu.dma_semaphore, #tpu.memory_space<semaphore_mem>>)
      %dma_wait3A_233 = arith.constant 0 : i32
      %dma_wait3A_234 = tpu.memref_slice %arg5[%arg0, %add3A_182, %dma_wait3A_233] : memref<2x50000x32xf32, #tpu.memory_space<hbm>> -> memref<1x125x32xf32, #tpu.memory_space<hbm>>
      %dma_wait3A_235 = tpu.memref_squeeze %dma_wait3A_234 : memref<1x125x32xf32, #tpu.memory_space<hbm>> -> memref<125x32xf32, #tpu.memory_space<hbm>>
      %dma_wait3A_236 = arith.constant 0 : i32
      %dma_wait3A_237 = tpu.memref_slice %arg5[%arg0, %add3A_182, %dma_wait3A_236] : memref<2x50000x32xf32, #tpu.memory_space<hbm>> -> memref<1x125x32xf32, #tpu.memory_space<hbm>>
      %dma_wait3A_238 = tpu.memref_squeeze %dma_wait3A_237 : memref<1x125x32xf32, #tpu.memory_space<hbm>> -> memref<125x32xf32, #tpu.memory_space<hbm>>
      tpu.wait_dma2 semaphore(%run_scoped3A : memref<!tpu.dma_semaphore, #tpu.memory_space<semaphore_mem>>) src(%arg10 : memref<125x32xf32, #tpu.memory_space<vmem>>) dst(%dma_wait3A_238 : memref<125x32xf32, #tpu.memory_space<hbm>>)
      tpu.yield
    }) : () -> ()
    %mul3A_183 = arith.constant 3125 : i32
    %mul3A_184 = arith.muli %arg1, %mul3A_183 : i32
    %add3A_185 = arith.constant 1750 : i32
    %add3A_186 = arith.addi %mul3A_184, %add3A_185 : i32
    "tpu.region"() ({
      %run_scoped3A = tpu.sem_alloc : memref<!tpu.dma_semaphore, #tpu.memory_space<semaphore_mem>>
      %dma_start3A_227 = arith.constant 0 : i32
      %dma_start3A_228 = tpu.memref_slice %arg11[%add3A_186, %dma_start3A_227] : memref<50000x32xf32, #tpu.memory_space<vmem_shared>> -> memref<125x32xf32, #tpu.memory_space<vmem_shared>>
      %dma_start3A_229 = arith.constant 0 : i32
      %dma_start3A_230 = tpu.memref_slice %arg11[%add3A_186, %dma_start3A_229] : memref<50000x32xf32, #tpu.memory_space<vmem_shared>> -> memref<125x32xf32, #tpu.memory_space<vmem_shared>>
      tpu.enqueue_dma source(%dma_start3A_230 : memref<125x32xf32, #tpu.memory_space<vmem_shared>>) target(%arg10 : memref<125x32xf32, #tpu.memory_space<vmem>>) target_semaphore(%run_scoped3A : memref<!tpu.dma_semaphore, #tpu.memory_space<semaphore_mem>>)
      %dma_wait3A_231 = arith.constant 0 : i32
      %dma_wait3A_232 = tpu.memref_slice %arg11[%add3A_186, %dma_wait3A_231] : memref<50000x32xf32, #tpu.memory_space<vmem_shared>> -> memref<125x32xf32, #tpu.memory_space<vmem_shared>>
      %dma_wait3A_233 = arith.constant 0 : i32
      %dma_wait3A_234 = tpu.memref_slice %arg11[%add3A_186, %dma_wait3A_233] : memref<50000x32xf32, #tpu.memory_space<vmem_shared>> -> memref<125x32xf32, #tpu.memory_space<vmem_shared>>
      tpu.wait_dma2 semaphore(%run_scoped3A : memref<!tpu.dma_semaphore, #tpu.memory_space<semaphore_mem>>) src(%dma_wait3A_234 : memref<125x32xf32, #tpu.memory_space<vmem_shared>>) dst(%arg10 : memref<125x32xf32, #tpu.memory_space<vmem>>)
      tpu.yield
    }) : () -> ()
    "tpu.region"() ({
      %run_scoped3A = tpu.sem_alloc : memref<!tpu.dma_semaphore, #tpu.memory_space<semaphore_mem>>
      %dma_start3A_227 = arith.constant 0 : i32
      %dma_start3A_228 = tpu.memref_slice %arg5[%arg0, %add3A_186, %dma_start3A_227] : memref<2x50000x32xf32, #tpu.memory_space<hbm>> -> memref<1x125x32xf32, #tpu.memory_space<hbm>>
      %dma_start3A_229 = tpu.memref_squeeze %dma_start3A_228 : memref<1x125x32xf32, #tpu.memory_space<hbm>> -> memref<125x32xf32, #tpu.memory_space<hbm>>
      %dma_start3A_230 = arith.constant 0 : i32
      %dma_start3A_231 = tpu.memref_slice %arg5[%arg0, %add3A_186, %dma_start3A_230] : memref<2x50000x32xf32, #tpu.memory_space<hbm>> -> memref<1x125x32xf32, #tpu.memory_space<hbm>>
      %dma_start3A_232 = tpu.memref_squeeze %dma_start3A_231 : memref<1x125x32xf32, #tpu.memory_space<hbm>> -> memref<125x32xf32, #tpu.memory_space<hbm>>
      tpu.enqueue_dma source(%arg10 : memref<125x32xf32, #tpu.memory_space<vmem>>) target(%dma_start3A_232 : memref<125x32xf32, #tpu.memory_space<hbm>>) target_semaphore(%run_scoped3A : memref<!tpu.dma_semaphore, #tpu.memory_space<semaphore_mem>>)
      %dma_wait3A_233 = arith.constant 0 : i32
      %dma_wait3A_234 = tpu.memref_slice %arg5[%arg0, %add3A_186, %dma_wait3A_233] : memref<2x50000x32xf32, #tpu.memory_space<hbm>> -> memref<1x125x32xf32, #tpu.memory_space<hbm>>
      %dma_wait3A_235 = tpu.memref_squeeze %dma_wait3A_234 : memref<1x125x32xf32, #tpu.memory_space<hbm>> -> memref<125x32xf32, #tpu.memory_space<hbm>>
      %dma_wait3A_236 = arith.constant 0 : i32
      %dma_wait3A_237 = tpu.memref_slice %arg5[%arg0, %add3A_186, %dma_wait3A_236] : memref<2x50000x32xf32, #tpu.memory_space<hbm>> -> memref<1x125x32xf32, #tpu.memory_space<hbm>>
      %dma_wait3A_238 = tpu.memref_squeeze %dma_wait3A_237 : memref<1x125x32xf32, #tpu.memory_space<hbm>> -> memref<125x32xf32, #tpu.memory_space<hbm>>
      tpu.wait_dma2 semaphore(%run_scoped3A : memref<!tpu.dma_semaphore, #tpu.memory_space<semaphore_mem>>) src(%arg10 : memref<125x32xf32, #tpu.memory_space<vmem>>) dst(%dma_wait3A_238 : memref<125x32xf32, #tpu.memory_space<hbm>>)
      tpu.yield
    }) : () -> ()
    %mul3A_187 = arith.constant 3125 : i32
    %mul3A_188 = arith.muli %arg1, %mul3A_187 : i32
    %add3A_189 = arith.constant 1875 : i32
    %add3A_190 = arith.addi %mul3A_188, %add3A_189 : i32
    "tpu.region"() ({
      %run_scoped3A = tpu.sem_alloc : memref<!tpu.dma_semaphore, #tpu.memory_space<semaphore_mem>>
      %dma_start3A_227 = arith.constant 0 : i32
      %dma_start3A_228 = tpu.memref_slice %arg11[%add3A_190, %dma_start3A_227] : memref<50000x32xf32, #tpu.memory_space<vmem_shared>> -> memref<125x32xf32, #tpu.memory_space<vmem_shared>>
      %dma_start3A_229 = arith.constant 0 : i32
      %dma_start3A_230 = tpu.memref_slice %arg11[%add3A_190, %dma_start3A_229] : memref<50000x32xf32, #tpu.memory_space<vmem_shared>> -> memref<125x32xf32, #tpu.memory_space<vmem_shared>>
      tpu.enqueue_dma source(%dma_start3A_230 : memref<125x32xf32, #tpu.memory_space<vmem_shared>>) target(%arg10 : memref<125x32xf32, #tpu.memory_space<vmem>>) target_semaphore(%run_scoped3A : memref<!tpu.dma_semaphore, #tpu.memory_space<semaphore_mem>>)
      %dma_wait3A_231 = arith.constant 0 : i32
      %dma_wait3A_232 = tpu.memref_slice %arg11[%add3A_190, %dma_wait3A_231] : memref<50000x32xf32, #tpu.memory_space<vmem_shared>> -> memref<125x32xf32, #tpu.memory_space<vmem_shared>>
      %dma_wait3A_233 = arith.constant 0 : i32
      %dma_wait3A_234 = tpu.memref_slice %arg11[%add3A_190, %dma_wait3A_233] : memref<50000x32xf32, #tpu.memory_space<vmem_shared>> -> memref<125x32xf32, #tpu.memory_space<vmem_shared>>
      tpu.wait_dma2 semaphore(%run_scoped3A : memref<!tpu.dma_semaphore, #tpu.memory_space<semaphore_mem>>) src(%dma_wait3A_234 : memref<125x32xf32, #tpu.memory_space<vmem_shared>>) dst(%arg10 : memref<125x32xf32, #tpu.memory_space<vmem>>)
      tpu.yield
    }) : () -> ()
    "tpu.region"() ({
      %run_scoped3A = tpu.sem_alloc : memref<!tpu.dma_semaphore, #tpu.memory_space<semaphore_mem>>
      %dma_start3A_227 = arith.constant 0 : i32
      %dma_start3A_228 = tpu.memref_slice %arg5[%arg0, %add3A_190, %dma_start3A_227] : memref<2x50000x32xf32, #tpu.memory_space<hbm>> -> memref<1x125x32xf32, #tpu.memory_space<hbm>>
      %dma_start3A_229 = tpu.memref_squeeze %dma_start3A_228 : memref<1x125x32xf32, #tpu.memory_space<hbm>> -> memref<125x32xf32, #tpu.memory_space<hbm>>
      %dma_start3A_230 = arith.constant 0 : i32
      %dma_start3A_231 = tpu.memref_slice %arg5[%arg0, %add3A_190, %dma_start3A_230] : memref<2x50000x32xf32, #tpu.memory_space<hbm>> -> memref<1x125x32xf32, #tpu.memory_space<hbm>>
      %dma_start3A_232 = tpu.memref_squeeze %dma_start3A_231 : memref<1x125x32xf32, #tpu.memory_space<hbm>> -> memref<125x32xf32, #tpu.memory_space<hbm>>
      tpu.enqueue_dma source(%arg10 : memref<125x32xf32, #tpu.memory_space<vmem>>) target(%dma_start3A_232 : memref<125x32xf32, #tpu.memory_space<hbm>>) target_semaphore(%run_scoped3A : memref<!tpu.dma_semaphore, #tpu.memory_space<semaphore_mem>>)
      %dma_wait3A_233 = arith.constant 0 : i32
      %dma_wait3A_234 = tpu.memref_slice %arg5[%arg0, %add3A_190, %dma_wait3A_233] : memref<2x50000x32xf32, #tpu.memory_space<hbm>> -> memref<1x125x32xf32, #tpu.memory_space<hbm>>
      %dma_wait3A_235 = tpu.memref_squeeze %dma_wait3A_234 : memref<1x125x32xf32, #tpu.memory_space<hbm>> -> memref<125x32xf32, #tpu.memory_space<hbm>>
      %dma_wait3A_236 = arith.constant 0 : i32
      %dma_wait3A_237 = tpu.memref_slice %arg5[%arg0, %add3A_190, %dma_wait3A_236] : memref<2x50000x32xf32, #tpu.memory_space<hbm>> -> memref<1x125x32xf32, #tpu.memory_space<hbm>>
      %dma_wait3A_238 = tpu.memref_squeeze %dma_wait3A_237 : memref<1x125x32xf32, #tpu.memory_space<hbm>> -> memref<125x32xf32, #tpu.memory_space<hbm>>
      tpu.wait_dma2 semaphore(%run_scoped3A : memref<!tpu.dma_semaphore, #tpu.memory_space<semaphore_mem>>) src(%arg10 : memref<125x32xf32, #tpu.memory_space<vmem>>) dst(%dma_wait3A_238 : memref<125x32xf32, #tpu.memory_space<hbm>>)
      tpu.yield
    }) : () -> ()
    %mul3A_191 = arith.constant 3125 : i32
    %mul3A_192 = arith.muli %arg1, %mul3A_191 : i32
    %add3A_193 = arith.constant 2000 : i32
    %add3A_194 = arith.addi %mul3A_192, %add3A_193 : i32
    "tpu.region"() ({
      %run_scoped3A = tpu.sem_alloc : memref<!tpu.dma_semaphore, #tpu.memory_space<semaphore_mem>>
      %dma_start3A_227 = arith.constant 0 : i32
      %dma_start3A_228 = tpu.memref_slice %arg11[%add3A_194, %dma_start3A_227] : memref<50000x32xf32, #tpu.memory_space<vmem_shared>> -> memref<125x32xf32, #tpu.memory_space<vmem_shared>>
      %dma_start3A_229 = arith.constant 0 : i32
      %dma_start3A_230 = tpu.memref_slice %arg11[%add3A_194, %dma_start3A_229] : memref<50000x32xf32, #tpu.memory_space<vmem_shared>> -> memref<125x32xf32, #tpu.memory_space<vmem_shared>>
      tpu.enqueue_dma source(%dma_start3A_230 : memref<125x32xf32, #tpu.memory_space<vmem_shared>>) target(%arg10 : memref<125x32xf32, #tpu.memory_space<vmem>>) target_semaphore(%run_scoped3A : memref<!tpu.dma_semaphore, #tpu.memory_space<semaphore_mem>>)
      %dma_wait3A_231 = arith.constant 0 : i32
      %dma_wait3A_232 = tpu.memref_slice %arg11[%add3A_194, %dma_wait3A_231] : memref<50000x32xf32, #tpu.memory_space<vmem_shared>> -> memref<125x32xf32, #tpu.memory_space<vmem_shared>>
      %dma_wait3A_233 = arith.constant 0 : i32
      %dma_wait3A_234 = tpu.memref_slice %arg11[%add3A_194, %dma_wait3A_233] : memref<50000x32xf32, #tpu.memory_space<vmem_shared>> -> memref<125x32xf32, #tpu.memory_space<vmem_shared>>
      tpu.wait_dma2 semaphore(%run_scoped3A : memref<!tpu.dma_semaphore, #tpu.memory_space<semaphore_mem>>) src(%dma_wait3A_234 : memref<125x32xf32, #tpu.memory_space<vmem_shared>>) dst(%arg10 : memref<125x32xf32, #tpu.memory_space<vmem>>)
      tpu.yield
    }) : () -> ()
    "tpu.region"() ({
      %run_scoped3A = tpu.sem_alloc : memref<!tpu.dma_semaphore, #tpu.memory_space<semaphore_mem>>
      %dma_start3A_227 = arith.constant 0 : i32
      %dma_start3A_228 = tpu.memref_slice %arg5[%arg0, %add3A_194, %dma_start3A_227] : memref<2x50000x32xf32, #tpu.memory_space<hbm>> -> memref<1x125x32xf32, #tpu.memory_space<hbm>>
      %dma_start3A_229 = tpu.memref_squeeze %dma_start3A_228 : memref<1x125x32xf32, #tpu.memory_space<hbm>> -> memref<125x32xf32, #tpu.memory_space<hbm>>
      %dma_start3A_230 = arith.constant 0 : i32
      %dma_start3A_231 = tpu.memref_slice %arg5[%arg0, %add3A_194, %dma_start3A_230] : memref<2x50000x32xf32, #tpu.memory_space<hbm>> -> memref<1x125x32xf32, #tpu.memory_space<hbm>>
      %dma_start3A_232 = tpu.memref_squeeze %dma_start3A_231 : memref<1x125x32xf32, #tpu.memory_space<hbm>> -> memref<125x32xf32, #tpu.memory_space<hbm>>
      tpu.enqueue_dma source(%arg10 : memref<125x32xf32, #tpu.memory_space<vmem>>) target(%dma_start3A_232 : memref<125x32xf32, #tpu.memory_space<hbm>>) target_semaphore(%run_scoped3A : memref<!tpu.dma_semaphore, #tpu.memory_space<semaphore_mem>>)
      %dma_wait3A_233 = arith.constant 0 : i32
      %dma_wait3A_234 = tpu.memref_slice %arg5[%arg0, %add3A_194, %dma_wait3A_233] : memref<2x50000x32xf32, #tpu.memory_space<hbm>> -> memref<1x125x32xf32, #tpu.memory_space<hbm>>
      %dma_wait3A_235 = tpu.memref_squeeze %dma_wait3A_234 : memref<1x125x32xf32, #tpu.memory_space<hbm>> -> memref<125x32xf32, #tpu.memory_space<hbm>>
      %dma_wait3A_236 = arith.constant 0 : i32
      %dma_wait3A_237 = tpu.memref_slice %arg5[%arg0, %add3A_194, %dma_wait3A_236] : memref<2x50000x32xf32, #tpu.memory_space<hbm>> -> memref<1x125x32xf32, #tpu.memory_space<hbm>>
      %dma_wait3A_238 = tpu.memref_squeeze %dma_wait3A_237 : memref<1x125x32xf32, #tpu.memory_space<hbm>> -> memref<125x32xf32, #tpu.memory_space<hbm>>
      tpu.wait_dma2 semaphore(%run_scoped3A : memref<!tpu.dma_semaphore, #tpu.memory_space<semaphore_mem>>) src(%arg10 : memref<125x32xf32, #tpu.memory_space<vmem>>) dst(%dma_wait3A_238 : memref<125x32xf32, #tpu.memory_space<hbm>>)
      tpu.yield
    }) : () -> ()
    %mul3A_195 = arith.constant 3125 : i32
    %mul3A_196 = arith.muli %arg1, %mul3A_195 : i32
    %add3A_197 = arith.constant 2125 : i32
    %add3A_198 = arith.addi %mul3A_196, %add3A_197 : i32
    "tpu.region"() ({
      %run_scoped3A = tpu.sem_alloc : memref<!tpu.dma_semaphore, #tpu.memory_space<semaphore_mem>>
      %dma_start3A_227 = arith.constant 0 : i32
      %dma_start3A_228 = tpu.memref_slice %arg11[%add3A_198, %dma_start3A_227] : memref<50000x32xf32, #tpu.memory_space<vmem_shared>> -> memref<125x32xf32, #tpu.memory_space<vmem_shared>>
      %dma_start3A_229 = arith.constant 0 : i32
      %dma_start3A_230 = tpu.memref_slice %arg11[%add3A_198, %dma_start3A_229] : memref<50000x32xf32, #tpu.memory_space<vmem_shared>> -> memref<125x32xf32, #tpu.memory_space<vmem_shared>>
      tpu.enqueue_dma source(%dma_start3A_230 : memref<125x32xf32, #tpu.memory_space<vmem_shared>>) target(%arg10 : memref<125x32xf32, #tpu.memory_space<vmem>>) target_semaphore(%run_scoped3A : memref<!tpu.dma_semaphore, #tpu.memory_space<semaphore_mem>>)
      %dma_wait3A_231 = arith.constant 0 : i32
      %dma_wait3A_232 = tpu.memref_slice %arg11[%add3A_198, %dma_wait3A_231] : memref<50000x32xf32, #tpu.memory_space<vmem_shared>> -> memref<125x32xf32, #tpu.memory_space<vmem_shared>>
      %dma_wait3A_233 = arith.constant 0 : i32
      %dma_wait3A_234 = tpu.memref_slice %arg11[%add3A_198, %dma_wait3A_233] : memref<50000x32xf32, #tpu.memory_space<vmem_shared>> -> memref<125x32xf32, #tpu.memory_space<vmem_shared>>
      tpu.wait_dma2 semaphore(%run_scoped3A : memref<!tpu.dma_semaphore, #tpu.memory_space<semaphore_mem>>) src(%dma_wait3A_234 : memref<125x32xf32, #tpu.memory_space<vmem_shared>>) dst(%arg10 : memref<125x32xf32, #tpu.memory_space<vmem>>)
      tpu.yield
    }) : () -> ()
    "tpu.region"() ({
      %run_scoped3A = tpu.sem_alloc : memref<!tpu.dma_semaphore, #tpu.memory_space<semaphore_mem>>
      %dma_start3A_227 = arith.constant 0 : i32
      %dma_start3A_228 = tpu.memref_slice %arg5[%arg0, %add3A_198, %dma_start3A_227] : memref<2x50000x32xf32, #tpu.memory_space<hbm>> -> memref<1x125x32xf32, #tpu.memory_space<hbm>>
      %dma_start3A_229 = tpu.memref_squeeze %dma_start3A_228 : memref<1x125x32xf32, #tpu.memory_space<hbm>> -> memref<125x32xf32, #tpu.memory_space<hbm>>
      %dma_start3A_230 = arith.constant 0 : i32
      %dma_start3A_231 = tpu.memref_slice %arg5[%arg0, %add3A_198, %dma_start3A_230] : memref<2x50000x32xf32, #tpu.memory_space<hbm>> -> memref<1x125x32xf32, #tpu.memory_space<hbm>>
      %dma_start3A_232 = tpu.memref_squeeze %dma_start3A_231 : memref<1x125x32xf32, #tpu.memory_space<hbm>> -> memref<125x32xf32, #tpu.memory_space<hbm>>
      tpu.enqueue_dma source(%arg10 : memref<125x32xf32, #tpu.memory_space<vmem>>) target(%dma_start3A_232 : memref<125x32xf32, #tpu.memory_space<hbm>>) target_semaphore(%run_scoped3A : memref<!tpu.dma_semaphore, #tpu.memory_space<semaphore_mem>>)
      %dma_wait3A_233 = arith.constant 0 : i32
      %dma_wait3A_234 = tpu.memref_slice %arg5[%arg0, %add3A_198, %dma_wait3A_233] : memref<2x50000x32xf32, #tpu.memory_space<hbm>> -> memref<1x125x32xf32, #tpu.memory_space<hbm>>
      %dma_wait3A_235 = tpu.memref_squeeze %dma_wait3A_234 : memref<1x125x32xf32, #tpu.memory_space<hbm>> -> memref<125x32xf32, #tpu.memory_space<hbm>>
      %dma_wait3A_236 = arith.constant 0 : i32
      %dma_wait3A_237 = tpu.memref_slice %arg5[%arg0, %add3A_198, %dma_wait3A_236] : memref<2x50000x32xf32, #tpu.memory_space<hbm>> -> memref<1x125x32xf32, #tpu.memory_space<hbm>>
      %dma_wait3A_238 = tpu.memref_squeeze %dma_wait3A_237 : memref<1x125x32xf32, #tpu.memory_space<hbm>> -> memref<125x32xf32, #tpu.memory_space<hbm>>
      tpu.wait_dma2 semaphore(%run_scoped3A : memref<!tpu.dma_semaphore, #tpu.memory_space<semaphore_mem>>) src(%arg10 : memref<125x32xf32, #tpu.memory_space<vmem>>) dst(%dma_wait3A_238 : memref<125x32xf32, #tpu.memory_space<hbm>>)
      tpu.yield
    }) : () -> ()
    %mul3A_199 = arith.constant 3125 : i32
    %mul3A_200 = arith.muli %arg1, %mul3A_199 : i32
    %add3A_201 = arith.constant 2250 : i32
    %add3A_202 = arith.addi %mul3A_200, %add3A_201 : i32
    "tpu.region"() ({
      %run_scoped3A = tpu.sem_alloc : memref<!tpu.dma_semaphore, #tpu.memory_space<semaphore_mem>>
      %dma_start3A_227 = arith.constant 0 : i32
      %dma_start3A_228 = tpu.memref_slice %arg11[%add3A_202, %dma_start3A_227] : memref<50000x32xf32, #tpu.memory_space<vmem_shared>> -> memref<125x32xf32, #tpu.memory_space<vmem_shared>>
      %dma_start3A_229 = arith.constant 0 : i32
      %dma_start3A_230 = tpu.memref_slice %arg11[%add3A_202, %dma_start3A_229] : memref<50000x32xf32, #tpu.memory_space<vmem_shared>> -> memref<125x32xf32, #tpu.memory_space<vmem_shared>>
      tpu.enqueue_dma source(%dma_start3A_230 : memref<125x32xf32, #tpu.memory_space<vmem_shared>>) target(%arg10 : memref<125x32xf32, #tpu.memory_space<vmem>>) target_semaphore(%run_scoped3A : memref<!tpu.dma_semaphore, #tpu.memory_space<semaphore_mem>>)
      %dma_wait3A_231 = arith.constant 0 : i32
      %dma_wait3A_232 = tpu.memref_slice %arg11[%add3A_202, %dma_wait3A_231] : memref<50000x32xf32, #tpu.memory_space<vmem_shared>> -> memref<125x32xf32, #tpu.memory_space<vmem_shared>>
      %dma_wait3A_233 = arith.constant 0 : i32
      %dma_wait3A_234 = tpu.memref_slice %arg11[%add3A_202, %dma_wait3A_233] : memref<50000x32xf32, #tpu.memory_space<vmem_shared>> -> memref<125x32xf32, #tpu.memory_space<vmem_shared>>
      tpu.wait_dma2 semaphore(%run_scoped3A : memref<!tpu.dma_semaphore, #tpu.memory_space<semaphore_mem>>) src(%dma_wait3A_234 : memref<125x32xf32, #tpu.memory_space<vmem_shared>>) dst(%arg10 : memref<125x32xf32, #tpu.memory_space<vmem>>)
      tpu.yield
    }) : () -> ()
    "tpu.region"() ({
      %run_scoped3A = tpu.sem_alloc : memref<!tpu.dma_semaphore, #tpu.memory_space<semaphore_mem>>
      %dma_start3A_227 = arith.constant 0 : i32
      %dma_start3A_228 = tpu.memref_slice %arg5[%arg0, %add3A_202, %dma_start3A_227] : memref<2x50000x32xf32, #tpu.memory_space<hbm>> -> memref<1x125x32xf32, #tpu.memory_space<hbm>>
      %dma_start3A_229 = tpu.memref_squeeze %dma_start3A_228 : memref<1x125x32xf32, #tpu.memory_space<hbm>> -> memref<125x32xf32, #tpu.memory_space<hbm>>
      %dma_start3A_230 = arith.constant 0 : i32
      %dma_start3A_231 = tpu.memref_slice %arg5[%arg0, %add3A_202, %dma_start3A_230] : memref<2x50000x32xf32, #tpu.memory_space<hbm>> -> memref<1x125x32xf32, #tpu.memory_space<hbm>>
      %dma_start3A_232 = tpu.memref_squeeze %dma_start3A_231 : memref<1x125x32xf32, #tpu.memory_space<hbm>> -> memref<125x32xf32, #tpu.memory_space<hbm>>
      tpu.enqueue_dma source(%arg10 : memref<125x32xf32, #tpu.memory_space<vmem>>) target(%dma_start3A_232 : memref<125x32xf32, #tpu.memory_space<hbm>>) target_semaphore(%run_scoped3A : memref<!tpu.dma_semaphore, #tpu.memory_space<semaphore_mem>>)
      %dma_wait3A_233 = arith.constant 0 : i32
      %dma_wait3A_234 = tpu.memref_slice %arg5[%arg0, %add3A_202, %dma_wait3A_233] : memref<2x50000x32xf32, #tpu.memory_space<hbm>> -> memref<1x125x32xf32, #tpu.memory_space<hbm>>
      %dma_wait3A_235 = tpu.memref_squeeze %dma_wait3A_234 : memref<1x125x32xf32, #tpu.memory_space<hbm>> -> memref<125x32xf32, #tpu.memory_space<hbm>>
      %dma_wait3A_236 = arith.constant 0 : i32
      %dma_wait3A_237 = tpu.memref_slice %arg5[%arg0, %add3A_202, %dma_wait3A_236] : memref<2x50000x32xf32, #tpu.memory_space<hbm>> -> memref<1x125x32xf32, #tpu.memory_space<hbm>>
      %dma_wait3A_238 = tpu.memref_squeeze %dma_wait3A_237 : memref<1x125x32xf32, #tpu.memory_space<hbm>> -> memref<125x32xf32, #tpu.memory_space<hbm>>
      tpu.wait_dma2 semaphore(%run_scoped3A : memref<!tpu.dma_semaphore, #tpu.memory_space<semaphore_mem>>) src(%arg10 : memref<125x32xf32, #tpu.memory_space<vmem>>) dst(%dma_wait3A_238 : memref<125x32xf32, #tpu.memory_space<hbm>>)
      tpu.yield
    }) : () -> ()
    %mul3A_203 = arith.constant 3125 : i32
    %mul3A_204 = arith.muli %arg1, %mul3A_203 : i32
    %add3A_205 = arith.constant 2375 : i32
    %add3A_206 = arith.addi %mul3A_204, %add3A_205 : i32
    "tpu.region"() ({
      %run_scoped3A = tpu.sem_alloc : memref<!tpu.dma_semaphore, #tpu.memory_space<semaphore_mem>>
      %dma_start3A_227 = arith.constant 0 : i32
      %dma_start3A_228 = tpu.memref_slice %arg11[%add3A_206, %dma_start3A_227] : memref<50000x32xf32, #tpu.memory_space<vmem_shared>> -> memref<125x32xf32, #tpu.memory_space<vmem_shared>>
      %dma_start3A_229 = arith.constant 0 : i32
      %dma_start3A_230 = tpu.memref_slice %arg11[%add3A_206, %dma_start3A_229] : memref<50000x32xf32, #tpu.memory_space<vmem_shared>> -> memref<125x32xf32, #tpu.memory_space<vmem_shared>>
      tpu.enqueue_dma source(%dma_start3A_230 : memref<125x32xf32, #tpu.memory_space<vmem_shared>>) target(%arg10 : memref<125x32xf32, #tpu.memory_space<vmem>>) target_semaphore(%run_scoped3A : memref<!tpu.dma_semaphore, #tpu.memory_space<semaphore_mem>>)
      %dma_wait3A_231 = arith.constant 0 : i32
      %dma_wait3A_232 = tpu.memref_slice %arg11[%add3A_206, %dma_wait3A_231] : memref<50000x32xf32, #tpu.memory_space<vmem_shared>> -> memref<125x32xf32, #tpu.memory_space<vmem_shared>>
      %dma_wait3A_233 = arith.constant 0 : i32
      %dma_wait3A_234 = tpu.memref_slice %arg11[%add3A_206, %dma_wait3A_233] : memref<50000x32xf32, #tpu.memory_space<vmem_shared>> -> memref<125x32xf32, #tpu.memory_space<vmem_shared>>
      tpu.wait_dma2 semaphore(%run_scoped3A : memref<!tpu.dma_semaphore, #tpu.memory_space<semaphore_mem>>) src(%dma_wait3A_234 : memref<125x32xf32, #tpu.memory_space<vmem_shared>>) dst(%arg10 : memref<125x32xf32, #tpu.memory_space<vmem>>)
      tpu.yield
    }) : () -> ()
    "tpu.region"() ({
      %run_scoped3A = tpu.sem_alloc : memref<!tpu.dma_semaphore, #tpu.memory_space<semaphore_mem>>
      %dma_start3A_227 = arith.constant 0 : i32
      %dma_start3A_228 = tpu.memref_slice %arg5[%arg0, %add3A_206, %dma_start3A_227] : memref<2x50000x32xf32, #tpu.memory_space<hbm>> -> memref<1x125x32xf32, #tpu.memory_space<hbm>>
      %dma_start3A_229 = tpu.memref_squeeze %dma_start3A_228 : memref<1x125x32xf32, #tpu.memory_space<hbm>> -> memref<125x32xf32, #tpu.memory_space<hbm>>
      %dma_start3A_230 = arith.constant 0 : i32
      %dma_start3A_231 = tpu.memref_slice %arg5[%arg0, %add3A_206, %dma_start3A_230] : memref<2x50000x32xf32, #tpu.memory_space<hbm>> -> memref<1x125x32xf32, #tpu.memory_space<hbm>>
      %dma_start3A_232 = tpu.memref_squeeze %dma_start3A_231 : memref<1x125x32xf32, #tpu.memory_space<hbm>> -> memref<125x32xf32, #tpu.memory_space<hbm>>
      tpu.enqueue_dma source(%arg10 : memref<125x32xf32, #tpu.memory_space<vmem>>) target(%dma_start3A_232 : memref<125x32xf32, #tpu.memory_space<hbm>>) target_semaphore(%run_scoped3A : memref<!tpu.dma_semaphore, #tpu.memory_space<semaphore_mem>>)
      %dma_wait3A_233 = arith.constant 0 : i32
      %dma_wait3A_234 = tpu.memref_slice %arg5[%arg0, %add3A_206, %dma_wait3A_233] : memref<2x50000x32xf32, #tpu.memory_space<hbm>> -> memref<1x125x32xf32, #tpu.memory_space<hbm>>
      %dma_wait3A_235 = tpu.memref_squeeze %dma_wait3A_234 : memref<1x125x32xf32, #tpu.memory_space<hbm>> -> memref<125x32xf32, #tpu.memory_space<hbm>>
      %dma_wait3A_236 = arith.constant 0 : i32
      %dma_wait3A_237 = tpu.memref_slice %arg5[%arg0, %add3A_206, %dma_wait3A_236] : memref<2x50000x32xf32, #tpu.memory_space<hbm>> -> memref<1x125x32xf32, #tpu.memory_space<hbm>>
      %dma_wait3A_238 = tpu.memref_squeeze %dma_wait3A_237 : memref<1x125x32xf32, #tpu.memory_space<hbm>> -> memref<125x32xf32, #tpu.memory_space<hbm>>
      tpu.wait_dma2 semaphore(%run_scoped3A : memref<!tpu.dma_semaphore, #tpu.memory_space<semaphore_mem>>) src(%arg10 : memref<125x32xf32, #tpu.memory_space<vmem>>) dst(%dma_wait3A_238 : memref<125x32xf32, #tpu.memory_space<hbm>>)
      tpu.yield
    }) : () -> ()
    %mul3A_207 = arith.constant 3125 : i32
    %mul3A_208 = arith.muli %arg1, %mul3A_207 : i32
    %add3A_209 = arith.constant 2500 : i32
    %add3A_210 = arith.addi %mul3A_208, %add3A_209 : i32
    "tpu.region"() ({
      %run_scoped3A = tpu.sem_alloc : memref<!tpu.dma_semaphore, #tpu.memory_space<semaphore_mem>>
      %dma_start3A_227 = arith.constant 0 : i32
      %dma_start3A_228 = tpu.memref_slice %arg11[%add3A_210, %dma_start3A_227] : memref<50000x32xf32, #tpu.memory_space<vmem_shared>> -> memref<125x32xf32, #tpu.memory_space<vmem_shared>>
      %dma_start3A_229 = arith.constant 0 : i32
      %dma_start3A_230 = tpu.memref_slice %arg11[%add3A_210, %dma_start3A_229] : memref<50000x32xf32, #tpu.memory_space<vmem_shared>> -> memref<125x32xf32, #tpu.memory_space<vmem_shared>>
      tpu.enqueue_dma source(%dma_start3A_230 : memref<125x32xf32, #tpu.memory_space<vmem_shared>>) target(%arg10 : memref<125x32xf32, #tpu.memory_space<vmem>>) target_semaphore(%run_scoped3A : memref<!tpu.dma_semaphore, #tpu.memory_space<semaphore_mem>>)
      %dma_wait3A_231 = arith.constant 0 : i32
      %dma_wait3A_232 = tpu.memref_slice %arg11[%add3A_210, %dma_wait3A_231] : memref<50000x32xf32, #tpu.memory_space<vmem_shared>> -> memref<125x32xf32, #tpu.memory_space<vmem_shared>>
      %dma_wait3A_233 = arith.constant 0 : i32
      %dma_wait3A_234 = tpu.memref_slice %arg11[%add3A_210, %dma_wait3A_233] : memref<50000x32xf32, #tpu.memory_space<vmem_shared>> -> memref<125x32xf32, #tpu.memory_space<vmem_shared>>
      tpu.wait_dma2 semaphore(%run_scoped3A : memref<!tpu.dma_semaphore, #tpu.memory_space<semaphore_mem>>) src(%dma_wait3A_234 : memref<125x32xf32, #tpu.memory_space<vmem_shared>>) dst(%arg10 : memref<125x32xf32, #tpu.memory_space<vmem>>)
      tpu.yield
    }) : () -> ()
    "tpu.region"() ({
      %run_scoped3A = tpu.sem_alloc : memref<!tpu.dma_semaphore, #tpu.memory_space<semaphore_mem>>
      %dma_start3A_227 = arith.constant 0 : i32
      %dma_start3A_228 = tpu.memref_slice %arg5[%arg0, %add3A_210, %dma_start3A_227] : memref<2x50000x32xf32, #tpu.memory_space<hbm>> -> memref<1x125x32xf32, #tpu.memory_space<hbm>>
      %dma_start3A_229 = tpu.memref_squeeze %dma_start3A_228 : memref<1x125x32xf32, #tpu.memory_space<hbm>> -> memref<125x32xf32, #tpu.memory_space<hbm>>
      %dma_start3A_230 = arith.constant 0 : i32
      %dma_start3A_231 = tpu.memref_slice %arg5[%arg0, %add3A_210, %dma_start3A_230] : memref<2x50000x32xf32, #tpu.memory_space<hbm>> -> memref<1x125x32xf32, #tpu.memory_space<hbm>>
      %dma_start3A_232 = tpu.memref_squeeze %dma_start3A_231 : memref<1x125x32xf32, #tpu.memory_space<hbm>> -> memref<125x32xf32, #tpu.memory_space<hbm>>
      tpu.enqueue_dma source(%arg10 : memref<125x32xf32, #tpu.memory_space<vmem>>) target(%dma_start3A_232 : memref<125x32xf32, #tpu.memory_space<hbm>>) target_semaphore(%run_scoped3A : memref<!tpu.dma_semaphore, #tpu.memory_space<semaphore_mem>>)
      %dma_wait3A_233 = arith.constant 0 : i32
      %dma_wait3A_234 = tpu.memref_slice %arg5[%arg0, %add3A_210, %dma_wait3A_233] : memref<2x50000x32xf32, #tpu.memory_space<hbm>> -> memref<1x125x32xf32, #tpu.memory_space<hbm>>
      %dma_wait3A_235 = tpu.memref_squeeze %dma_wait3A_234 : memref<1x125x32xf32, #tpu.memory_space<hbm>> -> memref<125x32xf32, #tpu.memory_space<hbm>>
      %dma_wait3A_236 = arith.constant 0 : i32
      %dma_wait3A_237 = tpu.memref_slice %arg5[%arg0, %add3A_210, %dma_wait3A_236] : memref<2x50000x32xf32, #tpu.memory_space<hbm>> -> memref<1x125x32xf32, #tpu.memory_space<hbm>>
      %dma_wait3A_238 = tpu.memref_squeeze %dma_wait3A_237 : memref<1x125x32xf32, #tpu.memory_space<hbm>> -> memref<125x32xf32, #tpu.memory_space<hbm>>
      tpu.wait_dma2 semaphore(%run_scoped3A : memref<!tpu.dma_semaphore, #tpu.memory_space<semaphore_mem>>) src(%arg10 : memref<125x32xf32, #tpu.memory_space<vmem>>) dst(%dma_wait3A_238 : memref<125x32xf32, #tpu.memory_space<hbm>>)
      tpu.yield
    }) : () -> ()
    %mul3A_211 = arith.constant 3125 : i32
    %mul3A_212 = arith.muli %arg1, %mul3A_211 : i32
    %add3A_213 = arith.constant 2625 : i32
    %add3A_214 = arith.addi %mul3A_212, %add3A_213 : i32
    "tpu.region"() ({
      %run_scoped3A = tpu.sem_alloc : memref<!tpu.dma_semaphore, #tpu.memory_space<semaphore_mem>>
      %dma_start3A_227 = arith.constant 0 : i32
      %dma_start3A_228 = tpu.memref_slice %arg11[%add3A_214, %dma_start3A_227] : memref<50000x32xf32, #tpu.memory_space<vmem_shared>> -> memref<125x32xf32, #tpu.memory_space<vmem_shared>>
      %dma_start3A_229 = arith.constant 0 : i32
      %dma_start3A_230 = tpu.memref_slice %arg11[%add3A_214, %dma_start3A_229] : memref<50000x32xf32, #tpu.memory_space<vmem_shared>> -> memref<125x32xf32, #tpu.memory_space<vmem_shared>>
      tpu.enqueue_dma source(%dma_start3A_230 : memref<125x32xf32, #tpu.memory_space<vmem_shared>>) target(%arg10 : memref<125x32xf32, #tpu.memory_space<vmem>>) target_semaphore(%run_scoped3A : memref<!tpu.dma_semaphore, #tpu.memory_space<semaphore_mem>>)
      %dma_wait3A_231 = arith.constant 0 : i32
      %dma_wait3A_232 = tpu.memref_slice %arg11[%add3A_214, %dma_wait3A_231] : memref<50000x32xf32, #tpu.memory_space<vmem_shared>> -> memref<125x32xf32, #tpu.memory_space<vmem_shared>>
      %dma_wait3A_233 = arith.constant 0 : i32
      %dma_wait3A_234 = tpu.memref_slice %arg11[%add3A_214, %dma_wait3A_233] : memref<50000x32xf32, #tpu.memory_space<vmem_shared>> -> memref<125x32xf32, #tpu.memory_space<vmem_shared>>
      tpu.wait_dma2 semaphore(%run_scoped3A : memref<!tpu.dma_semaphore, #tpu.memory_space<semaphore_mem>>) src(%dma_wait3A_234 : memref<125x32xf32, #tpu.memory_space<vmem_shared>>) dst(%arg10 : memref<125x32xf32, #tpu.memory_space<vmem>>)
      tpu.yield
    }) : () -> ()
    "tpu.region"() ({
      %run_scoped3A = tpu.sem_alloc : memref<!tpu.dma_semaphore, #tpu.memory_space<semaphore_mem>>
      %dma_start3A_227 = arith.constant 0 : i32
      %dma_start3A_228 = tpu.memref_slice %arg5[%arg0, %add3A_214, %dma_start3A_227] : memref<2x50000x32xf32, #tpu.memory_space<hbm>> -> memref<1x125x32xf32, #tpu.memory_space<hbm>>
      %dma_start3A_229 = tpu.memref_squeeze %dma_start3A_228 : memref<1x125x32xf32, #tpu.memory_space<hbm>> -> memref<125x32xf32, #tpu.memory_space<hbm>>
      %dma_start3A_230 = arith.constant 0 : i32
      %dma_start3A_231 = tpu.memref_slice %arg5[%arg0, %add3A_214, %dma_start3A_230] : memref<2x50000x32xf32, #tpu.memory_space<hbm>> -> memref<1x125x32xf32, #tpu.memory_space<hbm>>
      %dma_start3A_232 = tpu.memref_squeeze %dma_start3A_231 : memref<1x125x32xf32, #tpu.memory_space<hbm>> -> memref<125x32xf32, #tpu.memory_space<hbm>>
      tpu.enqueue_dma source(%arg10 : memref<125x32xf32, #tpu.memory_space<vmem>>) target(%dma_start3A_232 : memref<125x32xf32, #tpu.memory_space<hbm>>) target_semaphore(%run_scoped3A : memref<!tpu.dma_semaphore, #tpu.memory_space<semaphore_mem>>)
      %dma_wait3A_233 = arith.constant 0 : i32
      %dma_wait3A_234 = tpu.memref_slice %arg5[%arg0, %add3A_214, %dma_wait3A_233] : memref<2x50000x32xf32, #tpu.memory_space<hbm>> -> memref<1x125x32xf32, #tpu.memory_space<hbm>>
      %dma_wait3A_235 = tpu.memref_squeeze %dma_wait3A_234 : memref<1x125x32xf32, #tpu.memory_space<hbm>> -> memref<125x32xf32, #tpu.memory_space<hbm>>
      %dma_wait3A_236 = arith.constant 0 : i32
      %dma_wait3A_237 = tpu.memref_slice %arg5[%arg0, %add3A_214, %dma_wait3A_236] : memref<2x50000x32xf32, #tpu.memory_space<hbm>> -> memref<1x125x32xf32, #tpu.memory_space<hbm>>
      %dma_wait3A_238 = tpu.memref_squeeze %dma_wait3A_237 : memref<1x125x32xf32, #tpu.memory_space<hbm>> -> memref<125x32xf32, #tpu.memory_space<hbm>>
      tpu.wait_dma2 semaphore(%run_scoped3A : memref<!tpu.dma_semaphore, #tpu.memory_space<semaphore_mem>>) src(%arg10 : memref<125x32xf32, #tpu.memory_space<vmem>>) dst(%dma_wait3A_238 : memref<125x32xf32, #tpu.memory_space<hbm>>)
      tpu.yield
    }) : () -> ()
    %mul3A_215 = arith.constant 3125 : i32
    %mul3A_216 = arith.muli %arg1, %mul3A_215 : i32
    %add3A_217 = arith.constant 2750 : i32
    %add3A_218 = arith.addi %mul3A_216, %add3A_217 : i32
    "tpu.region"() ({
      %run_scoped3A = tpu.sem_alloc : memref<!tpu.dma_semaphore, #tpu.memory_space<semaphore_mem>>
      %dma_start3A_227 = arith.constant 0 : i32
      %dma_start3A_228 = tpu.memref_slice %arg11[%add3A_218, %dma_start3A_227] : memref<50000x32xf32, #tpu.memory_space<vmem_shared>> -> memref<125x32xf32, #tpu.memory_space<vmem_shared>>
      %dma_start3A_229 = arith.constant 0 : i32
      %dma_start3A_230 = tpu.memref_slice %arg11[%add3A_218, %dma_start3A_229] : memref<50000x32xf32, #tpu.memory_space<vmem_shared>> -> memref<125x32xf32, #tpu.memory_space<vmem_shared>>
      tpu.enqueue_dma source(%dma_start3A_230 : memref<125x32xf32, #tpu.memory_space<vmem_shared>>) target(%arg10 : memref<125x32xf32, #tpu.memory_space<vmem>>) target_semaphore(%run_scoped3A : memref<!tpu.dma_semaphore, #tpu.memory_space<semaphore_mem>>)
      %dma_wait3A_231 = arith.constant 0 : i32
      %dma_wait3A_232 = tpu.memref_slice %arg11[%add3A_218, %dma_wait3A_231] : memref<50000x32xf32, #tpu.memory_space<vmem_shared>> -> memref<125x32xf32, #tpu.memory_space<vmem_shared>>
      %dma_wait3A_233 = arith.constant 0 : i32
      %dma_wait3A_234 = tpu.memref_slice %arg11[%add3A_218, %dma_wait3A_233] : memref<50000x32xf32, #tpu.memory_space<vmem_shared>> -> memref<125x32xf32, #tpu.memory_space<vmem_shared>>
      tpu.wait_dma2 semaphore(%run_scoped3A : memref<!tpu.dma_semaphore, #tpu.memory_space<semaphore_mem>>) src(%dma_wait3A_234 : memref<125x32xf32, #tpu.memory_space<vmem_shared>>) dst(%arg10 : memref<125x32xf32, #tpu.memory_space<vmem>>)
      tpu.yield
    }) : () -> ()
    "tpu.region"() ({
      %run_scoped3A = tpu.sem_alloc : memref<!tpu.dma_semaphore, #tpu.memory_space<semaphore_mem>>
      %dma_start3A_227 = arith.constant 0 : i32
      %dma_start3A_228 = tpu.memref_slice %arg5[%arg0, %add3A_218, %dma_start3A_227] : memref<2x50000x32xf32, #tpu.memory_space<hbm>> -> memref<1x125x32xf32, #tpu.memory_space<hbm>>
      %dma_start3A_229 = tpu.memref_squeeze %dma_start3A_228 : memref<1x125x32xf32, #tpu.memory_space<hbm>> -> memref<125x32xf32, #tpu.memory_space<hbm>>
      %dma_start3A_230 = arith.constant 0 : i32
      %dma_start3A_231 = tpu.memref_slice %arg5[%arg0, %add3A_218, %dma_start3A_230] : memref<2x50000x32xf32, #tpu.memory_space<hbm>> -> memref<1x125x32xf32, #tpu.memory_space<hbm>>
      %dma_start3A_232 = tpu.memref_squeeze %dma_start3A_231 : memref<1x125x32xf32, #tpu.memory_space<hbm>> -> memref<125x32xf32, #tpu.memory_space<hbm>>
      tpu.enqueue_dma source(%arg10 : memref<125x32xf32, #tpu.memory_space<vmem>>) target(%dma_start3A_232 : memref<125x32xf32, #tpu.memory_space<hbm>>) target_semaphore(%run_scoped3A : memref<!tpu.dma_semaphore, #tpu.memory_space<semaphore_mem>>)
      %dma_wait3A_233 = arith.constant 0 : i32
      %dma_wait3A_234 = tpu.memref_slice %arg5[%arg0, %add3A_218, %dma_wait3A_233] : memref<2x50000x32xf32, #tpu.memory_space<hbm>> -> memref<1x125x32xf32, #tpu.memory_space<hbm>>
      %dma_wait3A_235 = tpu.memref_squeeze %dma_wait3A_234 : memref<1x125x32xf32, #tpu.memory_space<hbm>> -> memref<125x32xf32, #tpu.memory_space<hbm>>
      %dma_wait3A_236 = arith.constant 0 : i32
      %dma_wait3A_237 = tpu.memref_slice %arg5[%arg0, %add3A_218, %dma_wait3A_236] : memref<2x50000x32xf32, #tpu.memory_space<hbm>> -> memref<1x125x32xf32, #tpu.memory_space<hbm>>
      %dma_wait3A_238 = tpu.memref_squeeze %dma_wait3A_237 : memref<1x125x32xf32, #tpu.memory_space<hbm>> -> memref<125x32xf32, #tpu.memory_space<hbm>>
      tpu.wait_dma2 semaphore(%run_scoped3A : memref<!tpu.dma_semaphore, #tpu.memory_space<semaphore_mem>>) src(%arg10 : memref<125x32xf32, #tpu.memory_space<vmem>>) dst(%dma_wait3A_238 : memref<125x32xf32, #tpu.memory_space<hbm>>)
      tpu.yield
    }) : () -> ()
    %mul3A_219 = arith.constant 3125 : i32
    %mul3A_220 = arith.muli %arg1, %mul3A_219 : i32
    %add3A_221 = arith.constant 2875 : i32
    %add3A_222 = arith.addi %mul3A_220, %add3A_221 : i32
    "tpu.region"() ({
      %run_scoped3A = tpu.sem_alloc : memref<!tpu.dma_semaphore, #tpu.memory_space<semaphore_mem>>
      %dma_start3A_227 = arith.constant 0 : i32
      %dma_start3A_228 = tpu.memref_slice %arg11[%add3A_222, %dma_start3A_227] : memref<50000x32xf32, #tpu.memory_space<vmem_shared>> -> memref<125x32xf32, #tpu.memory_space<vmem_shared>>
      %dma_start3A_229 = arith.constant 0 : i32
      %dma_start3A_230 = tpu.memref_slice %arg11[%add3A_222, %dma_start3A_229] : memref<50000x32xf32, #tpu.memory_space<vmem_shared>> -> memref<125x32xf32, #tpu.memory_space<vmem_shared>>
      tpu.enqueue_dma source(%dma_start3A_230 : memref<125x32xf32, #tpu.memory_space<vmem_shared>>) target(%arg10 : memref<125x32xf32, #tpu.memory_space<vmem>>) target_semaphore(%run_scoped3A : memref<!tpu.dma_semaphore, #tpu.memory_space<semaphore_mem>>)
      %dma_wait3A_231 = arith.constant 0 : i32
      %dma_wait3A_232 = tpu.memref_slice %arg11[%add3A_222, %dma_wait3A_231] : memref<50000x32xf32, #tpu.memory_space<vmem_shared>> -> memref<125x32xf32, #tpu.memory_space<vmem_shared>>
      %dma_wait3A_233 = arith.constant 0 : i32
      %dma_wait3A_234 = tpu.memref_slice %arg11[%add3A_222, %dma_wait3A_233] : memref<50000x32xf32, #tpu.memory_space<vmem_shared>> -> memref<125x32xf32, #tpu.memory_space<vmem_shared>>
      tpu.wait_dma2 semaphore(%run_scoped3A : memref<!tpu.dma_semaphore, #tpu.memory_space<semaphore_mem>>) src(%dma_wait3A_234 : memref<125x32xf32, #tpu.memory_space<vmem_shared>>) dst(%arg10 : memref<125x32xf32, #tpu.memory_space<vmem>>)
      tpu.yield
    }) : () -> ()
    "tpu.region"() ({
      %run_scoped3A = tpu.sem_alloc : memref<!tpu.dma_semaphore, #tpu.memory_space<semaphore_mem>>
      %dma_start3A_227 = arith.constant 0 : i32
      %dma_start3A_228 = tpu.memref_slice %arg5[%arg0, %add3A_222, %dma_start3A_227] : memref<2x50000x32xf32, #tpu.memory_space<hbm>> -> memref<1x125x32xf32, #tpu.memory_space<hbm>>
      %dma_start3A_229 = tpu.memref_squeeze %dma_start3A_228 : memref<1x125x32xf32, #tpu.memory_space<hbm>> -> memref<125x32xf32, #tpu.memory_space<hbm>>
      %dma_start3A_230 = arith.constant 0 : i32
      %dma_start3A_231 = tpu.memref_slice %arg5[%arg0, %add3A_222, %dma_start3A_230] : memref<2x50000x32xf32, #tpu.memory_space<hbm>> -> memref<1x125x32xf32, #tpu.memory_space<hbm>>
      %dma_start3A_232 = tpu.memref_squeeze %dma_start3A_231 : memref<1x125x32xf32, #tpu.memory_space<hbm>> -> memref<125x32xf32, #tpu.memory_space<hbm>>
      tpu.enqueue_dma source(%arg10 : memref<125x32xf32, #tpu.memory_space<vmem>>) target(%dma_start3A_232 : memref<125x32xf32, #tpu.memory_space<hbm>>) target_semaphore(%run_scoped3A : memref<!tpu.dma_semaphore, #tpu.memory_space<semaphore_mem>>)
      %dma_wait3A_233 = arith.constant 0 : i32
      %dma_wait3A_234 = tpu.memref_slice %arg5[%arg0, %add3A_222, %dma_wait3A_233] : memref<2x50000x32xf32, #tpu.memory_space<hbm>> -> memref<1x125x32xf32, #tpu.memory_space<hbm>>
      %dma_wait3A_235 = tpu.memref_squeeze %dma_wait3A_234 : memref<1x125x32xf32, #tpu.memory_space<hbm>> -> memref<125x32xf32, #tpu.memory_space<hbm>>
      %dma_wait3A_236 = arith.constant 0 : i32
      %dma_wait3A_237 = tpu.memref_slice %arg5[%arg0, %add3A_222, %dma_wait3A_236] : memref<2x50000x32xf32, #tpu.memory_space<hbm>> -> memref<1x125x32xf32, #tpu.memory_space<hbm>>
      %dma_wait3A_238 = tpu.memref_squeeze %dma_wait3A_237 : memref<1x125x32xf32, #tpu.memory_space<hbm>> -> memref<125x32xf32, #tpu.memory_space<hbm>>
      tpu.wait_dma2 semaphore(%run_scoped3A : memref<!tpu.dma_semaphore, #tpu.memory_space<semaphore_mem>>) src(%arg10 : memref<125x32xf32, #tpu.memory_space<vmem>>) dst(%dma_wait3A_238 : memref<125x32xf32, #tpu.memory_space<hbm>>)
      tpu.yield
    }) : () -> ()
    %mul3A_223 = arith.constant 3125 : i32
    %mul3A_224 = arith.muli %arg1, %mul3A_223 : i32
    %add3A_225 = arith.constant 3000 : i32
    %add3A_226 = arith.addi %mul3A_224, %add3A_225 : i32
    "tpu.region"() ({
      %run_scoped3A = tpu.sem_alloc : memref<!tpu.dma_semaphore, #tpu.memory_space<semaphore_mem>>
      %dma_start3A_227 = arith.constant 0 : i32
      %dma_start3A_228 = tpu.memref_slice %arg11[%add3A_226, %dma_start3A_227] : memref<50000x32xf32, #tpu.memory_space<vmem_shared>> -> memref<125x32xf32, #tpu.memory_space<vmem_shared>>
      %dma_start3A_229 = arith.constant 0 : i32
      %dma_start3A_230 = tpu.memref_slice %arg11[%add3A_226, %dma_start3A_229] : memref<50000x32xf32, #tpu.memory_space<vmem_shared>> -> memref<125x32xf32, #tpu.memory_space<vmem_shared>>
      tpu.enqueue_dma source(%dma_start3A_230 : memref<125x32xf32, #tpu.memory_space<vmem_shared>>) target(%arg10 : memref<125x32xf32, #tpu.memory_space<vmem>>) target_semaphore(%run_scoped3A : memref<!tpu.dma_semaphore, #tpu.memory_space<semaphore_mem>>)
      %dma_wait3A_231 = arith.constant 0 : i32
      %dma_wait3A_232 = tpu.memref_slice %arg11[%add3A_226, %dma_wait3A_231] : memref<50000x32xf32, #tpu.memory_space<vmem_shared>> -> memref<125x32xf32, #tpu.memory_space<vmem_shared>>
      %dma_wait3A_233 = arith.constant 0 : i32
      %dma_wait3A_234 = tpu.memref_slice %arg11[%add3A_226, %dma_wait3A_233] : memref<50000x32xf32, #tpu.memory_space<vmem_shared>> -> memref<125x32xf32, #tpu.memory_space<vmem_shared>>
      tpu.wait_dma2 semaphore(%run_scoped3A : memref<!tpu.dma_semaphore, #tpu.memory_space<semaphore_mem>>) src(%dma_wait3A_234 : memref<125x32xf32, #tpu.memory_space<vmem_shared>>) dst(%arg10 : memref<125x32xf32, #tpu.memory_space<vmem>>)
      tpu.yield
    }) : () -> ()
    "tpu.region"() ({
      %run_scoped3A = tpu.sem_alloc : memref<!tpu.dma_semaphore, #tpu.memory_space<semaphore_mem>>
      %dma_start3A_227 = arith.constant 0 : i32
      %dma_start3A_228 = tpu.memref_slice %arg5[%arg0, %add3A_226, %dma_start3A_227] : memref<2x50000x32xf32, #tpu.memory_space<hbm>> -> memref<1x125x32xf32, #tpu.memory_space<hbm>>
      %dma_start3A_229 = tpu.memref_squeeze %dma_start3A_228 : memref<1x125x32xf32, #tpu.memory_space<hbm>> -> memref<125x32xf32, #tpu.memory_space<hbm>>
      %dma_start3A_230 = arith.constant 0 : i32
      %dma_start3A_231 = tpu.memref_slice %arg5[%arg0, %add3A_226, %dma_start3A_230] : memref<2x50000x32xf32, #tpu.memory_space<hbm>> -> memref<1x125x32xf32, #tpu.memory_space<hbm>>
      %dma_start3A_232 = tpu.memref_squeeze %dma_start3A_231 : memref<1x125x32xf32, #tpu.memory_space<hbm>> -> memref<125x32xf32, #tpu.memory_space<hbm>>
      tpu.enqueue_dma source(%arg10 : memref<125x32xf32, #tpu.memory_space<vmem>>) target(%dma_start3A_232 : memref<125x32xf32, #tpu.memory_space<hbm>>) target_semaphore(%run_scoped3A : memref<!tpu.dma_semaphore, #tpu.memory_space<semaphore_mem>>)
      %dma_wait3A_233 = arith.constant 0 : i32
      %dma_wait3A_234 = tpu.memref_slice %arg5[%arg0, %add3A_226, %dma_wait3A_233] : memref<2x50000x32xf32, #tpu.memory_space<hbm>> -> memref<1x125x32xf32, #tpu.memory_space<hbm>>
      %dma_wait3A_235 = tpu.memref_squeeze %dma_wait3A_234 : memref<1x125x32xf32, #tpu.memory_space<hbm>> -> memref<125x32xf32, #tpu.memory_space<hbm>>
      %dma_wait3A_236 = arith.constant 0 : i32
      %dma_wait3A_237 = tpu.memref_slice %arg5[%arg0, %add3A_226, %dma_wait3A_236] : memref<2x50000x32xf32, #tpu.memory_space<hbm>> -> memref<1x125x32xf32, #tpu.memory_space<hbm>>
      %dma_wait3A_238 = tpu.memref_squeeze %dma_wait3A_237 : memref<1x125x32xf32, #tpu.memory_space<hbm>> -> memref<125x32xf32, #tpu.memory_space<hbm>>
      tpu.wait_dma2 semaphore(%run_scoped3A : memref<!tpu.dma_semaphore, #tpu.memory_space<semaphore_mem>>) src(%arg10 : memref<125x32xf32, #tpu.memory_space<vmem>>) dst(%dma_wait3A_238 : memref<125x32xf32, #tpu.memory_space<hbm>>)
      tpu.yield
    }) : () -> ()
    return
  }
}

module attributes {stable_mosaic.version = 14 : i64} {
  func.func @_k1_body(%arg0: i32, %arg1: memref<2000x16xf32, #tpu.memory_space<vmem>>, %arg2: memref<2000x32xf32, #tpu.memory_space<vmem>>, %arg3: memref<32x16xf32, #tpu.memory_space<vmem>>, %arg4: memref<16x32xf32, #tpu.memory_space<vmem>>, %arg5: memref<1x32xf32, #tpu.memory_space<vmem>>, %arg6: memref<32x32xf32, #tpu.memory_space<vmem>>, %arg7: memref<1x32xf32, #tpu.memory_space<vmem>>, %arg8: memref<1x32xf32, #tpu.memory_space<vmem>>, %arg9: memref<1x32xf32, #tpu.memory_space<vmem>>, %arg10: memref<16x32xf32, #tpu.memory_space<vmem>>, %arg11: memref<1x32xf32, #tpu.memory_space<vmem>>, %arg12: memref<32x32xf32, #tpu.memory_space<vmem>>, %arg13: memref<1x32xf32, #tpu.memory_space<vmem>>, %arg14: memref<1x32xf32, #tpu.memory_space<vmem>>, %arg15: memref<1x32xf32, #tpu.memory_space<vmem>>, %arg16: memref<64x32xf32, #tpu.memory_space<vmem>>, %arg17: memref<64x32xf32, #tpu.memory_space<vmem>>, %arg18: memref<2000x32xf32, #tpu.memory_space<vmem>>, %arg19: memref<2000x32xf32, #tpu.memory_space<vmem>>, %arg20: memref<2000x32xf32, #tpu.memory_space<vmem>>, %arg21: memref<2000x32xf32, #tpu.memory_space<vmem>>) attributes {dimension_semantics = [#tpu.dimension_semantics<arbitrary>], iteration_bounds = array<i64: 25>, scalar_prefetch = 0 : i64, scratch_operands = 0 : i64, tpu.core_type = #tpu.core_type<tc>, window_params = [{transform_indices = @transform_0, window_bounds = array<i64: 2000, 16>}, {transform_indices = @transform_1, window_bounds = array<i64: 2000, 32>}, {pipeline_mode = #tpu.pipeline_mode<synchronous>, transform_indices = @transform_2, window_bounds = array<i64: 32, 16>}, {pipeline_mode = #tpu.pipeline_mode<synchronous>, transform_indices = @transform_3, window_bounds = array<i64: 16, 32>}, {pipeline_mode = #tpu.pipeline_mode<synchronous>, transform_indices = @transform_4, window_bounds = array<i64: 1, 32>}, {pipeline_mode = #tpu.pipeline_mode<synchronous>, transform_indices = @transform_5, window_bounds = array<i64: 32, 32>}, {pipeline_mode = #tpu.pipeline_mode<synchronous>, transform_indices = @transform_6, window_bounds = array<i64: 1, 32>}, {pipeline_mode = #tpu.pipeline_mode<synchronous>, transform_indices = @transform_7, window_bounds = array<i64: 1, 32>}, {pipeline_mode = #tpu.pipeline_mode<synchronous>, transform_indices = @transform_8, window_bounds = array<i64: 1, 32>}, {pipeline_mode = #tpu.pipeline_mode<synchronous>, transform_indices = @transform_9, window_bounds = array<i64: 16, 32>}, {pipeline_mode = #tpu.pipeline_mode<synchronous>, transform_indices = @transform_10, window_bounds = array<i64: 1, 32>}, {pipeline_mode = #tpu.pipeline_mode<synchronous>, transform_indices = @transform_11, window_bounds = array<i64: 32, 32>}, {pipeline_mode = #tpu.pipeline_mode<synchronous>, transform_indices = @transform_12, window_bounds = array<i64: 1, 32>}, {pipeline_mode = #tpu.pipeline_mode<synchronous>, transform_indices = @transform_13, window_bounds = array<i64: 1, 32>}, {pipeline_mode = #tpu.pipeline_mode<synchronous>, transform_indices = @transform_14, window_bounds = array<i64: 1, 32>}, {pipeline_mode = #tpu.pipeline_mode<synchronous>, transform_indices = @transform_15, window_bounds = array<i64: 64, 32>}, {pipeline_mode = #tpu.pipeline_mode<synchronous>, transform_indices = @transform_16, window_bounds = array<i64: 64, 32>}, {transform_indices = @transform_17, window_bounds = array<i64: 2000, 32>}, {transform_indices = @transform_18, window_bounds = array<i64: 2000, 32>}, {transform_indices = @transform_19, window_bounds = array<i64: 2000, 32>}, {transform_indices = @transform_20, window_bounds = array<i64: 2000, 32>}]} {
    %get3A = arith.constant 0 : index
    %get3A_0 = arith.constant 0 : index
    %get3A_1 = vector.load %arg1[%get3A, %get3A_0] : memref<2000x16xf32, #tpu.memory_space<vmem>>, vector<2000x16xf32>
    %get3A_2 = arith.constant 0 : index
    %get3A_3 = arith.constant 0 : index
    %get3A_4 = vector.load %arg4[%get3A_2, %get3A_3] : memref<16x32xf32, #tpu.memory_space<vmem>>, vector<16x32xf32>
    %get3A_5 = arith.constant 0 : index
    %get3A_6 = arith.constant 0 : index
    %get3A_7 = vector.load %arg5[%get3A_5, %get3A_6] : memref<1x32xf32, #tpu.memory_space<vmem>>, vector<1x32xf32>
    %get3A_8 = arith.constant 0 : index
    %get3A_9 = arith.constant 0 : index
    %get3A_10 = vector.load %arg6[%get3A_8, %get3A_9] : memref<32x32xf32, #tpu.memory_space<vmem>>, vector<32x32xf32>
    %get3A_11 = arith.constant 0 : index
    %get3A_12 = arith.constant 0 : index
    %get3A_13 = vector.load %arg7[%get3A_11, %get3A_12] : memref<1x32xf32, #tpu.memory_space<vmem>>, vector<1x32xf32>
    %get3A_14 = arith.constant 0 : index
    %get3A_15 = arith.constant 0 : index
    %get3A_16 = vector.load %arg8[%get3A_14, %get3A_15] : memref<1x32xf32, #tpu.memory_space<vmem>>, vector<1x32xf32>
    %get3A_17 = arith.constant 0 : index
    %get3A_18 = arith.constant 0 : index
    %get3A_19 = vector.load %arg9[%get3A_17, %get3A_18] : memref<1x32xf32, #tpu.memory_space<vmem>>, vector<1x32xf32>
    %dot_general3A = arith.constant dense<0.000000e+00> : vector<2000x32xf32>
    %dot_general3A_20 = tpu.matmul %get3A_1, %get3A_4, %dot_general3A {dimension_numbers = #tpu.dot_dimension_numbers<[1], [0], [0], [1], [0, 0, 1, 1], [], []>, transpose_lhs_hint = false} : vector<2000x16xf32>, vector<16x32xf32>, vector<2000x32xf32> -> vector<2000x32xf32>
    %add3A = vector.broadcast %get3A_7 : vector<1x32xf32> to vector<2000x32xf32>
    %add3A_21 = arith.addf %dot_general3A_20, %add3A : vector<2000x32xf32>
    %max3A = arith.constant 0.000000e+00 : f32
    %max3A_22 = vector.broadcast %max3A : f32 to vector<2000x32xf32>
    %max3A_23 = arith.maximumf %add3A_21, %max3A_22 : vector<2000x32xf32>
    %dot_general3A_24 = arith.constant dense<0.000000e+00> : vector<2000x32xf32>
    %dot_general3A_25 = tpu.matmul %max3A_23, %get3A_10, %dot_general3A_24 {dimension_numbers = #tpu.dot_dimension_numbers<[1], [0], [0], [1], [0, 0, 1, 1], [], []>, transpose_lhs_hint = false} : vector<2000x32xf32>, vector<32x32xf32>, vector<2000x32xf32> -> vector<2000x32xf32>
    %add3A_26 = vector.broadcast %get3A_13 : vector<1x32xf32> to vector<2000x32xf32>
    %add3A_27 = arith.addf %dot_general3A_25, %add3A_26 : vector<2000x32xf32>
    %reduce_sum3A = arith.constant dense<0.000000e+00> : vector<2000xf32>
    %reduce_sum3A_28 = vector.multi_reduction <add>, %add3A_27, %reduce_sum3A [1] : vector<2000x32xf32> to vector<2000xf32>
    %broadcast_in_dim3A = vector.shape_cast %reduce_sum3A_28 : vector<2000xf32> to vector<2000x1xf32>
    %div3A = arith.constant 3.200000e+01 : f32
    %div3A_29 = vector.broadcast %div3A : f32 to vector<2000x1xf32>
    %div3A_30 = arith.divf %broadcast_in_dim3A, %div3A_29 : vector<2000x1xf32>
    %sub3A = vector.broadcast %div3A_30 : vector<2000x1xf32> to vector<2000x32xf32>
    %sub3A_31 = arith.subf %add3A_27, %sub3A : vector<2000x32xf32>
    %square3A = arith.mulf %sub3A_31, %sub3A_31 : vector<2000x32xf32>
    %reduce_sum3A_32 = arith.constant dense<0.000000e+00> : vector<2000xf32>
    %reduce_sum3A_33 = vector.multi_reduction <add>, %square3A, %reduce_sum3A_32 [1] : vector<2000x32xf32> to vector<2000xf32>
    %broadcast_in_dim3A_34 = vector.shape_cast %reduce_sum3A_33 : vector<2000xf32> to vector<2000x1xf32>
    %div3A_35 = arith.constant 3.200000e+01 : f32
    %div3A_36 = vector.broadcast %div3A_35 : f32 to vector<2000x1xf32>
    %div3A_37 = arith.divf %broadcast_in_dim3A_34, %div3A_36 : vector<2000x1xf32>
    %sub3A_38 = vector.broadcast %div3A_30 : vector<2000x1xf32> to vector<2000x32xf32>
    %sub3A_39 = arith.subf %add3A_27, %sub3A_38 : vector<2000x32xf32>
    %add3A_40 = arith.constant 9.99999974E-6 : f32
    %add3A_41 = vector.broadcast %add3A_40 : f32 to vector<2000x1xf32>
    %add3A_42 = arith.addf %div3A_37, %add3A_41 : vector<2000x1xf32>
    %rsqrt3A = math.rsqrt %add3A_42 : vector<2000x1xf32>
    %mul3A = vector.broadcast %rsqrt3A : vector<2000x1xf32> to vector<2000x32xf32>
    %mul3A_43 = arith.mulf %sub3A_39, %mul3A : vector<2000x32xf32>
    %mul3A_44 = vector.broadcast %get3A_16 : vector<1x32xf32> to vector<2000x32xf32>
    %mul3A_45 = arith.mulf %mul3A_43, %mul3A_44 : vector<2000x32xf32>
    %add3A_46 = vector.broadcast %get3A_19 : vector<1x32xf32> to vector<2000x32xf32>
    %add3A_47 = arith.addf %mul3A_45, %add3A_46 : vector<2000x32xf32>
    %get3A_48 = arith.constant 0 : index
    %get3A_49 = arith.constant 0 : index
    %get3A_50 = vector.load %arg3[%get3A_48, %get3A_49] : memref<32x16xf32, #tpu.memory_space<vmem>>, vector<32x16xf32>
    %get3A_51 = arith.constant 0 : index
    %get3A_52 = arith.constant 0 : index
    %get3A_53 = vector.load %arg10[%get3A_51, %get3A_52] : memref<16x32xf32, #tpu.memory_space<vmem>>, vector<16x32xf32>
    %get3A_54 = arith.constant 0 : index
    %get3A_55 = arith.constant 0 : index
    %get3A_56 = vector.load %arg11[%get3A_54, %get3A_55] : memref<1x32xf32, #tpu.memory_space<vmem>>, vector<1x32xf32>
    %get3A_57 = arith.constant 0 : index
    %get3A_58 = arith.constant 0 : index
    %get3A_59 = vector.load %arg12[%get3A_57, %get3A_58] : memref<32x32xf32, #tpu.memory_space<vmem>>, vector<32x32xf32>
    %get3A_60 = arith.constant 0 : index
    %get3A_61 = arith.constant 0 : index
    %get3A_62 = vector.load %arg13[%get3A_60, %get3A_61] : memref<1x32xf32, #tpu.memory_space<vmem>>, vector<1x32xf32>
    %get3A_63 = arith.constant 0 : index
    %get3A_64 = arith.constant 0 : index
    %get3A_65 = vector.load %arg14[%get3A_63, %get3A_64] : memref<1x32xf32, #tpu.memory_space<vmem>>, vector<1x32xf32>
    %get3A_66 = arith.constant 0 : index
    %get3A_67 = arith.constant 0 : index
    %get3A_68 = vector.load %arg15[%get3A_66, %get3A_67] : memref<1x32xf32, #tpu.memory_space<vmem>>, vector<1x32xf32>
    %dot_general3A_69 = arith.constant dense<0.000000e+00> : vector<32x32xf32>
    %dot_general3A_70 = tpu.matmul %get3A_50, %get3A_53, %dot_general3A_69 {dimension_numbers = #tpu.dot_dimension_numbers<[1], [0], [0], [1], [0, 0, 1, 1], [], []>, transpose_lhs_hint = false} : vector<32x16xf32>, vector<16x32xf32>, vector<32x32xf32> -> vector<32x32xf32>
    %add3A_71 = vector.broadcast %get3A_56 : vector<1x32xf32> to vector<32x32xf32>
    %add3A_72 = arith.addf %dot_general3A_70, %add3A_71 : vector<32x32xf32>
    %max3A_73 = arith.constant 0.000000e+00 : f32
    %max3A_74 = vector.broadcast %max3A_73 : f32 to vector<32x32xf32>
    %max3A_75 = arith.maximumf %add3A_72, %max3A_74 : vector<32x32xf32>
    %dot_general3A_76 = arith.constant dense<0.000000e+00> : vector<32x32xf32>
    %dot_general3A_77 = tpu.matmul %max3A_75, %get3A_59, %dot_general3A_76 {dimension_numbers = #tpu.dot_dimension_numbers<[1], [0], [0], [1], [0, 0, 1, 1], [], []>, transpose_lhs_hint = false} : vector<32x32xf32>, vector<32x32xf32>, vector<32x32xf32> -> vector<32x32xf32>
    %add3A_78 = vector.broadcast %get3A_62 : vector<1x32xf32> to vector<32x32xf32>
    %add3A_79 = arith.addf %dot_general3A_77, %add3A_78 : vector<32x32xf32>
    %reduce_sum3A_80 = arith.constant dense<0.000000e+00> : vector<32xf32>
    %reduce_sum3A_81 = vector.multi_reduction <add>, %add3A_79, %reduce_sum3A_80 [1] : vector<32x32xf32> to vector<32xf32>
    %broadcast_in_dim3A_82 = vector.shape_cast %reduce_sum3A_81 : vector<32xf32> to vector<32x1xf32>
    %div3A_83 = arith.constant 3.200000e+01 : f32
    %div3A_84 = vector.broadcast %div3A_83 : f32 to vector<32x1xf32>
    %div3A_85 = arith.divf %broadcast_in_dim3A_82, %div3A_84 : vector<32x1xf32>
    %sub3A_86 = vector.broadcast %div3A_85 : vector<32x1xf32> to vector<32x32xf32>
    %sub3A_87 = arith.subf %add3A_79, %sub3A_86 : vector<32x32xf32>
    %square3A_88 = arith.mulf %sub3A_87, %sub3A_87 : vector<32x32xf32>
    %reduce_sum3A_89 = arith.constant dense<0.000000e+00> : vector<32xf32>
    %reduce_sum3A_90 = vector.multi_reduction <add>, %square3A_88, %reduce_sum3A_89 [1] : vector<32x32xf32> to vector<32xf32>
    %broadcast_in_dim3A_91 = vector.shape_cast %reduce_sum3A_90 : vector<32xf32> to vector<32x1xf32>
    %div3A_92 = arith.constant 3.200000e+01 : f32
    %div3A_93 = vector.broadcast %div3A_92 : f32 to vector<32x1xf32>
    %div3A_94 = arith.divf %broadcast_in_dim3A_91, %div3A_93 : vector<32x1xf32>
    %sub3A_95 = vector.broadcast %div3A_85 : vector<32x1xf32> to vector<32x32xf32>
    %sub3A_96 = arith.subf %add3A_79, %sub3A_95 : vector<32x32xf32>
    %add3A_97 = arith.constant 9.99999974E-6 : f32
    %add3A_98 = vector.broadcast %add3A_97 : f32 to vector<32x1xf32>
    %add3A_99 = arith.addf %div3A_94, %add3A_98 : vector<32x1xf32>
    %rsqrt3A_100 = math.rsqrt %add3A_99 : vector<32x1xf32>
    %mul3A_101 = vector.broadcast %rsqrt3A_100 : vector<32x1xf32> to vector<32x32xf32>
    %mul3A_102 = arith.mulf %sub3A_96, %mul3A_101 : vector<32x32xf32>
    %mul3A_103 = vector.broadcast %get3A_65 : vector<1x32xf32> to vector<32x32xf32>
    %mul3A_104 = arith.mulf %mul3A_102, %mul3A_103 : vector<32x32xf32>
    %add3A_105 = vector.broadcast %get3A_68 : vector<1x32xf32> to vector<32x32xf32>
    %add3A_106 = arith.addf %mul3A_104, %add3A_105 : vector<32x32xf32>
    %get3A_107 = arith.constant 0 : index
    %get3A_108 = arith.constant 0 : index
    %get3A_109 = vector.load %arg2[%get3A_107, %get3A_108] : memref<2000x32xf32, #tpu.memory_space<vmem>>, vector<2000x32xf32>
    %dot_general3A_110 = arith.constant dense<0.000000e+00> : vector<2000x32xf32>
    %dot_general3A_111 = tpu.matmul %get3A_109, %add3A_106, %dot_general3A_110 {dimension_numbers = #tpu.dot_dimension_numbers<[1], [0], [0], [1], [0, 0, 1, 1], [], []>, transpose_lhs_hint = false} : vector<2000x32xf32>, vector<32x32xf32>, vector<2000x32xf32> -> vector<2000x32xf32>
    %swap3A = arith.constant 0 : index
    %swap3A_112 = arith.constant 0 : index
    %swap3A_113 = vector.load %arg18[%swap3A, %swap3A_112] : memref<2000x32xf32, #tpu.memory_space<vmem>>, vector<2000x32xf32>
    tpu.vector_store %arg18[%swap3A, %swap3A_112], %add3A_47 {strides = array<i32>} : memref<2000x32xf32, #tpu.memory_space<vmem>>, vector<2000x32xf32>,
    %swap3A_114 = arith.constant 0 : index
    %swap3A_115 = arith.constant 0 : index
    %swap3A_116 = vector.load %arg19[%swap3A_114, %swap3A_115] : memref<2000x32xf32, #tpu.memory_space<vmem>>, vector<2000x32xf32>
    tpu.vector_store %arg19[%swap3A_114, %swap3A_115], %dot_general3A_111 {strides = array<i32>} : memref<2000x32xf32, #tpu.memory_space<vmem>>, vector<2000x32xf32>,
    %get3A_117 = arith.constant 0 : index
    %get3A_118 = arith.constant 0 : index
    %get3A_119 = vector.load %arg16[%get3A_117, %get3A_118] : memref<64x32xf32, #tpu.memory_space<vmem>>, vector<32x32xf32>
    %dot_general3A_120 = arith.constant dense<0.000000e+00> : vector<2000x32xf32>
    %dot_general3A_121 = tpu.matmul %add3A_47, %get3A_119, %dot_general3A_120 {dimension_numbers = #tpu.dot_dimension_numbers<[1], [0], [0], [1], [0, 0, 1, 1], [], []>, transpose_lhs_hint = false} : vector<2000x32xf32>, vector<32x32xf32>, vector<2000x32xf32> -> vector<2000x32xf32>
    %get3A_122 = arith.constant 32 : index
    %get3A_123 = arith.constant 0 : index
    %get3A_124 = vector.load %arg16[%get3A_122, %get3A_123] : memref<64x32xf32, #tpu.memory_space<vmem>>, vector<32x32xf32>
    %dot_general3A_125 = arith.constant dense<0.000000e+00> : vector<2000x32xf32>
    %dot_general3A_126 = tpu.matmul %dot_general3A_111, %get3A_124, %dot_general3A_125 {dimension_numbers = #tpu.dot_dimension_numbers<[1], [0], [0], [1], [0, 0, 1, 1], [], []>, transpose_lhs_hint = false} : vector<2000x32xf32>, vector<32x32xf32>, vector<2000x32xf32> -> vector<2000x32xf32>
    %add3A_127 = arith.addf %dot_general3A_121, %dot_general3A_126 : vector<2000x32xf32>
    %swap3A_128 = arith.constant 0 : index
    %swap3A_129 = arith.constant 0 : index
    %swap3A_130 = vector.load %arg20[%swap3A_128, %swap3A_129] : memref<2000x32xf32, #tpu.memory_space<vmem>>, vector<2000x32xf32>
    tpu.vector_store %arg20[%swap3A_128, %swap3A_129], %add3A_127 {strides = array<i32>} : memref<2000x32xf32, #tpu.memory_space<vmem>>, vector<2000x32xf32>,
    %get3A_131 = arith.constant 0 : index
    %get3A_132 = arith.constant 0 : index
    %get3A_133 = vector.load %arg17[%get3A_131, %get3A_132] : memref<64x32xf32, #tpu.memory_space<vmem>>, vector<32x32xf32>
    %dot_general3A_134 = arith.constant dense<0.000000e+00> : vector<2000x32xf32>
    %dot_general3A_135 = tpu.matmul %add3A_47, %get3A_133, %dot_general3A_134 {dimension_numbers = #tpu.dot_dimension_numbers<[1], [0], [0], [1], [0, 0, 1, 1], [], []>, transpose_lhs_hint = false} : vector<2000x32xf32>, vector<32x32xf32>, vector<2000x32xf32> -> vector<2000x32xf32>
    %get3A_136 = arith.constant 32 : index
    %get3A_137 = arith.constant 0 : index
    %get3A_138 = vector.load %arg17[%get3A_136, %get3A_137] : memref<64x32xf32, #tpu.memory_space<vmem>>, vector<32x32xf32>
    %dot_general3A_139 = arith.constant dense<0.000000e+00> : vector<2000x32xf32>
    %dot_general3A_140 = tpu.matmul %dot_general3A_111, %get3A_138, %dot_general3A_139 {dimension_numbers = #tpu.dot_dimension_numbers<[1], [0], [0], [1], [0, 0, 1, 1], [], []>, transpose_lhs_hint = false} : vector<2000x32xf32>, vector<32x32xf32>, vector<2000x32xf32> -> vector<2000x32xf32>
    %add3A_141 = arith.addf %dot_general3A_135, %dot_general3A_140 : vector<2000x32xf32>
    %swap3A_142 = arith.constant 0 : index
    %swap3A_143 = arith.constant 0 : index
    %swap3A_144 = vector.load %arg21[%swap3A_142, %swap3A_143] : memref<2000x32xf32, #tpu.memory_space<vmem>>, vector<2000x32xf32>
    tpu.vector_store %arg21[%swap3A_142, %swap3A_143], %add3A_141 {strides = array<i32>} : memref<2000x32xf32, #tpu.memory_space<vmem>>, vector<2000x32xf32>,
    return
  }
  func.func @transform_0(%arg0: i32) -> (i32, i32) {
    %c0_i32 = arith.constant 0 : i32
    %c0_i32_0 = arith.constant 0 : i32
    return %arg0, %c0_i32 : i32, i32
  }
  func.func @transform_1(%arg0: i32) -> (i32, i32) {
    %c0_i32 = arith.constant 0 : i32
    %c0_i32_0 = arith.constant 0 : i32
    return %arg0, %c0_i32 : i32, i32
  }
  func.func @transform_2(%arg0: i32) -> (i32, i32) {
    %c0_i32 = arith.constant 0 : i32
    %c0_i32_0 = arith.constant 0 : i32
    %c0_i32_1 = arith.constant 0 : i32
    return %c0_i32, %c0_i32_0 : i32, i32
  }
  func.func @transform_3(%arg0: i32) -> (i32, i32) {
    %c0_i32 = arith.constant 0 : i32
    %c0_i32_0 = arith.constant 0 : i32
    %c0_i32_1 = arith.constant 0 : i32
    return %c0_i32, %c0_i32_0 : i32, i32
  }
  func.func @transform_4(%arg0: i32) -> (i32, i32) {
    %c0_i32 = arith.constant 0 : i32
    %c0_i32_0 = arith.constant 0 : i32
    %c0_i32_1 = arith.constant 0 : i32
    return %c0_i32, %c0_i32_0 : i32, i32
  }
  func.func @transform_5(%arg0: i32) -> (i32, i32) {
    %c0_i32 = arith.constant 0 : i32
    %c0_i32_0 = arith.constant 0 : i32
    %c0_i32_1 = arith.constant 0 : i32
    return %c0_i32, %c0_i32_0 : i32, i32
  }
  func.func @transform_6(%arg0: i32) -> (i32, i32) {
    %c0_i32 = arith.constant 0 : i32
    %c0_i32_0 = arith.constant 0 : i32
    %c0_i32_1 = arith.constant 0 : i32
    return %c0_i32, %c0_i32_0 : i32, i32
  }
  func.func @transform_7(%arg0: i32) -> (i32, i32) {
    %c0_i32 = arith.constant 0 : i32
    %c0_i32_0 = arith.constant 0 : i32
    %c0_i32_1 = arith.constant 0 : i32
    return %c0_i32, %c0_i32_0 : i32, i32
  }
  func.func @transform_8(%arg0: i32) -> (i32, i32) {
    %c0_i32 = arith.constant 0 : i32
    %c0_i32_0 = arith.constant 0 : i32
    %c0_i32_1 = arith.constant 0 : i32
    return %c0_i32, %c0_i32_0 : i32, i32
  }
  func.func @transform_9(%arg0: i32) -> (i32, i32) {
    %c0_i32 = arith.constant 0 : i32
    %c0_i32_0 = arith.constant 0 : i32
    %c0_i32_1 = arith.constant 0 : i32
    return %c0_i32, %c0_i32_0 : i32, i32
  }
  func.func @transform_10(%arg0: i32) -> (i32, i32) {
    %c0_i32 = arith.constant 0 : i32
    %c0_i32_0 = arith.constant 0 : i32
    %c0_i32_1 = arith.constant 0 : i32
    return %c0_i32, %c0_i32_0 : i32, i32
  }
  func.func @transform_11(%arg0: i32) -> (i32, i32) {
    %c0_i32 = arith.constant 0 : i32
    %c0_i32_0 = arith.constant 0 : i32
    %c0_i32_1 = arith.constant 0 : i32
    return %c0_i32, %c0_i32_0 : i32, i32
  }
  func.func @transform_12(%arg0: i32) -> (i32, i32) {
    %c0_i32 = arith.constant 0 : i32
    %c0_i32_0 = arith.constant 0 : i32
    %c0_i32_1 = arith.constant 0 : i32
    return %c0_i32, %c0_i32_0 : i32, i32
  }
  func.func @transform_13(%arg0: i32) -> (i32, i32) {
    %c0_i32 = arith.constant 0 : i32
    %c0_i32_0 = arith.constant 0 : i32
    %c0_i32_1 = arith.constant 0 : i32
    return %c0_i32, %c0_i32_0 : i32, i32
  }
  func.func @transform_14(%arg0: i32) -> (i32, i32) {
    %c0_i32 = arith.constant 0 : i32
    %c0_i32_0 = arith.constant 0 : i32
    %c0_i32_1 = arith.constant 0 : i32
    return %c0_i32, %c0_i32_0 : i32, i32
  }
  func.func @transform_15(%arg0: i32) -> (i32, i32) {
    %c0_i32 = arith.constant 0 : i32
    %c0_i32_0 = arith.constant 0 : i32
    %c0_i32_1 = arith.constant 0 : i32
    return %c0_i32, %c0_i32_0 : i32, i32
  }
  func.func @transform_16(%arg0: i32) -> (i32, i32) {
    %c0_i32 = arith.constant 0 : i32
    %c0_i32_0 = arith.constant 0 : i32
    %c0_i32_1 = arith.constant 0 : i32
    return %c0_i32, %c0_i32_0 : i32, i32
  }
  func.func @transform_17(%arg0: i32) -> (i32, i32) {
    %c0_i32 = arith.constant 0 : i32
    %c0_i32_0 = arith.constant 0 : i32
    return %arg0, %c0_i32 : i32, i32
  }
  func.func @transform_18(%arg0: i32) -> (i32, i32) {
    %c0_i32 = arith.constant 0 : i32
    %c0_i32_0 = arith.constant 0 : i32
    return %arg0, %c0_i32 : i32, i32
  }
  func.func @transform_19(%arg0: i32) -> (i32, i32) {
    %c0_i32 = arith.constant 0 : i32
    %c0_i32_0 = arith.constant 0 : i32
    return %arg0, %c0_i32 : i32, i32
  }
  func.func @transform_20(%arg0: i32) -> (i32, i32) {
    %c0_i32 = arith.constant 0 : i32
    %c0_i32_0 = arith.constant 0 : i32
    return %arg0, %c0_i32 : i32, i32
  }
}

module attributes {stable_mosaic.version = 14 : i64} {
  func.func @_k0e_body(%arg0: i32, %arg1: memref<8000x4xf32, #tpu.memory_space<vmem>>, %arg2: memref<4x32xf32, #tpu.memory_space<vmem>>, %arg3: memref<1x32xf32, #tpu.memory_space<vmem>>, %arg4: memref<8000x32xf32, #tpu.memory_space<vmem>>) attributes {dimension_semantics = [#tpu.dimension_semantics<arbitrary>], iteration_bounds = array<i64: 100>, scalar_prefetch = 0 : i64, scratch_operands = 0 : i64, tpu.core_type = #tpu.core_type<tc>, window_params = [{transform_indices = @transform_0, window_bounds = array<i64: 8000, 4>}, {pipeline_mode = #tpu.pipeline_mode<synchronous>, transform_indices = @transform_1, window_bounds = array<i64: 4, 32>}, {pipeline_mode = #tpu.pipeline_mode<synchronous>, transform_indices = @transform_2, window_bounds = array<i64: 1, 32>}, {transform_indices = @transform_3, window_bounds = array<i64: 8000, 32>}]} {
    %get3A = arith.constant 0 : index
    %get3A_0 = arith.constant 0 : index
    %get3A_1 = vector.load %arg1[%get3A, %get3A_0] : memref<8000x4xf32, #tpu.memory_space<vmem>>, vector<8000x4xf32>
    %get3A_2 = arith.constant 0 : index
    %get3A_3 = arith.constant 0 : index
    %get3A_4 = vector.load %arg2[%get3A_2, %get3A_3] : memref<4x32xf32, #tpu.memory_space<vmem>>, vector<4x32xf32>
    %dot_general3A = arith.constant dense<0.000000e+00> : vector<8000x32xf32>
    %dot_general3A_5 = tpu.matmul %get3A_1, %get3A_4, %dot_general3A {dimension_numbers = #tpu.dot_dimension_numbers<[1], [0], [0], [1], [0, 0, 1, 1], [], []>, transpose_lhs_hint = false} : vector<8000x4xf32>, vector<4x32xf32>, vector<8000x32xf32> -> vector<8000x32xf32>
    %get3A_6 = arith.constant 0 : index
    %get3A_7 = arith.constant 0 : index
    %get3A_8 = vector.load %arg3[%get3A_6, %get3A_7] : memref<1x32xf32, #tpu.memory_space<vmem>>, vector<1x32xf32>
    %add3A = vector.broadcast %get3A_8 : vector<1x32xf32> to vector<8000x32xf32>
    %add3A_9 = arith.addf %dot_general3A_5, %add3A : vector<8000x32xf32>
    %max3A = arith.constant 0.000000e+00 : f32
    %max3A_10 = vector.broadcast %max3A : f32 to vector<8000x32xf32>
    %max3A_11 = arith.maximumf %add3A_9, %max3A_10 : vector<8000x32xf32>
    %swap3A = arith.constant 0 : index
    %swap3A_12 = arith.constant 0 : index
    %swap3A_13 = vector.load %arg4[%swap3A, %swap3A_12] : memref<8000x32xf32, #tpu.memory_space<vmem>>, vector<8000x32xf32>
    tpu.vector_store %arg4[%swap3A, %swap3A_12], %max3A_11 {strides = array<i32>} : memref<8000x32xf32, #tpu.memory_space<vmem>>, vector<8000x32xf32>,
    return
  }
  func.func @transform_0(%arg0: i32) -> (i32, i32) {
    %c0_i32 = arith.constant 0 : i32
    %c0_i32_0 = arith.constant 0 : i32
    return %arg0, %c0_i32 : i32, i32
  }
  func.func @transform_1(%arg0: i32) -> (i32, i32) {
    %c0_i32 = arith.constant 0 : i32
    %c0_i32_0 = arith.constant 0 : i32
    %c0_i32_1 = arith.constant 0 : i32
    return %c0_i32, %c0_i32_0 : i32, i32
  }
  func.func @transform_2(%arg0: i32) -> (i32, i32) {
    %c0_i32 = arith.constant 0 : i32
    %c0_i32_0 = arith.constant 0 : i32
    %c0_i32_1 = arith.constant 0 : i32
    return %c0_i32, %c0_i32_0 : i32, i32
  }
  func.func @transform_3(%arg0: i32) -> (i32, i32) {
    %c0_i32 = arith.constant 0 : i32
    %c0_i32_0 = arith.constant 0 : i32
    return %arg0, %c0_i32 : i32, i32
  }
}

module attributes {stable_mosaic.version = 14 : i64} {
  func.func @_k3_body(%arg0: i32, %arg1: memref<2000x128xf32, #tpu.memory_space<vmem>>, %arg2: memref<2000x128xf32, #tpu.memory_space<vmem>>, %arg3: memref<128x128xf32, #tpu.memory_space<vmem>>, %arg4: memref<1x128xf32, #tpu.memory_space<vmem>>, %arg5: memref<1x128xf32, #tpu.memory_space<vmem>>, %arg6: memref<1x128xf32, #tpu.memory_space<vmem>>, %arg7: memref<128x128xf32, #tpu.memory_space<vmem>>, %arg8: memref<1x128xf32, #tpu.memory_space<vmem>>, %arg9: memref<128x128xf32, #tpu.memory_space<vmem>>, %arg10: memref<1x128xf32, #tpu.memory_space<vmem>>, %arg11: memref<1x128xf32, #tpu.memory_space<vmem>>, %arg12: memref<1x128xf32, #tpu.memory_space<vmem>>, %arg13: memref<128x128xf32, #tpu.memory_space<vmem>>, %arg14: memref<2000x128xf32, #tpu.memory_space<vmem>>) attributes {dimension_semantics = [#tpu.dimension_semantics<arbitrary>], iteration_bounds = array<i64: 100>, scalar_prefetch = 0 : i64, scratch_operands = 0 : i64, tpu.core_type = #tpu.core_type<tc>, window_params = [{transform_indices = @transform_0, window_bounds = array<i64: 2000, 128>}, {transform_indices = @transform_1, window_bounds = array<i64: 2000, 128>}, {pipeline_mode = #tpu.pipeline_mode<synchronous>, transform_indices = @transform_2, window_bounds = array<i64: 128, 128>}, {pipeline_mode = #tpu.pipeline_mode<synchronous>, transform_indices = @transform_3, window_bounds = array<i64: 1, 128>}, {pipeline_mode = #tpu.pipeline_mode<synchronous>, transform_indices = @transform_4, window_bounds = array<i64: 1, 128>}, {pipeline_mode = #tpu.pipeline_mode<synchronous>, transform_indices = @transform_5, window_bounds = array<i64: 1, 128>}, {pipeline_mode = #tpu.pipeline_mode<synchronous>, transform_indices = @transform_6, window_bounds = array<i64: 128, 128>}, {pipeline_mode = #tpu.pipeline_mode<synchronous>, transform_indices = @transform_7, window_bounds = array<i64: 1, 128>}, {pipeline_mode = #tpu.pipeline_mode<synchronous>, transform_indices = @transform_8, window_bounds = array<i64: 128, 128>}, {pipeline_mode = #tpu.pipeline_mode<synchronous>, transform_indices = @transform_9, window_bounds = array<i64: 1, 128>}, {pipeline_mode = #tpu.pipeline_mode<synchronous>, transform_indices = @transform_10, window_bounds = array<i64: 1, 128>}, {pipeline_mode = #tpu.pipeline_mode<synchronous>, transform_indices = @transform_11, window_bounds = array<i64: 1, 128>}, {pipeline_mode = #tpu.pipeline_mode<synchronous>, transform_indices = @transform_12, window_bounds = array<i64: 128, 128>}, {transform_indices = @transform_13, window_bounds = array<i64: 2000, 128>}]} {
    %get3A = arith.constant 0 : index
    %get3A_0 = arith.constant 0 : index
    %get3A_1 = vector.load %arg13[%get3A, %get3A_0] : memref<128x128xf32, #tpu.memory_space<vmem>>, vector<128x128xf32>
    %get3A_2 = arith.constant 0 : index
    %get3A_3 = arith.constant 0 : index
    %get3A_4 = vector.load %arg2[%get3A_2, %get3A_3] : memref<2000x128xf32, #tpu.memory_space<vmem>>, vector<2000x128xf32>
    %get3A_5 = arith.constant 0 : index
    %get3A_6 = arith.constant 0 : index
    %get3A_7 = vector.load %arg3[%get3A_5, %get3A_6] : memref<128x128xf32, #tpu.memory_space<vmem>>, vector<128x128xf32>
    %dot_general3A = arith.constant dense<0.000000e+00> : vector<2000x128xf32>
    %dot_general3A_8 = tpu.matmul %get3A_4, %get3A_7, %dot_general3A {dimension_numbers = #tpu.dot_dimension_numbers<[1], [0], [0], [1], [0, 0, 1, 1], [], []>, transpose_lhs_hint = false} : vector<2000x128xf32>, vector<128x128xf32>, vector<2000x128xf32> -> vector<2000x128xf32>
    %get3A_9 = arith.constant 0 : index
    %get3A_10 = arith.constant 0 : index
    %get3A_11 = vector.load %arg4[%get3A_9, %get3A_10] : memref<1x128xf32, #tpu.memory_space<vmem>>, vector<1x128xf32>
    %add3A = vector.broadcast %get3A_11 : vector<1x128xf32> to vector<2000x128xf32>
    %add3A_12 = arith.addf %dot_general3A_8, %add3A : vector<2000x128xf32>
    %get3A_13 = arith.constant 0 : index
    %get3A_14 = arith.constant 0 : index
    %get3A_15 = vector.load %arg5[%get3A_13, %get3A_14] : memref<1x128xf32, #tpu.memory_space<vmem>>, vector<1x128xf32>
    %get3A_16 = arith.constant 0 : index
    %get3A_17 = arith.constant 0 : index
    %get3A_18 = vector.load %arg6[%get3A_16, %get3A_17] : memref<1x128xf32, #tpu.memory_space<vmem>>, vector<1x128xf32>
    %dot_general3A_19 = arith.constant dense<0.000000e+00> : vector<2000x128xf32>
    %dot_general3A_20 = tpu.matmul %add3A_12, %get3A_1, %dot_general3A_19 {dimension_numbers = #tpu.dot_dimension_numbers<[1], [0], [0], [1], [0, 0, 1, 1], [], []>, transpose_lhs_hint = false} : vector<2000x128xf32>, vector<128x128xf32>, vector<2000x128xf32> -> vector<2000x128xf32>
    %sub3A = arith.subf %add3A_12, %dot_general3A_20 : vector<2000x128xf32>
    %mul3A = arith.mulf %sub3A, %sub3A : vector<2000x128xf32>
    %dot_general3A_21 = arith.constant dense<0.000000e+00> : vector<2000x128xf32>
    %dot_general3A_22 = tpu.matmul %mul3A, %get3A_1, %dot_general3A_21 {dimension_numbers = #tpu.dot_dimension_numbers<[1], [0], [0], [1], [0, 0, 1, 1], [], []>, transpose_lhs_hint = false} : vector<2000x128xf32>, vector<128x128xf32>, vector<2000x128xf32> -> vector<2000x128xf32>
    %add3A_23 = arith.constant 9.99999974E-6 : f32
    %add3A_24 = vector.broadcast %add3A_23 : f32 to vector<2000x128xf32>
    %add3A_25 = arith.addf %dot_general3A_22, %add3A_24 : vector<2000x128xf32>
    %rsqrt3A = math.rsqrt %add3A_25 : vector<2000x128xf32>
    %mul3A_26 = arith.mulf %sub3A, %rsqrt3A : vector<2000x128xf32>
    %mul3A_27 = vector.broadcast %get3A_15 : vector<1x128xf32> to vector<2000x128xf32>
    %mul3A_28 = arith.mulf %mul3A_26, %mul3A_27 : vector<2000x128xf32>
    %add3A_29 = vector.broadcast %get3A_18 : vector<1x128xf32> to vector<2000x128xf32>
    %add3A_30 = arith.addf %mul3A_28, %add3A_29 : vector<2000x128xf32>
    %get3A_31 = arith.constant 0 : index
    %get3A_32 = arith.constant 0 : index
    %get3A_33 = vector.load %arg1[%get3A_31, %get3A_32] : memref<2000x128xf32, #tpu.memory_space<vmem>>, vector<2000x128xf32>
    %get3A_34 = arith.constant 0 : index
    %get3A_35 = arith.constant 0 : index
    %get3A_36 = vector.load %arg7[%get3A_34, %get3A_35] : memref<128x128xf32, #tpu.memory_space<vmem>>, vector<128x128xf32>
    %dot_general3A_37 = arith.constant dense<0.000000e+00> : vector<2000x128xf32>
    %dot_general3A_38 = tpu.matmul %add3A_30, %get3A_36, %dot_general3A_37 {dimension_numbers = #tpu.dot_dimension_numbers<[1], [0], [0], [1], [0, 0, 1, 1], [], []>, transpose_lhs_hint = false} : vector<2000x128xf32>, vector<128x128xf32>, vector<2000x128xf32> -> vector<2000x128xf32>
    %add3A_39 = arith.addf %get3A_33, %dot_general3A_38 : vector<2000x128xf32>
    %get3A_40 = arith.constant 0 : index
    %get3A_41 = arith.constant 0 : index
    %get3A_42 = vector.load %arg8[%get3A_40, %get3A_41] : memref<1x128xf32, #tpu.memory_space<vmem>>, vector<1x128xf32>
    %add3A_43 = vector.broadcast %get3A_42 : vector<1x128xf32> to vector<2000x128xf32>
    %add3A_44 = arith.addf %add3A_39, %add3A_43 : vector<2000x128xf32>
    %max3A = arith.constant 0.000000e+00 : f32
    %max3A_45 = vector.broadcast %max3A : f32 to vector<2000x128xf32>
    %max3A_46 = arith.maximumf %add3A_44, %max3A_45 : vector<2000x128xf32>
    %get3A_47 = arith.constant 0 : index
    %get3A_48 = arith.constant 0 : index
    %get3A_49 = vector.load %arg9[%get3A_47, %get3A_48] : memref<128x128xf32, #tpu.memory_space<vmem>>, vector<128x128xf32>
    %dot_general3A_50 = arith.constant dense<0.000000e+00> : vector<2000x128xf32>
    %dot_general3A_51 = tpu.matmul %max3A_46, %get3A_49, %dot_general3A_50 {dimension_numbers = #tpu.dot_dimension_numbers<[1], [0], [0], [1], [0, 0, 1, 1], [], []>, transpose_lhs_hint = false} : vector<2000x128xf32>, vector<128x128xf32>, vector<2000x128xf32> -> vector<2000x128xf32>
    %get3A_52 = arith.constant 0 : index
    %get3A_53 = arith.constant 0 : index
    %get3A_54 = vector.load %arg10[%get3A_52, %get3A_53] : memref<1x128xf32, #tpu.memory_space<vmem>>, vector<1x128xf32>
    %add3A_55 = vector.broadcast %get3A_54 : vector<1x128xf32> to vector<2000x128xf32>
    %add3A_56 = arith.addf %dot_general3A_51, %add3A_55 : vector<2000x128xf32>
    %get3A_57 = arith.constant 0 : index
    %get3A_58 = arith.constant 0 : index
    %get3A_59 = vector.load %arg11[%get3A_57, %get3A_58] : memref<1x128xf32, #tpu.memory_space<vmem>>, vector<1x128xf32>
    %get3A_60 = arith.constant 0 : index
    %get3A_61 = arith.constant 0 : index
    %get3A_62 = vector.load %arg12[%get3A_60, %get3A_61] : memref<1x128xf32, #tpu.memory_space<vmem>>, vector<1x128xf32>
    %dot_general3A_63 = arith.constant dense<0.000000e+00> : vector<2000x128xf32>
    %dot_general3A_64 = tpu.matmul %add3A_56, %get3A_1, %dot_general3A_63 {dimension_numbers = #tpu.dot_dimension_numbers<[1], [0], [0], [1], [0, 0, 1, 1], [], []>, transpose_lhs_hint = false} : vector<2000x128xf32>, vector<128x128xf32>, vector<2000x128xf32> -> vector<2000x128xf32>
    %sub3A_65 = arith.subf %add3A_56, %dot_general3A_64 : vector<2000x128xf32>
    %mul3A_66 = arith.mulf %sub3A_65, %sub3A_65 : vector<2000x128xf32>
    %dot_general3A_67 = arith.constant dense<0.000000e+00> : vector<2000x128xf32>
    %dot_general3A_68 = tpu.matmul %mul3A_66, %get3A_1, %dot_general3A_67 {dimension_numbers = #tpu.dot_dimension_numbers<[1], [0], [0], [1], [0, 0, 1, 1], [], []>, transpose_lhs_hint = false} : vector<2000x128xf32>, vector<128x128xf32>, vector<2000x128xf32> -> vector<2000x128xf32>
    %add3A_69 = arith.constant 9.99999974E-6 : f32
    %add3A_70 = vector.broadcast %add3A_69 : f32 to vector<2000x128xf32>
    %add3A_71 = arith.addf %dot_general3A_68, %add3A_70 : vector<2000x128xf32>
    %rsqrt3A_72 = math.rsqrt %add3A_71 : vector<2000x128xf32>
    %mul3A_73 = arith.mulf %sub3A_65, %rsqrt3A_72 : vector<2000x128xf32>
    %mul3A_74 = vector.broadcast %get3A_59 : vector<1x128xf32> to vector<2000x128xf32>
    %mul3A_75 = arith.mulf %mul3A_73, %mul3A_74 : vector<2000x128xf32>
    %add3A_76 = vector.broadcast %get3A_62 : vector<1x128xf32> to vector<2000x128xf32>
    %add3A_77 = arith.addf %mul3A_75, %add3A_76 : vector<2000x128xf32>
    %add3A_78 = arith.addf %add3A_77, %add3A_30 : vector<2000x128xf32>
    %swap3A = arith.constant 0 : index
    %swap3A_79 = arith.constant 0 : index
    %swap3A_80 = vector.load %arg14[%swap3A, %swap3A_79] : memref<2000x128xf32, #tpu.memory_space<vmem>>, vector<2000x128xf32>
    tpu.vector_store %arg14[%swap3A, %swap3A_79], %add3A_78 {strides = array<i32>} : memref<2000x128xf32, #tpu.memory_space<vmem>>, vector<2000x128xf32>,
    return
  }
  func.func @transform_0(%arg0: i32) -> (i32, i32) {
    %c0_i32 = arith.constant 0 : i32
    %c0_i32_0 = arith.constant 0 : i32
    return %arg0, %c0_i32 : i32, i32
  }
  func.func @transform_1(%arg0: i32) -> (i32, i32) {
    %c0_i32 = arith.constant 0 : i32
    %c0_i32_0 = arith.constant 0 : i32
    return %arg0, %c0_i32 : i32, i32
  }
  func.func @transform_2(%arg0: i32) -> (i32, i32) {
    %c0_i32 = arith.constant 0 : i32
    %c0_i32_0 = arith.constant 0 : i32
    %c0_i32_1 = arith.constant 0 : i32
    return %c0_i32, %c0_i32_0 : i32, i32
  }
  func.func @transform_3(%arg0: i32) -> (i32, i32) {
    %c0_i32 = arith.constant 0 : i32
    %c0_i32_0 = arith.constant 0 : i32
    %c0_i32_1 = arith.constant 0 : i32
    return %c0_i32, %c0_i32_0 : i32, i32
  }
  func.func @transform_4(%arg0: i32) -> (i32, i32) {
    %c0_i32 = arith.constant 0 : i32
    %c0_i32_0 = arith.constant 0 : i32
    %c0_i32_1 = arith.constant 0 : i32
    return %c0_i32, %c0_i32_0 : i32, i32
  }
  func.func @transform_5(%arg0: i32) -> (i32, i32) {
    %c0_i32 = arith.constant 0 : i32
    %c0_i32_0 = arith.constant 0 : i32
    %c0_i32_1 = arith.constant 0 : i32
    return %c0_i32, %c0_i32_0 : i32, i32
  }
  func.func @transform_6(%arg0: i32) -> (i32, i32) {
    %c0_i32 = arith.constant 0 : i32
    %c0_i32_0 = arith.constant 0 : i32
    %c0_i32_1 = arith.constant 0 : i32
    return %c0_i32, %c0_i32_0 : i32, i32
  }
  func.func @transform_7(%arg0: i32) -> (i32, i32) {
    %c0_i32 = arith.constant 0 : i32
    %c0_i32_0 = arith.constant 0 : i32
    %c0_i32_1 = arith.constant 0 : i32
    return %c0_i32, %c0_i32_0 : i32, i32
  }
  func.func @transform_8(%arg0: i32) -> (i32, i32) {
    %c0_i32 = arith.constant 0 : i32
    %c0_i32_0 = arith.constant 0 : i32
    %c0_i32_1 = arith.constant 0 : i32
    return %c0_i32, %c0_i32_0 : i32, i32
  }
  func.func @transform_9(%arg0: i32) -> (i32, i32) {
    %c0_i32 = arith.constant 0 : i32
    %c0_i32_0 = arith.constant 0 : i32
    %c0_i32_1 = arith.constant 0 : i32
    return %c0_i32, %c0_i32_0 : i32, i32
  }
  func.func @transform_10(%arg0: i32) -> (i32, i32) {
    %c0_i32 = arith.constant 0 : i32
    %c0_i32_0 = arith.constant 0 : i32
    %c0_i32_1 = arith.constant 0 : i32
    return %c0_i32, %c0_i32_0 : i32, i32
  }
  func.func @transform_11(%arg0: i32) -> (i32, i32) {
    %c0_i32 = arith.constant 0 : i32
    %c0_i32_0 = arith.constant 0 : i32
    %c0_i32_1 = arith.constant 0 : i32
    return %c0_i32, %c0_i32_0 : i32, i32
  }
  func.func @transform_12(%arg0: i32) -> (i32, i32) {
    %c0_i32 = arith.constant 0 : i32
    %c0_i32_0 = arith.constant 0 : i32
    %c0_i32_1 = arith.constant 0 : i32
    return %c0_i32, %c0_i32_0 : i32, i32
  }
  func.func @transform_13(%arg0: i32) -> (i32, i32) {
    %c0_i32 = arith.constant 0 : i32
    %c0_i32_0 = arith.constant 0 : i32
    return %arg0, %c0_i32 : i32, i32
  }
}

module attributes {stable_mosaic.version = 14 : i64} {
  func.func @_k5_body(%arg0: i32, %arg1: memref<2000x32xf32, #tpu.memory_space<vmem>>, %arg2: memref<2000x32xf32, #tpu.memory_space<vmem>>, %arg3: memref<2000x32xf32, #tpu.memory_space<vmem>>, %arg4: memref<2000x32xf32, #tpu.memory_space<vmem>>, %arg5: memref<2000x4xf32, #tpu.memory_space<vmem>>, %arg6: memref<32x32xf32, #tpu.memory_space<vmem>>, %arg7: memref<32x32xf32, #tpu.memory_space<vmem>>, %arg8: memref<32x32xf32, #tpu.memory_space<vmem>>, %arg9: memref<4x32xf32, #tpu.memory_space<vmem>>, %arg10: memref<1x32xf32, #tpu.memory_space<vmem>>, %arg11: memref<32x32xf32, #tpu.memory_space<vmem>>, %arg12: memref<1x32xf32, #tpu.memory_space<vmem>>, %arg13: memref<1x32xf32, #tpu.memory_space<vmem>>, %arg14: memref<1x32xf32, #tpu.memory_space<vmem>>, %arg15: memref<32x32xf32, #tpu.memory_space<vmem>>, %arg16: memref<32x32xf32, #tpu.memory_space<vmem>>, %arg17: memref<1x32xf32, #tpu.memory_space<vmem>>, %arg18: memref<32x3xf32, #tpu.memory_space<vmem>>, %arg19: memref<1x3xf32, #tpu.memory_space<vmem>>, %arg20: memref<2000x3xf32, #tpu.memory_space<vmem>>) attributes {dimension_semantics = [#tpu.dimension_semantics<arbitrary>], iteration_bounds = array<i64: 25>, scalar_prefetch = 0 : i64, scratch_operands = 0 : i64, tpu.core_type = #tpu.core_type<tc>, window_params = [{transform_indices = @transform_0, window_bounds = array<i64: 2000, 32>}, {transform_indices = @transform_1, window_bounds = array<i64: 2000, 32>}, {transform_indices = @transform_2, window_bounds = array<i64: 2000, 32>}, {transform_indices = @transform_3, window_bounds = array<i64: 2000, 32>}, {transform_indices = @transform_4, window_bounds = array<i64: 2000, 4>}, {pipeline_mode = #tpu.pipeline_mode<synchronous>, transform_indices = @transform_5, window_bounds = array<i64: 32, 32>}, {pipeline_mode = #tpu.pipeline_mode<synchronous>, transform_indices = @transform_6, window_bounds = array<i64: 32, 32>}, {pipeline_mode = #tpu.pipeline_mode<synchronous>, transform_indices = @transform_7, window_bounds = array<i64: 32, 32>}, {pipeline_mode = #tpu.pipeline_mode<synchronous>, transform_indices = @transform_8, window_bounds = array<i64: 4, 32>}, {pipeline_mode = #tpu.pipeline_mode<synchronous>, transform_indices = @transform_9, window_bounds = array<i64: 1, 32>}, {pipeline_mode = #tpu.pipeline_mode<synchronous>, transform_indices = @transform_10, window_bounds = array<i64: 32, 32>}, {pipeline_mode = #tpu.pipeline_mode<synchronous>, transform_indices = @transform_11, window_bounds = array<i64: 1, 32>}, {pipeline_mode = #tpu.pipeline_mode<synchronous>, transform_indices = @transform_12, window_bounds = array<i64: 1, 32>}, {pipeline_mode = #tpu.pipeline_mode<synchronous>, transform_indices = @transform_13, window_bounds = array<i64: 1, 32>}, {pipeline_mode = #tpu.pipeline_mode<synchronous>, transform_indices = @transform_14, window_bounds = array<i64: 32, 32>}, {pipeline_mode = #tpu.pipeline_mode<synchronous>, transform_indices = @transform_15, window_bounds = array<i64: 32, 32>}, {pipeline_mode = #tpu.pipeline_mode<synchronous>, transform_indices = @transform_16, window_bounds = array<i64: 1, 32>}, {pipeline_mode = #tpu.pipeline_mode<synchronous>, transform_indices = @transform_17, window_bounds = array<i64: 32, 3>}, {pipeline_mode = #tpu.pipeline_mode<synchronous>, transform_indices = @transform_18, window_bounds = array<i64: 1, 3>}, {transform_indices = @transform_19, window_bounds = array<i64: 2000, 3>}]} {
    %get3A = arith.constant 0 : index
    %get3A_0 = arith.constant 0 : index
    %get3A_1 = vector.load %arg1[%get3A, %get3A_0] : memref<2000x32xf32, #tpu.memory_space<vmem>>, vector<2000x32xf32>
    %get3A_2 = arith.constant 0 : index
    %get3A_3 = arith.constant 0 : index
    %get3A_4 = vector.load %arg2[%get3A_2, %get3A_3] : memref<2000x32xf32, #tpu.memory_space<vmem>>, vector<2000x32xf32>
    %get3A_5 = arith.constant 0 : index
    %get3A_6 = arith.constant 0 : index
    %get3A_7 = vector.load %arg3[%get3A_5, %get3A_6] : memref<2000x32xf32, #tpu.memory_space<vmem>>, vector<2000x32xf32>
    %get3A_8 = arith.constant 0 : index
    %get3A_9 = arith.constant 0 : index
    %get3A_10 = vector.load %arg4[%get3A_8, %get3A_9] : memref<2000x32xf32, #tpu.memory_space<vmem>>, vector<2000x32xf32>
    %add3A = arith.addf %get3A_7, %get3A_10 : vector<2000x32xf32>
    %get3A_11 = arith.constant 0 : index
    %get3A_12 = arith.constant 0 : index
    %get3A_13 = vector.load %arg6[%get3A_11, %get3A_12] : memref<32x32xf32, #tpu.memory_space<vmem>>, vector<32x32xf32>
    %dot_general3A = arith.constant dense<0.000000e+00> : vector<2000x32xf32>
    %dot_general3A_14 = tpu.matmul %get3A_1, %get3A_13, %dot_general3A {dimension_numbers = #tpu.dot_dimension_numbers<[1], [0], [0], [1], [0, 0, 1, 1], [], []>, transpose_lhs_hint = false} : vector<2000x32xf32>, vector<32x32xf32>, vector<2000x32xf32> -> vector<2000x32xf32>
    %get3A_15 = arith.constant 0 : index
    %get3A_16 = arith.constant 0 : index
    %get3A_17 = vector.load %arg7[%get3A_15, %get3A_16] : memref<32x32xf32, #tpu.memory_space<vmem>>, vector<32x32xf32>
    %dot_general3A_18 = arith.constant dense<0.000000e+00> : vector<2000x32xf32>
    %dot_general3A_19 = tpu.matmul %get3A_4, %get3A_17, %dot_general3A_18 {dimension_numbers = #tpu.dot_dimension_numbers<[1], [0], [0], [1], [0, 0, 1, 1], [], []>, transpose_lhs_hint = false} : vector<2000x32xf32>, vector<32x32xf32>, vector<2000x32xf32> -> vector<2000x32xf32>
    %add3A_20 = arith.addf %dot_general3A_14, %dot_general3A_19 : vector<2000x32xf32>
    %get3A_21 = arith.constant 0 : index
    %get3A_22 = arith.constant 0 : index
    %get3A_23 = vector.load %arg8[%get3A_21, %get3A_22] : memref<32x32xf32, #tpu.memory_space<vmem>>, vector<32x32xf32>
    %dot_general3A_24 = arith.constant dense<0.000000e+00> : vector<2000x32xf32>
    %dot_general3A_25 = tpu.matmul %add3A, %get3A_23, %dot_general3A_24 {dimension_numbers = #tpu.dot_dimension_numbers<[1], [0], [0], [1], [0, 0, 1, 1], [], []>, transpose_lhs_hint = false} : vector<2000x32xf32>, vector<32x32xf32>, vector<2000x32xf32> -> vector<2000x32xf32>
    %add3A_26 = arith.addf %add3A_20, %dot_general3A_25 : vector<2000x32xf32>
    %get3A_27 = arith.constant 0 : index
    %get3A_28 = arith.constant 0 : index
    %get3A_29 = vector.load %arg5[%get3A_27, %get3A_28] : memref<2000x4xf32, #tpu.memory_space<vmem>>, vector<2000x4xf32>
    %get3A_30 = arith.constant 0 : index
    %get3A_31 = arith.constant 0 : index
    %get3A_32 = vector.load %arg9[%get3A_30, %get3A_31] : memref<4x32xf32, #tpu.memory_space<vmem>>, vector<4x32xf32>
    %dot_general3A_33 = arith.constant dense<0.000000e+00> : vector<2000x32xf32>
    %dot_general3A_34 = tpu.matmul %get3A_29, %get3A_32, %dot_general3A_33 {dimension_numbers = #tpu.dot_dimension_numbers<[1], [0], [0], [1], [0, 0, 1, 1], [], []>, transpose_lhs_hint = false} : vector<2000x4xf32>, vector<4x32xf32>, vector<2000x32xf32> -> vector<2000x32xf32>
    %add3A_35 = arith.addf %add3A_26, %dot_general3A_34 : vector<2000x32xf32>
    %get3A_36 = arith.constant 0 : index
    %get3A_37 = arith.constant 0 : index
    %get3A_38 = vector.load %arg10[%get3A_36, %get3A_37] : memref<1x32xf32, #tpu.memory_space<vmem>>, vector<1x32xf32>
    %add3A_39 = vector.broadcast %get3A_38 : vector<1x32xf32> to vector<2000x32xf32>
    %add3A_40 = arith.addf %add3A_35, %add3A_39 : vector<2000x32xf32>
    %max3A = arith.constant 0.000000e+00 : f32
    %max3A_41 = vector.broadcast %max3A : f32 to vector<2000x32xf32>
    %max3A_42 = arith.maximumf %add3A_40, %max3A_41 : vector<2000x32xf32>
    %get3A_43 = arith.constant 0 : index
    %get3A_44 = arith.constant 0 : index
    %get3A_45 = vector.load %arg11[%get3A_43, %get3A_44] : memref<32x32xf32, #tpu.memory_space<vmem>>, vector<32x32xf32>
    %dot_general3A_46 = arith.constant dense<0.000000e+00> : vector<2000x32xf32>
    %dot_general3A_47 = tpu.matmul %max3A_42, %get3A_45, %dot_general3A_46 {dimension_numbers = #tpu.dot_dimension_numbers<[1], [0], [0], [1], [0, 0, 1, 1], [], []>, transpose_lhs_hint = false} : vector<2000x32xf32>, vector<32x32xf32>, vector<2000x32xf32> -> vector<2000x32xf32>
    %get3A_48 = arith.constant 0 : index
    %get3A_49 = arith.constant 0 : index
    %get3A_50 = vector.load %arg12[%get3A_48, %get3A_49] : memref<1x32xf32, #tpu.memory_space<vmem>>, vector<1x32xf32>
    %add3A_51 = vector.broadcast %get3A_50 : vector<1x32xf32> to vector<2000x32xf32>
    %add3A_52 = arith.addf %dot_general3A_47, %add3A_51 : vector<2000x32xf32>
    %get3A_53 = arith.constant 0 : index
    %get3A_54 = arith.constant 0 : index
    %get3A_55 = vector.load %arg13[%get3A_53, %get3A_54] : memref<1x32xf32, #tpu.memory_space<vmem>>, vector<1x32xf32>
    %get3A_56 = arith.constant 0 : index
    %get3A_57 = arith.constant 0 : index
    %get3A_58 = vector.load %arg14[%get3A_56, %get3A_57] : memref<1x32xf32, #tpu.memory_space<vmem>>, vector<1x32xf32>
    %reduce_sum3A = arith.constant dense<0.000000e+00> : vector<2000xf32>
    %reduce_sum3A_59 = vector.multi_reduction <add>, %add3A_52, %reduce_sum3A [1] : vector<2000x32xf32> to vector<2000xf32>
    %broadcast_in_dim3A = vector.shape_cast %reduce_sum3A_59 : vector<2000xf32> to vector<2000x1xf32>
    %div3A = arith.constant 3.200000e+01 : f32
    %div3A_60 = vector.broadcast %div3A : f32 to vector<2000x1xf32>
    %div3A_61 = arith.divf %broadcast_in_dim3A, %div3A_60 : vector<2000x1xf32>
    %sub3A = vector.broadcast %div3A_61 : vector<2000x1xf32> to vector<2000x32xf32>
    %sub3A_62 = arith.subf %add3A_52, %sub3A : vector<2000x32xf32>
    %square3A = arith.mulf %sub3A_62, %sub3A_62 : vector<2000x32xf32>
    %reduce_sum3A_63 = arith.constant dense<0.000000e+00> : vector<2000xf32>
    %reduce_sum3A_64 = vector.multi_reduction <add>, %square3A, %reduce_sum3A_63 [1] : vector<2000x32xf32> to vector<2000xf32>
    %broadcast_in_dim3A_65 = vector.shape_cast %reduce_sum3A_64 : vector<2000xf32> to vector<2000x1xf32>
    %div3A_66 = arith.constant 3.200000e+01 : f32
    %div3A_67 = vector.broadcast %div3A_66 : f32 to vector<2000x1xf32>
    %div3A_68 = arith.divf %broadcast_in_dim3A_65, %div3A_67 : vector<2000x1xf32>
    %sub3A_69 = vector.broadcast %div3A_61 : vector<2000x1xf32> to vector<2000x32xf32>
    %sub3A_70 = arith.subf %add3A_52, %sub3A_69 : vector<2000x32xf32>
    %add3A_71 = arith.constant 9.99999974E-6 : f32
    %add3A_72 = vector.broadcast %add3A_71 : f32 to vector<2000x1xf32>
    %add3A_73 = arith.addf %div3A_68, %add3A_72 : vector<2000x1xf32>
    %rsqrt3A = math.rsqrt %add3A_73 : vector<2000x1xf32>
    %mul3A = vector.broadcast %rsqrt3A : vector<2000x1xf32> to vector<2000x32xf32>
    %mul3A_74 = arith.mulf %sub3A_70, %mul3A : vector<2000x32xf32>
    %mul3A_75 = vector.broadcast %get3A_55 : vector<1x32xf32> to vector<2000x32xf32>
    %mul3A_76 = arith.mulf %mul3A_74, %mul3A_75 : vector<2000x32xf32>
    %add3A_77 = vector.broadcast %get3A_58 : vector<1x32xf32> to vector<2000x32xf32>
    %add3A_78 = arith.addf %mul3A_76, %add3A_77 : vector<2000x32xf32>
    %add3A_79 = arith.addf %get3A_1, %add3A_78 : vector<2000x32xf32>
    %get3A_80 = arith.constant 0 : index
    %get3A_81 = arith.constant 0 : index
    %get3A_82 = vector.load %arg15[%get3A_80, %get3A_81] : memref<32x32xf32, #tpu.memory_space<vmem>>, vector<32x32xf32>
    %dot_general3A_83 = arith.constant dense<0.000000e+00> : vector<2000x32xf32>
    %dot_general3A_84 = tpu.matmul %add3A_79, %get3A_82, %dot_general3A_83 {dimension_numbers = #tpu.dot_dimension_numbers<[1], [0], [0], [1], [0, 0, 1, 1], [], []>, transpose_lhs_hint = false} : vector<2000x32xf32>, vector<32x32xf32>, vector<2000x32xf32> -> vector<2000x32xf32>
    %get3A_85 = arith.constant 0 : index
    %get3A_86 = arith.constant 0 : index
    %get3A_87 = vector.load %arg16[%get3A_85, %get3A_86] : memref<32x32xf32, #tpu.memory_space<vmem>>, vector<32x32xf32>
    %dot_general3A_88 = arith.constant dense<0.000000e+00> : vector<2000x32xf32>
    %dot_general3A_89 = tpu.matmul %get3A_4, %get3A_87, %dot_general3A_88 {dimension_numbers = #tpu.dot_dimension_numbers<[1], [0], [0], [1], [0, 0, 1, 1], [], []>, transpose_lhs_hint = false} : vector<2000x32xf32>, vector<32x32xf32>, vector<2000x32xf32> -> vector<2000x32xf32>
    %add3A_90 = arith.addf %dot_general3A_84, %dot_general3A_89 : vector<2000x32xf32>
    %get3A_91 = arith.constant 0 : index
    %get3A_92 = arith.constant 0 : index
    %get3A_93 = vector.load %arg17[%get3A_91, %get3A_92] : memref<1x32xf32, #tpu.memory_space<vmem>>, vector<1x32xf32>
    %add3A_94 = vector.broadcast %get3A_93 : vector<1x32xf32> to vector<2000x32xf32>
    %add3A_95 = arith.addf %add3A_90, %add3A_94 : vector<2000x32xf32>
    %max3A_96 = arith.constant 0.000000e+00 : f32
    %max3A_97 = vector.broadcast %max3A_96 : f32 to vector<2000x32xf32>
    %max3A_98 = arith.maximumf %add3A_95, %max3A_97 : vector<2000x32xf32>
    %get3A_99 = arith.constant 0 : index
    %get3A_100 = arith.constant 0 : index
    %get3A_101 = vector.load %arg18[%get3A_99, %get3A_100] : memref<32x3xf32, #tpu.memory_space<vmem>>, vector<32x3xf32>
    %dot_general3A_102 = arith.constant dense<0.000000e+00> : vector<2000x3xf32>
    %dot_general3A_103 = tpu.matmul %max3A_98, %get3A_101, %dot_general3A_102 {dimension_numbers = #tpu.dot_dimension_numbers<[1], [0], [0], [1], [0, 0, 1, 1], [], []>, transpose_lhs_hint = false} : vector<2000x32xf32>, vector<32x3xf32>, vector<2000x3xf32> -> vector<2000x3xf32>
    %get3A_104 = arith.constant 0 : index
    %get3A_105 = arith.constant 0 : index
    %get3A_106 = vector.load %arg19[%get3A_104, %get3A_105] : memref<1x3xf32, #tpu.memory_space<vmem>>, vector<1x3xf32>
    %add3A_107 = vector.broadcast %get3A_106 : vector<1x3xf32> to vector<2000x3xf32>
    %add3A_108 = arith.addf %dot_general3A_103, %add3A_107 : vector<2000x3xf32>
    %swap3A = arith.constant 0 : index
    %swap3A_109 = arith.constant 0 : index
    %swap3A_110 = vector.load %arg20[%swap3A, %swap3A_109] : memref<2000x3xf32, #tpu.memory_space<vmem>>, vector<2000x3xf32>
    tpu.vector_store %arg20[%swap3A, %swap3A_109], %add3A_108 {strides = array<i32>} : memref<2000x3xf32, #tpu.memory_space<vmem>>, vector<2000x3xf32>,
    return
  }
  func.func @transform_0(%arg0: i32) -> (i32, i32) {
    %c0_i32 = arith.constant 0 : i32
    %c0_i32_0 = arith.constant 0 : i32
    return %arg0, %c0_i32 : i32, i32
  }
  func.func @transform_1(%arg0: i32) -> (i32, i32) {
    %c0_i32 = arith.constant 0 : i32
    %c0_i32_0 = arith.constant 0 : i32
    return %arg0, %c0_i32 : i32, i32
  }
  func.func @transform_2(%arg0: i32) -> (i32, i32) {
    %c0_i32 = arith.constant 0 : i32
    %c0_i32_0 = arith.constant 0 : i32
    return %arg0, %c0_i32 : i32, i32
  }
  func.func @transform_3(%arg0: i32) -> (i32, i32) {
    %c0_i32 = arith.constant 0 : i32
    %c0_i32_0 = arith.constant 0 : i32
    return %arg0, %c0_i32 : i32, i32
  }
  func.func @transform_4(%arg0: i32) -> (i32, i32) {
    %c0_i32 = arith.constant 0 : i32
    %c0_i32_0 = arith.constant 0 : i32
    return %arg0, %c0_i32 : i32, i32
  }
  func.func @transform_5(%arg0: i32) -> (i32, i32) {
    %c0_i32 = arith.constant 0 : i32
    %c0_i32_0 = arith.constant 0 : i32
    %c0_i32_1 = arith.constant 0 : i32
    return %c0_i32, %c0_i32_0 : i32, i32
  }
  func.func @transform_6(%arg0: i32) -> (i32, i32) {
    %c0_i32 = arith.constant 0 : i32
    %c0_i32_0 = arith.constant 0 : i32
    %c0_i32_1 = arith.constant 0 : i32
    return %c0_i32, %c0_i32_0 : i32, i32
  }
  func.func @transform_7(%arg0: i32) -> (i32, i32) {
    %c0_i32 = arith.constant 0 : i32
    %c0_i32_0 = arith.constant 0 : i32
    %c0_i32_1 = arith.constant 0 : i32
    return %c0_i32, %c0_i32_0 : i32, i32
  }
  func.func @transform_8(%arg0: i32) -> (i32, i32) {
    %c0_i32 = arith.constant 0 : i32
    %c0_i32_0 = arith.constant 0 : i32
    %c0_i32_1 = arith.constant 0 : i32
    return %c0_i32, %c0_i32_0 : i32, i32
  }
  func.func @transform_9(%arg0: i32) -> (i32, i32) {
    %c0_i32 = arith.constant 0 : i32
    %c0_i32_0 = arith.constant 0 : i32
    %c0_i32_1 = arith.constant 0 : i32
    return %c0_i32, %c0_i32_0 : i32, i32
  }
  func.func @transform_10(%arg0: i32) -> (i32, i32) {
    %c0_i32 = arith.constant 0 : i32
    %c0_i32_0 = arith.constant 0 : i32
    %c0_i32_1 = arith.constant 0 : i32
    return %c0_i32, %c0_i32_0 : i32, i32
  }
  func.func @transform_11(%arg0: i32) -> (i32, i32) {
    %c0_i32 = arith.constant 0 : i32
    %c0_i32_0 = arith.constant 0 : i32
    %c0_i32_1 = arith.constant 0 : i32
    return %c0_i32, %c0_i32_0 : i32, i32
  }
  func.func @transform_12(%arg0: i32) -> (i32, i32) {
    %c0_i32 = arith.constant 0 : i32
    %c0_i32_0 = arith.constant 0 : i32
    %c0_i32_1 = arith.constant 0 : i32
    return %c0_i32, %c0_i32_0 : i32, i32
  }
  func.func @transform_13(%arg0: i32) -> (i32, i32) {
    %c0_i32 = arith.constant 0 : i32
    %c0_i32_0 = arith.constant 0 : i32
    %c0_i32_1 = arith.constant 0 : i32
    return %c0_i32, %c0_i32_0 : i32, i32
  }
  func.func @transform_14(%arg0: i32) -> (i32, i32) {
    %c0_i32 = arith.constant 0 : i32
    %c0_i32_0 = arith.constant 0 : i32
    %c0_i32_1 = arith.constant 0 : i32
    return %c0_i32, %c0_i32_0 : i32, i32
  }
  func.func @transform_15(%arg0: i32) -> (i32, i32) {
    %c0_i32 = arith.constant 0 : i32
    %c0_i32_0 = arith.constant 0 : i32
    %c0_i32_1 = arith.constant 0 : i32
    return %c0_i32, %c0_i32_0 : i32, i32
  }
  func.func @transform_16(%arg0: i32) -> (i32, i32) {
    %c0_i32 = arith.constant 0 : i32
    %c0_i32_0 = arith.constant 0 : i32
    %c0_i32_1 = arith.constant 0 : i32
    return %c0_i32, %c0_i32_0 : i32, i32
  }
  func.func @transform_17(%arg0: i32) -> (i32, i32) {
    %c0_i32 = arith.constant 0 : i32
    %c0_i32_0 = arith.constant 0 : i32
    %c0_i32_1 = arith.constant 0 : i32
    return %c0_i32, %c0_i32_0 : i32, i32
  }
  func.func @transform_18(%arg0: i32) -> (i32, i32) {
    %c0_i32 = arith.constant 0 : i32
    %c0_i32_0 = arith.constant 0 : i32
    %c0_i32_1 = arith.constant 0 : i32
    return %c0_i32, %c0_i32_0 : i32, i32
  }
  func.func @transform_19(%arg0: i32) -> (i32, i32) {
    %c0_i32 = arith.constant 0 : i32
    %c0_i32_0 = arith.constant 0 : i32
    return %arg0, %c0_i32 : i32, i32
  }
}

</mosaic_0001>

<sc_bundles>
// kernel: kernel.11.cloned.1.call-start
scs
__scs_entry_jumppad:
0x0: {  	(pc) =	sbr.rel $0x88, $3  }
0x1: {  	(tag) =	ssettag $0x0;
	lr =	simm.s32 $0x1  }
0x2: {  	[smem:$0x3F79] =	sst lr;
	_ =	strace $0xD0000000  }
0x3: {  	_ = 	snop  }
0x4: {  	_ = 	snop  }
0x5: {  	_ = 	snop  }
0x6: {  	_ = 	snop  }
0x7: {  	_ = 	snop  }
__scs_overlays_trampoline_lowered:
0x8: {  	[smem:$0x3F88] =	sst s0  }
0x9: {  	[smem:$0x3F89] =	sst s1  }
0xa: {  	[smem:$0x3F8A] =	sst s2  }
0xb: {  	[smem:$0x3F8B] =	sst s3  }
0xc: {  	[smem:$0x3F8C] =	sst s4  }
0xd: {  	[smem:$0x3F8D] =	sst s5  }
0xe: {  	[smem:$0x3F8E] =	sst s6  }
0xf: {  	[smem:$0x3F8F] =	sst s7  }
0x10: {  	[smem:$0x3F90] =	sst s8  }
0x11: {  	[smem:$0x3F91] =	sst s9;
	s0 =	simm.s32 @!p0 $0x0  }
0x12: {  	s1 =	sld [smem:$0x3F77];
	s0 =	simm.s32 @p0 $0x1  }
0x13: {  	[smem:$0x3F92] =	sst s0;
	s0 =	simm.s32 @!p1 $0x0  }
0x14: {  	s2 =	sld [smem:$0x3F76];
	s0 =	simm.s32 @p1 $0x1  }
0x15: {  	[smem:$0x3F93] =	sst s0;
	s0 =	simm.s32 @!p2 $0x0  }
0x16: {  	s3 =	sld [smem:$0x3FDB];
	s0 =	simm.s32 @p2 $0x1  }
0x17: {  	s4 =	simm.s32 $0x1BF5;
	[smem:$0x3F95] =	sst s0  }
0x18: {  	s0 =	sld [smem:$0x3F78];
	_ =	swait.ge [sflag:s4], $0x0  }
0x19: {  	s7 =	sld [smem:$0x3F79]  }
0x1a: {  	s8 =	sadd.s32 $0xFFFFE003, lr  }
0x1b: {  	s9 =	sadd.s32 $0xFFFFFEF7, lr;
	s5 =	simm.s32 $0xFFFFFFFF;
	p2 =	slt.u32 s8, $0xFFFFF086  }
0x1c: {  	p1 =	slt.u32 s9, $0xF7A;
	s5 =	simm.s32 @!p2 $0x0  }
0x1d: {  	s5 =	simm.s32 @p1 $0x1;
	p0 =	seq.s32 s7, s2  }
0x1e: {  	s7 =	smul.u32 @!p0 $0xF7A, s2;
	p2 =	seq.s32 @!p0 s5, $0x0  }
0x1f: {  	s9 =	smul.u32 $0xF7A, s1;
	s8 =	simm.s32 @!p0 $0x1BF5;
	p2 =	por !p2, p0  }
0x20: {  	[sflag:s8] =	ssyncset.s32 @!p0 $0xFFFFF086;
	s6 =	sadd.s32 @!p0 s3, s7;
	s7 =	simm.s32 @!p0 $0x108  }
0x21: {  	s3 =	sadd.s32 s3, s9;
	s6 =	sadd.s32 @!p0 $0x88, s6;
	s7 =	simm.s32 @p2 $0x1082  }
0x22: {  	[simem:s7], [sflag:s8] =	dma.local @!p0 [hbm:s6], $0xF7A  }
0x23: {  	s9 =	sor.u32 $0xD0000000, s2;
	s6 =	simm.s32 $0x108;
	_ =	swait.ge @!p0 [sflag:s8], $0x0  }
0x24: {  	s3 =	sadd.s32 $0x88, s3;
	s6 =	simm.s32 @!p1 $0x1082;
	[sflag:s4] =	ssyncset.s32 $0xFFFFF086  }
0x25: {  	[simem:s6], [sflag:s4] =	dma.local [hbm:s3], $0xF7A  }
0x26: {  	[smem:$0x3F79] =	sst s1;
	(tag) =	ssettag s2;
	_ =	strace s9  }
0x27: {  	s1 =	sld [smem:$0x3F89]  }
0x28: {  	s2 =	sld [smem:$0x3F8A]  }
0x29: {  	s4 =	sld [smem:$0x3F8C]  }
0x2a: {  	p0 =	seq.s32 s5, $0x0;
	s5 =	sld [smem:$0x3F8D]  }
0x2b: {  	s6 =	sld [smem:$0x3F8E]  }
0x2c: {  	s7 =	sld [smem:$0x3F8F]  }
0x2d: {  	s3 =	simm.s32 $0x108;
	s8 =	sld [smem:$0x3F90]  }
0x2e: {  	s3 =	simm.s32 @!p0 $0x1082;
	s9 =	sld [smem:$0x3F91]  }
0x2f: {  	lr =	sadd.s32 s0, s3;
	s0 =	sld [smem:$0x3F88]  }
0x30: {  	s3 =	sld [smem:$0x3F8B]  }
0x31: {  	[smem:$0x3F94] =	sst s10  }
0x32: {  	s10 =	sld [smem:$0x3F92];
	_ =	sdelay $0x3  }
0x33: {  	p0 =	seq.s32 s10, $0x1;
	s10 =	sld [smem:$0x3F94];
	_ =	sdelay $0x3  }
0x34: {  	[smem:$0x3F94] =	sst s10  }
0x35: {  	s10 =	sld [smem:$0x3F93];
	_ =	sdelay $0x3  }
0x36: {  	p1 =	seq.s32 s10, $0x1;
	s10 =	sld [smem:$0x3F94];
	_ =	sdelay $0x3  }
0x37: {  	[smem:$0x3F94] =	sst s10  }
0x38: {  	s10 =	sld [smem:$0x3F95]  }
0x39: {  	_ = 	snop;
	(pc) =	sbr.ind lr, $3  }
0x3a: {  	_ = 	snop  }
0x3b: {  	_ = 	snop  }
0x3c: {  	p2 =	seq.s32 s10, $0x1;
	s10 =	sld [smem:$0x3F94]  }
0x3d: {  	_ =	shalt  }
0x3e: {  	_ =	shalt  }
0x3f: {  	_ =	shalt  }
0x40: {  	_ =	shalt  }
0x41: {  	_ =	shalt  }
0x42: {  	_ =	shalt  }
0x43: {  	_ =	shalt  }
0x44: {  	_ =	shalt  }
0x45: {  	_ =	shalt  }
0x46: {  	_ =	shalt  }
0x47: {  	_ =	shalt  }
0x48: {  	_ =	shalt  }
0x49: {  	_ =	shalt  }
0x4a: {  	_ =	shalt  }
0x4b: {  	_ =	shalt  }
0x4c: {  	_ =	shalt  }
0x4d: {  	_ =	shalt  }
0x4e: {  	_ =	shalt  }
0x4f: {  	_ =	shalt  }
0x50: {  	_ =	shalt  }
0x51: {  	_ =	shalt  }
0x52: {  	_ =	shalt  }
0x53: {  	_ =	shalt  }
0x54: {  	_ =	shalt  }
0x55: {  	_ =	shalt  }
0x56: {  	_ =	shalt  }
0x57: {  	_ =	shalt  }
0x58: {  	_ =	shalt  }
0x59: {  	_ =	shalt  }
0x5a: {  	_ =	shalt  }
0x5b: {  	_ =	shalt  }
0x5c: {  	_ =	shalt  }
0x5d: {  	_ =	shalt  }
0x5e: {  	_ =	shalt  }
0x5f: {  	_ =	shalt  }
0x60: {  	_ =	shalt  }
0x61: {  	_ =	shalt  }
0x62: {  	_ =	shalt  }
0x63: {  	_ =	shalt  }
0x64: {  	_ =	shalt  }
0x65: {  	_ =	shalt  }
0x66: {  	_ =	shalt  }
0x67: {  	_ =	shalt  }
0x68: {  	_ =	shalt  }
0x69: {  	_ =	shalt  }
0x6a: {  	_ =	shalt  }
0x6b: {  	_ =	shalt  }
0x6c: {  	_ =	shalt  }
0x6d: {  	_ =	shalt  }
0x6e: {  	_ =	shalt  }
0x6f: {  	_ =	shalt  }
0x70: {  	_ =	shalt  }
0x71: {  	_ =	shalt  }
0x72: {  	_ =	shalt  }
0x73: {  	_ =	shalt  }
0x74: {  	_ =	shalt  }
0x75: {  	_ =	shalt  }
0x76: {  	_ =	shalt  }
0x77: {  	_ =	shalt  }
0x78: {  	_ =	shalt  }
0x79: {  	_ =	shalt  }
0x7a: {  	_ =	shalt  }
0x7b: {  	_ =	shalt  }
0x7c: {  	_ =	shalt  }
0x7d: {  	_ =	shalt  }
0x7e: {  	_ =	shalt  }
0x7f: {  	_ =	shalt  }
0x80: {  	_ =	shalt  }
0x81: {  	_ =	shalt  }
0x82: {  	_ =	shalt  }
0x83: {  	_ =	shalt  }
0x84: {  	_ =	shalt  }
0x85: {  	_ =	shalt  }
0x86: {  	_ =	shalt  }
0x87: {  	_ =	shalt  }
.Lfunc_end0:
.L_simem_size_0:
called_computation.1_lowered:
.L_overlay_start_0:
0x88: {  	s2 =	sld [smem:$0x3FD9]  }
0x89: {  	s3 =	sld [smem:$0x3FFE];
	_ =	sdelay $0x1  }
0x8a: {  	s1 =	srdreg.scid  }
0x8b: {  	s0 =	sand.u32 $0x1, s1  }
0x8c: {  	s17 =	sshll.u32 s0, $0xA;
	s2 =	sadd.s32 s3, s2  }
0x8d: {  	s2 =	sadd.s32 s2, s17  }
0x8e: {  	[smem:$0x3FA0] =	sst s2  }
0x8f: {  	_ = 	snop  }
0x90: {  	s2 =	sld [smem:$0x3FD0];
	(tm) =	ssettm $0x1  }
0x91: {  	s18 =	sld [smem:$0x3FFB];
	_ =	sdelay $0x3  }
0x92: {  	_ =	strace s18  }
0x93: {  	s3 =	sld [smem:$0x3FFC];
	_ =	sdelay $0x3  }
0x94: {  	_ =	strace s3  }
0x95: {  	s3 =	sld [smem:$0x3FFD];
	_ =	sdelay $0x3  }
0x96: {  	_ =	strace s3  }
0x97: {  	_ =	strace $0x8FFFFFFF  }
0x98: {  	s19 =	sld [smem:$0x3FDB];
	_ =	sdelay $0x1  }
0x99: {  	s4 =	simm.s32 $_scs_section_size  }
0x9a: {  	s5 =	simm.s32 $_size__tile_overlayer_lowered;
	s6 =	simm.s32 $_tile_overlayer_lowered  }
0x9b: {  	s22 =	simm.s32 $0x1BFF;
	s21 =	sshll.u32 s6, $0x1;
	s3 =	sadd.s32 s4, s19  }
0x9c: {  	s7 =	simm.s32 $0x0;
	s20 =	sshll.u32 s5, $0x1;
	s5 =	sadd.s32 s21, s3  }
0x9d: {  	[timem:s7], [sflag:s22] =	dma.local [hbm:s5], s20  }
0x9e: {  	_ =	swait.ge [sflag:s22], s20  }
0x9f: {  	s4 =	ssub.s32 $0x0, s20;
	[sflag:s22] =	ssyncset.done $0x0  }
0xa0: {  	[sflag:s22] =	ssyncadd.s32 s4;
	_ =	sdelay $0x1  }
0xa1: {  	s23 =	simm.s32 $0x1B8B  }
0xa2: {  	_ =	swait.ge [sflag:s23], $0x1  }
0xa3: {  	[sflag:s23] =	ssyncset.done $0x0  }
0xa4: {  	s25 =	simm.s32 $0x1B8E;
	s24 =	sld [smem:$0x3FFE];
	[sflag:s23] =	ssyncadd.s32 $0xFFFFFFFF  }
0xa5: {  	s26 =	simm.s32 $execute0_lowered;
	[smem:$0x3FD2] =	sst s25  }
0xa6: {  	s5 =	sshll.u32 s26, $0x1;
	_ =	strace $0x80000049;
	[dreg:$0x1] =	wrdreg $0xFFFFFFFF  }
0xa7: {  	s28 =	simm.s32 $_size_execute0_lowered;
	s3 =	sadd.s32 s3, s5;
	[dreg:$0x0] =	wrdreg $0x0  }
0xa8: {  	s5 =	sshll.u32 s28, $0x1;
	[dreg:$0x2] =	wrdreg s3  }
0xa9: {  	[dreg:$0x3] =	wrdreg s5  }
0xaa: {  	[dreg:$0x4] =	wrdreg $0xC0  }
0xab: {  	_ =	task [dreg:s7], $0x5FFFF  }
0xac: {  	[dreg:$0x1] =	wrdreg $0xFFFFFFFF  }
0xad: {  	[dreg:$0x0] =	wrdreg $0x60  }
0xae: {  	[dreg:$0x2] =	wrdreg s24  }
0xaf: {  	[dreg:$0x3] =	wrdreg s2  }
0xb0: {  	[dreg:$0x4] =	wrdreg $0x30A00  }
0xb1: {  	[dreg:$0x5] =	wrdreg $0x9  }
0xb2: {  	_ =	task.clear_ibuf [dreg:s7], $0x6FFFF;
	_ =	strace $0x90000049  }
0xb3: {  	s29 =	simm.s32 $0x9;
	_ =	strace $0x8000004B  }
0xb4: {  	_ =	swait.ge [sflag:s29], $0x1  }
0xb5: {  	[sflag:s29] =	ssyncadd.s32 $0xFFFFFFFF  }
0xb6: {  	_ =	strace $0x9000004B  }
0xb7: {  	_ =	sfence  }
0xb8: {  	s30 =	sld [smem:$0x0];
	_ =	sdelay $0x2  }
0xb9: {  	s31 =	sshll.u32 s1, $0xD;
	s1 =	sshrl.u32 s1, $0x2  }
0xba: {  	s3 =	sand.u32 $0x4000, s31;
	s1 =	sadd.s32 s1, s30  }
0xbb: {  	s0 =	sor.u32 s3, s0;
	s1 =	sshll.u32 s1, $0x11  }
0xbc: {  	s0 =	sor.u32 s1, s0  }
0xbd: {  	s0 =	sadd.s32 $0x8F2B, s0  }
0xbe: {  	[sflag:s0] =	ssyncadd.remote.s32 $0x1  }
0xbf: {  	_ =	sfence.sel $0xFFFF  }
0xc0: {  	[dreg:$0x0] =	wrdreg $0xFFFFFFFF;
	(pc) =	sbr.abs _section_cstart, $3  }
0xc1: {  	[dreg:$0x1] =	wrdreg $0xFFFFFFFF  }
0xc2: {  	_ =	task.clear_ibuf [dreg:s7], $0x2FFFF;
	_ =	strace $0x9FFFFFFF  }
0xc3: {  	(tm) =	ssettm $0x7FFFFFFF  }
tec
execute0_lowered:
.L_overlay_start_1:
0x0: {  	(tag) =	ssettag $0x1  }
0x1: {  	s0 =	srdreg.scid  }
0x2: {  	s5 =	rddreg [dreg:$0x0];
	s2 =	stileid.u32  }
0x3: {  	s1 =	sand.u32 $0x1, s0;
	s4 =	sshll.u32 s2, $0x1;
	s2 =	smul.u32 $0x186A0, s2  }
0x4: {  	s14 =	sadd.s32 $0x7800, s5;
	s0 =	ssub.s32 $0x2, s1;
	s13 =	sor.u32 s1, s4  }
0x5: {  	s18 =	smul.u32 $0x186A00, s1;
	s3 =	sshrl.u32 s0, $0x1;
	s12 =	sadd.s32 $0xFA0, s2  }
0x6: {  	s17 =	sadd.s32 $0x1F40, s2;
	s5 =	sadd.s32 $0x2EE0, s2;
	s6 =	sadd.s32 $0x3E80, s2  }
0x7: {  	s19 =	sadd.s32 $0x4E20, s2;
	s7 =	sadd.s32 $0x5DC0, s2;
	[smem:$0x7DB] =	sst s17  }
0x8: {  	s9 =	sadd.s32 $0x6D60, s2;
	s10 =	sadd.s32 $0x7D00, s2;
	[smem:$0x7DD] =	sst s19  }
0x9: {  	s8 =	sadd.s32 $0x8CA0, s2;
	s0 =	ssub.s32 s0, s3;
	[smem:$0x7DE] =	sst s7  }
0xa: {  	s15 =	sadd.s32 s2, s18;
	[smem:$0x7E1] =	sst s8;
	s21 =	sadd.s32 s18, s12  }
0xb: {  	s16 =	sadd.s32 s18, s17;
	s17 =	sadd.s32 s18, s5;
	s26 =	sadd.s32 s18, s6  }
0xc: {  	s3 =	sadd.s32 s18, s7;
	[smem:$0x7E6] =	sst s0;
	s15 =	sshrl.u32 s15, $0x3  }
0xd: {  	s16 =	sshrl.u32 s16, $0x3;
	s24 =	sshrl.u32 s17, $0x3;
	s0 =	sadd.s32 s18, s19  }
0xe: {  	s11 =	sshrl.u32 s3, $0x3;
	s17 =	sadd.s32 s18, s9;
	s20 =	sadd.s32 s14, s15  }
0xf: {  	s19 =	sadd.s32 s18, s10;
	s23 =	sadd.s32 s14, s16;
	[dreg:$0x4] =	wrdreg s20  }
0x10: {  	s15 =	sshrl.u32 s21, $0x3;
	s25 =	sadd.s32 s14, s24;
	[dreg:$0x6] =	wrdreg s23  }
0x11: {  	s16 =	sshrl.u32 s0, $0x3;
	s22 =	sadd.s32 s14, s15;
	[dreg:$0x7] =	wrdreg s25  }
0x12: {  	s0 =	sadd.s32 $0x16760, s2;
	s7 =	sadd.s32 s14, s16;
	[dreg:$0x5] =	wrdreg s22  }
0x13: {  	s15 =	sshrl.u32 s26, $0x3;
	s16 =	sadd.s32 s14, s11;
	[dreg:$0x9] =	wrdreg s7  }
0x14: {  	s20 =	sadd.s32 s18, s8;
	s25 =	sadd.s32 $0xABE0, s2;
	[dreg:$0xa] =	wrdreg s16  }
0x15: {  	s26 =	sadd.s32 $0xBB80, s2;
	s4 =	sadd.s32 s14, s15;
	[smem:$0x7E2] =	sst s25  }
0x16: {  	s15 =	sshrl.u32 s17, $0x3;
	s16 =	sshrl.u32 s19, $0x3;
	[smem:$0x7E3] =	sst s26  }
0x17: {  	s23 =	sshrl.u32 s20, $0x3;
	[dreg:$0x8] =	wrdreg s4;
	s21 =	sadd.s32 s14, s15  }
0x18: {  	s17 =	sadd.s32 $0x9C40, s2;
	s22 =	sadd.s32 s14, s16;
	[dreg:$0xb] =	wrdreg s21  }
0x19: {  	s20 =	sadd.s32 s18, s25;
	s24 =	sadd.s32 s14, s23;
	[dreg:$0xc] =	wrdreg s22  }
0x1a: {  	s19 =	sadd.s32 s18, s17;
	s20 =	sshrl.u32 s20, $0x3;
	[dreg:$0xd] =	wrdreg s24  }
0x1b: {  	s19 =	sshrl.u32 s19, $0x3;
	s21 =	sadd.s32 s18, s26;
	s4 =	sadd.s32 s14, s20  }
0x1c: {  	s20 =	sadd.s32 $0xDAC0, s2;
	s3 =	sadd.s32 s14, s19;
	[dreg:$0xf] =	wrdreg s4  }
0x1d: {  	s7 =	sshrl.u32 s21, $0x3;
	s19 =	sadd.s32 $0xCB20, s2;
	s21 =	sadd.s32 $0xEA60, s2  }
0x1e: {  	s23 =	sadd.s32 s18, s20;
	[dreg:$0xe] =	wrdreg s3;
	s8 =	sadd.s32 s14, s7  }
0x1f: {  	s22 =	sadd.s32 s18, s19;
	s23 =	sshrl.u32 s23, $0x3;
	s24 =	sadd.s32 s18, s21  }
0x20: {  	[dreg:$0x10] =	wrdreg s8;
	s22 =	sshrl.u32 s22, $0x3;
	s15 =	sadd.s32 s14, s23  }
0x21: {  	s16 =	sshrl.u32 s24, $0x3;
	s23 =	sadd.s32 $0xFA00, s2;
	[dreg:$0x12] =	wrdreg s15  }
0x22: {  	s24 =	sadd.s32 $0x11940, s2;
	s11 =	sadd.s32 s14, s22;
	[smem:$0x7E4] =	sst s23  }
0x23: {  	s22 =	sadd.s32 s14, s16;
	s16 =	sadd.s32 $0x109A0, s2;
	[smem:$0x7E5] =	sst s24  }
0x24: {  	s25 =	sadd.s32 s18, s23;
	s28 =	sadd.s32 s18, s24;
	[dreg:$0x11] =	wrdreg s11  }
0x25: {  	[dreg:$0x13] =	wrdreg s22;
	s26 =	sadd.s32 s18, s16;
	s25 =	sshrl.u32 s25, $0x3  }
0x26: {  	s4 =	sshrl.u32 s28, $0x3;
	s11 =	sadd.s32 $0x13880, s2;
	s25 =	sadd.s32 s14, s25  }
0x27: {  	s28 =	sadd.s32 $0x14820, s2;
	s7 =	sadd.s32 s14, s4;
	[dreg:$0x14] =	wrdreg s25  }
0x28: {  	s26 =	sshrl.u32 s26, $0x3;
	s30 =	sadd.s32 s18, s11;
	[dreg:$0x16] =	wrdreg s7  }
0x29: {  	s31 =	sadd.s32 s18, s28;
	s3 =	sadd.s32 s14, s26;
	s26 =	rddreg [dreg:$0x0]  }
0x2a: {  	s7 =	sadd.s32 $0x128E0, s2;
	s30 =	sshrl.u32 s30, $0x3;
	[dreg:$0x15] =	wrdreg s3  }
0x2b: {  	s29 =	sadd.s32 s18, s7;
	s15 =	sadd.s32 s14, s30;
	s3 =	sadd.s32 $0x17700, s2  }
0x2c: {  	s29 =	sshrl.u32 s29, $0x3;
	[dreg:$0x18] =	wrdreg s15;
	s15 =	sshll.u32 s13, $0x7  }
0x2d: {  	s8 =	sadd.s32 s14, s29;
	s29 =	sshrl.u32 s31, $0x3;
	s31 =	sadd.s32 s18, s0  }
0x2e: {  	[dreg:$0x17] =	wrdreg s8;
	s22 =	sadd.s32 s14, s29;
	s8 =	sadd.s32 $0x157C0, s2  }
0x2f: {  	s31 =	sshrl.u32 s31, $0x3;
	[dreg:$0x19] =	wrdreg s22;
	s29 =	sadd.s32 s18, s8  }
0x30: {  	s18 =	sadd.s32 s18, s3;
	s24 =	sadd.s32 s14, s31;
	s31 =	sadd.s32 $0x81C00, s26  }
0x31: {  	s29 =	sshrl.u32 s29, $0x3;
	[dreg:$0x1b] =	wrdreg s24;
	s18 =	sshrl.u32 s18, $0x3  }
0x32: {  	s23 =	sadd.s32 s14, s29;
	s25 =	sadd.s32 s14, s18;
	s14 =	sadd.s32 $0xAB6400, s26  }
0x33: {  	s18 =	sor.u32 $0xC3000, s15;
	s29 =	sshll.u32 s13, $0x4;
	[dreg:$0x1a] =	wrdreg s23  }
0x34: {  	s13 =	sshll.u32 s13, $0x9;
	[dreg:$0x1c] =	wrdreg s25;
	s4 =	sadd.s32 s31, s29  }
0x35: {  	s29 =	sshrl.u32 s18, $0x3;
	s13 =	sadd.s32 s14, s13;
	[dreg:$0x1d] =	wrdreg s4  }
0x36: {  	s22 =	sadd.s32 s31, s29;
	[dreg:$0x1f] =	wrdreg s13  }
0x37: {  	s23 =	stileid.u32;
	s29 =	simm.s32 $0x0;
	[dreg:$0x1e] =	wrdreg s22  }
0x38: {  	s25 =	sshll.u32 s18, $0x2;
	s24 =	sshll.u32 s23, $0x5;
	[smem:$0x7FF] =	sst s29  }
0x39: {  	s13 =	sadd.s32 s14, s25;
	s4 =	sadd.s32 s24, s31;
	s31 =	rddreg [dreg:$0x2]  }
0x3a: {  	s26 =	sshll.u32 s23, $0xA;
	[smem:$0x7D8] =	sst s13;
	s2 =	sadd.s32 s2, s31  }
0x3b: {  	_ =	strace $0x8000004A;
	s23 =	sadd.s32 s12, s31;
	[smem:$0x7D9] =	sst s2  }
0x3c: {  	[smem:$0x7DA] =	sst s23  }
0x3d: {  	s24 =	sld [smem:$0x7DB]  }
0x3e: {  	s25 =	sld [smem:$0x7DD]  }
0x3f: {  	s15 =	sadd.s32 s26, s14;
	s13 =	sadd.s32 s9, s31;
	s26 =	sld [smem:$0x7DE]  }
0x40: {  	[smem:$0x7E0] =	sst s13  }
0x41: {  	s18 =	sshll.u32 s1, $0x4;
	s22 =	sshll.u32 s1, $0x9;
	s14 =	sld [smem:$0x7E1]  }
0x42: {  	s1 =	sadd.s32 s18, s4;
	s4 =	sadd.s32 s22, s15;
	s15 =	sld [smem:$0x7E2]  }
0x43: {  	s30 =	sadd.s32 s17, s31;
	s17 =	sld [smem:$0x7E3]  }
0x44: {  	s18 =	sld [smem:$0x7E4]  }
0x45: {  	s5 =	sadd.s32 s5, s31;
	s22 =	sadd.s32 s21, s31;
	s21 =	sld [smem:$0x7E5]  }
0x46: {  	s9 =	smov.u32 s5;
	s5 =	sld [smem:$0x7E6]  }
0x47: {  	s19 =	sadd.s32 s19, s31;
	[smem:$0x7EA] =	sst s30  }
0x48: {  	s20 =	sadd.s32 s20, s31;
	[smem:$0x7EF] =	sst s19  }
0x49: {  	[smem:$0x7F0] =	sst s20  }
0x4a: {  	s6 =	sadd.s32 s6, s31;
	s16 =	sadd.s32 s16, s31;
	[smem:$0x7F1] =	sst s22  }
0x4b: {  	s7 =	sadd.s32 s7, s31;
	s23 =	sadd.s32 s10, s31;
	[smem:$0x7F4] =	sst s16  }
0x4c: {  	s10 =	smov.u32 s6;
	s6 =	sadd.s32 $0x4000, s4;
	[smem:$0x7F6] =	sst s7  }
0x4d: {  	[smem:$0x7E8] =	sst s6  }
0x4e: {  	[smem:$0x7EE] =	sst s23  }
0x4f: {  	[smem:$0x7F3] =	sst s9  }
0x50: {  	s13 =	sadd.s32 s28, s31;
	[smem:$0x7F8] =	sst s10  }
0x51: {  	[smem:$0x7F9] =	sst s13;
	s2 =	sadd.s32 s24, s31  }
0x52: {  	s24 =	sadd.s32 s17, s31;
	s17 =	sadd.s32 s18, s31;
	s18 =	sadd.s32 s11, s31  }
0x53: {  	s11 =	sadd.s32 s0, s31;
	s0 =	smax.u32 s5, $0x1;
	[smem:$0x7DC] =	sst s2  }
0x54: {  	s12 =	sadd.s32 s25, s31;
	s25 =	sadd.s32 s14, s31;
	[smem:$0x7E7] =	sst s0  }
0x55: {  	[smem:$0x7EC] =	sst s25  }
0x56: {  	[smem:$0x7ED] =	sst s24  }
0x57: {  	[smem:$0x7F2] =	sst s17  }
0x58: {  	s14 =	sadd.s32 s8, s31;
	[smem:$0x7F7] =	sst s18  }
0x59: {  	[smem:$0x7FA] =	sst s14  }
0x5a: {  	s28 =	simm.s32 $0x3;
	s4 =	simm.s32 $0x1100;
	[smem:$0x7FB] =	sst s11  }
0x5b: {  	s8 =	stileid.u32;
	s2 =	sadd.s32 s26, s31;
	[smem:$0x7FD] =	sst s12  }
0x5c: {  	p0 =	sgt.u32 s8, $0x4;
	s8 =	simm.s32 $0x0;
	[smem:$0x7DF] =	sst s2  }
0x5d: {  	s6 =	simm.s32 $0x2;
	s26 =	sadd.s32 s15, s31;
	[smem:$0x7E9] =	sst s8  }
0x5e: {  	s5 =	simm.s32 $0x1;
	s15 =	sadd.s32 s21, s31;
	[smem:$0x7EB] =	sst s26  }
0x5f: {  	s21 =	sadd.s32 s3, s31;
	s0 =	simm.s32 $0x2100;
	[smem:$0x7F5] =	sst s15  }
0x60: {  	s3 =	simm.s32 $0x80;
	s2 =	simm.s32 $0x100;
	[smem:$0x7FC] =	sst s21  }
.LBB2_1:
0x61: {  	s8 =	rddreg [dreg:$0x1]  }
0x62: {  	[tilespmem:s0], [sflag:$0x3] =	stream.linear.gather [hbm4b:s8+s29], $0xFA0, $0x38;
	[tilespmem:$0x1B740] =	vst v63  }
0x63: {  	_ =	swait.ge [sflag:s28], $0xFA0  }
0x64: {  	s8 =	smov.u32 s12;
	s12 =	sld [smem:$0x7D9]  }
0x65: {  	[sflag:s28] =	ssyncset.done $0x0  }
0x66: {  	[sflag:s28] =	ssyncadd.s32 $0xFFFFF060  }
0x67: {  	[spmem:s12] =	stream.linear.scatter [tilespmem:s0], [sflag:$0x3], $0xFA0, $0x38;
	[tilespmem:$0x1B740] =	vst v63  }
0x68: {  	_ =	swait.ge [sflag:s28], $0xFA0  }
0x69: {  	s12 =	sld [smem:$0x7DA]  }
0x6a: {  	[sflag:s28] =	ssyncset.done $0x0  }
0x6b: {  	[sflag:s28] =	ssyncadd.s32 $0xFFFFF060  }
0x6c: {  	[spmem:s12] =	stream.linear.scatter [tilespmem:s0], [sflag:$0x3], $0xFA0, $0x38;
	[tilespmem:$0x1B740] =	vst v63  }
0x6d: {  	_ =	swait.ge [sflag:s28], $0xFA0  }
0x6e: {  	s12 =	smov.u32 s16;
	s16 =	sld [smem:$0x7DC]  }
0x6f: {  	[sflag:s28] =	ssyncset.done $0x0  }
0x70: {  	[sflag:s28] =	ssyncadd.s32 $0xFFFFF060  }
0x71: {  	[spmem:s16] =	stream.linear.scatter [tilespmem:s0], [sflag:$0x3], $0xFA0, $0x38;
	[tilespmem:$0x1B740] =	vst v63  }
0x72: {  	_ =	swait.ge [sflag:s28], $0xFA0  }
0x73: {  	[sflag:s28] =	ssyncset.done $0x0  }
0x74: {  	[sflag:s28] =	ssyncadd.s32 $0xFFFFF060  }
0x75: {  	[spmem:s9] =	stream.linear.scatter [tilespmem:s0], [sflag:$0x3], $0xFA0, $0x38;
	[tilespmem:$0x1B740] =	vst v63  }
0x76: {  	_ =	swait.ge [sflag:s28], $0xFA0  }
0x77: {  	[sflag:s28] =	ssyncset.done $0x0  }
0x78: {  	[sflag:s28] =	ssyncadd.s32 $0xFFFFF060  }
0x79: {  	[spmem:s10] =	stream.linear.scatter [tilespmem:s0], [sflag:$0x3], $0xFA0, $0x38;
	[tilespmem:$0x1B740] =	vst v63  }
0x7a: {  	s16 =	sld [smem:$0x7DF];
	_ =	swait.ge [sflag:s28], $0xFA0  }
0x7b: {  	[sflag:s28] =	ssyncset.done $0x0  }
0x7c: {  	[sflag:s28] =	ssyncadd.s32 $0xFFFFF060  }
0x7d: {  	[spmem:s8] =	stream.linear.scatter [tilespmem:s0], [sflag:$0x3], $0xFA0, $0x38;
	[tilespmem:$0x1B740] =	vst v63  }
0x7e: {  	_ =	swait.ge [sflag:s28], $0xFA0  }
0x7f: {  	[sflag:s28] =	ssyncset.done $0x0  }
0x80: {  	[sflag:s28] =	ssyncadd.s32 $0xFFFFF060  }
0x81: {  	[spmem:s16] =	stream.linear.scatter [tilespmem:s0], [sflag:$0x3], $0xFA0, $0x38;
	[tilespmem:$0x1B740] =	vst v63  }
0x82: {  	s10 =	smov.u32 s19;
	s19 =	smov.u32 s8;
	_ =	swait.ge [sflag:s28], $0xFA0  }
0x83: {  	s8 =	smov.u32 s20;
	s20 =	smov.u32 s16;
	s16 =	sld [smem:$0x7E0]  }
0x84: {  	[sflag:s28] =	ssyncset.done $0x0  }
0x85: {  	[sflag:s28] =	ssyncadd.s32 $0xFFFFF060  }
0x86: {  	[spmem:s16] =	stream.linear.scatter [tilespmem:s0], [sflag:$0x3], $0xFA0, $0x38;
	[tilespmem:$0x1B740] =	vst v63  }
0x87: {  	_ =	swait.ge [sflag:s28], $0xFA0  }
0x88: {  	[sflag:s28] =	ssyncset.done $0x0  }
0x89: {  	[sflag:s28] =	ssyncadd.s32 $0xFFFFF060  }
0x8a: {  	[spmem:s23] =	stream.linear.scatter [tilespmem:s0], [sflag:$0x3], $0xFA0, $0x38;
	[tilespmem:$0x1B740] =	vst v63  }
0x8b: {  	_ =	swait.ge [sflag:s28], $0xFA0  }
0x8c: {  	[sflag:s28] =	ssyncset.done $0x0  }
0x8d: {  	[sflag:s28] =	ssyncadd.s32 $0xFFFFF060  }
0x8e: {  	[spmem:s25] =	stream.linear.scatter [tilespmem:s0], [sflag:$0x3], $0xFA0, $0x38;
	[tilespmem:$0x1B740] =	vst v63  }
0x8f: {  	_ =	swait.ge [sflag:s28], $0xFA0  }
0x90: {  	[sflag:s28] =	ssyncset.done $0x0  }
0x91: {  	[sflag:s28] =	ssyncadd.s32 $0xFFFFF060  }
0x92: {  	[spmem:s30] =	stream.linear.scatter [tilespmem:s0], [sflag:$0x3], $0xFA0, $0x38;
	[tilespmem:$0x1B740] =	vst v63  }
0x93: {  	_ =	swait.ge [sflag:s28], $0xFA0  }
0x94: {  	[sflag:s28] =	ssyncset.done $0x0  }
0x95: {  	[sflag:s28] =	ssyncadd.s32 $0xFFFFF060  }
0x96: {  	[spmem:s26] =	stream.linear.scatter [tilespmem:s0], [sflag:$0x3], $0xFA0, $0x38;
	[tilespmem:$0x1B740] =	vst v63  }
0x97: {  	_ =	swait.ge [sflag:s28], $0xFA0  }
0x98: {  	[sflag:s28] =	ssyncset.done $0x0  }
0x99: {  	[sflag:s28] =	ssyncadd.s32 $0xFFFFF060  }
0x9a: {  	[spmem:s24] =	stream.linear.scatter [tilespmem:s0], [sflag:$0x3], $0xFA0, $0x38;
	[tilespmem:$0x1B740] =	vst v63  }
0x9b: {  	_ =	swait.ge [sflag:s28], $0xFA0  }
0x9c: {  	[sflag:s28] =	ssyncset.done $0x0  }
0x9d: {  	[sflag:s28] =	ssyncadd.s32 $0xFFFFF060  }
0x9e: {  	[spmem:s10] =	stream.linear.scatter [tilespmem:s0], [sflag:$0x3], $0xFA0, $0x38;
	[tilespmem:$0x1B740] =	vst v63  }
0x9f: {  	_ =	swait.ge [sflag:s28], $0xFA0  }
0xa0: {  	[sflag:s28] =	ssyncset.done $0x0  }
0xa1: {  	[sflag:s28] =	ssyncadd.s32 $0xFFFFF060  }
0xa2: {  	[spmem:s8] =	stream.linear.scatter [tilespmem:s0], [sflag:$0x3], $0xFA0, $0x38;
	[tilespmem:$0x1B740] =	vst v63  }
0xa3: {  	_ =	swait.ge [sflag:s28], $0xFA0  }
0xa4: {  	[sflag:s28] =	ssyncset.done $0x0  }
0xa5: {  	[sflag:s28] =	ssyncadd.s32 $0xFFFFF060  }
0xa6: {  	[spmem:s22] =	stream.linear.scatter [tilespmem:s0], [sflag:$0x3], $0xFA0, $0x38;
	[tilespmem:$0x1B740] =	vst v63  }
0xa7: {  	_ =	swait.ge [sflag:s28], $0xFA0  }
0xa8: {  	[sflag:s28] =	ssyncset.done $0x0  }
0xa9: {  	[sflag:s28] =	ssyncadd.s32 $0xFFFFF060  }
0xaa: {  	[spmem:s17] =	stream.linear.scatter [tilespmem:s0], [sflag:$0x3], $0xFA0, $0x38;
	[tilespmem:$0x1B740] =	vst v63  }
0xab: {  	_ =	swait.ge [sflag:s28], $0xFA0  }
0xac: {  	[sflag:s28] =	ssyncset.done $0x0  }
0xad: {  	[sflag:s28] =	ssyncadd.s32 $0xFFFFF060  }
0xae: {  	[spmem:s12] =	stream.linear.scatter [tilespmem:s0], [sflag:$0x3], $0xFA0, $0x38;
	[tilespmem:$0x1B740] =	vst v63  }
0xaf: {  	_ =	swait.ge [sflag:s28], $0xFA0  }
0xb0: {  	[sflag:s28] =	ssyncset.done $0x0  }
0xb1: {  	[sflag:s28] =	ssyncadd.s32 $0xFFFFF060  }
0xb2: {  	[spmem:s15] =	stream.linear.scatter [tilespmem:s0], [sflag:$0x3], $0xFA0, $0x38;
	[tilespmem:$0x1B740] =	vst v63  }
0xb3: {  	_ =	swait.ge [sflag:s28], $0xFA0  }
0xb4: {  	[sflag:s28] =	ssyncset.done $0x0  }
0xb5: {  	[sflag:s28] =	ssyncadd.s32 $0xFFFFF060  }
0xb6: {  	[spmem:s7] =	stream.linear.scatter [tilespmem:s0], [sflag:$0x3], $0xFA0, $0x38;
	[tilespmem:$0x1B740] =	vst v63  }
0xb7: {  	_ =	swait.ge [sflag:s28], $0xFA0  }
0xb8: {  	[sflag:s28] =	ssyncset.done $0x0  }
0xb9: {  	[sflag:s28] =	ssyncadd.s32 $0xFFFFF060  }
0xba: {  	[spmem:s18] =	stream.linear.scatter [tilespmem:s0], [sflag:$0x3], $0xFA0, $0x38;
	[tilespmem:$0x1B740] =	vst v63  }
0xbb: {  	_ =	swait.ge [sflag:s28], $0xFA0  }
0xbc: {  	[sflag:s28] =	ssyncset.done $0x0  }
0xbd: {  	[sflag:s28] =	ssyncadd.s32 $0xFFFFF060  }
0xbe: {  	[spmem:s13] =	stream.linear.scatter [tilespmem:s0], [sflag:$0x3], $0xFA0, $0x38;
	[tilespmem:$0x1B740] =	vst v63  }
0xbf: {  	_ =	swait.ge [sflag:s28], $0xFA0  }
0xc0: {  	[sflag:s28] =	ssyncset.done $0x0  }
0xc1: {  	[sflag:s28] =	ssyncadd.s32 $0xFFFFF060  }
0xc2: {  	[spmem:s14] =	stream.linear.scatter [tilespmem:s0], [sflag:$0x3], $0xFA0, $0x38;
	[tilespmem:$0x1B740] =	vst v63  }
0xc3: {  	_ =	swait.ge [sflag:s28], $0xFA0  }
0xc4: {  	[sflag:s28] =	ssyncset.done $0x0  }
0xc5: {  	[sflag:s28] =	ssyncadd.s32 $0xFFFFF060  }
0xc6: {  	[spmem:s11] =	stream.linear.scatter [tilespmem:s0], [sflag:$0x3], $0xFA0, $0x38;
	[tilespmem:$0x1B740] =	vst v63  }
0xc7: {  	_ =	swait.ge [sflag:s28], $0xFA0  }
0xc8: {  	[sflag:s28] =	ssyncset.done $0x0  }
0xc9: {  	[sflag:s28] =	ssyncadd.s32 $0xFFFFF060  }
0xca: {  	[spmem:s21] =	stream.linear.scatter [tilespmem:s0], [sflag:$0x3], $0xFA0, $0x38;
	[tilespmem:$0x1B740] =	vst v63  }
0xcb: {  	_ =	swait.ge [sflag:s28], $0xFA0  }
0xcc: {  	[sflag:s28] =	ssyncset.done $0x0  }
0xcd: {  	[sflag:s28] =	ssyncadd.s32 $0xFFFFF060  }
0xce: {  	[bflag:$0x0] =	sbarrier.arrive $0xFFFF  }
0xcf: {  	s22 =	rddreg [dreg:$0x1d]  }
0xd0: {  	[tilespmem:s29], [sflag:$0x1] =	stream.linear.gather [hbm4b:s22+s29], $0x80, $0x38;
	[tilespmem:$0x1B740] =	vst v63  }
0xd1: {  	s24 =	sadd.s32 $0x0, s1;
	s23 =	rddreg [dreg:$0x1f]  }
0xd2: {  	[tilespmem:s2], [sflag:$0x1] =	stream.linear.gather [hbm4b:s23+s29], $0x1000, $0x38;
	[tilespmem:$0x1B740] =	vst v63  }
0xd3: {  	s25 =	sadd.s32 $0x200, s24;
	s26 =	sld [smem:$0x7E8]  }
0xd4: {  	[tilespmem:s3], [sflag:$0x2] =	stream.linear.gather [hbm4b:s25+s29], $0x80, $0x38;
	[tilespmem:$0x1B740] =	vst v63  }
0xd5: {  	_ = 	snop  }
0xd6: {  	[tilespmem:s4], [sflag:$0x2] =	stream.linear.gather [hbm4b:s26+s29], $0x1000, $0x38;
	[tilespmem:$0x1B740] =	vst v63  }
0xd7: {  	_ =	swait.ge [sflag:s5], $0x80  }
0xd8: {  	[sflag:s5] =	ssyncset.done $0x0  }
0xd9: {  	[sflag:s5] =	ssyncadd.s32 $0xFFFFFF80  }
0xda: {  	_ =	swait.ge [sflag:s5], $0x1000  }
0xdb: {  	[sflag:s5] =	ssyncset.done $0x0  }
0xdc: {  	[sflag:s5] =	ssyncadd.s32 $0xFFFFF000  }
0xdd: {  	[spmem:s31] =	stream.indirect.scatter.add.f32 [tilespmem:s2], [sflag:$0x3], $0x20, s29, s3, $0xb8;
	[tilespmem:$0x1B740] =	vst v63  }
0xde: {  	_ =	swait.ge [sflag:s28], $0x1000  }
0xdf: {  	[sflag:s28] =	ssyncset.done $0x0  }
0xe0: {  	s8 =	sadd.s32 $0x400, s24;
	[sflag:s28] =	ssyncadd.s32 $0xFFFFF000  }
0xe1: {  	[tilespmem:s29], [sflag:$0x1] =	stream.linear.gather [hbm4b:s8+s29], $0x80, $0x38;
	[tilespmem:$0x1B740] =	vst v63  }
0xe2: {  	s30 =	sadd.s32 $0x4000, s26  }
0xe3: {  	[tilespmem:s2], [sflag:$0x1] =	stream.linear.gather [hbm4b:s30+s29], $0x1000, $0x38;
	[tilespmem:$0x1B740] =	vst v63  }
0xe4: {  	_ =	swait.ge [sflag:s6], $0x80  }
0xe5: {  	[sflag:s6] =	ssyncset.done $0x0  }
0xe6: {  	[sflag:s6] =	ssyncadd.s32 $0xFFFFFF80  }
0xe7: {  	_ =	swait.ge [sflag:s6], $0x1000  }
0xe8: {  	[sflag:s6] =	ssyncset.done $0x0  }
0xe9: {  	[sflag:s6] =	ssyncadd.s32 $0xFFFFF000  }
0xea: {  	[spmem:s31] =	stream.indirect.scatter.add.f32 [tilespmem:s4], [sflag:$0x3], $0x20, s3, s3, $0xb8;
	[tilespmem:$0x1B740] =	vst v63  }
0xeb: {  	s9 =	sadd.s32 $0x400, s1;
	_ =	swait.ge [sflag:s28], $0x1000  }
0xec: {  	s10 =	simm.s32 $0x800;
	s8 =	sadd.s32 $0x8000, s26;
	[sflag:s28] =	ssyncset.done $0x0  }
.LBB2_2:
0xed: {  	s11 =	sadd.s32 $0x200, s9  }
0xee: {  	[sflag:s28] =	ssyncadd.s32 $0xFFFFF000;
	s12 =	smov.u32 s10;
	s13 =	sadd.s32 $0x400, s10  }
0xef: {  	[tilespmem:s3], [sflag:$0x2] =	stream.linear.gather [hbm4b:s11+s29], $0x80, $0x38;
	[tilespmem:$0x1B740] =	vst v63  }
0xf0: {  	p1 =	sne.s32 s10, $0x18000  }
0xf1: {  	[tilespmem:s4], [sflag:$0x2] =	stream.linear.gather [hbm4b:s8+s29], $0x1000, $0x38;
	[tilespmem:$0x1B740] =	vst v63  }
0xf2: {  	_ =	swait.ge [sflag:s5], $0x80  }
0xf3: {  	[sflag:s5] =	ssyncset.done $0x0  }
0xf4: {  	[sflag:s5] =	ssyncadd.s32 $0xFFFFFF80  }
0xf5: {  	_ =	swait.ge [sflag:s5], $0x1000  }
0xf6: {  	[sflag:s5] =	ssyncset.done $0x0  }
0xf7: {  	[sflag:s5] =	ssyncadd.s32 $0xFFFFF000  }
0xf8: {  	[spmem:s31] =	stream.indirect.scatter.add.f32 [tilespmem:s2], [sflag:$0x3], $0x20, s29, s3, $0xb8;
	[tilespmem:$0x1B740] =	vst v63  }
0xf9: {  	_ =	swait.ge [sflag:s28], $0x1000  }
0xfa: {  	[sflag:s28] =	ssyncset.done $0x0  }
0xfb: {  	s9 =	sadd.s32 $0x400, s9;
	[sflag:s28] =	ssyncadd.s32 $0xFFFFF000  }
0xfc: {  	[tilespmem:s29], [sflag:$0x1] =	stream.linear.gather [hbm4b:s9+s29], $0x80, $0x38;
	[tilespmem:$0x1B740] =	vst v63  }
0xfd: {  	s9 =	sadd.s32 $0x4000, s8  }
0xfe: {  	[tilespmem:s2], [sflag:$0x1] =	stream.linear.gather [hbm4b:s9+s29], $0x1000, $0x38;
	[tilespmem:$0x1B740] =	vst v63  }
0xff: {  	_ =	swait.ge [sflag:s6], $0x80  }
0x100: {  	[sflag:s6] =	ssyncset.done $0x0  }
0x101: {  	[sflag:s6] =	ssyncadd.s32 $0xFFFFFF80  }
0x102: {  	_ =	swait.ge [sflag:s6], $0x1000  }
.Ltmp0:
0x103: {  	[sflag:s6] =	ssyncset.done $0x0;
	(pc) =	sbr.rel @p1 .LBB2_2-.Ltmp0, $4  }
0x104: {  	[sflag:s6] =	ssyncadd.s32 $0xFFFFF000  }
0x105: {  	[spmem:s31] =	stream.indirect.scatter.add.f32 [tilespmem:s4], [sflag:$0x3], $0x20, s3, s3, $0xb8;
	[tilespmem:$0x1B740] =	vst v63  }
0x106: {  	s10 =	smov.u32 s13;
	_ =	swait.ge [sflag:s28], $0x1000  }
0x107: {  	s8 =	sadd.s32 $0x8000, s8;
	s9 =	sadd.s32 s12, s1;
	[sflag:s28] =	ssyncset.done $0x0  }
0x108: {  	s10 =	sadd.s32 $0x200, s9;
	[sflag:s28] =	ssyncadd.s32 $0xFFFFF000  }
0x109: {  	[tilespmem:s3], [sflag:$0x2] =	stream.linear.gather [hbm4b:s10+s29], $0x80, $0x38;
	[tilespmem:$0x1B740] =	vst v63  }
0x10a: {  	_ = 	snop  }
0x10b: {  	[tilespmem:s4], [sflag:$0x2] =	stream.linear.gather [hbm4b:s8+s29], $0x1000, $0x38;
	[tilespmem:$0x1B740] =	vst v63  }
0x10c: {  	_ =	swait.ge [sflag:s5], $0x80  }
0x10d: {  	[sflag:s5] =	ssyncset.done $0x0  }
0x10e: {  	[sflag:s5] =	ssyncadd.s32 $0xFFFFFF80  }
0x10f: {  	_ =	swait.ge [sflag:s5], $0x1000  }
0x110: {  	[sflag:s5] =	ssyncset.done $0x0  }
0x111: {  	[sflag:s5] =	ssyncadd.s32 $0xFFFFF000  }
0x112: {  	[spmem:s31] =	stream.indirect.scatter.add.f32 [tilespmem:s2], [sflag:$0x3], $0x20, s29, s3, $0xb8;
	[tilespmem:$0x1B740] =	vst v63  }
0x113: {  	_ =	swait.ge [sflag:s28], $0x1000  }
0x114: {  	[sflag:s28] =	ssyncset.done $0x0  }
0x115: {  	s23 =	sadd.s32 $0x400, s9;
	[sflag:s28] =	ssyncadd.s32 $0xFFFFF000  }
0x116: {  	[tilespmem:s29], [sflag:$0x1] =	stream.linear.gather [hbm4b:s23+s29], $0x80, $0x38;
	[tilespmem:$0x1B740] =	vst v63  }
0x117: {  	s24 =	sadd.s32 $0x4000, s8  }
0x118: {  	[tilespmem:s2], [sflag:$0x1] =	stream.linear.gather [hbm4b:s24+s29], $0x1000, $0x38;
	[tilespmem:$0x1B740] =	vst v63  }
0x119: {  	_ =	swait.ge [sflag:s6], $0x80  }
0x11a: {  	[sflag:s6] =	ssyncset.done $0x0  }
0x11b: {  	[sflag:s6] =	ssyncadd.s32 $0xFFFFFF80  }
0x11c: {  	_ =	swait.ge [sflag:s6], $0x1000  }
0x11d: {  	[sflag:s6] =	ssyncset.done $0x0  }
0x11e: {  	[sflag:s6] =	ssyncadd.s32 $0xFFFFF000  }
0x11f: {  	[spmem:s31] =	stream.indirect.scatter.add.f32 [tilespmem:s4], [sflag:$0x3], $0x20, s3, s3, $0xb8;
	[tilespmem:$0x1B740] =	vst v63  }
0x120: {  	_ =	swait.ge [sflag:s28], $0x1000  }
0x121: {  	[sflag:s28] =	ssyncset.done $0x0  }
0x122: {  	[sflag:s28] =	ssyncadd.s32 $0xFFFFF000  }
0x123: {  	_ =	swait.ge [sflag:s5], $0x80  }
0x124: {  	[sflag:s5] =	ssyncset.done $0x0  }
0x125: {  	[sflag:s5] =	ssyncadd.s32 $0xFFFFFF80  }
0x126: {  	_ =	swait.ge [sflag:s5], $0x1000  }
0x127: {  	[sflag:s5] =	ssyncset.done $0x0  }
0x128: {  	[sflag:s5] =	ssyncadd.s32 $0xFFFFF000  }
0x129: {  	[spmem:s31] =	stream.indirect.scatter.add.f32 [tilespmem:s2], [sflag:$0x3], $0x20, s29, s3, $0xb8;
	[tilespmem:$0x1B740] =	vst v63  }
0x12a: {  	_ =	swait.ge [sflag:s28], $0x1000  }
0x12b: {  	[sflag:s28] =	ssyncset.done $0x0  }
0x12c: {  	s8 =	simm.s32 @!p0 $0x0;
	s9 =	rddreg [dreg:$0x1e];
	[sflag:s28] =	ssyncadd.s32 $0xFFFFF000  }
0x12d: {  	[tilespmem:s8], [sflag:$0x3] =	stream.linear.gather @!p0 [hbm4b:s9+s8], $0x80, $0x38;
	[tilespmem:$0x1B740] =	vst v63  }
0x12e: {  	s9 =	simm.s32 @!p0 $0x3  }
0x12f: {  	_ =	swait.ge @!p0 [sflag:s9], $0x80  }
0x130: {  	s11 =	sld [smem:$0x7D8]  }
0x131: {  	[sflag:s9] =	ssyncset.done @!p0 $0x0  }
0x132: {  	s10 =	simm.s32 @!p0 $0x100;
	[sflag:s9] =	ssyncadd.s32 @!p0 $0xFFFFFF80  }
0x133: {  	[tilespmem:s10], [sflag:$0x3] =	stream.linear.gather @!p0 [hbm4b:s11+s8], $0x1000, $0x38;
	[tilespmem:$0x1B740] =	vst v63  }
0x134: {  	_ =	swait.ge @!p0 [sflag:s9], $0x1000  }
0x135: {  	[sflag:s9] =	ssyncset.done @!p0 $0x0  }
0x136: {  	s11 =	simm.s32 @!p0 $0x80;
	[sflag:s9] =	ssyncadd.s32 @!p0 $0xFFFFF000  }
0x137: {  	[spmem:s31] =	stream.indirect.scatter.add.f32 @!p0 [tilespmem:s10], [sflag:$0x3], $0x20, s8, s11, $0xb8;
	[tilespmem:$0x1B740] =	vst v63  }
0x138: {  	_ =	swait.ge @!p0 [sflag:s9], $0x1000  }
0x139: {  	[sflag:s9] =	ssyncset.done @!p0 $0x0  }
0x13a: {  	[sflag:s9] =	ssyncadd.s32 @!p0 $0xFFFFF000  }
0x13b: {  	[bflag:$0x0] =	sbarrier.arrive $0xFFFF  }
0x13c: {  	s7 =	sld [smem:$0x7D9];
	_ =	sdelay $0x2  }
0x13d: {  	[tilespmem:s0], [sflag:$0x3] =	stream.linear.gather [spmem:s7], $0xFA0, $0x38;
	[tilespmem:$0x1B740] =	vst v63  }
0x13e: {  	_ =	swait.ge [sflag:s28], $0xFA0  }
0x13f: {  	[sflag:s28] =	ssyncset.done $0x0  }
0x140: {  	s25 =	rddreg [dreg:$0x4];
	[sflag:s28] =	ssyncadd.s32 $0xFFFFF060  }
0x141: {  	[hbm4b:s25+s29] =	stream.linear.scatter [tilespmem:s0], [sflag:$0x3], $0xFA0, $0x38;
	[tilespmem:$0x1B740] =	vst v63  }
0x142: {  	_ =	swait.ge [sflag:s28], $0xFA0  }
0x143: {  	s26 =	sld [smem:$0x7DA]  }
0x144: {  	[sflag:s28] =	ssyncset.done $0x0  }
0x145: {  	[sflag:s28] =	ssyncadd.s32 $0xFFFFF060  }
0x146: {  	[tilespmem:s0], [sflag:$0x3] =	stream.linear.gather [spmem:s26], $0xFA0, $0x38;
	[tilespmem:$0x1B740] =	vst v63  }
0x147: {  	_ =	swait.ge [sflag:s28], $0xFA0  }
0x148: {  	[sflag:s28] =	ssyncset.done $0x0  }
0x149: {  	s7 =	rddreg [dreg:$0x5];
	[sflag:s28] =	ssyncadd.s32 $0xFFFFF060  }
0x14a: {  	[hbm4b:s7+s29] =	stream.linear.scatter [tilespmem:s0], [sflag:$0x3], $0xFA0, $0x38;
	[tilespmem:$0x1B740] =	vst v63  }
0x14b: {  	_ =	swait.ge [sflag:s28], $0xFA0  }
0x14c: {  	s9 =	sld [smem:$0x7DC]  }
0x14d: {  	[sflag:s28] =	ssyncset.done $0x0  }
0x14e: {  	[sflag:s28] =	ssyncadd.s32 $0xFFFFF060  }
0x14f: {  	[tilespmem:s0], [sflag:$0x3] =	stream.linear.gather [spmem:s9], $0xFA0, $0x38;
	[tilespmem:$0x1B740] =	vst v63  }
0x150: {  	_ =	swait.ge [sflag:s28], $0xFA0  }
0x151: {  	[sflag:s28] =	ssyncset.done $0x0  }
0x152: {  	s10 =	rddreg [dreg:$0x6];
	[sflag:s28] =	ssyncadd.s32 $0xFFFFF060  }
0x153: {  	[hbm4b:s10+s29] =	stream.linear.scatter [tilespmem:s0], [sflag:$0x3], $0xFA0, $0x38;
	[tilespmem:$0x1B740] =	vst v63  }
0x154: {  	_ =	swait.ge [sflag:s28], $0xFA0  }
0x155: {  	s9 =	sld [smem:$0x7F3]  }
0x156: {  	[sflag:s28] =	ssyncset.done $0x0  }
0x157: {  	[sflag:s28] =	ssyncadd.s32 $0xFFFFF060  }
0x158: {  	[tilespmem:s0], [sflag:$0x3] =	stream.linear.gather [spmem:s9], $0xFA0, $0x38;
	[tilespmem:$0x1B740] =	vst v63  }
0x159: {  	_ =	swait.ge [sflag:s28], $0xFA0  }
0x15a: {  	[sflag:s28] =	ssyncset.done $0x0  }
0x15b: {  	s11 =	rddreg [dreg:$0x7];
	[sflag:s28] =	ssyncadd.s32 $0xFFFFF060  }
0x15c: {  	[hbm4b:s11+s29] =	stream.linear.scatter [tilespmem:s0], [sflag:$0x3], $0xFA0, $0x38;
	[tilespmem:$0x1B740] =	vst v63  }
0x15d: {  	_ =	swait.ge [sflag:s28], $0xFA0  }
0x15e: {  	s10 =	sld [smem:$0x7F8]  }
0x15f: {  	[sflag:s28] =	ssyncset.done $0x0  }
0x160: {  	[sflag:s28] =	ssyncadd.s32 $0xFFFFF060  }
0x161: {  	[tilespmem:s0], [sflag:$0x3] =	stream.linear.gather [spmem:s10], $0xFA0, $0x38;
	[tilespmem:$0x1B740] =	vst v63  }
0x162: {  	_ =	swait.ge [sflag:s28], $0xFA0  }
0x163: {  	[sflag:s28] =	ssyncset.done $0x0  }
0x164: {  	s12 =	rddreg [dreg:$0x8];
	[sflag:s28] =	ssyncadd.s32 $0xFFFFF060  }
0x165: {  	[hbm4b:s12+s29] =	stream.linear.scatter [tilespmem:s0], [sflag:$0x3], $0xFA0, $0x38;
	[tilespmem:$0x1B740] =	vst v63  }
0x166: {  	_ =	swait.ge [sflag:s28], $0xFA0  }
0x167: {  	[sflag:s28] =	ssyncset.done $0x0  }
0x168: {  	[sflag:s28] =	ssyncadd.s32 $0xFFFFF060  }
0x169: {  	[tilespmem:s0], [sflag:$0x3] =	stream.linear.gather [spmem:s19], $0xFA0, $0x38;
	[tilespmem:$0x1B740] =	vst v63  }
0x16a: {  	_ =	swait.ge [sflag:s28], $0xFA0  }
0x16b: {  	[sflag:s28] =	ssyncset.done $0x0  }
0x16c: {  	s13 =	rddreg [dreg:$0x9];
	[sflag:s28] =	ssyncadd.s32 $0xFFFFF060  }
0x16d: {  	[hbm4b:s13+s29] =	stream.linear.scatter [tilespmem:s0], [sflag:$0x3], $0xFA0, $0x38;
	[tilespmem:$0x1B740] =	vst v63  }
0x16e: {  	_ =	swait.ge [sflag:s28], $0xFA0  }
0x16f: {  	[sflag:s28] =	ssyncset.done $0x0  }
0x170: {  	[sflag:s28] =	ssyncadd.s32 $0xFFFFF060  }
0x171: {  	[tilespmem:s0], [sflag:$0x3] =	stream.linear.gather [spmem:s20], $0xFA0, $0x38;
	[tilespmem:$0x1B740] =	vst v63  }
0x172: {  	_ =	swait.ge [sflag:s28], $0xFA0  }
0x173: {  	[sflag:s28] =	ssyncset.done $0x0  }
0x174: {  	s14 =	rddreg [dreg:$0xa];
	[sflag:s28] =	ssyncadd.s32 $0xFFFFF060  }
0x175: {  	[hbm4b:s14+s29] =	stream.linear.scatter [tilespmem:s0], [sflag:$0x3], $0xFA0, $0x38;
	[tilespmem:$0x1B740] =	vst v63  }
0x176: {  	_ =	swait.ge [sflag:s28], $0xFA0  }
0x177: {  	s15 =	sld [smem:$0x7E0]  }
0x178: {  	[sflag:s28] =	ssyncset.done $0x0  }
0x179: {  	[sflag:s28] =	ssyncadd.s32 $0xFFFFF060  }
0x17a: {  	[tilespmem:s0], [sflag:$0x3] =	stream.linear.gather [spmem:s15], $0xFA0, $0x38;
	[tilespmem:$0x1B740] =	vst v63  }
0x17b: {  	_ =	swait.ge [sflag:s28], $0xFA0  }
0x17c: {  	[sflag:s28] =	ssyncset.done $0x0  }
0x17d: {  	s16 =	rddreg [dreg:$0xb];
	[sflag:s28] =	ssyncadd.s32 $0xFFFFF060  }
0x17e: {  	[hbm4b:s16+s29] =	stream.linear.scatter [tilespmem:s0], [sflag:$0x3], $0xFA0, $0x38;
	[tilespmem:$0x1B740] =	vst v63  }
0x17f: {  	_ =	swait.ge [sflag:s28], $0xFA0  }
0x180: {  	s23 =	sld [smem:$0x7EE]  }
0x181: {  	[sflag:s28] =	ssyncset.done $0x0  }
0x182: {  	[sflag:s28] =	ssyncadd.s32 $0xFFFFF060  }
0x183: {  	[tilespmem:s0], [sflag:$0x3] =	stream.linear.gather [spmem:s23], $0xFA0, $0x38;
	[tilespmem:$0x1B740] =	vst v63  }
0x184: {  	_ =	swait.ge [sflag:s28], $0xFA0  }
0x185: {  	[sflag:s28] =	ssyncset.done $0x0  }
0x186: {  	s17 =	rddreg [dreg:$0xc];
	[sflag:s28] =	ssyncadd.s32 $0xFFFFF060  }
0x187: {  	[hbm4b:s17+s29] =	stream.linear.scatter [tilespmem:s0], [sflag:$0x3], $0xFA0, $0x38;
	[tilespmem:$0x1B740] =	vst v63  }
0x188: {  	_ =	swait.ge [sflag:s28], $0xFA0  }
0x189: {  	s25 =	sld [smem:$0x7EC]  }
0x18a: {  	[sflag:s28] =	ssyncset.done $0x0  }
0x18b: {  	[sflag:s28] =	ssyncadd.s32 $0xFFFFF060  }
0x18c: {  	[tilespmem:s0], [sflag:$0x3] =	stream.linear.gather [spmem:s25], $0xFA0, $0x38;
	[tilespmem:$0x1B740] =	vst v63  }
0x18d: {  	_ =	swait.ge [sflag:s28], $0xFA0  }
0x18e: {  	[sflag:s28] =	ssyncset.done $0x0  }
0x18f: {  	s18 =	rddreg [dreg:$0xd];
	[sflag:s28] =	ssyncadd.s32 $0xFFFFF060  }
0x190: {  	[hbm4b:s18+s29] =	stream.linear.scatter [tilespmem:s0], [sflag:$0x3], $0xFA0, $0x38;
	[tilespmem:$0x1B740] =	vst v63  }
0x191: {  	_ =	swait.ge [sflag:s28], $0xFA0  }
0x192: {  	s30 =	sld [smem:$0x7EA]  }
0x193: {  	[sflag:s28] =	ssyncset.done $0x0  }
0x194: {  	[sflag:s28] =	ssyncadd.s32 $0xFFFFF060  }
0x195: {  	[tilespmem:s0], [sflag:$0x3] =	stream.linear.gather [spmem:s30], $0xFA0, $0x38;
	[tilespmem:$0x1B740] =	vst v63  }
0x196: {  	_ =	swait.ge [sflag:s28], $0xFA0  }
0x197: {  	[sflag:s28] =	ssyncset.done $0x0  }
0x198: {  	s19 =	rddreg [dreg:$0xe];
	[sflag:s28] =	ssyncadd.s32 $0xFFFFF060  }
0x199: {  	[hbm4b:s19+s29] =	stream.linear.scatter [tilespmem:s0], [sflag:$0x3], $0xFA0, $0x38;
	[tilespmem:$0x1B740] =	vst v63  }
0x19a: {  	_ =	swait.ge [sflag:s28], $0xFA0  }
0x19b: {  	s26 =	sld [smem:$0x7EB]  }
0x19c: {  	[sflag:s28] =	ssyncset.done $0x0  }
0x19d: {  	[sflag:s28] =	ssyncadd.s32 $0xFFFFF060  }
0x19e: {  	[tilespmem:s0], [sflag:$0x3] =	stream.linear.gather [spmem:s26], $0xFA0, $0x38;
	[tilespmem:$0x1B740] =	vst v63  }
0x19f: {  	_ =	swait.ge [sflag:s28], $0xFA0  }
0x1a0: {  	[sflag:s28] =	ssyncset.done $0x0  }
0x1a1: {  	s20 =	rddreg [dreg:$0xf];
	[sflag:s28] =	ssyncadd.s32 $0xFFFFF060  }
0x1a2: {  	[hbm4b:s20+s29] =	stream.linear.scatter [tilespmem:s0], [sflag:$0x3], $0xFA0, $0x38;
	[tilespmem:$0x1B740] =	vst v63  }
0x1a3: {  	_ =	swait.ge [sflag:s28], $0xFA0  }
0x1a4: {  	s24 =	sld [smem:$0x7ED]  }
0x1a5: {  	[sflag:s28] =	ssyncset.done $0x0  }
0x1a6: {  	[sflag:s28] =	ssyncadd.s32 $0xFFFFF060  }
0x1a7: {  	[tilespmem:s0], [sflag:$0x3] =	stream.linear.gather [spmem:s24], $0xFA0, $0x38;
	[tilespmem:$0x1B740] =	vst v63  }
0x1a8: {  	_ =	swait.ge [sflag:s28], $0xFA0  }
0x1a9: {  	[sflag:s28] =	ssyncset.done $0x0  }
0x1aa: {  	s21 =	rddreg [dreg:$0x10];
	[sflag:s28] =	ssyncadd.s32 $0xFFFFF060  }
0x1ab: {  	[hbm4b:s21+s29] =	stream.linear.scatter [tilespmem:s0], [sflag:$0x3], $0xFA0, $0x38;
	[tilespmem:$0x1B740] =	vst v63  }
0x1ac: {  	_ =	swait.ge [sflag:s28], $0xFA0  }
0x1ad: {  	s19 =	sld [smem:$0x7EF]  }
0x1ae: {  	[sflag:s28] =	ssyncset.done $0x0  }
0x1af: {  	[sflag:s28] =	ssyncadd.s32 $0xFFFFF060  }
0x1b0: {  	[tilespmem:s0], [sflag:$0x3] =	stream.linear.gather [spmem:s19], $0xFA0, $0x38;
	[tilespmem:$0x1B740] =	vst v63  }
0x1b1: {  	_ =	swait.ge [sflag:s28], $0xFA0  }
0x1b2: {  	[sflag:s28] =	ssyncset.done $0x0  }
0x1b3: {  	s22 =	rddreg [dreg:$0x11];
	[sflag:s28] =	ssyncadd.s32 $0xFFFFF060  }
0x1b4: {  	[hbm4b:s22+s29] =	stream.linear.scatter [tilespmem:s0], [sflag:$0x3], $0xFA0, $0x38;
	[tilespmem:$0x1B740] =	vst v63  }
0x1b5: {  	_ =	swait.ge [sflag:s28], $0xFA0  }
0x1b6: {  	s20 =	sld [smem:$0x7F0]  }
0x1b7: {  	[sflag:s28] =	ssyncset.done $0x0  }
0x1b8: {  	[sflag:s28] =	ssyncadd.s32 $0xFFFFF060  }
0x1b9: {  	[tilespmem:s0], [sflag:$0x3] =	stream.linear.gather [spmem:s20], $0xFA0, $0x38;
	[tilespmem:$0x1B740] =	vst v63  }
0x1ba: {  	_ =	swait.ge [sflag:s28], $0xFA0  }
0x1bb: {  	[sflag:s28] =	ssyncset.done $0x0  }
0x1bc: {  	s7 =	rddreg [dreg:$0x12];
	[sflag:s28] =	ssyncadd.s32 $0xFFFFF060  }
0x1bd: {  	[hbm4b:s7+s29] =	stream.linear.scatter [tilespmem:s0], [sflag:$0x3], $0xFA0, $0x38;
	[tilespmem:$0x1B740] =	vst v63  }
0x1be: {  	_ =	swait.ge [sflag:s28], $0xFA0  }
0x1bf: {  	s22 =	sld [smem:$0x7F1]  }
0x1c0: {  	[sflag:s28] =	ssyncset.done $0x0  }
0x1c1: {  	[sflag:s28] =	ssyncadd.s32 $0xFFFFF060  }
0x1c2: {  	[tilespmem:s0], [sflag:$0x3] =	stream.linear.gather [spmem:s22], $0xFA0, $0x38;
	[tilespmem:$0x1B740] =	vst v63  }
0x1c3: {  	_ =	swait.ge [sflag:s28], $0xFA0  }
0x1c4: {  	[sflag:s28] =	ssyncset.done $0x0  }
0x1c5: {  	s11 =	rddreg [dreg:$0x13];
	[sflag:s28] =	ssyncadd.s32 $0xFFFFF060  }
0x1c6: {  	[hbm4b:s11+s29] =	stream.linear.scatter [tilespmem:s0], [sflag:$0x3], $0xFA0, $0x38;
	[tilespmem:$0x1B740] =	vst v63  }
0x1c7: {  	_ =	swait.ge [sflag:s28], $0xFA0  }
0x1c8: {  	s17 =	sld [smem:$0x7F2]  }
0x1c9: {  	[sflag:s28] =	ssyncset.done $0x0  }
0x1ca: {  	[sflag:s28] =	ssyncadd.s32 $0xFFFFF060  }
0x1cb: {  	[tilespmem:s0], [sflag:$0x3] =	stream.linear.gather [spmem:s17], $0xFA0, $0x38;
	[tilespmem:$0x1B740] =	vst v63  }
0x1cc: {  	_ =	swait.ge [sflag:s28], $0xFA0  }
0x1cd: {  	[sflag:s28] =	ssyncset.done $0x0  }
0x1ce: {  	s12 =	rddreg [dreg:$0x14];
	[sflag:s28] =	ssyncadd.s32 $0xFFFFF060  }
0x1cf: {  	[hbm4b:s12+s29] =	stream.linear.scatter [tilespmem:s0], [sflag:$0x3], $0xFA0, $0x38;
	[tilespmem:$0x1B740] =	vst v63  }
0x1d0: {  	_ =	swait.ge [sflag:s28], $0xFA0  }
0x1d1: {  	s16 =	sld [smem:$0x7F4]  }
0x1d2: {  	[sflag:s28] =	ssyncset.done $0x0  }
0x1d3: {  	[sflag:s28] =	ssyncadd.s32 $0xFFFFF060  }
0x1d4: {  	[tilespmem:s0], [sflag:$0x3] =	stream.linear.gather [spmem:s16], $0xFA0, $0x38;
	[tilespmem:$0x1B740] =	vst v63  }
0x1d5: {  	_ =	swait.ge [sflag:s28], $0xFA0  }
0x1d6: {  	[sflag:s28] =	ssyncset.done $0x0  }
0x1d7: {  	s13 =	rddreg [dreg:$0x15];
	[sflag:s28] =	ssyncadd.s32 $0xFFFFF060  }
0x1d8: {  	[hbm4b:s13+s29] =	stream.linear.scatter [tilespmem:s0], [sflag:$0x3], $0xFA0, $0x38;
	[tilespmem:$0x1B740] =	vst v63  }
0x1d9: {  	_ =	swait.ge [sflag:s28], $0xFA0  }
0x1da: {  	s15 =	sld [smem:$0x7F5]  }
0x1db: {  	[sflag:s28] =	ssyncset.done $0x0  }
0x1dc: {  	[sflag:s28] =	ssyncadd.s32 $0xFFFFF060  }
0x1dd: {  	[tilespmem:s0], [sflag:$0x3] =	stream.linear.gather [spmem:s15], $0xFA0, $0x38;
	[tilespmem:$0x1B740] =	vst v63  }
0x1de: {  	_ =	swait.ge [sflag:s28], $0xFA0  }
0x1df: {  	[sflag:s28] =	ssyncset.done $0x0  }
0x1e0: {  	s14 =	rddreg [dreg:$0x16];
	[sflag:s28] =	ssyncadd.s32 $0xFFFFF060  }
0x1e1: {  	[hbm4b:s14+s29] =	stream.linear.scatter [tilespmem:s0], [sflag:$0x3], $0xFA0, $0x38;
	[tilespmem:$0x1B740] =	vst v63  }
0x1e2: {  	_ =	swait.ge [sflag:s28], $0xFA0  }
0x1e3: {  	s7 =	sld [smem:$0x7F6]  }
0x1e4: {  	[sflag:s28] =	ssyncset.done $0x0  }
0x1e5: {  	[sflag:s28] =	ssyncadd.s32 $0xFFFFF060  }
0x1e6: {  	[tilespmem:s0], [sflag:$0x3] =	stream.linear.gather [spmem:s7], $0xFA0, $0x38;
	[tilespmem:$0x1B740] =	vst v63  }
0x1e7: {  	_ =	swait.ge [sflag:s28], $0xFA0  }
0x1e8: {  	[sflag:s28] =	ssyncset.done $0x0  }
0x1e9: {  	s18 =	rddreg [dreg:$0x17];
	[sflag:s28] =	ssyncadd.s32 $0xFFFFF060  }
0x1ea: {  	[hbm4b:s18+s29] =	stream.linear.scatter [tilespmem:s0], [sflag:$0x3], $0xFA0, $0x38;
	[tilespmem:$0x1B740] =	vst v63  }
0x1eb: {  	_ =	swait.ge [sflag:s28], $0xFA0  }
0x1ec: {  	s18 =	sld [smem:$0x7F7]  }
0x1ed: {  	[sflag:s28] =	ssyncset.done $0x0  }
0x1ee: {  	[sflag:s28] =	ssyncadd.s32 $0xFFFFF060  }
0x1ef: {  	[tilespmem:s0], [sflag:$0x3] =	stream.linear.gather [spmem:s18], $0xFA0, $0x38;
	[tilespmem:$0x1B740] =	vst v63  }
0x1f0: {  	_ =	swait.ge [sflag:s28], $0xFA0  }
0x1f1: {  	[sflag:s28] =	ssyncset.done $0x0  }
0x1f2: {  	s21 =	rddreg [dreg:$0x18];
	[sflag:s28] =	ssyncadd.s32 $0xFFFFF060  }
0x1f3: {  	[hbm4b:s21+s29] =	stream.linear.scatter [tilespmem:s0], [sflag:$0x3], $0xFA0, $0x38;
	[tilespmem:$0x1B740] =	vst v63  }
0x1f4: {  	_ =	swait.ge [sflag:s28], $0xFA0  }
0x1f5: {  	s13 =	sld [smem:$0x7F9]  }
0x1f6: {  	[sflag:s28] =	ssyncset.done $0x0  }
0x1f7: {  	[sflag:s28] =	ssyncadd.s32 $0xFFFFF060  }
0x1f8: {  	[tilespmem:s0], [sflag:$0x3] =	stream.linear.gather [spmem:s13], $0xFA0, $0x38;
	[tilespmem:$0x1B740] =	vst v63  }
0x1f9: {  	_ =	swait.ge [sflag:s28], $0xFA0  }
0x1fa: {  	[sflag:s28] =	ssyncset.done $0x0  }
0x1fb: {  	s11 =	rddreg [dreg:$0x19];
	[sflag:s28] =	ssyncadd.s32 $0xFFFFF060  }
0x1fc: {  	[hbm4b:s11+s29] =	stream.linear.scatter [tilespmem:s0], [sflag:$0x3], $0xFA0, $0x38;
	[tilespmem:$0x1B740] =	vst v63  }
0x1fd: {  	_ =	swait.ge [sflag:s28], $0xFA0  }
0x1fe: {  	s14 =	sld [smem:$0x7FA]  }
0x1ff: {  	[sflag:s28] =	ssyncset.done $0x0  }
0x200: {  	[sflag:s28] =	ssyncadd.s32 $0xFFFFF060  }
0x201: {  	[tilespmem:s0], [sflag:$0x3] =	stream.linear.gather [spmem:s14], $0xFA0, $0x38;
	[tilespmem:$0x1B740] =	vst v63  }
0x202: {  	_ =	swait.ge [sflag:s28], $0xFA0  }
0x203: {  	[sflag:s28] =	ssyncset.done $0x0  }
0x204: {  	s12 =	rddreg [dreg:$0x1a];
	[sflag:s28] =	ssyncadd.s32 $0xFFFFF060  }
0x205: {  	[hbm4b:s12+s29] =	stream.linear.scatter [tilespmem:s0], [sflag:$0x3], $0xFA0, $0x38;
	[tilespmem:$0x1B740] =	vst v63  }
0x206: {  	_ =	swait.ge [sflag:s28], $0xFA0  }
0x207: {  	s11 =	sld [smem:$0x7FB]  }
0x208: {  	[sflag:s28] =	ssyncset.done $0x0  }
0x209: {  	[sflag:s28] =	ssyncadd.s32 $0xFFFFF060  }
0x20a: {  	[tilespmem:s0], [sflag:$0x3] =	stream.linear.gather [spmem:s11], $0xFA0, $0x38;
	[tilespmem:$0x1B740] =	vst v63  }
0x20b: {  	_ =	swait.ge [sflag:s28], $0xFA0  }
0x20c: {  	[sflag:s28] =	ssyncset.done $0x0  }
0x20d: {  	s21 =	rddreg [dreg:$0x1b];
	[sflag:s28] =	ssyncadd.s32 $0xFFFFF060  }
0x20e: {  	[hbm4b:s21+s29] =	stream.linear.scatter [tilespmem:s0], [sflag:$0x3], $0xFA0, $0x38;
	[tilespmem:$0x1B740] =	vst v63  }
0x20f: {  	_ =	swait.ge [sflag:s28], $0xFA0  }
0x210: {  	s21 =	sld [smem:$0x7FC]  }
0x211: {  	[sflag:s28] =	ssyncset.done $0x0  }
0x212: {  	[sflag:s28] =	ssyncadd.s32 $0xFFFFF060  }
0x213: {  	[tilespmem:s0], [sflag:$0x3] =	stream.linear.gather [spmem:s21], $0xFA0, $0x38;
	[tilespmem:$0x1B740] =	vst v63  }
0x214: {  	_ =	swait.ge [sflag:s28], $0xFA0  }
0x215: {  	[sflag:s28] =	ssyncset.done $0x0  }
0x216: {  	s12 =	rddreg [dreg:$0x1c];
	[sflag:s28] =	ssyncadd.s32 $0xFFFFF060  }
0x217: {  	[hbm4b:s12+s29] =	stream.linear.scatter [tilespmem:s0], [sflag:$0x3], $0xFA0, $0x38;
	[tilespmem:$0x1B740] =	vst v63  }
0x218: {  	_ =	swait.ge [sflag:s28], $0xFA0  }
0x219: {  	s12 =	sld [smem:$0x7E9]  }
0x21a: {  	s8 =	sld [smem:$0x7E7];
	_ =	sdelay $0x1  }
0x21b: {  	s12 =	sadd.s32 $0x1, s12  }
0x21c: {  	p1 =	sne.s32 s12, s8  }
.Ltmp1:
0x21d: {  	_ = 	snop;
	(pc) =	sbr.rel @p1 .LBB2_1-.Ltmp1, $3  }
0x21e: {  	_ =	sdelay $0x1  }
0x21f: {  	[sflag:s28] =	ssyncset.done $0x0;
	[smem:$0x7E9] =	sst s12  }
0x220: {  	[sflag:s28] =	ssyncadd.s32 $0xFFFFF060;
	s12 =	sld [smem:$0x7FD]  }
0x221: {  	_ =	sfence.sel $0x180000  }
0x222: {  	[bflag:$0x0] =	sbarrier.arrive $0xFFFF  }
0x223: {  	_ =	strace $0x9000004A  }
0x224: {  	s0 =	stileid.u32;
	[bflag:$0x2] =	sbarrier.arrive $0xFFFF  }
0x225: {  	p0 =	sne.s32 s0, $0x0;
	s0 =	rddreg [dreg:$0x3]  }
0x226: {  	s0 =	sadd.s32 @!p0 $0x100000, s0  }
0x227: {  	[sflag:s0] =	ssyncadd.tile.s32 @!p0 $0x1;
	_ =	shalt  }
.Lfunc_end2:
_tile_overlayer_lowered:
.L_overlay_start_2:
0x228: {  	(tag) =	ssettag $0x2  }
0x229: {  	s0 =	rddreg [dreg:$0x0];
	s2 =	stileid.u32  }
0x22a: {  	s1 =	rddreg [dreg:$0x1];
	p0 =	sne.s32 s2, $0x0  }
0x22b: {  	s3 =	rddreg [dreg:$0x2];
	[bflag:$0x3] =	sbarrier.arrive $0xFFFF;
	s2 =	simm.s32 @!p0 $0x1C03  }
0x22c: {  	[timem:s3], [sflag:s2] =	dma.local @!p0 [hbm:s0], s1  }
0x22d: {  	s0 =	simm.s32 @!p0 $0x3  }
0x22e: {  	_ =	swait.ge @!p0 [sflag:s0], s1  }
0x22f: {  	s1 =	ssub.s32 @!p0 $0x0, s1;
	[sflag:s0] =	ssyncset.done @!p0 $0x0  }
0x230: {  	[sflag:s0] =	ssyncadd.s32 @!p0 s1  }
0x231: {  	[bflag:$0x3] =	sbarrier.arrive $0xFFFF  }
0x232: {  	_ =	shalt  }

// kernel: kernel.8.cloned.1.call-start
scs
__scs_entry_jumppad:
0x0: {  	(pc) =	sbr.rel $0x88, $3  }
0x1: {  	(tag) =	ssettag $0x0;
	lr =	simm.s32 $0x1  }
0x2: {  	[smem:$0x3F79] =	sst lr;
	_ =	strace $0xD0000000  }
0x3: {  	_ = 	snop  }
0x4: {  	_ = 	snop  }
0x5: {  	_ = 	snop  }
0x6: {  	_ = 	snop  }
0x7: {  	_ = 	snop  }
__scs_overlays_trampoline_lowered:
0x8: {  	[smem:$0x3F88] =	sst s0  }
0x9: {  	[smem:$0x3F89] =	sst s1  }
0xa: {  	[smem:$0x3F8A] =	sst s2  }
0xb: {  	[smem:$0x3F8B] =	sst s3  }
0xc: {  	[smem:$0x3F8C] =	sst s4  }
0xd: {  	[smem:$0x3F8D] =	sst s5  }
0xe: {  	[smem:$0x3F8E] =	sst s6  }
0xf: {  	[smem:$0x3F8F] =	sst s7  }
0x10: {  	[smem:$0x3F90] =	sst s8  }
0x11: {  	[smem:$0x3F91] =	sst s9;
	s0 =	simm.s32 @!p0 $0x0  }
0x12: {  	s1 =	sld [smem:$0x3F77];
	s0 =	simm.s32 @p0 $0x1  }
0x13: {  	[smem:$0x3F92] =	sst s0;
	s0 =	simm.s32 @!p1 $0x0  }
0x14: {  	s2 =	sld [smem:$0x3F76];
	s0 =	simm.s32 @p1 $0x1  }
0x15: {  	[smem:$0x3F93] =	sst s0;
	s0 =	simm.s32 @!p2 $0x0  }
0x16: {  	s3 =	sld [smem:$0x3FDB];
	s0 =	simm.s32 @p2 $0x1  }
0x17: {  	s4 =	simm.s32 $0x1BF5;
	[smem:$0x3F95] =	sst s0  }
0x18: {  	s0 =	sld [smem:$0x3F78];
	_ =	swait.ge [sflag:s4], $0x0  }
0x19: {  	s7 =	sld [smem:$0x3F79]  }
0x1a: {  	s8 =	sadd.s32 $0xFFFFE003, lr  }
0x1b: {  	s9 =	sadd.s32 $0xFFFFFEF7, lr;
	s5 =	simm.s32 $0xFFFFFFFF;
	p2 =	slt.u32 s8, $0xFFFFF086  }
0x1c: {  	p1 =	slt.u32 s9, $0xF7A;
	s5 =	simm.s32 @!p2 $0x0  }
0x1d: {  	s5 =	simm.s32 @p1 $0x1;
	p0 =	seq.s32 s7, s2  }
0x1e: {  	s7 =	smul.u32 @!p0 $0xF7A, s2;
	p2 =	seq.s32 @!p0 s5, $0x0  }
0x1f: {  	s9 =	smul.u32 $0xF7A, s1;
	s8 =	simm.s32 @!p0 $0x1BF5;
	p2 =	por !p2, p0  }
0x20: {  	[sflag:s8] =	ssyncset.s32 @!p0 $0xFFFFF086;
	s6 =	sadd.s32 @!p0 s3, s7;
	s7 =	simm.s32 @!p0 $0x108  }
0x21: {  	s3 =	sadd.s32 s3, s9;
	s6 =	sadd.s32 @!p0 $0x88, s6;
	s7 =	simm.s32 @p2 $0x1082  }
0x22: {  	[simem:s7], [sflag:s8] =	dma.local @!p0 [hbm:s6], $0xF7A  }
0x23: {  	s9 =	sor.u32 $0xD0000000, s2;
	s6 =	simm.s32 $0x108;
	_ =	swait.ge @!p0 [sflag:s8], $0x0  }
0x24: {  	s3 =	sadd.s32 $0x88, s3;
	s6 =	simm.s32 @!p1 $0x1082;
	[sflag:s4] =	ssyncset.s32 $0xFFFFF086  }
0x25: {  	[simem:s6], [sflag:s4] =	dma.local [hbm:s3], $0xF7A  }
0x26: {  	[smem:$0x3F79] =	sst s1;
	(tag) =	ssettag s2;
	_ =	strace s9  }
0x27: {  	s1 =	sld [smem:$0x3F89]  }
0x28: {  	s2 =	sld [smem:$0x3F8A]  }
0x29: {  	s4 =	sld [smem:$0x3F8C]  }
0x2a: {  	p0 =	seq.s32 s5, $0x0;
	s5 =	sld [smem:$0x3F8D]  }
0x2b: {  	s6 =	sld [smem:$0x3F8E]  }
0x2c: {  	s7 =	sld [smem:$0x3F8F]  }
0x2d: {  	s3 =	simm.s32 $0x108;
	s8 =	sld [smem:$0x3F90]  }
0x2e: {  	s3 =	simm.s32 @!p0 $0x1082;
	s9 =	sld [smem:$0x3F91]  }
0x2f: {  	lr =	sadd.s32 s0, s3;
	s0 =	sld [smem:$0x3F88]  }
0x30: {  	s3 =	sld [smem:$0x3F8B]  }
0x31: {  	[smem:$0x3F94] =	sst s10  }
0x32: {  	s10 =	sld [smem:$0x3F92];
	_ =	sdelay $0x3  }
0x33: {  	p0 =	seq.s32 s10, $0x1;
	s10 =	sld [smem:$0x3F94];
	_ =	sdelay $0x3  }
0x34: {  	[smem:$0x3F94] =	sst s10  }
0x35: {  	s10 =	sld [smem:$0x3F93];
	_ =	sdelay $0x3  }
0x36: {  	p1 =	seq.s32 s10, $0x1;
	s10 =	sld [smem:$0x3F94];
	_ =	sdelay $0x3  }
0x37: {  	[smem:$0x3F94] =	sst s10  }
0x38: {  	s10 =	sld [smem:$0x3F95]  }
0x39: {  	_ = 	snop;
	(pc) =	sbr.ind lr, $3  }
0x3a: {  	_ = 	snop  }
0x3b: {  	_ = 	snop  }
0x3c: {  	p2 =	seq.s32 s10, $0x1;
	s10 =	sld [smem:$0x3F94]  }
0x3d: {  	_ =	shalt  }
0x3e: {  	_ =	shalt  }
0x3f: {  	_ =	shalt  }
0x40: {  	_ =	shalt  }
0x41: {  	_ =	shalt  }
0x42: {  	_ =	shalt  }
0x43: {  	_ =	shalt  }
0x44: {  	_ =	shalt  }
0x45: {  	_ =	shalt  }
0x46: {  	_ =	shalt  }
0x47: {  	_ =	shalt  }
0x48: {  	_ =	shalt  }
0x49: {  	_ =	shalt  }
0x4a: {  	_ =	shalt  }
0x4b: {  	_ =	shalt  }
0x4c: {  	_ =	shalt  }
0x4d: {  	_ =	shalt  }
0x4e: {  	_ =	shalt  }
0x4f: {  	_ =	shalt  }
0x50: {  	_ =	shalt  }
0x51: {  	_ =	shalt  }
0x52: {  	_ =	shalt  }
0x53: {  	_ =	shalt  }
0x54: {  	_ =	shalt  }
0x55: {  	_ =	shalt  }
0x56: {  	_ =	shalt  }
0x57: {  	_ =	shalt  }
0x58: {  	_ =	shalt  }
0x59: {  	_ =	shalt  }
0x5a: {  	_ =	shalt  }
0x5b: {  	_ =	shalt  }
0x5c: {  	_ =	shalt  }
0x5d: {  	_ =	shalt  }
0x5e: {  	_ =	shalt  }
0x5f: {  	_ =	shalt  }
0x60: {  	_ =	shalt  }
0x61: {  	_ =	shalt  }
0x62: {  	_ =	shalt  }
0x63: {  	_ =	shalt  }
0x64: {  	_ =	shalt  }
0x65: {  	_ =	shalt  }
0x66: {  	_ =	shalt  }
0x67: {  	_ =	shalt  }
0x68: {  	_ =	shalt  }
0x69: {  	_ =	shalt  }
0x6a: {  	_ =	shalt  }
0x6b: {  	_ =	shalt  }
0x6c: {  	_ =	shalt  }
0x6d: {  	_ =	shalt  }
0x6e: {  	_ =	shalt  }
0x6f: {  	_ =	shalt  }
0x70: {  	_ =	shalt  }
0x71: {  	_ =	shalt  }
0x72: {  	_ =	shalt  }
0x73: {  	_ =	shalt  }
0x74: {  	_ =	shalt  }
0x75: {  	_ =	shalt  }
0x76: {  	_ =	shalt  }
0x77: {  	_ =	shalt  }
0x78: {  	_ =	shalt  }
0x79: {  	_ =	shalt  }
0x7a: {  	_ =	shalt  }
0x7b: {  	_ =	shalt  }
0x7c: {  	_ =	shalt  }
0x7d: {  	_ =	shalt  }
0x7e: {  	_ =	shalt  }
0x7f: {  	_ =	shalt  }
0x80: {  	_ =	shalt  }
0x81: {  	_ =	shalt  }
0x82: {  	_ =	shalt  }
0x83: {  	_ =	shalt  }
0x84: {  	_ =	shalt  }
0x85: {  	_ =	shalt  }
0x86: {  	_ =	shalt  }
0x87: {  	_ =	shalt  }
.Lfunc_end0:
.L_simem_size_0:
called_computation_lowered:
.L_overlay_start_0:
0x88: {  	s2 =	sld [smem:$0x3FD9]  }
0x89: {  	s3 =	sld [smem:$0x3FFE];
	_ =	sdelay $0x1  }
0x8a: {  	s1 =	srdreg.scid  }
0x8b: {  	s0 =	sand.u32 $0x1, s1  }
0x8c: {  	s16 =	sshll.u32 s0, $0xA;
	s2 =	sadd.s32 s3, s2  }
0x8d: {  	s2 =	sadd.s32 s2, s16  }
0x8e: {  	[smem:$0x3FA0] =	sst s2  }
0x8f: {  	_ = 	snop  }
0x90: {  	(tm) =	ssettm $0x1  }
0x91: {  	s17 =	sld [smem:$0x3FFB];
	_ =	sdelay $0x3  }
0x92: {  	_ =	strace s17  }
0x93: {  	s2 =	sld [smem:$0x3FFC];
	_ =	sdelay $0x3  }
0x94: {  	_ =	strace s2  }
0x95: {  	s2 =	sld [smem:$0x3FFD];
	_ =	sdelay $0x3  }
0x96: {  	_ =	strace s2  }
0x97: {  	_ =	strace $0x8FFFFFFF  }
0x98: {  	s18 =	sld [smem:$0x3FDB];
	_ =	sdelay $0x1  }
0x99: {  	s19 =	simm.s32 $_scs_section_size  }
0x9a: {  	s4 =	simm.s32 $_size__tile_overlayer_lowered;
	s5 =	simm.s32 $_tile_overlayer_lowered  }
0x9b: {  	s22 =	simm.s32 $0x1BFF;
	s21 =	sshll.u32 s5, $0x1;
	s2 =	sadd.s32 s19, s18  }
0x9c: {  	s6 =	simm.s32 $0x0;
	s20 =	sshll.u32 s4, $0x1;
	s4 =	sadd.s32 s21, s2  }
0x9d: {  	[timem:s6], [sflag:s22] =	dma.local [hbm:s4], s20  }
0x9e: {  	_ =	swait.ge [sflag:s22], s20  }
0x9f: {  	s3 =	ssub.s32 $0x0, s20;
	[sflag:s22] =	ssyncset.done $0x0  }
0xa0: {  	[sflag:s22] =	ssyncadd.s32 s3;
	_ =	sdelay $0x1  }
0xa1: {  	s23 =	simm.s32 $0x1B8B  }
0xa2: {  	_ =	swait.ge [sflag:s23], $0x1  }
0xa3: {  	[sflag:s23] =	ssyncset.done $0x0  }
0xa4: {  	s25 =	simm.s32 $0x1B8E;
	s24 =	sld [smem:$0x3FFE];
	[sflag:s23] =	ssyncadd.s32 $0xFFFFFFFF  }
0xa5: {  	s26 =	simm.s32 $execute0_lowered;
	[smem:$0x3FD2] =	sst s25  }
0xa6: {  	s4 =	sshll.u32 s26, $0x1;
	_ =	strace $0x80000046;
	[dreg:$0x1] =	wrdreg $0xFFFFFFFF  }
0xa7: {  	s28 =	simm.s32 $_size_execute0_lowered;
	s2 =	sadd.s32 s2, s4;
	[dreg:$0x0] =	wrdreg $0x0  }
0xa8: {  	s4 =	sshll.u32 s28, $0x1;
	[dreg:$0x2] =	wrdreg s2  }
0xa9: {  	[dreg:$0x3] =	wrdreg s4  }
0xaa: {  	[dreg:$0x4] =	wrdreg $0xC0  }
0xab: {  	_ =	task [dreg:s6], $0x5FFFF  }
0xac: {  	[dreg:$0x1] =	wrdreg $0xFFFFFFFF  }
0xad: {  	[dreg:$0x0] =	wrdreg $0x60  }
0xae: {  	[dreg:$0x2] =	wrdreg s24  }
0xaf: {  	[dreg:$0x3] =	wrdreg $0x9  }
0xb0: {  	_ =	task.clear_ibuf [dreg:s6], $0x4FFFF;
	_ =	strace $0x90000046  }
0xb1: {  	s29 =	simm.s32 $0x9;
	_ =	strace $0x80000048  }
0xb2: {  	_ =	swait.ge [sflag:s29], $0x1  }
0xb3: {  	[sflag:s29] =	ssyncadd.s32 $0xFFFFFFFF  }
0xb4: {  	_ =	strace $0x90000048  }
0xb5: {  	_ =	sfence  }
0xb6: {  	s30 =	sld [smem:$0x0];
	_ =	sdelay $0x2  }
0xb7: {  	s31 =	sshll.u32 s1, $0xD;
	s1 =	sshrl.u32 s1, $0x2  }
0xb8: {  	s3 =	sand.u32 $0x4000, s31;
	s1 =	sadd.s32 s1, s30  }
0xb9: {  	s0 =	sor.u32 s3, s0;
	s1 =	sshll.u32 s1, $0x11  }
0xba: {  	s0 =	sor.u32 s1, s0  }
0xbb: {  	s0 =	sadd.s32 $0x8F2B, s0  }
0xbc: {  	[sflag:s0] =	ssyncadd.remote.s32 $0x1  }
0xbd: {  	_ =	sfence.sel $0xFFFF  }
0xbe: {  	[dreg:$0x0] =	wrdreg $0xFFFFFFFF;
	(pc) =	sbr.abs _section_cstart, $3  }
0xbf: {  	[dreg:$0x1] =	wrdreg $0xFFFFFFFF  }
0xc0: {  	_ =	task.clear_ibuf [dreg:s6], $0x2FFFF;
	_ =	strace $0x9FFFFFFF  }
0xc1: {  	(tm) =	ssettm $0x7FFFFFFF  }
tec
execute0_lowered:
.L_overlay_start_1:
0x0: {  	(tag) =	ssettag $0x1  }
0x1: {  	s0 =	rddreg [dreg:$0x0];
	s1 =	simm.s32 $0x0  }
0x2: {  	s2 =	srdreg.scid;
	s13 =	stileid.u32;
	s18 =	simm.s32 $0x5  }
0x3: {  	s19 =	simm.s32 $0x100;
	s20 =	simm.s32 $0x80;
	s21 =	simm.s32 $0x200  }
0x4: {  	s28 =	simm.s32 $0x3;
	s29 =	simm.s32 $0x2;
	s30 =	simm.s32 $0x4  }
0x5: {  	s31 =	simm.s32 $0x0;
	[smem:$0x7FF] =	sst s1;
	s3 =	sadd.s32 $0x7800, s0  }
0x6: {  	s4 =	sadd.s32 $0x38600, s0;
	s5 =	sadd.s32 $0x69400, s0;
	s2 =	sand.u32 $0x1, s2  }
0x7: {  	s7 =	sshll.u32 s13, $0x1;
	s6 =	sadd.s32 $0x81C00, s0;
	p0 =	sgt.u32 s13, $0x4  }
0x8: {  	_ =	strace $0x80000047;
	s8 =	ssub.s32 $0x2, s2;
	s2 =	sor.u32 s2, s7  }
0x9: {  	s7 =	sadd.s32 $0x49BC00, s0;
	s22 =	sshrl.u32 s8, $0x1;
	s9 =	sshll.u32 s2, $0x4  }
0xa: {  	s24 =	sshll.u32 s2, $0x7;
	s25 =	sshll.u32 s2, $0x9;
	s10 =	sor.u32 $0x40, s2  }
0xb: {  	s17 =	sor.u32 $0x20, s2;
	s0 =	ssub.s32 s8, s22;
	s23 =	sadd.s32 s5, s9  }
0xc: {  	s9 =	sadd.s32 s6, s9;
	s8 =	sor.u32 $0xC3000, s24;
	s11 =	sadd.s32 s7, s25  }
0xd: {  	s22 =	simm.s32 $0x2200;
	s24 =	simm.s32 $0x1200;
	s25 =	simm.s32 $0x3200  }
.Ltmp0:
0xe: {  	[dreg:$0x2] =	wrdreg s23;
	s26 =	sshrl.u32 s8, $0x3;
	(pc) =	sbr.rel .LBB2_1-.Ltmp0, $4  }
0xf: {  	[dreg:$0x3] =	wrdreg s9;
	s12 =	sadd.s32 $0x308000, s11;
	s14 =	sadd.s32 s5, s26  }
0x10: {  	s8 =	sshll.u32 s8, $0x2;
	s9 =	sadd.s32 s6, s26;
	[dreg:$0x4] =	wrdreg s14  }
0x11: {  	s16 =	smax.u32 s0, $0x1;
	s8 =	sadd.s32 s7, s8;
	[dreg:$0x5] =	wrdreg s9  }
0x12: {  	s23 =	simm.s32 $0x180;
	s26 =	simm.s32 $0x1;
	[dreg:$0x6] =	wrdreg s8  }
.LBB2_13:
0x13: {  	s31 =	sadd.s32 $0x1, s31  }
0x14: {  	p1 =	sne.s32 s31, s16  }
.Ltmp1:
0x15: {  	_ = 	snop;
	(pc) =	sbr.rel @!p1 .LBB2_14-.Ltmp1, $1  }
0x16: {  	_ =	sdelay $0x3  }
.LBB2_1:
0x17: {  	s0 =	rddreg [dreg:$0x2]  }
0x18: {  	[tilespmem:s1], [sflag:$0x5] =	stream.linear.gather [hbm4b:s0+s1], $0x80, $0x38;
	[tilespmem:$0x4200] =	vst v63  }
0x19: {  	_ =	swait.ge [sflag:s18], $0x80  }
0x1a: {  	[sflag:s18] =	ssyncset.done $0x0  }
0x1b: {  	s15 =	rddreg [dreg:$0x3];
	[sflag:s18] =	ssyncadd.s32 $0xFFFFFF80  }
0x1c: {  	[tilespmem:s19], [sflag:$0x5] =	stream.linear.gather [hbm4b:s15+s1], $0x80, $0x38;
	[tilespmem:$0x4200] =	vst v63  }
0x1d: {  	_ =	swait.ge [sflag:s18], $0x80  }
0x1e: {  	[sflag:s18] =	ssyncset.done $0x0  }
0x1f: {  	[sflag:s18] =	ssyncadd.s32 $0xFFFFFF80  }
0x20: {  	[tilespmem:s21], [sflag:$0x1] =	stream.indirect.gather [hbm4b:s3+s20], $0x20, s1, s20, $0xb8;
	[tilespmem:$0x4200] =	vst v63  }
0x21: {  	s0 =	simm.s32 $0x0  }
0x22: {  	[tilespmem:s22], [sflag:$0x1] =	stream.indirect.gather [hbm4b:s4+s20], $0x20, s19, s20, $0xb8;
	[tilespmem:$0x4200] =	vst v63  }
.LBB2_2:
0x23: {  	p1 =	seq.s32 s0, $0x0  }
0x24: {  	s13 =	sshll.u32 s0, $0x6;
	s8 =	simm.s32 @!p1 $0x4  }
0x25: {  	s2 =	sor.u32 s17, s13;
	_ =	swait.ge @!p1 [sflag:s8], $0x1000  }
0x26: {  	s9 =	sshll.u32 s2, $0x4;
	[sflag:s8] =	ssyncset.done @!p1 $0x0  }
0x27: {  	s14 =	sadd.s32 s5, s9;
	[sflag:s8] =	ssyncadd.s32 @!p1 $0xFFFFF000  }
0x28: {  	[tilespmem:s20], [sflag:$0x5] =	stream.linear.gather [hbm4b:s14+s1], $0x80, $0x38;
	[tilespmem:$0x4200] =	vst v63  }
0x29: {  	_ =	swait.ge [sflag:s18], $0x80  }
0x2a: {  	[sflag:s18] =	ssyncset.done $0x0  }
0x2b: {  	s15 =	sadd.s32 s6, s9;
	[sflag:s18] =	ssyncadd.s32 $0xFFFFFF80  }
0x2c: {  	[tilespmem:s23], [sflag:$0x5] =	stream.linear.gather [hbm4b:s15+s1], $0x80, $0x38;
	[tilespmem:$0x4200] =	vst v63  }
0x2d: {  	_ =	swait.ge [sflag:s18], $0x80  }
0x2e: {  	[sflag:s18] =	ssyncset.done $0x0  }
0x2f: {  	[sflag:s18] =	ssyncadd.s32 $0xFFFFFF80  }
0x30: {  	[tilespmem:s24], [sflag:$0x2] =	stream.indirect.gather [hbm4b:s3+s20], $0x20, s20, s20, $0xb8;
	[tilespmem:$0x4200] =	vst v63  }
0x31: {  	_ = 	snop  }
0x32: {  	[tilespmem:s25], [sflag:$0x2] =	stream.indirect.gather [hbm4b:s4+s20], $0x20, s23, s20, $0xb8;
	[tilespmem:$0x4200] =	vst v63  }
0x33: {  	_ =	swait.ge [sflag:s26], $0x1000  }
0x34: {  	[sflag:s26] =	ssyncset.done $0x0  }
0x35: {  	[sflag:s26] =	ssyncadd.s32 $0xFFFFF000  }
0x36: {  	_ =	swait.ge [sflag:s26], $0x1000  }
0x37: {  	[sflag:s26] =	ssyncset.done $0x0  }
0x38: {  	s14 =	simm.s32 $0x280;
	[sflag:s26] =	ssyncadd.s32 $0xFFFFF000  }
0x39: {  	s15 =	simm.s32 $0x2280;
	v0 =	vld [tilespmem:s14+$0xFFFFFF80]  }
0x3a: {  	v1 =	vld [tilespmem:s15+$0xFFFFFF80];
	_ =	sdelay $0x4  }
0x3b: {  	v0 =	vadd.f32 v1, v0;
	_ =	sdelay $0x1  }
0x3c: {  	[tilespmem:s14+$0xFFFFFF80] =	vst v0;
	v0 =	vld [tilespmem:s14+$0xFFFFFF90]  }
0x3d: {  	v1 =	vld [tilespmem:s15+$0xFFFFFF90];
	_ =	sdelay $0x4  }
0x3e: {  	v0 =	vadd.f32 v1, v0;
	_ =	sdelay $0x1  }
0x3f: {  	[tilespmem:s14+$0xFFFFFF90] =	vst v0;
	v0 =	vld [tilespmem:s14+$0xFFFFFFA0]  }
0x40: {  	v1 =	vld [tilespmem:s15+$0xFFFFFFA0];
	_ =	sdelay $0x4  }
0x41: {  	v0 =	vadd.f32 v1, v0;
	_ =	sdelay $0x1  }
0x42: {  	[tilespmem:s14+$0xFFFFFFA0] =	vst v0;
	v0 =	vld [tilespmem:s14+$0xFFFFFFB0]  }
0x43: {  	v1 =	vld [tilespmem:s15+$0xFFFFFFB0];
	_ =	sdelay $0x4  }
0x44: {  	v0 =	vadd.f32 v1, v0;
	_ =	sdelay $0x1  }
0x45: {  	[tilespmem:s14+$0xFFFFFFB0] =	vst v0;
	v0 =	vld [tilespmem:s14+$0xFFFFFFC0]  }
0x46: {  	v1 =	vld [tilespmem:s15+$0xFFFFFFC0];
	_ =	sdelay $0x4  }
0x47: {  	v0 =	vadd.f32 v1, v0;
	_ =	sdelay $0x1  }
0x48: {  	[tilespmem:s14+$0xFFFFFFC0] =	vst v0;
	v0 =	vld [tilespmem:s14+$0xFFFFFFD0]  }
0x49: {  	v1 =	vld [tilespmem:s15+$0xFFFFFFD0];
	_ =	sdelay $0x4  }
0x4a: {  	v0 =	vadd.f32 v1, v0;
	_ =	sdelay $0x1  }
0x4b: {  	[tilespmem:s14+$0xFFFFFFD0] =	vst v0;
	v0 =	vld [tilespmem:s14+$0xFFFFFFE0]  }
0x4c: {  	v1 =	vld [tilespmem:s15+$0xFFFFFFE0];
	_ =	sdelay $0x4  }
0x4d: {  	v0 =	vadd.f32 v1, v0;
	_ =	sdelay $0x1  }
0x4e: {  	[tilespmem:s14+$0xFFFFFFE0] =	vst v0;
	v0 =	vld [tilespmem:s14+$0xFFFFFFF0]  }
0x4f: {  	v1 =	vld [tilespmem:s15+$0xFFFFFFF0];
	_ =	sdelay $0x4  }
0x50: {  	v0 =	vadd.f32 v1, v0;
	_ =	sdelay $0x1  }
0x51: {  	[tilespmem:s14+$0xFFFFFFF0] =	vst v0;
	v0 =	vld [tilespmem:s14+$0x0]  }
0x52: {  	v1 =	vld [tilespmem:s15+$0x0];
	_ =	sdelay $0x4  }
0x53: {  	v0 =	vadd.f32 v1, v0;
	_ =	sdelay $0x1  }
0x54: {  	[tilespmem:s14+$0x0] =	vst v0;
	v0 =	vld [tilespmem:s14+$0x10]  }
0x55: {  	v1 =	vld [tilespmem:s15+$0x10];
	_ =	sdelay $0x4  }
0x56: {  	v0 =	vadd.f32 v1, v0;
	_ =	sdelay $0x1  }
0x57: {  	[tilespmem:s14+$0x10] =	vst v0;
	v0 =	vld [tilespmem:s14+$0x20]  }
0x58: {  	v1 =	vld [tilespmem:s15+$0x20];
	_ =	sdelay $0x4  }
0x59: {  	v0 =	vadd.f32 v1, v0;
	_ =	sdelay $0x1  }
0x5a: {  	[tilespmem:s14+$0x20] =	vst v0;
	v0 =	vld [tilespmem:s14+$0x30]  }
0x5b: {  	v1 =	vld [tilespmem:s15+$0x30];
	_ =	sdelay $0x4  }
0x5c: {  	v0 =	vadd.f32 v1, v0;
	_ =	sdelay $0x1  }
0x5d: {  	[tilespmem:s14+$0x30] =	vst v0;
	v0 =	vld [tilespmem:s14+$0x40]  }
0x5e: {  	v1 =	vld [tilespmem:s15+$0x40];
	_ =	sdelay $0x4  }
0x5f: {  	v0 =	vadd.f32 v1, v0;
	_ =	sdelay $0x1  }
0x60: {  	[tilespmem:s14+$0x40] =	vst v0;
	v0 =	vld [tilespmem:s14+$0x50]  }
0x61: {  	v1 =	vld [tilespmem:s15+$0x50];
	_ =	sdelay $0x4  }
0x62: {  	v0 =	vadd.f32 v1, v0;
	_ =	sdelay $0x1  }
0x63: {  	[tilespmem:s14+$0x50] =	vst v0;
	v0 =	vld [tilespmem:s14+$0x60]  }
0x64: {  	v1 =	vld [tilespmem:s15+$0x60];
	_ =	sdelay $0x4  }
0x65: {  	v0 =	vadd.f32 v1, v0;
	_ =	sdelay $0x1  }
0x66: {  	[tilespmem:s14+$0x60] =	vst v0;
	v0 =	vld [tilespmem:s14+$0x70]  }
0x67: {  	v1 =	vld [tilespmem:s15+$0x70];
	_ =	sdelay $0x4  }
0x68: {  	v0 =	vadd.f32 v1, v0  }
0x69: {  	s9 =	simm.s32 $0x380;
	s8 =	simm.s32 $0x0  }
.LBB2_3:
0x6a: {  	v1 =	vld [tilespmem:s9+$0xFFFFFF80];
	[tilespmem:s14+$0x70] =	vst v0;
	s15 =	sadd.s32 $0x100, s15;
	s14 =	smov.u32 s9  }
0x6b: {  	s8 =	sadd.s32 $0x8, s8;
	v0 =	vld [tilespmem:s15+$0xFFFFFF80]  }
0x6c: {  	p1 =	slt.u32 s8, $0x78;
	_ =	sdelay $0x3  }
0x6d: {  	v0 =	vadd.f32 v0, v1;
	_ =	sdelay $0x1  }
0x6e: {  	[tilespmem:s9+$0xFFFFFF80] =	vst v0;
	v0 =	vld [tilespmem:s9+$0xFFFFFF90]  }
0x6f: {  	v1 =	vld [tilespmem:s15+$0xFFFFFF90];
	_ =	sdelay $0x4  }
0x70: {  	v0 =	vadd.f32 v1, v0;
	_ =	sdelay $0x1  }
0x71: {  	[tilespmem:s9+$0xFFFFFF90] =	vst v0;
	v0 =	vld [tilespmem:s9+$0xFFFFFFA0]  }
0x72: {  	v1 =	vld [tilespmem:s15+$0xFFFFFFA0];
	_ =	sdelay $0x4  }
0x73: {  	v0 =	vadd.f32 v1, v0;
	_ =	sdelay $0x1  }
0x74: {  	[tilespmem:s9+$0xFFFFFFA0] =	vst v0;
	v0 =	vld [tilespmem:s9+$0xFFFFFFB0]  }
0x75: {  	v1 =	vld [tilespmem:s15+$0xFFFFFFB0];
	_ =	sdelay $0x4  }
0x76: {  	v0 =	vadd.f32 v1, v0;
	_ =	sdelay $0x1  }
0x77: {  	[tilespmem:s9+$0xFFFFFFB0] =	vst v0;
	v0 =	vld [tilespmem:s9+$0xFFFFFFC0]  }
0x78: {  	v1 =	vld [tilespmem:s15+$0xFFFFFFC0];
	_ =	sdelay $0x4  }
0x79: {  	v0 =	vadd.f32 v1, v0;
	_ =	sdelay $0x1  }
0x7a: {  	[tilespmem:s9+$0xFFFFFFC0] =	vst v0;
	v0 =	vld [tilespmem:s9+$0xFFFFFFD0]  }
0x7b: {  	v1 =	vld [tilespmem:s15+$0xFFFFFFD0];
	_ =	sdelay $0x4  }
0x7c: {  	v0 =	vadd.f32 v1, v0;
	_ =	sdelay $0x1  }
0x7d: {  	[tilespmem:s9+$0xFFFFFFD0] =	vst v0;
	v0 =	vld [tilespmem:s9+$0xFFFFFFE0]  }
0x7e: {  	v1 =	vld [tilespmem:s15+$0xFFFFFFE0];
	_ =	sdelay $0x4  }
0x7f: {  	v0 =	vadd.f32 v1, v0;
	_ =	sdelay $0x1  }
0x80: {  	[tilespmem:s9+$0xFFFFFFE0] =	vst v0;
	v0 =	vld [tilespmem:s9+$0xFFFFFFF0]  }
0x81: {  	v1 =	vld [tilespmem:s15+$0xFFFFFFF0];
	_ =	sdelay $0x4  }
0x82: {  	v0 =	vadd.f32 v1, v0;
	_ =	sdelay $0x1  }
0x83: {  	[tilespmem:s9+$0xFFFFFFF0] =	vst v0;
	v0 =	vld [tilespmem:s9+$0x0]  }
0x84: {  	v1 =	vld [tilespmem:s15+$0x0];
	_ =	sdelay $0x4  }
0x85: {  	v0 =	vadd.f32 v1, v0;
	_ =	sdelay $0x1  }
0x86: {  	[tilespmem:s9+$0x0] =	vst v0;
	v0 =	vld [tilespmem:s9+$0x10]  }
0x87: {  	v1 =	vld [tilespmem:s15+$0x10];
	_ =	sdelay $0x4  }
0x88: {  	v0 =	vadd.f32 v1, v0;
	_ =	sdelay $0x1  }
0x89: {  	[tilespmem:s9+$0x10] =	vst v0;
	v0 =	vld [tilespmem:s9+$0x20]  }
0x8a: {  	v1 =	vld [tilespmem:s15+$0x20];
	_ =	sdelay $0x4  }
0x8b: {  	v0 =	vadd.f32 v1, v0;
	_ =	sdelay $0x1  }
0x8c: {  	[tilespmem:s9+$0x20] =	vst v0;
	v0 =	vld [tilespmem:s9+$0x30]  }
0x8d: {  	v1 =	vld [tilespmem:s15+$0x30];
	_ =	sdelay $0x4  }
0x8e: {  	v0 =	vadd.f32 v1, v0;
	_ =	sdelay $0x1  }
0x8f: {  	[tilespmem:s9+$0x30] =	vst v0;
	v0 =	vld [tilespmem:s9+$0x40]  }
0x90: {  	v1 =	vld [tilespmem:s15+$0x40];
	_ =	sdelay $0x4  }
0x91: {  	v0 =	vadd.f32 v1, v0;
	_ =	sdelay $0x1  }
0x92: {  	[tilespmem:s9+$0x40] =	vst v0;
	v0 =	vld [tilespmem:s9+$0x50]  }
0x93: {  	v1 =	vld [tilespmem:s15+$0x50];
	_ =	sdelay $0x4  }
0x94: {  	v0 =	vadd.f32 v1, v0;
	_ =	sdelay $0x1  }
0x95: {  	[tilespmem:s9+$0x50] =	vst v0;
	v0 =	vld [tilespmem:s9+$0x60]  }
0x96: {  	v1 =	vld [tilespmem:s15+$0x60];
	_ =	sdelay $0x4  }
0x97: {  	v0 =	vadd.f32 v1, v0;
	_ =	sdelay $0x1  }
0x98: {  	[tilespmem:s9+$0x60] =	vst v0;
	v0 =	vld [tilespmem:s9+$0x70]  }
0x99: {  	v1 =	vld [tilespmem:s15+$0x70];
	_ =	sdelay $0x1  }
.Ltmp2:
0x9a: {  	(pc) =	sbr.rel @p1 .LBB2_3-.Ltmp2, $3  }
0x9b: {  	_ =	sdelay $0x1  }
0x9c: {  	v0 =	vadd.f32 v1, v0  }
0x9d: {  	s9 =	sadd.s32 $0x100, s9  }
0x9e: {  	s8 =	sshll.u32 s0, $0xF  }
0x9f: {  	[tilespmem:s14+$0x70] =	vst v0;
	s8 =	sadd.s32 s8, s11  }
0xa0: {  	[hbm4b:s8+s1] =	stream.linear.scatter [tilespmem:s21], [sflag:$0x3], $0x1000, $0x38;
	[tilespmem:$0x4200] =	vst v63  }
0xa1: {  	s15 =	sadd.s32 s10, s13;
	_ =	swait.ge [sflag:s28], $0x1000  }
0xa2: {  	s8 =	sshll.u32 s15, $0x4;
	[sflag:s28] =	ssyncset.done $0x0  }
0xa3: {  	s9 =	sadd.s32 s5, s8;
	[sflag:s28] =	ssyncadd.s32 $0xFFFFF000  }
0xa4: {  	[tilespmem:s1], [sflag:$0x5] =	stream.linear.gather [hbm4b:s9+s1], $0x80, $0x38;
	[tilespmem:$0x4200] =	vst v63  }
0xa5: {  	_ =	swait.ge [sflag:s18], $0x80  }
0xa6: {  	[sflag:s18] =	ssyncset.done $0x0  }
0xa7: {  	s8 =	sadd.s32 s6, s8;
	[sflag:s18] =	ssyncadd.s32 $0xFFFFFF80  }
0xa8: {  	[tilespmem:s19], [sflag:$0x5] =	stream.linear.gather [hbm4b:s8+s1], $0x80, $0x38;
	[tilespmem:$0x4200] =	vst v63  }
0xa9: {  	_ =	swait.ge [sflag:s18], $0x80  }
0xaa: {  	[sflag:s18] =	ssyncset.done $0x0  }
0xab: {  	[sflag:s18] =	ssyncadd.s32 $0xFFFFFF80  }
0xac: {  	[tilespmem:s21], [sflag:$0x1] =	stream.indirect.gather [hbm4b:s3+s20], $0x20, s1, s20, $0xb8;
	[tilespmem:$0x4200] =	vst v63  }
0xad: {  	_ = 	snop  }
0xae: {  	[tilespmem:s22], [sflag:$0x1] =	stream.indirect.gather [hbm4b:s4+s20], $0x20, s19, s20, $0xb8;
	[tilespmem:$0x4200] =	vst v63  }
0xaf: {  	_ =	swait.ge [sflag:s29], $0x1000  }
0xb0: {  	[sflag:s29] =	ssyncset.done $0x0  }
0xb1: {  	[sflag:s29] =	ssyncadd.s32 $0xFFFFF000  }
0xb2: {  	_ =	swait.ge [sflag:s29], $0x1000  }
0xb3: {  	[sflag:s29] =	ssyncset.done $0x0  }
0xb4: {  	s13 =	simm.s32 $0x1280;
	[sflag:s29] =	ssyncadd.s32 $0xFFFFF000  }
0xb5: {  	s14 =	simm.s32 $0x3280;
	v0 =	vld [tilespmem:s13+$0xFFFFFF80]  }
0xb6: {  	v1 =	vld [tilespmem:s14+$0xFFFFFF80];
	_ =	sdelay $0x4  }
0xb7: {  	v0 =	vadd.f32 v1, v0;
	_ =	sdelay $0x1  }
0xb8: {  	[tilespmem:s13+$0xFFFFFF80] =	vst v0;
	v0 =	vld [tilespmem:s13+$0xFFFFFF90]  }
0xb9: {  	v1 =	vld [tilespmem:s14+$0xFFFFFF90];
	_ =	sdelay $0x4  }
0xba: {  	v0 =	vadd.f32 v1, v0;
	_ =	sdelay $0x1  }
0xbb: {  	[tilespmem:s13+$0xFFFFFF90] =	vst v0;
	v0 =	vld [tilespmem:s13+$0xFFFFFFA0]  }
0xbc: {  	v1 =	vld [tilespmem:s14+$0xFFFFFFA0];
	_ =	sdelay $0x4  }
0xbd: {  	v0 =	vadd.f32 v1, v0;
	_ =	sdelay $0x1  }
0xbe: {  	[tilespmem:s13+$0xFFFFFFA0] =	vst v0;
	v0 =	vld [tilespmem:s13+$0xFFFFFFB0]  }
0xbf: {  	v1 =	vld [tilespmem:s14+$0xFFFFFFB0];
	_ =	sdelay $0x4  }
0xc0: {  	v0 =	vadd.f32 v1, v0;
	_ =	sdelay $0x1  }
0xc1: {  	[tilespmem:s13+$0xFFFFFFB0] =	vst v0;
	v0 =	vld [tilespmem:s13+$0xFFFFFFC0]  }
0xc2: {  	v1 =	vld [tilespmem:s14+$0xFFFFFFC0];
	_ =	sdelay $0x4  }
0xc3: {  	v0 =	vadd.f32 v1, v0;
	_ =	sdelay $0x1  }
0xc4: {  	[tilespmem:s13+$0xFFFFFFC0] =	vst v0;
	v0 =	vld [tilespmem:s13+$0xFFFFFFD0]  }
0xc5: {  	v1 =	vld [tilespmem:s14+$0xFFFFFFD0];
	_ =	sdelay $0x4  }
0xc6: {  	v0 =	vadd.f32 v1, v0;
	_ =	sdelay $0x1  }
0xc7: {  	[tilespmem:s13+$0xFFFFFFD0] =	vst v0;
	v0 =	vld [tilespmem:s13+$0xFFFFFFE0]  }
0xc8: {  	v1 =	vld [tilespmem:s14+$0xFFFFFFE0];
	_ =	sdelay $0x4  }
0xc9: {  	v0 =	vadd.f32 v1, v0;
	_ =	sdelay $0x1  }
0xca: {  	[tilespmem:s13+$0xFFFFFFE0] =	vst v0;
	v0 =	vld [tilespmem:s13+$0xFFFFFFF0]  }
0xcb: {  	v1 =	vld [tilespmem:s14+$0xFFFFFFF0];
	_ =	sdelay $0x4  }
0xcc: {  	v0 =	vadd.f32 v1, v0;
	_ =	sdelay $0x1  }
0xcd: {  	[tilespmem:s13+$0xFFFFFFF0] =	vst v0;
	v0 =	vld [tilespmem:s13+$0x0]  }
0xce: {  	v1 =	vld [tilespmem:s14+$0x0];
	_ =	sdelay $0x4  }
0xcf: {  	v0 =	vadd.f32 v1, v0;
	_ =	sdelay $0x1  }
0xd0: {  	[tilespmem:s13+$0x0] =	vst v0;
	v0 =	vld [tilespmem:s13+$0x10]  }
0xd1: {  	v1 =	vld [tilespmem:s14+$0x10];
	_ =	sdelay $0x4  }
0xd2: {  	v0 =	vadd.f32 v1, v0;
	_ =	sdelay $0x1  }
0xd3: {  	[tilespmem:s13+$0x10] =	vst v0;
	v0 =	vld [tilespmem:s13+$0x20]  }
0xd4: {  	v1 =	vld [tilespmem:s14+$0x20];
	_ =	sdelay $0x4  }
0xd5: {  	v0 =	vadd.f32 v1, v0;
	_ =	sdelay $0x1  }
0xd6: {  	[tilespmem:s13+$0x20] =	vst v0;
	v0 =	vld [tilespmem:s13+$0x30]  }
0xd7: {  	v1 =	vld [tilespmem:s14+$0x30];
	_ =	sdelay $0x4  }
0xd8: {  	v0 =	vadd.f32 v1, v0;
	_ =	sdelay $0x1  }
0xd9: {  	[tilespmem:s13+$0x30] =	vst v0;
	v0 =	vld [tilespmem:s13+$0x40]  }
0xda: {  	v1 =	vld [tilespmem:s14+$0x40];
	_ =	sdelay $0x4  }
0xdb: {  	v0 =	vadd.f32 v1, v0;
	_ =	sdelay $0x1  }
0xdc: {  	[tilespmem:s13+$0x40] =	vst v0;
	v0 =	vld [tilespmem:s13+$0x50]  }
0xdd: {  	v1 =	vld [tilespmem:s14+$0x50];
	_ =	sdelay $0x4  }
0xde: {  	v0 =	vadd.f32 v1, v0;
	_ =	sdelay $0x1  }
0xdf: {  	[tilespmem:s13+$0x50] =	vst v0;
	v0 =	vld [tilespmem:s13+$0x60]  }
0xe0: {  	v1 =	vld [tilespmem:s14+$0x60];
	_ =	sdelay $0x4  }
0xe1: {  	v0 =	vadd.f32 v1, v0;
	_ =	sdelay $0x1  }
0xe2: {  	[tilespmem:s13+$0x60] =	vst v0;
	v0 =	vld [tilespmem:s13+$0x70]  }
0xe3: {  	v1 =	vld [tilespmem:s14+$0x70];
	_ =	sdelay $0x4  }
0xe4: {  	v0 =	vadd.f32 v1, v0  }
0xe5: {  	s9 =	simm.s32 $0x1380;
	s8 =	simm.s32 $0x0  }
.LBB2_5:
0xe6: {  	v1 =	vld [tilespmem:s9+$0xFFFFFF80];
	[tilespmem:s13+$0x70] =	vst v0;
	s14 =	sadd.s32 $0x100, s14;
	s13 =	smov.u32 s9  }
0xe7: {  	s8 =	sadd.s32 $0x8, s8;
	v0 =	vld [tilespmem:s14+$0xFFFFFF80]  }
0xe8: {  	p1 =	slt.u32 s8, $0x78;
	_ =	sdelay $0x3  }
0xe9: {  	v0 =	vadd.f32 v0, v1;
	_ =	sdelay $0x1  }
0xea: {  	[tilespmem:s9+$0xFFFFFF80] =	vst v0;
	v0 =	vld [tilespmem:s9+$0xFFFFFF90]  }
0xeb: {  	v1 =	vld [tilespmem:s14+$0xFFFFFF90];
	_ =	sdelay $0x4  }
0xec: {  	v0 =	vadd.f32 v1, v0;
	_ =	sdelay $0x1  }
0xed: {  	[tilespmem:s9+$0xFFFFFF90] =	vst v0;
	v0 =	vld [tilespmem:s9+$0xFFFFFFA0]  }
0xee: {  	v1 =	vld [tilespmem:s14+$0xFFFFFFA0];
	_ =	sdelay $0x4  }
0xef: {  	v0 =	vadd.f32 v1, v0;
	_ =	sdelay $0x1  }
0xf0: {  	[tilespmem:s9+$0xFFFFFFA0] =	vst v0;
	v0 =	vld [tilespmem:s9+$0xFFFFFFB0]  }
0xf1: {  	v1 =	vld [tilespmem:s14+$0xFFFFFFB0];
	_ =	sdelay $0x4  }
0xf2: {  	v0 =	vadd.f32 v1, v0;
	_ =	sdelay $0x1  }
0xf3: {  	[tilespmem:s9+$0xFFFFFFB0] =	vst v0;
	v0 =	vld [tilespmem:s9+$0xFFFFFFC0]  }
0xf4: {  	v1 =	vld [tilespmem:s14+$0xFFFFFFC0];
	_ =	sdelay $0x4  }
0xf5: {  	v0 =	vadd.f32 v1, v0;
	_ =	sdelay $0x1  }
0xf6: {  	[tilespmem:s9+$0xFFFFFFC0] =	vst v0;
	v0 =	vld [tilespmem:s9+$0xFFFFFFD0]  }
0xf7: {  	v1 =	vld [tilespmem:s14+$0xFFFFFFD0];
	_ =	sdelay $0x4  }
0xf8: {  	v0 =	vadd.f32 v1, v0;
	_ =	sdelay $0x1  }
0xf9: {  	[tilespmem:s9+$0xFFFFFFD0] =	vst v0;
	v0 =	vld [tilespmem:s9+$0xFFFFFFE0]  }
0xfa: {  	v1 =	vld [tilespmem:s14+$0xFFFFFFE0];
	_ =	sdelay $0x4  }
0xfb: {  	v0 =	vadd.f32 v1, v0;
	_ =	sdelay $0x1  }
0xfc: {  	[tilespmem:s9+$0xFFFFFFE0] =	vst v0;
	v0 =	vld [tilespmem:s9+$0xFFFFFFF0]  }
0xfd: {  	v1 =	vld [tilespmem:s14+$0xFFFFFFF0];
	_ =	sdelay $0x4  }
0xfe: {  	v0 =	vadd.f32 v1, v0;
	_ =	sdelay $0x1  }
0xff: {  	[tilespmem:s9+$0xFFFFFFF0] =	vst v0;
	v0 =	vld [tilespmem:s9+$0x0]  }
0x100: {  	v1 =	vld [tilespmem:s14+$0x0];
	_ =	sdelay $0x4  }
0x101: {  	v0 =	vadd.f32 v1, v0;
	_ =	sdelay $0x1  }
0x102: {  	[tilespmem:s9+$0x0] =	vst v0;
	v0 =	vld [tilespmem:s9+$0x10]  }
0x103: {  	v1 =	vld [tilespmem:s14+$0x10];
	_ =	sdelay $0x4  }
0x104: {  	v0 =	vadd.f32 v1, v0;
	_ =	sdelay $0x1  }
0x105: {  	[tilespmem:s9+$0x10] =	vst v0;
	v0 =	vld [tilespmem:s9+$0x20]  }
0x106: {  	v1 =	vld [tilespmem:s14+$0x20];
	_ =	sdelay $0x4  }
0x107: {  	v0 =	vadd.f32 v1, v0;
	_ =	sdelay $0x1  }
0x108: {  	[tilespmem:s9+$0x20] =	vst v0;
	v0 =	vld [tilespmem:s9+$0x30]  }
0x109: {  	v1 =	vld [tilespmem:s14+$0x30];
	_ =	sdelay $0x4  }
0x10a: {  	v0 =	vadd.f32 v1, v0;
	_ =	sdelay $0x1  }
0x10b: {  	[tilespmem:s9+$0x30] =	vst v0;
	v0 =	vld [tilespmem:s9+$0x40]  }
0x10c: {  	v1 =	vld [tilespmem:s14+$0x40];
	_ =	sdelay $0x4  }
0x10d: {  	v0 =	vadd.f32 v1, v0;
	_ =	sdelay $0x1  }
0x10e: {  	[tilespmem:s9+$0x40] =	vst v0;
	v0 =	vld [tilespmem:s9+$0x50]  }
0x10f: {  	v1 =	vld [tilespmem:s14+$0x50];
	_ =	sdelay $0x4  }
0x110: {  	v0 =	vadd.f32 v1, v0;
	_ =	sdelay $0x1  }
0x111: {  	[tilespmem:s9+$0x50] =	vst v0;
	v0 =	vld [tilespmem:s9+$0x60]  }
0x112: {  	v1 =	vld [tilespmem:s14+$0x60];
	_ =	sdelay $0x4  }
0x113: {  	v0 =	vadd.f32 v1, v0;
	_ =	sdelay $0x1  }
0x114: {  	[tilespmem:s9+$0x60] =	vst v0;
	v0 =	vld [tilespmem:s9+$0x70]  }
0x115: {  	v1 =	vld [tilespmem:s14+$0x70];
	_ =	sdelay $0x1  }
.Ltmp3:
0x116: {  	(pc) =	sbr.rel @p1 .LBB2_5-.Ltmp3, $3  }
0x117: {  	_ =	sdelay $0x1  }
0x118: {  	v0 =	vadd.f32 v1, v0  }
0x119: {  	s9 =	sadd.s32 $0x100, s9  }
0x11a: {  	s0 =	sadd.s32 $0x1, s0  }
0x11b: {  	p1 =	sne.s32 s0, $0x61  }
.Ltmp4:
0x11c: {  	_ = 	snop;
	(pc) =	sbr.rel @p1 .LBB2_2-.Ltmp4, $4  }
0x11d: {  	_ = 	snop  }
0x11e: {  	s2 =	sshll.u32 s2, $0x9  }
0x11f: {  	[tilespmem:s13+$0x70] =	vst v0;
	s2 =	sadd.s32 s7, s2  }
0x120: {  	[hbm4b:s2+s1] =	stream.linear.scatter [tilespmem:s24], [sflag:$0x4], $0x1000, $0x38;
	[tilespmem:$0x4200] =	vst v63  }
0x121: {  	_ =	swait.ge [sflag:s26], $0x1000  }
0x122: {  	[sflag:s26] =	ssyncset.done $0x0  }
0x123: {  	[sflag:s26] =	ssyncadd.s32 $0xFFFFF000  }
0x124: {  	_ =	swait.ge [sflag:s26], $0x1000  }
0x125: {  	[sflag:s26] =	ssyncset.done $0x0  }
0x126: {  	s0 =	simm.s32 $0x280;
	[sflag:s26] =	ssyncadd.s32 $0xFFFFF000  }
0x127: {  	s2 =	simm.s32 $0x2280;
	v0 =	vld [tilespmem:s0+$0xFFFFFF80]  }
0x128: {  	v1 =	vld [tilespmem:s2+$0xFFFFFF80];
	_ =	sdelay $0x4  }
0x129: {  	v0 =	vadd.f32 v1, v0;
	_ =	sdelay $0x1  }
0x12a: {  	[tilespmem:s0+$0xFFFFFF80] =	vst v0;
	v0 =	vld [tilespmem:s0+$0xFFFFFF90]  }
0x12b: {  	v1 =	vld [tilespmem:s2+$0xFFFFFF90];
	_ =	sdelay $0x4  }
0x12c: {  	v0 =	vadd.f32 v1, v0;
	_ =	sdelay $0x1  }
0x12d: {  	[tilespmem:s0+$0xFFFFFF90] =	vst v0;
	v0 =	vld [tilespmem:s0+$0xFFFFFFA0]  }
0x12e: {  	v1 =	vld [tilespmem:s2+$0xFFFFFFA0];
	_ =	sdelay $0x4  }
0x12f: {  	v0 =	vadd.f32 v1, v0;
	_ =	sdelay $0x1  }
0x130: {  	[tilespmem:s0+$0xFFFFFFA0] =	vst v0;
	v0 =	vld [tilespmem:s0+$0xFFFFFFB0]  }
0x131: {  	v1 =	vld [tilespmem:s2+$0xFFFFFFB0];
	_ =	sdelay $0x4  }
0x132: {  	v0 =	vadd.f32 v1, v0;
	_ =	sdelay $0x1  }
0x133: {  	[tilespmem:s0+$0xFFFFFFB0] =	vst v0;
	v0 =	vld [tilespmem:s0+$0xFFFFFFC0]  }
0x134: {  	v1 =	vld [tilespmem:s2+$0xFFFFFFC0];
	_ =	sdelay $0x4  }
0x135: {  	v0 =	vadd.f32 v1, v0;
	_ =	sdelay $0x1  }
0x136: {  	[tilespmem:s0+$0xFFFFFFC0] =	vst v0;
	v0 =	vld [tilespmem:s0+$0xFFFFFFD0]  }
0x137: {  	v1 =	vld [tilespmem:s2+$0xFFFFFFD0];
	_ =	sdelay $0x4  }
0x138: {  	v0 =	vadd.f32 v1, v0;
	_ =	sdelay $0x1  }
0x139: {  	[tilespmem:s0+$0xFFFFFFD0] =	vst v0;
	v0 =	vld [tilespmem:s0+$0xFFFFFFE0]  }
0x13a: {  	v1 =	vld [tilespmem:s2+$0xFFFFFFE0];
	_ =	sdelay $0x4  }
0x13b: {  	v0 =	vadd.f32 v1, v0;
	_ =	sdelay $0x1  }
0x13c: {  	[tilespmem:s0+$0xFFFFFFE0] =	vst v0;
	v0 =	vld [tilespmem:s0+$0xFFFFFFF0]  }
0x13d: {  	v1 =	vld [tilespmem:s2+$0xFFFFFFF0];
	_ =	sdelay $0x4  }
0x13e: {  	v0 =	vadd.f32 v1, v0;
	_ =	sdelay $0x1  }
0x13f: {  	[tilespmem:s0+$0xFFFFFFF0] =	vst v0;
	v0 =	vld [tilespmem:s0+$0x0]  }
0x140: {  	v1 =	vld [tilespmem:s2+$0x0];
	_ =	sdelay $0x4  }
0x141: {  	v0 =	vadd.f32 v1, v0;
	_ =	sdelay $0x1  }
0x142: {  	[tilespmem:s0+$0x0] =	vst v0;
	v0 =	vld [tilespmem:s0+$0x10]  }
0x143: {  	v1 =	vld [tilespmem:s2+$0x10];
	_ =	sdelay $0x4  }
0x144: {  	v0 =	vadd.f32 v1, v0;
	_ =	sdelay $0x1  }
0x145: {  	[tilespmem:s0+$0x10] =	vst v0;
	v0 =	vld [tilespmem:s0+$0x20]  }
0x146: {  	v1 =	vld [tilespmem:s2+$0x20];
	_ =	sdelay $0x4  }
0x147: {  	v0 =	vadd.f32 v1, v0;
	_ =	sdelay $0x1  }
0x148: {  	[tilespmem:s0+$0x20] =	vst v0;
	v0 =	vld [tilespmem:s0+$0x30]  }
0x149: {  	v1 =	vld [tilespmem:s2+$0x30];
	_ =	sdelay $0x4  }
0x14a: {  	v0 =	vadd.f32 v1, v0;
	_ =	sdelay $0x1  }
0x14b: {  	[tilespmem:s0+$0x30] =	vst v0;
	v0 =	vld [tilespmem:s0+$0x40]  }
0x14c: {  	v1 =	vld [tilespmem:s2+$0x40];
	_ =	sdelay $0x4  }
0x14d: {  	v0 =	vadd.f32 v1, v0;
	_ =	sdelay $0x1  }
0x14e: {  	[tilespmem:s0+$0x40] =	vst v0;
	v0 =	vld [tilespmem:s0+$0x50]  }
0x14f: {  	v1 =	vld [tilespmem:s2+$0x50];
	_ =	sdelay $0x4  }
0x150: {  	v0 =	vadd.f32 v1, v0;
	_ =	sdelay $0x1  }
0x151: {  	[tilespmem:s0+$0x50] =	vst v0;
	v0 =	vld [tilespmem:s0+$0x60]  }
0x152: {  	v1 =	vld [tilespmem:s2+$0x60];
	_ =	sdelay $0x4  }
0x153: {  	v0 =	vadd.f32 v1, v0;
	_ =	sdelay $0x1  }
0x154: {  	[tilespmem:s0+$0x60] =	vst v0;
	v0 =	vld [tilespmem:s0+$0x70]  }
0x155: {  	v1 =	vld [tilespmem:s2+$0x70];
	_ =	sdelay $0x4  }
0x156: {  	v0 =	vadd.f32 v1, v0  }
0x157: {  	s8 =	simm.s32 $0x0;
	s9 =	simm.s32 $0x380  }
.LBB2_8:
0x158: {  	v1 =	vld [tilespmem:s9+$0xFFFFFF80];
	[tilespmem:s0+$0x70] =	vst v0;
	s2 =	sadd.s32 $0x100, s2;
	s0 =	smov.u32 s9  }
0x159: {  	s8 =	sadd.s32 $0x8, s8;
	v0 =	vld [tilespmem:s2+$0xFFFFFF80]  }
0x15a: {  	p1 =	slt.u32 s8, $0x78;
	_ =	sdelay $0x3  }
0x15b: {  	v0 =	vadd.f32 v0, v1;
	_ =	sdelay $0x1  }
0x15c: {  	[tilespmem:s9+$0xFFFFFF80] =	vst v0;
	v0 =	vld [tilespmem:s9+$0xFFFFFF90]  }
0x15d: {  	v1 =	vld [tilespmem:s2+$0xFFFFFF90];
	_ =	sdelay $0x4  }
0x15e: {  	v0 =	vadd.f32 v1, v0;
	_ =	sdelay $0x1  }
0x15f: {  	[tilespmem:s9+$0xFFFFFF90] =	vst v0;
	v0 =	vld [tilespmem:s9+$0xFFFFFFA0]  }
0x160: {  	v1 =	vld [tilespmem:s2+$0xFFFFFFA0];
	_ =	sdelay $0x4  }
0x161: {  	v0 =	vadd.f32 v1, v0;
	_ =	sdelay $0x1  }
0x162: {  	[tilespmem:s9+$0xFFFFFFA0] =	vst v0;
	v0 =	vld [tilespmem:s9+$0xFFFFFFB0]  }
0x163: {  	v1 =	vld [tilespmem:s2+$0xFFFFFFB0];
	_ =	sdelay $0x4  }
0x164: {  	v0 =	vadd.f32 v1, v0;
	_ =	sdelay $0x1  }
0x165: {  	[tilespmem:s9+$0xFFFFFFB0] =	vst v0;
	v0 =	vld [tilespmem:s9+$0xFFFFFFC0]  }
0x166: {  	v1 =	vld [tilespmem:s2+$0xFFFFFFC0];
	_ =	sdelay $0x4  }
0x167: {  	v0 =	vadd.f32 v1, v0;
	_ =	sdelay $0x1  }
0x168: {  	[tilespmem:s9+$0xFFFFFFC0] =	vst v0;
	v0 =	vld [tilespmem:s9+$0xFFFFFFD0]  }
0x169: {  	v1 =	vld [tilespmem:s2+$0xFFFFFFD0];
	_ =	sdelay $0x4  }
0x16a: {  	v0 =	vadd.f32 v1, v0;
	_ =	sdelay $0x1  }
0x16b: {  	[tilespmem:s9+$0xFFFFFFD0] =	vst v0;
	v0 =	vld [tilespmem:s9+$0xFFFFFFE0]  }
0x16c: {  	v1 =	vld [tilespmem:s2+$0xFFFFFFE0];
	_ =	sdelay $0x4  }
0x16d: {  	v0 =	vadd.f32 v1, v0;
	_ =	sdelay $0x1  }
0x16e: {  	[tilespmem:s9+$0xFFFFFFE0] =	vst v0;
	v0 =	vld [tilespmem:s9+$0xFFFFFFF0]  }
0x16f: {  	v1 =	vld [tilespmem:s2+$0xFFFFFFF0];
	_ =	sdelay $0x4  }
0x170: {  	v0 =	vadd.f32 v1, v0;
	_ =	sdelay $0x1  }
0x171: {  	[tilespmem:s9+$0xFFFFFFF0] =	vst v0;
	v0 =	vld [tilespmem:s9+$0x0]  }
0x172: {  	v1 =	vld [tilespmem:s2+$0x0];
	_ =	sdelay $0x4  }
0x173: {  	v0 =	vadd.f32 v1, v0;
	_ =	sdelay $0x1  }
0x174: {  	[tilespmem:s9+$0x0] =	vst v0;
	v0 =	vld [tilespmem:s9+$0x10]  }
0x175: {  	v1 =	vld [tilespmem:s2+$0x10];
	_ =	sdelay $0x4  }
0x176: {  	v0 =	vadd.f32 v1, v0;
	_ =	sdelay $0x1  }
0x177: {  	[tilespmem:s9+$0x10] =	vst v0;
	v0 =	vld [tilespmem:s9+$0x20]  }
0x178: {  	v1 =	vld [tilespmem:s2+$0x20];
	_ =	sdelay $0x4  }
0x179: {  	v0 =	vadd.f32 v1, v0;
	_ =	sdelay $0x1  }
0x17a: {  	[tilespmem:s9+$0x20] =	vst v0;
	v0 =	vld [tilespmem:s9+$0x30]  }
0x17b: {  	v1 =	vld [tilespmem:s2+$0x30];
	_ =	sdelay $0x4  }
0x17c: {  	v0 =	vadd.f32 v1, v0;
	_ =	sdelay $0x1  }
0x17d: {  	[tilespmem:s9+$0x30] =	vst v0;
	v0 =	vld [tilespmem:s9+$0x40]  }
0x17e: {  	v1 =	vld [tilespmem:s2+$0x40];
	_ =	sdelay $0x4  }
0x17f: {  	v0 =	vadd.f32 v1, v0;
	_ =	sdelay $0x1  }
0x180: {  	[tilespmem:s9+$0x40] =	vst v0;
	v0 =	vld [tilespmem:s9+$0x50]  }
0x181: {  	v1 =	vld [tilespmem:s2+$0x50];
	_ =	sdelay $0x4  }
0x182: {  	v0 =	vadd.f32 v1, v0;
	_ =	sdelay $0x1  }
0x183: {  	[tilespmem:s9+$0x50] =	vst v0;
	v0 =	vld [tilespmem:s9+$0x60]  }
0x184: {  	v1 =	vld [tilespmem:s2+$0x60];
	_ =	sdelay $0x4  }
0x185: {  	v0 =	vadd.f32 v1, v0;
	_ =	sdelay $0x1  }
0x186: {  	[tilespmem:s9+$0x60] =	vst v0;
	v0 =	vld [tilespmem:s9+$0x70]  }
0x187: {  	v1 =	vld [tilespmem:s2+$0x70];
	_ =	sdelay $0x1  }
.Ltmp5:
0x188: {  	(pc) =	sbr.rel @p1 .LBB2_8-.Ltmp5, $3  }
0x189: {  	_ =	sdelay $0x1  }
0x18a: {  	v0 =	vadd.f32 v1, v0  }
0x18b: {  	s9 =	sadd.s32 $0x100, s9  }
0x18c: {  	[tilespmem:s0+$0x70] =	vst v0  }
0x18d: {  	[hbm4b:s12+s1] =	stream.linear.scatter [tilespmem:s21], [sflag:$0x5], $0x1000, $0x38;
	[tilespmem:$0x4200] =	vst v63  }
0x18e: {  	_ =	swait.ge [sflag:s18], $0x1000  }
.Ltmp6:
0x18f: {  	[sflag:s18] =	ssyncset.done $0x0;
	(pc) =	sbr.rel @p0 .LBB2_13-.Ltmp6, $4  }
0x190: {  	[sflag:s18] =	ssyncadd.s32 $0xFFFFF000  }
0x191: {  	_ =	swait.ge [sflag:s30], $0x1000  }
0x192: {  	[sflag:s30] =	ssyncset.done $0x0  }
0x193: {  	[sflag:s30] =	ssyncadd.s32 $0xFFFFF000  }
0x194: {  	s0 =	rddreg [dreg:$0x4]  }
0x195: {  	[tilespmem:s1], [sflag:$0x5] =	stream.linear.gather [hbm4b:s0+s1], $0x80, $0x38;
	[tilespmem:$0x4200] =	vst v63  }
0x196: {  	_ =	swait.ge [sflag:s18], $0x80  }
0x197: {  	[sflag:s18] =	ssyncset.done $0x0  }
0x198: {  	s15 =	rddreg [dreg:$0x5];
	[sflag:s18] =	ssyncadd.s32 $0xFFFFFF80  }
0x199: {  	[tilespmem:s19], [sflag:$0x5] =	stream.linear.gather [hbm4b:s15+s1], $0x80, $0x38;
	[tilespmem:$0x4200] =	vst v63  }
0x19a: {  	_ =	swait.ge [sflag:s18], $0x80  }
0x19b: {  	[sflag:s18] =	ssyncset.done $0x0  }
0x19c: {  	[sflag:s18] =	ssyncadd.s32 $0xFFFFFF80  }
0x19d: {  	[tilespmem:s21], [sflag:$0x1] =	stream.indirect.gather [hbm4b:s3+s20], $0x20, s1, s20, $0xb8;
	[tilespmem:$0x4200] =	vst v63  }
0x19e: {  	_ = 	snop  }
0x19f: {  	[tilespmem:s22], [sflag:$0x2] =	stream.indirect.gather [hbm4b:s4+s20], $0x20, s19, s20, $0xb8;
	[tilespmem:$0x4200] =	vst v63  }
0x1a0: {  	_ =	swait.ge [sflag:s26], $0x1000  }
0x1a1: {  	[sflag:s26] =	ssyncset.done $0x0  }
0x1a2: {  	[sflag:s26] =	ssyncadd.s32 $0xFFFFF000  }
0x1a3: {  	_ =	swait.ge [sflag:s29], $0x1000  }
0x1a4: {  	[sflag:s29] =	ssyncset.done $0x0  }
0x1a5: {  	s0 =	simm.s32 $0x280;
	[sflag:s29] =	ssyncadd.s32 $0xFFFFF000  }
0x1a6: {  	s2 =	simm.s32 $0x2280;
	v0 =	vld [tilespmem:s0+$0xFFFFFF80]  }
0x1a7: {  	v1 =	vld [tilespmem:s2+$0xFFFFFF80];
	_ =	sdelay $0x4  }
0x1a8: {  	v0 =	vadd.f32 v1, v0;
	_ =	sdelay $0x1  }
0x1a9: {  	[tilespmem:s0+$0xFFFFFF80] =	vst v0;
	v0 =	vld [tilespmem:s0+$0xFFFFFF90]  }
0x1aa: {  	v1 =	vld [tilespmem:s2+$0xFFFFFF90];
	_ =	sdelay $0x4  }
0x1ab: {  	v0 =	vadd.f32 v1, v0;
	_ =	sdelay $0x1  }
0x1ac: {  	[tilespmem:s0+$0xFFFFFF90] =	vst v0;
	v0 =	vld [tilespmem:s0+$0xFFFFFFA0]  }
0x1ad: {  	v1 =	vld [tilespmem:s2+$0xFFFFFFA0];
	_ =	sdelay $0x4  }
0x1ae: {  	v0 =	vadd.f32 v1, v0;
	_ =	sdelay $0x1  }
0x1af: {  	[tilespmem:s0+$0xFFFFFFA0] =	vst v0;
	v0 =	vld [tilespmem:s0+$0xFFFFFFB0]  }
0x1b0: {  	v1 =	vld [tilespmem:s2+$0xFFFFFFB0];
	_ =	sdelay $0x4  }
0x1b1: {  	v0 =	vadd.f32 v1, v0;
	_ =	sdelay $0x1  }
0x1b2: {  	[tilespmem:s0+$0xFFFFFFB0] =	vst v0;
	v0 =	vld [tilespmem:s0+$0xFFFFFFC0]  }
0x1b3: {  	v1 =	vld [tilespmem:s2+$0xFFFFFFC0];
	_ =	sdelay $0x4  }
0x1b4: {  	v0 =	vadd.f32 v1, v0;
	_ =	sdelay $0x1  }
0x1b5: {  	[tilespmem:s0+$0xFFFFFFC0] =	vst v0;
	v0 =	vld [tilespmem:s0+$0xFFFFFFD0]  }
0x1b6: {  	v1 =	vld [tilespmem:s2+$0xFFFFFFD0];
	_ =	sdelay $0x4  }
0x1b7: {  	v0 =	vadd.f32 v1, v0;
	_ =	sdelay $0x1  }
0x1b8: {  	[tilespmem:s0+$0xFFFFFFD0] =	vst v0;
	v0 =	vld [tilespmem:s0+$0xFFFFFFE0]  }
0x1b9: {  	v1 =	vld [tilespmem:s2+$0xFFFFFFE0];
	_ =	sdelay $0x4  }
0x1ba: {  	v0 =	vadd.f32 v1, v0;
	_ =	sdelay $0x1  }
0x1bb: {  	[tilespmem:s0+$0xFFFFFFE0] =	vst v0;
	v0 =	vld [tilespmem:s0+$0xFFFFFFF0]  }
0x1bc: {  	v1 =	vld [tilespmem:s2+$0xFFFFFFF0];
	_ =	sdelay $0x4  }
0x1bd: {  	v0 =	vadd.f32 v1, v0;
	_ =	sdelay $0x1  }
0x1be: {  	[tilespmem:s0+$0xFFFFFFF0] =	vst v0;
	v0 =	vld [tilespmem:s0+$0x0]  }
0x1bf: {  	v1 =	vld [tilespmem:s2+$0x0];
	_ =	sdelay $0x4  }
0x1c0: {  	v0 =	vadd.f32 v1, v0;
	_ =	sdelay $0x1  }
0x1c1: {  	[tilespmem:s0+$0x0] =	vst v0;
	v0 =	vld [tilespmem:s0+$0x10]  }
0x1c2: {  	v1 =	vld [tilespmem:s2+$0x10];
	_ =	sdelay $0x4  }
0x1c3: {  	v0 =	vadd.f32 v1, v0;
	_ =	sdelay $0x1  }
0x1c4: {  	[tilespmem:s0+$0x10] =	vst v0;
	v0 =	vld [tilespmem:s0+$0x20]  }
0x1c5: {  	v1 =	vld [tilespmem:s2+$0x20];
	_ =	sdelay $0x4  }
0x1c6: {  	v0 =	vadd.f32 v1, v0;
	_ =	sdelay $0x1  }
0x1c7: {  	[tilespmem:s0+$0x20] =	vst v0;
	v0 =	vld [tilespmem:s0+$0x30]  }
0x1c8: {  	v1 =	vld [tilespmem:s2+$0x30];
	_ =	sdelay $0x4  }
0x1c9: {  	v0 =	vadd.f32 v1, v0;
	_ =	sdelay $0x1  }
0x1ca: {  	[tilespmem:s0+$0x30] =	vst v0;
	v0 =	vld [tilespmem:s0+$0x40]  }
0x1cb: {  	v1 =	vld [tilespmem:s2+$0x40];
	_ =	sdelay $0x4  }
0x1cc: {  	v0 =	vadd.f32 v1, v0;
	_ =	sdelay $0x1  }
0x1cd: {  	[tilespmem:s0+$0x40] =	vst v0;
	v0 =	vld [tilespmem:s0+$0x50]  }
0x1ce: {  	v1 =	vld [tilespmem:s2+$0x50];
	_ =	sdelay $0x4  }
0x1cf: {  	v0 =	vadd.f32 v1, v0;
	_ =	sdelay $0x1  }
0x1d0: {  	[tilespmem:s0+$0x50] =	vst v0;
	v0 =	vld [tilespmem:s0+$0x60]  }
0x1d1: {  	v1 =	vld [tilespmem:s2+$0x60];
	_ =	sdelay $0x4  }
0x1d2: {  	v0 =	vadd.f32 v1, v0;
	_ =	sdelay $0x1  }
0x1d3: {  	[tilespmem:s0+$0x60] =	vst v0;
	v0 =	vld [tilespmem:s0+$0x70]  }
0x1d4: {  	v1 =	vld [tilespmem:s2+$0x70];
	_ =	sdelay $0x4  }
0x1d5: {  	v0 =	vadd.f32 v1, v0  }
0x1d6: {  	s8 =	simm.s32 $0x0;
	s9 =	simm.s32 $0x380  }
.LBB2_11:
0x1d7: {  	v1 =	vld [tilespmem:s9+$0xFFFFFF80];
	[tilespmem:s0+$0x70] =	vst v0;
	s2 =	sadd.s32 $0x100, s2;
	s0 =	smov.u32 s9  }
0x1d8: {  	s8 =	sadd.s32 $0x8, s8;
	v0 =	vld [tilespmem:s2+$0xFFFFFF80]  }
0x1d9: {  	p1 =	slt.u32 s8, $0x78;
	_ =	sdelay $0x3  }
0x1da: {  	v0 =	vadd.f32 v0, v1;
	_ =	sdelay $0x1  }
0x1db: {  	[tilespmem:s9+$0xFFFFFF80] =	vst v0;
	v0 =	vld [tilespmem:s9+$0xFFFFFF90]  }
0x1dc: {  	v1 =	vld [tilespmem:s2+$0xFFFFFF90];
	_ =	sdelay $0x4  }
0x1dd: {  	v0 =	vadd.f32 v1, v0;
	_ =	sdelay $0x1  }
0x1de: {  	[tilespmem:s9+$0xFFFFFF90] =	vst v0;
	v0 =	vld [tilespmem:s9+$0xFFFFFFA0]  }
0x1df: {  	v1 =	vld [tilespmem:s2+$0xFFFFFFA0];
	_ =	sdelay $0x4  }
0x1e0: {  	v0 =	vadd.f32 v1, v0;
	_ =	sdelay $0x1  }
0x1e1: {  	[tilespmem:s9+$0xFFFFFFA0] =	vst v0;
	v0 =	vld [tilespmem:s9+$0xFFFFFFB0]  }
0x1e2: {  	v1 =	vld [tilespmem:s2+$0xFFFFFFB0];
	_ =	sdelay $0x4  }
0x1e3: {  	v0 =	vadd.f32 v1, v0;
	_ =	sdelay $0x1  }
0x1e4: {  	[tilespmem:s9+$0xFFFFFFB0] =	vst v0;
	v0 =	vld [tilespmem:s9+$0xFFFFFFC0]  }
0x1e5: {  	v1 =	vld [tilespmem:s2+$0xFFFFFFC0];
	_ =	sdelay $0x4  }
0x1e6: {  	v0 =	vadd.f32 v1, v0;
	_ =	sdelay $0x1  }
0x1e7: {  	[tilespmem:s9+$0xFFFFFFC0] =	vst v0;
	v0 =	vld [tilespmem:s9+$0xFFFFFFD0]  }
0x1e8: {  	v1 =	vld [tilespmem:s2+$0xFFFFFFD0];
	_ =	sdelay $0x4  }
0x1e9: {  	v0 =	vadd.f32 v1, v0;
	_ =	sdelay $0x1  }
0x1ea: {  	[tilespmem:s9+$0xFFFFFFD0] =	vst v0;
	v0 =	vld [tilespmem:s9+$0xFFFFFFE0]  }
0x1eb: {  	v1 =	vld [tilespmem:s2+$0xFFFFFFE0];
	_ =	sdelay $0x4  }
0x1ec: {  	v0 =	vadd.f32 v1, v0;
	_ =	sdelay $0x1  }
0x1ed: {  	[tilespmem:s9+$0xFFFFFFE0] =	vst v0;
	v0 =	vld [tilespmem:s9+$0xFFFFFFF0]  }
0x1ee: {  	v1 =	vld [tilespmem:s2+$0xFFFFFFF0];
	_ =	sdelay $0x4  }
0x1ef: {  	v0 =	vadd.f32 v1, v0;
	_ =	sdelay $0x1  }
0x1f0: {  	[tilespmem:s9+$0xFFFFFFF0] =	vst v0;
	v0 =	vld [tilespmem:s9+$0x0]  }
0x1f1: {  	v1 =	vld [tilespmem:s2+$0x0];
	_ =	sdelay $0x4  }
0x1f2: {  	v0 =	vadd.f32 v1, v0;
	_ =	sdelay $0x1  }
0x1f3: {  	[tilespmem:s9+$0x0] =	vst v0;
	v0 =	vld [tilespmem:s9+$0x10]  }
0x1f4: {  	v1 =	vld [tilespmem:s2+$0x10];
	_ =	sdelay $0x4  }
0x1f5: {  	v0 =	vadd.f32 v1, v0;
	_ =	sdelay $0x1  }
0x1f6: {  	[tilespmem:s9+$0x10] =	vst v0;
	v0 =	vld [tilespmem:s9+$0x20]  }
0x1f7: {  	v1 =	vld [tilespmem:s2+$0x20];
	_ =	sdelay $0x4  }
0x1f8: {  	v0 =	vadd.f32 v1, v0;
	_ =	sdelay $0x1  }
0x1f9: {  	[tilespmem:s9+$0x20] =	vst v0;
	v0 =	vld [tilespmem:s9+$0x30]  }
0x1fa: {  	v1 =	vld [tilespmem:s2+$0x30];
	_ =	sdelay $0x4  }
0x1fb: {  	v0 =	vadd.f32 v1, v0;
	_ =	sdelay $0x1  }
0x1fc: {  	[tilespmem:s9+$0x30] =	vst v0;
	v0 =	vld [tilespmem:s9+$0x40]  }
0x1fd: {  	v1 =	vld [tilespmem:s2+$0x40];
	_ =	sdelay $0x4  }
0x1fe: {  	v0 =	vadd.f32 v1, v0;
	_ =	sdelay $0x1  }
0x1ff: {  	[tilespmem:s9+$0x40] =	vst v0;
	v0 =	vld [tilespmem:s9+$0x50]  }
0x200: {  	v1 =	vld [tilespmem:s2+$0x50];
	_ =	sdelay $0x4  }
0x201: {  	v0 =	vadd.f32 v1, v0;
	_ =	sdelay $0x1  }
0x202: {  	[tilespmem:s9+$0x50] =	vst v0;
	v0 =	vld [tilespmem:s9+$0x60]  }
0x203: {  	v1 =	vld [tilespmem:s2+$0x60];
	_ =	sdelay $0x4  }
0x204: {  	v0 =	vadd.f32 v1, v0;
	_ =	sdelay $0x1  }
0x205: {  	[tilespmem:s9+$0x60] =	vst v0;
	v0 =	vld [tilespmem:s9+$0x70]  }
0x206: {  	v1 =	vld [tilespmem:s2+$0x70];
	_ =	sdelay $0x1  }
.Ltmp7:
0x207: {  	(pc) =	sbr.rel @p1 .LBB2_11-.Ltmp7, $3  }
0x208: {  	_ =	sdelay $0x1  }
0x209: {  	v0 =	vadd.f32 v1, v0  }
0x20a: {  	s9 =	sadd.s32 $0x100, s9  }
.Ltmp8:
0x20b: {  	[tilespmem:s0+$0x70] =	vst v0;
	s15 =	rddreg [dreg:$0x6];
	(pc) =	sbr.rel .LBB2_13-.Ltmp8, $4  }
0x20c: {  	[hbm4b:s15+s1] =	stream.linear.scatter [tilespmem:s21], [sflag:$0x5], $0x1000, $0x38;
	[tilespmem:$0x4200] =	vst v63  }
0x20d: {  	_ =	swait.ge [sflag:s18], $0x1000  }
0x20e: {  	[sflag:s18] =	ssyncset.done $0x0  }
0x20f: {  	[sflag:s18] =	ssyncadd.s32 $0xFFFFF000  }
.LBB2_14:
0x210: {  	_ =	sfence.sel $0x180000  }
0x211: {  	[bflag:$0x0] =	sbarrier.arrive $0xFFFF  }
0x212: {  	_ =	strace $0x90000047  }
0x213: {  	s0 =	stileid.u32;
	[bflag:$0x2] =	sbarrier.arrive $0xFFFF  }
0x214: {  	p0 =	sne.s32 s0, $0x0;
	s0 =	rddreg [dreg:$0x1]  }
0x215: {  	s0 =	sadd.s32 @!p0 $0x100000, s0  }
0x216: {  	[sflag:s0] =	ssyncadd.tile.s32 @!p0 $0x1;
	_ =	shalt  }
.Lfunc_end2:
_tile_overlayer_lowered:
.L_overlay_start_2:
0x217: {  	(tag) =	ssettag $0x2  }
0x218: {  	s0 =	rddreg [dreg:$0x0];
	s2 =	stileid.u32  }
0x219: {  	s1 =	rddreg [dreg:$0x1];
	p0 =	sne.s32 s2, $0x0  }
0x21a: {  	s3 =	rddreg [dreg:$0x2];
	[bflag:$0x3] =	sbarrier.arrive $0xFFFF;
	s2 =	simm.s32 @!p0 $0x1C05  }
0x21b: {  	[timem:s3], [sflag:s2] =	dma.local @!p0 [hbm:s0], s1  }
0x21c: {  	s0 =	simm.s32 @!p0 $0x5  }
0x21d: {  	_ =	swait.ge @!p0 [sflag:s0], s1  }
0x21e: {  	s1 =	ssub.s32 @!p0 $0x0, s1;
	[sflag:s0] =	ssyncset.done @!p0 $0x0  }
0x21f: {  	[sflag:s0] =	ssyncadd.s32 @!p0 s1  }
0x220: {  	[bflag:$0x3] =	sbarrier.arrive $0xFFFF  }
0x221: {  	_ =	shalt  }

</sc_bundles>
